<compile_context>
chip_gen: v7x
topology: tpu7x:2x2x1
jax: 0.10.2.dev20260603
libtpu: 0.0.44.dev20260713+nightly
codegen_flags: <defaults>
</compile_context>

<pallas_src>
import functools

import jax
import jax.numpy as jnp
from jax import lax
from jax.experimental import pallas as pl
from jax.experimental.pallas import tpu as pltpu
from jax.experimental.pallas import tpu_sc as plsc

N = 10000
E = 320000
D_IN = 128
OUT = 16

NC = 2
NS = 16
NW = NC * NS
CHUNK = 128
NP = 10112
ESELF = E + N
NCHUNK = (-(-ESELF // (NW * CHUNK)) + 1) // 2 * 2
EPAD = NW * CHUNK * NCHUNK
ECHUNKS = E // CHUNK
XCHUNKS = NW * NCHUNK - ECHUNKS
WB = ECHUNKS // NCHUNK
WB_REAL = ECHUNKS - WB * NCHUNK


def _make_sc_edge_pass(wrow, nchunk):
    rps = NP // NS
    mesh = plsc.VectorSubcoreMesh(
        core_axis_name="c", subcore_axis_name="s", num_cores=NC, num_subcores=NS
    )
    nmsg = (wrow - 16) // 16

    @functools.partial(
        pl.kernel,
        out_type=jax.ShapeDtypeStruct((NC, NP, wrow), jnp.float32),
        mesh=mesh,
        scratch_types=[
            pltpu.VMEM((nchunk, CHUNK), jnp.int32),
            pltpu.VMEM((nchunk, CHUNK), jnp.int32),
            pltpu.VMEM((2, CHUNK, wrow), jnp.float32),
            pltpu.VMEM((2, CHUNK, 16), jnp.float32),
            pltpu.VMEM((2, CHUNK, wrow), jnp.float32),
            pltpu.VMEM_SHARED((NP, wrow), jnp.float32),
            pltpu.SemaphoreType.DMA((2,)),
            pltpu.SemaphoreType.DMA((2,)),
            pltpu.SemaphoreType.DMA((2,)),
        ],
        compiler_params=pltpu.CompilerParams(use_tc_tiling_on_sc=False),
    )
    def edge_pass(srctab, aldtab, ei_h, ex_h, out_h,
                  sidx_vm, didx_vm, srows_v, arows_v, accrows_v, acc_sh,
                  gs_sem, ga_sem, sc_sem):
        c = lax.axis_index("c")
        s = lax.axis_index("s")
        w = c * NS + s
        base = pl.multiple_of(s * rps, 8)

        @plsc.parallel_loop(0, CHUNK, unroll=8)
        def _(e):
            for k in range(wrow // 16):
                accrows_v[0, e, pl.ds(k * 16, 16)] = jnp.zeros((16,), jnp.float32)

        for k in range(rps // CHUNK):
            pltpu.sync_copy(accrows_v.at[0],
                            acc_sh.at[pl.ds(base + k * CHUNK, CHUNK)])
        rem = rps % CHUNK
        if rem:
            pltpu.sync_copy(
                accrows_v.at[0, pl.ds(0, rem)],
                acc_sh.at[pl.ds(base + (rps // CHUNK) * CHUNK, rem)])

        wb_extra = nchunk - WB_REAL
        for r in range(2):
            idx_vm = sidx_vm if r == 0 else didx_vm

            @pl.when(w < WB)
            def _():
                pltpu.sync_copy(ei_h.at[r, pl.ds(w * nchunk, nchunk)], idx_vm)

            @pl.when(w == WB)
            def _():
                pltpu.sync_copy(ei_h.at[r, pl.ds(WB * nchunk, WB_REAL)],
                                idx_vm.at[pl.ds(0, WB_REAL)])
                pltpu.sync_copy(ex_h.at[r, pl.ds(0, wb_extra)],
                                idx_vm.at[pl.ds(WB_REAL, wb_extra)])

            @pl.when(w > WB)
            def _():
                pltpu.sync_copy(
                    ex_h.at[r, pl.ds(wb_extra + (w - WB - 1) * nchunk, nchunk)],
                    idx_vm)

        def issue_gather(j, b):
            pltpu.async_copy(srctab.at[sidx_vm.at[j]], srows_v.at[b],
                             gs_sem.at[b])
            pltpu.async_copy(aldtab.at[didx_vm.at[j]], arows_v.at[b],
                             ga_sem.at[b])

        issue_gather(0, 0)
        plsc.subcore_barrier()

        def pair_body(p, carry):
            for b in range(2):
                j = 2 * p + b
                nb = 1 - b

                @pl.when(j + 1 < nchunk)
                def _():
                    issue_gather(j + 1, nb)

                pltpu.make_async_copy(srctab.at[sidx_vm.at[j]],
                                      srows_v.at[b], gs_sem.at[b]).wait()
                pltpu.make_async_copy(aldtab.at[didx_vm.at[j]],
                                      arows_v.at[b], ga_sem.at[b]).wait()

                @pl.when(j >= 2)
                def _():
                    pltpu.make_async_copy(
                        accrows_v.at[b], acc_sh.at[didx_vm.at[j - 2]],
                        sc_sem.at[b]).wait()

                @plsc.parallel_loop(0, CHUNK, unroll=8)
                def _(e):
                    ald = arows_v[b, e, :]
                    als = srows_v[b, e, pl.ds(wrow - 16, 16)]
                    t = als + ald
                    t = jnp.where(t >= 0.0, t, 0.2 * t)
                    ee = jnp.exp(t)
                    for k in range(nmsg):
                        accrows_v[b, e, pl.ds(k * 16, 16)] = (
                            srows_v[b, e, pl.ds(k * 16, 16)] * ee)
                    accrows_v[b, e, pl.ds(wrow - 16, 16)] = ee

                pltpu.async_copy(accrows_v.at[b],
                                 acc_sh.at[didx_vm.at[j]],
                                 sc_sem.at[b], add=True)
            return carry

        lax.fori_loop(0, nchunk // 2, pair_body, 0)
        for b in range(2):
            pltpu.make_async_copy(accrows_v.at[b],
                                  acc_sh.at[didx_vm.at[nchunk - 2 + b]],
                                  sc_sem.at[b]).wait()
        plsc.subcore_barrier()
        pltpu.sync_copy(acc_sh.at[pl.ds(base, rps)],
                        out_h.at[c, pl.ds(base, rps)])

    return edge_pass


def _mm_body(x_ref, w_ref, m_ref, o1_ref, o2_ref, *, split):
    wc = jnp.dot(w_ref[...], m_ref[...], preferred_element_type=jnp.float32)
    r = jnp.dot(x_ref[...], wc, preferred_element_type=jnp.float32)
    o1_ref[...] = r[:, :split]
    o2_ref[...] = r[:, split:]


def _project(x, w, m, split, grid=10):
    rows = N // grid
    din = x.shape[1]
    k = w.shape[1]
    cols = m.shape[1]
    return pl.pallas_call(
        functools.partial(_mm_body, split=split),
        grid=(grid,),
        in_specs=[
            pl.BlockSpec((rows, din), lambda i: (i, 0)),
            pl.BlockSpec((din, k), lambda i: (0, 0)),
            pl.BlockSpec((k, cols), lambda i: (0, 0)),
        ],
        out_specs=[
            pl.BlockSpec((rows, split), lambda i: (i, 0)),
            pl.BlockSpec((rows, cols - split), lambda i: (i, 0)),
        ],
        out_shape=[
            jax.ShapeDtypeStruct((NP, split), jnp.float32),
            jax.ShapeDtypeStruct((NP, cols - split), jnp.float32),
        ],
    )(x, w, m)


def _finalize1_body(p_ref, w_ref, q_ref, ep_ref, b_ref, o1_ref, o2_ref):
    w2q = jnp.dot(w_ref[...], q_ref[...], preferred_element_type=jnp.float32)
    wc = lax.dot_general(ep_ref[...], w2q, (((0,), (0,)), ((), ())),
                         preferred_element_type=jnp.float32)
    bp = jnp.dot(b_ref[...], ep_ref[...], preferred_element_type=jnp.float32)
    praw = p_ref[0] + p_ref[1]
    z = praw[:, :64] / (jnp.tile(praw[:, 64:80], (1, 4)) + 1e-16) + bp
    z = jnp.where(z > 0.0, z, jnp.exp(jnp.minimum(z, 0.0)) - 1.0)
    r = jnp.dot(z, wc, preferred_element_type=jnp.float32)
    o1_ref[...] = r[:, :32]
    o2_ref[...] = r[:, 32:]


def _finalize1(p, W2, q2, epermT, b1, grid=8):
    rows = NP // grid
    return pl.pallas_call(
        _finalize1_body,
        grid=(grid,),
        in_specs=[
            pl.BlockSpec((NC, rows, 80), lambda i: (0, i, 0)),
            pl.BlockSpec((64, 16), lambda i: (0, 0)),
            pl.BlockSpec((16, 48), lambda i: (0, 0)),
            pl.BlockSpec((64, 64), lambda i: (0, 0)),
            pl.BlockSpec((1, 64), lambda i: (0, 0)),
        ],
        out_specs=[
            pl.BlockSpec((rows, 32), lambda i: (i, 0)),
            pl.BlockSpec((rows, 16), lambda i: (i, 0)),
        ],
        out_shape=[
            jax.ShapeDtypeStruct((NP, 32), jnp.float32),
            jax.ShapeDtypeStruct((NP, 16), jnp.float32),
        ],
    )(p, W2, q2, epermT, b1)


def _finalize2_body(p_ref, b_ref, o_ref):
    praw = p_ref[0] + p_ref[1]
    z = praw[:, :16] / (praw[:, 16:32] + 1e-16) + b_ref[...]
    m = jnp.max(z, axis=-1, keepdims=True)
    lse = jnp.log(jnp.sum(jnp.exp(z - m), axis=-1, keepdims=True))
    o_ref[...] = z - m - lse


def _finalize2(p2, b2, grid=10):
    rows = N // grid
    return pl.pallas_call(
        _finalize2_body,
        grid=(grid,),
        in_specs=[
            pl.BlockSpec((NC, rows, 32), lambda i: (0, i, 0)),
            pl.BlockSpec((1, 16), lambda i: (0, 0)),
        ],
        out_specs=pl.BlockSpec((rows, 16), lambda i: (i, 0)),
        out_shape=jax.ShapeDtypeStruct((N, 16), jnp.float32),
    )(p2, b2)


def kernel(x, edge_index, W1, a_src1, a_dst1, b1, W2, a_src2, a_dst2, b2):
    f32 = jnp.float32
    perm = jnp.arange(64).reshape(8, 8).T.reshape(-1)
    eperm = jnp.eye(64, dtype=f32)[:, perm]
    ss = (a_src1[0][:, :, None] * jnp.eye(8, dtype=f32)[:, None, :]).reshape(64, 8)
    sd = (a_dst1[0][:, :, None] * jnp.eye(8, dtype=f32)[:, None, :]).reshape(64, 8)
    m1 = jnp.concatenate([eperm, ss, ss, sd, sd], axis=1)

    q2 = jnp.concatenate(
        [jnp.eye(16, dtype=f32),
         jnp.tile(a_src2[0, 0][:, None], (1, 16)),
         jnp.tile(a_dst2[0, 0][:, None], (1, 16))], axis=1)
    b1r = b1.reshape(1, 64)
    b2r = b2.reshape(1, 16)

    loops = jnp.arange(N, dtype=jnp.int32)
    padlen = EPAD - ESELF
    trash = (N + jnp.arange(padlen, dtype=jnp.int32) % (NP - N)).astype(jnp.int32)
    extra = jnp.concatenate([loops, trash])
    ei3 = edge_index.reshape(2, ECHUNKS, CHUNK)
    ex3 = jnp.broadcast_to(extra, (2, extra.size)).reshape(2, XCHUNKS, CHUNK)

    srctab1, aldtab1 = _project(x, W1, m1, 80)
    p1 = _make_sc_edge_pass(80, NCHUNK)(srctab1, aldtab1, ei3, ex3)
    srctab2, aldtab2 = _finalize1(p1, W2, q2, eperm, b1r)

    p2 = _make_sc_edge_pass(32, NCHUNK)(srctab2, aldtab2, ei3, ex3)
    return _finalize2(p2, b2r)

# --- scband reference (transcript-rebuilt; emitter-appended) ---
"""Pipeline reference for scband-net-2740189135622 (READ-ONLY COPY).

The authoritative reference and input builder live on the scoring server;
editing this copy changes nothing except your own understanding.
"""

import jax, jax.numpy as jnp
import numpy as np

N = 10000
E = 320000
D_IN = 128
OUT = 16


def gat_layer(x, src, dst, W, a_src, a_dst, b, H, F, concat):
    n = x.shape[0]
    h = (x @ W).reshape(n, H, F)
    al_s = (h * a_src).sum(-1)
    al_d = (h * a_dst).sum(-1)
    e = jax.nn.leaky_relu(al_s[src] + al_d[dst], 0.2)
    emax = jax.lax.stop_gradient(jax.ops.segment_max(e, dst, num_segments=n))
    emax = jnp.where(jnp.isfinite(emax), emax, 0.0)
    ee = jnp.exp(e - emax[dst])
    denom = jax.ops.segment_sum(ee, dst, num_segments=n)
    alpha = ee / (denom[dst] + 1e-16)
    out = jax.ops.segment_sum(h[src] * alpha[:, :, None], dst, num_segments=n)
    if concat:
        out = out.reshape(n, H * F)
    else:
        out = out.mean(axis=1)
    return out + b


def setup_inputs(seed: int = 0) -> dict:
    key = jax.random.key(seed)
    ks = jax.random.split(key, 10)
    x = jax.random.normal(ks[0], (N, D_IN), dtype=jnp.float32)
    edge_index = jax.random.randint(ks[1], (2, E), 0, N, dtype=jnp.int32)
    W1 = jax.random.normal(ks[2], (D_IN, 8 * 8), dtype=jnp.float32) * (2.0 / (D_IN + 64)) ** 0.5
    a_src1 = jax.random.normal(ks[3], (1, 8, 8), dtype=jnp.float32) * 0.1
    a_dst1 = jax.random.normal(ks[4], (1, 8, 8), dtype=jnp.float32) * 0.1
    b1 = jnp.zeros((8 * 8,), dtype=jnp.float32)
    W2 = jax.random.normal(ks[5], (8 * 8, OUT), dtype=jnp.float32) * (2.0 / (64 + OUT)) ** 0.5
    a_src2 = jax.random.normal(ks[6], (1, 1, OUT), dtype=jnp.float32) * 0.1
    a_dst2 = jax.random.normal(ks[7], (1, 1, OUT), dtype=jnp.float32) * 0.1
    b2 = jnp.zeros((OUT,), dtype=jnp.float32)
    return {"x": x, "edge_index": edge_index, "W1": W1, "a_src1": a_src1, "a_dst1": a_dst1, "b1": b1, "W2": W2, "a_src2": a_src2, "a_dst2": a_dst2, "b2": b2}


def reference(x, edge_index, W1, a_src1, a_dst1, b1, W2, a_src2, a_dst2, b2):
    # eval mode: dropout is identity
    n = x.shape[0]
    loops = jnp.arange(n, dtype=edge_index.dtype)
    ei = jnp.concatenate([edge_index, jnp.stack([loops, loops])], axis=1)
    src, dst = ei[0], ei[1]
    h = jax.nn.elu(gat_layer(x, src, dst, W1, a_src1, a_dst1, b1, 8, 8, True))
    out = gat_layer(h, src, dst, W2, a_src2, a_dst2, b2, 1, OUT, False)
    return jax.nn.log_softmax(out, axis=-1)

if __name__ == "__main__":
    import jax
    _d = setup_inputs()
    print(jax.jit(kernel)(*tuple(_d.values())))

</pallas_src>

<mosaic_0001>
#map = affine_map<(d0, d1) -> (0, 0)>
#map1 = affine_map<(d0, d1) -> (0, 0, 0)>
module attributes {stable_mosaic.version = 14 : i64} {
  func.func @edge_pass(%arg0: i32, %arg1: i32, %arg2: memref<10112x80xf32, #tpu.memory_space<hbm>>, %arg3: memref<10112x16xf32, #tpu.memory_space<hbm>>, %arg4: memref<2x2500x128xi32, #tpu.memory_space<hbm>>, %arg5: memref<2x124x128xi32, #tpu.memory_space<hbm>>, %arg6: memref<2x10112x80xf32, #tpu.memory_space<hbm>>, %arg7: memref<82x128xi32, #tpu.memory_space<vmem>>, %arg8: memref<82x128xi32, #tpu.memory_space<vmem>>, %arg9: memref<2x128x80xf32, #tpu.memory_space<vmem>>, %arg10: memref<2x128x16xf32, #tpu.memory_space<vmem>>, %arg11: memref<2x128x80xf32, #tpu.memory_space<vmem>>, %arg12: memref<10112x80xf32, #tpu.memory_space<vmem_shared>>, %arg13: memref<2x!tpu.dma_semaphore, #tpu.memory_space<semaphore_mem>>, %arg14: memref<2x!tpu.dma_semaphore, #tpu.memory_space<semaphore_mem>>, %arg15: memref<2x!tpu.dma_semaphore, #tpu.memory_space<semaphore_mem>>) attributes {dimension_semantics = [#tpu.dimension_semantics<core_parallel>, #tpu.dimension_semantics<subcore_parallel>], iteration_bounds = array<i64: 2, 16>, scalar_prefetch = 0 : i64, scratch_operands = 9 : i64, tpu.core_type = #tpu.core_type<sc_vector_subcore>, window_params = [{transform_indices = #map}, {transform_indices = #map}, {transform_indices = #map1}, {transform_indices = #map1}, {transform_indices = #map1}]} {
    %mul3A = arith.constant 16 : i32
    %mul3A_0 = arith.muli %arg0, %mul3A : i32
    %add3A = arith.addi %mul3A_0, %arg1 : i32
    %mul3A_1 = arith.constant 632 : i32
    %mul3A_2 = arith.muli %arg1, %mul3A_1 : i32
    %multiple_of3A = tpu.assume_multiple %mul3A_2, 8 : i32
    %parallel_loop3A = arith.constant 0 : i32
    %parallel_loop3A_3 = arith.constant 128 : i32
    %parallel_loop3A_4 = arith.constant 1 : i32
    scf.for %parallel_loop3A_108 = %parallel_loop3A to %parallel_loop3A_3 step %parallel_loop3A_4  : i32 {
      %parallel_loop3A_109 = arith.constant 0.000000e+00 : f32
      %parallel_loop3A_110 = vector.broadcast %parallel_loop3A_109 : f32 to vector<16xf32>
      %parallel_loop3A_111 = arith.constant 0 : i32
      %parallel_loop3A_112 = arith.index_cast %parallel_loop3A_111 : i32 to index
      %parallel_loop3A_113 = arith.index_cast %parallel_loop3A_108 : i32 to index
      %parallel_loop3A_114 = arith.constant 0 : index
      %parallel_loop3A_115 = tpu.vector_load %arg11[%parallel_loop3A_112, %parallel_loop3A_113, %parallel_loop3A_114] {strides = array<i32>} : memref<2x128x80xf32, #tpu.memory_space<vmem>>, vector<1x1x16xf32>,
      %parallel_loop3A_116 = vector.shape_cast %parallel_loop3A_115 : vector<1x1x16xf32> to vector<16xf32>
      %parallel_loop3A_117 = vector.shape_cast %parallel_loop3A_110 : vector<16xf32> to vector<1x1x16xf32>
      tpu.vector_store %arg11[%parallel_loop3A_112, %parallel_loop3A_113, %parallel_loop3A_114], %parallel_loop3A_117 {strides = array<i32>} : memref<2x128x80xf32, #tpu.memory_space<vmem>>, vector<1x1x16xf32>,
      %parallel_loop3A_118 = arith.constant 0.000000e+00 : f32
      %parallel_loop3A_119 = vector.broadcast %parallel_loop3A_118 : f32 to vector<16xf32>
      %parallel_loop3A_120 = arith.constant 0 : i32
      %parallel_loop3A_121 = arith.index_cast %parallel_loop3A_120 : i32 to index
      %parallel_loop3A_122 = arith.index_cast %parallel_loop3A_108 : i32 to index
      %parallel_loop3A_123 = arith.constant 16 : index
      %parallel_loop3A_124 = tpu.vector_load %arg11[%parallel_loop3A_121, %parallel_loop3A_122, %parallel_loop3A_123] {strides = array<i32>} : memref<2x128x80xf32, #tpu.memory_space<vmem>>, vector<1x1x16xf32>,
      %parallel_loop3A_125 = vector.shape_cast %parallel_loop3A_124 : vector<1x1x16xf32> to vector<16xf32>
      %parallel_loop3A_126 = vector.shape_cast %parallel_loop3A_119 : vector<16xf32> to vector<1x1x16xf32>
      tpu.vector_store %arg11[%parallel_loop3A_121, %parallel_loop3A_122, %parallel_loop3A_123], %parallel_loop3A_126 {strides = array<i32>} : memref<2x128x80xf32, #tpu.memory_space<vmem>>, vector<1x1x16xf32>,
      %parallel_loop3A_127 = arith.constant 0.000000e+00 : f32
      %parallel_loop3A_128 = vector.broadcast %parallel_loop3A_127 : f32 to vector<16xf32>
      %parallel_loop3A_129 = arith.constant 0 : i32
      %parallel_loop3A_130 = arith.index_cast %parallel_loop3A_129 : i32 to index
      %parallel_loop3A_131 = arith.index_cast %parallel_loop3A_108 : i32 to index
      %parallel_loop3A_132 = arith.constant 32 : index
      %parallel_loop3A_133 = tpu.vector_load %arg11[%parallel_loop3A_130, %parallel_loop3A_131, %parallel_loop3A_132] {strides = array<i32>} : memref<2x128x80xf32, #tpu.memory_space<vmem>>, vector<1x1x16xf32>,
      %parallel_loop3A_134 = vector.shape_cast %parallel_loop3A_133 : vector<1x1x16xf32> to vector<16xf32>
      %parallel_loop3A_135 = vector.shape_cast %parallel_loop3A_128 : vector<16xf32> to vector<1x1x16xf32>
      tpu.vector_store %arg11[%parallel_loop3A_130, %parallel_loop3A_131, %parallel_loop3A_132], %parallel_loop3A_135 {strides = array<i32>} : memref<2x128x80xf32, #tpu.memory_space<vmem>>, vector<1x1x16xf32>,
      %parallel_loop3A_136 = arith.constant 0.000000e+00 : f32
      %parallel_loop3A_137 = vector.broadcast %parallel_loop3A_136 : f32 to vector<16xf32>
      %parallel_loop3A_138 = arith.constant 0 : i32
      %parallel_loop3A_139 = arith.index_cast %parallel_loop3A_138 : i32 to index
      %parallel_loop3A_140 = arith.index_cast %parallel_loop3A_108 : i32 to index
      %parallel_loop3A_141 = arith.constant 48 : index
      %parallel_loop3A_142 = tpu.vector_load %arg11[%parallel_loop3A_139, %parallel_loop3A_140, %parallel_loop3A_141] {strides = array<i32>} : memref<2x128x80xf32, #tpu.memory_space<vmem>>, vector<1x1x16xf32>,
      %parallel_loop3A_143 = vector.shape_cast %parallel_loop3A_142 : vector<1x1x16xf32> to vector<16xf32>
      %parallel_loop3A_144 = vector.shape_cast %parallel_loop3A_137 : vector<16xf32> to vector<1x1x16xf32>
      tpu.vector_store %arg11[%parallel_loop3A_139, %parallel_loop3A_140, %parallel_loop3A_141], %parallel_loop3A_144 {strides = array<i32>} : memref<2x128x80xf32, #tpu.memory_space<vmem>>, vector<1x1x16xf32>,
      %parallel_loop3A_145 = arith.constant 0.000000e+00 : f32
      %parallel_loop3A_146 = vector.broadcast %parallel_loop3A_145 : f32 to vector<16xf32>
      %parallel_loop3A_147 = arith.constant 0 : i32
      %parallel_loop3A_148 = arith.index_cast %parallel_loop3A_147 : i32 to index
      %parallel_loop3A_149 = arith.index_cast %parallel_loop3A_108 : i32 to index
      %parallel_loop3A_150 = arith.constant 64 : index
      %parallel_loop3A_151 = tpu.vector_load %arg11[%parallel_loop3A_148, %parallel_loop3A_149, %parallel_loop3A_150] {strides = array<i32>} : memref<2x128x80xf32, #tpu.memory_space<vmem>>, vector<1x1x16xf32>,
      %parallel_loop3A_152 = vector.shape_cast %parallel_loop3A_151 : vector<1x1x16xf32> to vector<16xf32>
      %parallel_loop3A_153 = vector.shape_cast %parallel_loop3A_146 : vector<16xf32> to vector<1x1x16xf32>
      tpu.vector_store %arg11[%parallel_loop3A_148, %parallel_loop3A_149, %parallel_loop3A_150], %parallel_loop3A_153 {strides = array<i32>} : memref<2x128x80xf32, #tpu.memory_space<vmem>>, vector<1x1x16xf32>,
    } {sc.loop_unroll_factor = 8 : i64, sc.parallel_access}
    %add3A_5 = arith.constant 0 : i32
    %add3A_6 = arith.addi %multiple_of3A, %add3A_5 : i32
    %run_scoped3A = arith.constant 0 : i32
    "tpu.region"() ({
      %run_scoped3A_108 = tpu.sem_alloc : memref<!tpu.dma_semaphore, #tpu.memory_space<semaphore_mem>>
      %dma_start3A_109 = arith.constant 0 : i32
      %dma_start3A_110 = arith.constant 0 : i32
      %dma_start3A_111 = tpu.memref_slice %arg11[%run_scoped3A, %dma_start3A_109, %dma_start3A_110] : memref<2x128x80xf32, #tpu.memory_space<vmem>> -> memref<1x128x80xf32, #tpu.memory_space<vmem>>
      %dma_start3A_112 = tpu.memref_squeeze %dma_start3A_111 : memref<1x128x80xf32, #tpu.memory_space<vmem>> -> memref<128x80xf32, #tpu.memory_space<vmem>>
      %dma_start3A_113 = arith.constant 0 : i32
      %dma_start3A_114 = tpu.memref_slice %arg12[%add3A_6, %dma_start3A_113] : memref<10112x80xf32, #tpu.memory_space<vmem_shared>> -> memref<128x80xf32, #tpu.memory_space<vmem_shared>>
      %dma_start3A_115 = arith.constant 0 : i32
      %dma_start3A_116 = tpu.memref_slice %arg12[%add3A_6, %dma_start3A_115] : memref<10112x80xf32, #tpu.memory_space<vmem_shared>> -> memref<128x80xf32, #tpu.memory_space<vmem_shared>>
      %dma_start3A_117 = arith.constant 0 : i32
      %dma_start3A_118 = arith.constant 0 : i32
      %dma_start3A_119 = tpu.memref_slice %arg11[%run_scoped3A, %dma_start3A_117, %dma_start3A_118] : memref<2x128x80xf32, #tpu.memory_space<vmem>> -> memref<1x128x80xf32, #tpu.memory_space<vmem>>
      %dma_start3A_120 = tpu.memref_squeeze %dma_start3A_119 : memref<1x128x80xf32, #tpu.memory_space<vmem>> -> memref<128x80xf32, #tpu.memory_space<vmem>>
      tpu.enqueue_dma source(%dma_start3A_120 : memref<128x80xf32, #tpu.memory_space<vmem>>) target(%dma_start3A_116 : memref<128x80xf32, #tpu.memory_space<vmem_shared>>) target_semaphore(%run_scoped3A_108 : memref<!tpu.dma_semaphore, #tpu.memory_space<semaphore_mem>>)
      %dma_wait3A_121 = arith.constant 0 : i32
      %dma_wait3A_122 = arith.constant 0 : i32
      %dma_wait3A_123 = tpu.memref_slice %arg11[%run_scoped3A, %dma_wait3A_121, %dma_wait3A_122] : memref<2x128x80xf32, #tpu.memory_space<vmem>> -> memref<1x128x80xf32, #tpu.memory_space<vmem>>
      %dma_wait3A_124 = tpu.memref_squeeze %dma_wait3A_123 : memref<1x128x80xf32, #tpu.memory_space<vmem>> -> memref<128x80xf32, #tpu.memory_space<vmem>>
      %dma_wait3A_125 = arith.constant 0 : i32
      %dma_wait3A_126 = tpu.memref_slice %arg12[%add3A_6, %dma_wait3A_125] : memref<10112x80xf32, #tpu.memory_space<vmem_shared>> -> memref<128x80xf32, #tpu.memory_space<vmem_shared>>
      %dma_wait3A_127 = arith.constant 0 : i32
      %dma_wait3A_128 = tpu.memref_slice %arg12[%add3A_6, %dma_wait3A_127] : memref<10112x80xf32, #tpu.memory_space<vmem_shared>> -> memref<128x80xf32, #tpu.memory_space<vmem_shared>>
      %dma_wait3A_129 = arith.constant 0 : i32
      %dma_wait3A_130 = arith.constant 0 : i32
      %dma_wait3A_131 = tpu.memref_slice %arg11[%run_scoped3A, %dma_wait3A_129, %dma_wait3A_130] : memref<2x128x80xf32, #tpu.memory_space<vmem>> -> memref<1x128x80xf32, #tpu.memory_space<vmem>>
      %dma_wait3A_132 = tpu.memref_squeeze %dma_wait3A_131 : memref<1x128x80xf32, #tpu.memory_space<vmem>> -> memref<128x80xf32, #tpu.memory_space<vmem>>
      tpu.wait_dma2 semaphore(%run_scoped3A_108 : memref<!tpu.dma_semaphore, #tpu.memory_space<semaphore_mem>>) src(%dma_wait3A_132 : memref<128x80xf32, #tpu.memory_space<vmem>>) dst(%dma_wait3A_128 : memref<128x80xf32, #tpu.memory_space<vmem_shared>>)
      tpu.yield
    }) : () -> ()
    %add3A_7 = arith.constant 128 : i32
    %add3A_8 = arith.addi %multiple_of3A, %add3A_7 : i32
    %run_scoped3A_9 = arith.constant 0 : i32
    "tpu.region"() ({
      %run_scoped3A_108 = tpu.sem_alloc : memref<!tpu.dma_semaphore, #tpu.memory_space<semaphore_mem>>
      %dma_start3A_109 = arith.constant 0 : i32
      %dma_start3A_110 = arith.constant 0 : i32
      %dma_start3A_111 = tpu.memref_slice %arg11[%run_scoped3A_9, %dma_start3A_109, %dma_start3A_110] : memref<2x128x80xf32, #tpu.memory_space<vmem>> -> memref<1x128x80xf32, #tpu.memory_space<vmem>>
      %dma_start3A_112 = tpu.memref_squeeze %dma_start3A_111 : memref<1x128x80xf32, #tpu.memory_space<vmem>> -> memref<128x80xf32, #tpu.memory_space<vmem>>
      %dma_start3A_113 = arith.constant 0 : i32
      %dma_start3A_114 = tpu.memref_slice %arg12[%add3A_8, %dma_start3A_113] : memref<10112x80xf32, #tpu.memory_space<vmem_shared>> -> memref<128x80xf32, #tpu.memory_space<vmem_shared>>
      %dma_start3A_115 = arith.constant 0 : i32
      %dma_start3A_116 = tpu.memref_slice %arg12[%add3A_8, %dma_start3A_115] : memref<10112x80xf32, #tpu.memory_space<vmem_shared>> -> memref<128x80xf32, #tpu.memory_space<vmem_shared>>
      %dma_start3A_117 = arith.constant 0 : i32
      %dma_start3A_118 = arith.constant 0 : i32
      %dma_start3A_119 = tpu.memref_slice %arg11[%run_scoped3A_9, %dma_start3A_117, %dma_start3A_118] : memref<2x128x80xf32, #tpu.memory_space<vmem>> -> memref<1x128x80xf32, #tpu.memory_space<vmem>>
      %dma_start3A_120 = tpu.memref_squeeze %dma_start3A_119 : memref<1x128x80xf32, #tpu.memory_space<vmem>> -> memref<128x80xf32, #tpu.memory_space<vmem>>
      tpu.enqueue_dma source(%dma_start3A_120 : memref<128x80xf32, #tpu.memory_space<vmem>>) target(%dma_start3A_116 : memref<128x80xf32, #tpu.memory_space<vmem_shared>>) target_semaphore(%run_scoped3A_108 : memref<!tpu.dma_semaphore, #tpu.memory_space<semaphore_mem>>)
      %dma_wait3A_121 = arith.constant 0 : i32
      %dma_wait3A_122 = arith.constant 0 : i32
      %dma_wait3A_123 = tpu.memref_slice %arg11[%run_scoped3A_9, %dma_wait3A_121, %dma_wait3A_122] : memref<2x128x80xf32, #tpu.memory_space<vmem>> -> memref<1x128x80xf32, #tpu.memory_space<vmem>>
      %dma_wait3A_124 = tpu.memref_squeeze %dma_wait3A_123 : memref<1x128x80xf32, #tpu.memory_space<vmem>> -> memref<128x80xf32, #tpu.memory_space<vmem>>
      %dma_wait3A_125 = arith.constant 0 : i32
      %dma_wait3A_126 = tpu.memref_slice %arg12[%add3A_8, %dma_wait3A_125] : memref<10112x80xf32, #tpu.memory_space<vmem_shared>> -> memref<128x80xf32, #tpu.memory_space<vmem_shared>>
      %dma_wait3A_127 = arith.constant 0 : i32
      %dma_wait3A_128 = tpu.memref_slice %arg12[%add3A_8, %dma_wait3A_127] : memref<10112x80xf32, #tpu.memory_space<vmem_shared>> -> memref<128x80xf32, #tpu.memory_space<vmem_shared>>
      %dma_wait3A_129 = arith.constant 0 : i32
      %dma_wait3A_130 = arith.constant 0 : i32
      %dma_wait3A_131 = tpu.memref_slice %arg11[%run_scoped3A_9, %dma_wait3A_129, %dma_wait3A_130] : memref<2x128x80xf32, #tpu.memory_space<vmem>> -> memref<1x128x80xf32, #tpu.memory_space<vmem>>
      %dma_wait3A_132 = tpu.memref_squeeze %dma_wait3A_131 : memref<1x128x80xf32, #tpu.memory_space<vmem>> -> memref<128x80xf32, #tpu.memory_space<vmem>>
      tpu.wait_dma2 semaphore(%run_scoped3A_108 : memref<!tpu.dma_semaphore, #tpu.memory_space<semaphore_mem>>) src(%dma_wait3A_132 : memref<128x80xf32, #tpu.memory_space<vmem>>) dst(%dma_wait3A_128 : memref<128x80xf32, #tpu.memory_space<vmem_shared>>)
      tpu.yield
    }) : () -> ()
    %add3A_10 = arith.constant 256 : i32
    %add3A_11 = arith.addi %multiple_of3A, %add3A_10 : i32
    %run_scoped3A_12 = arith.constant 0 : i32
    "tpu.region"() ({
      %run_scoped3A_108 = tpu.sem_alloc : memref<!tpu.dma_semaphore, #tpu.memory_space<semaphore_mem>>
      %dma_start3A_109 = arith.constant 0 : i32
      %dma_start3A_110 = arith.constant 0 : i32
      %dma_start3A_111 = tpu.memref_slice %arg11[%run_scoped3A_12, %dma_start3A_109, %dma_start3A_110] : memref<2x128x80xf32, #tpu.memory_space<vmem>> -> memref<1x128x80xf32, #tpu.memory_space<vmem>>
      %dma_start3A_112 = tpu.memref_squeeze %dma_start3A_111 : memref<1x128x80xf32, #tpu.memory_space<vmem>> -> memref<128x80xf32, #tpu.memory_space<vmem>>
      %dma_start3A_113 = arith.constant 0 : i32
      %dma_start3A_114 = tpu.memref_slice %arg12[%add3A_11, %dma_start3A_113] : memref<10112x80xf32, #tpu.memory_space<vmem_shared>> -> memref<128x80xf32, #tpu.memory_space<vmem_shared>>
      %dma_start3A_115 = arith.constant 0 : i32
      %dma_start3A_116 = tpu.memref_slice %arg12[%add3A_11, %dma_start3A_115] : memref<10112x80xf32, #tpu.memory_space<vmem_shared>> -> memref<128x80xf32, #tpu.memory_space<vmem_shared>>
      %dma_start3A_117 = arith.constant 0 : i32
      %dma_start3A_118 = arith.constant 0 : i32
      %dma_start3A_119 = tpu.memref_slice %arg11[%run_scoped3A_12, %dma_start3A_117, %dma_start3A_118] : memref<2x128x80xf32, #tpu.memory_space<vmem>> -> memref<1x128x80xf32, #tpu.memory_space<vmem>>
      %dma_start3A_120 = tpu.memref_squeeze %dma_start3A_119 : memref<1x128x80xf32, #tpu.memory_space<vmem>> -> memref<128x80xf32, #tpu.memory_space<vmem>>
      tpu.enqueue_dma source(%dma_start3A_120 : memref<128x80xf32, #tpu.memory_space<vmem>>) target(%dma_start3A_116 : memref<128x80xf32, #tpu.memory_space<vmem_shared>>) target_semaphore(%run_scoped3A_108 : memref<!tpu.dma_semaphore, #tpu.memory_space<semaphore_mem>>)
      %dma_wait3A_121 = arith.constant 0 : i32
      %dma_wait3A_122 = arith.constant 0 : i32
      %dma_wait3A_123 = tpu.memref_slice %arg11[%run_scoped3A_12, %dma_wait3A_121, %dma_wait3A_122] : memref<2x128x80xf32, #tpu.memory_space<vmem>> -> memref<1x128x80xf32, #tpu.memory_space<vmem>>
      %dma_wait3A_124 = tpu.memref_squeeze %dma_wait3A_123 : memref<1x128x80xf32, #tpu.memory_space<vmem>> -> memref<128x80xf32, #tpu.memory_space<vmem>>
      %dma_wait3A_125 = arith.constant 0 : i32
      %dma_wait3A_126 = tpu.memref_slice %arg12[%add3A_11, %dma_wait3A_125] : memref<10112x80xf32, #tpu.memory_space<vmem_shared>> -> memref<128x80xf32, #tpu.memory_space<vmem_shared>>
      %dma_wait3A_127 = arith.constant 0 : i32
      %dma_wait3A_128 = tpu.memref_slice %arg12[%add3A_11, %dma_wait3A_127] : memref<10112x80xf32, #tpu.memory_space<vmem_shared>> -> memref<128x80xf32, #tpu.memory_space<vmem_shared>>
      %dma_wait3A_129 = arith.constant 0 : i32
      %dma_wait3A_130 = arith.constant 0 : i32
      %dma_wait3A_131 = tpu.memref_slice %arg11[%run_scoped3A_12, %dma_wait3A_129, %dma_wait3A_130] : memref<2x128x80xf32, #tpu.memory_space<vmem>> -> memref<1x128x80xf32, #tpu.memory_space<vmem>>
      %dma_wait3A_132 = tpu.memref_squeeze %dma_wait3A_131 : memref<1x128x80xf32, #tpu.memory_space<vmem>> -> memref<128x80xf32, #tpu.memory_space<vmem>>
      tpu.wait_dma2 semaphore(%run_scoped3A_108 : memref<!tpu.dma_semaphore, #tpu.memory_space<semaphore_mem>>) src(%dma_wait3A_132 : memref<128x80xf32, #tpu.memory_space<vmem>>) dst(%dma_wait3A_128 : memref<128x80xf32, #tpu.memory_space<vmem_shared>>)
      tpu.yield
    }) : () -> ()
    %add3A_13 = arith.constant 384 : i32
    %add3A_14 = arith.addi %multiple_of3A, %add3A_13 : i32
    %run_scoped3A_15 = arith.constant 0 : i32
    "tpu.region"() ({
      %run_scoped3A_108 = tpu.sem_alloc : memref<!tpu.dma_semaphore, #tpu.memory_space<semaphore_mem>>
      %dma_start3A_109 = arith.constant 0 : i32
      %dma_start3A_110 = arith.constant 0 : i32
      %dma_start3A_111 = tpu.memref_slice %arg11[%run_scoped3A_15, %dma_start3A_109, %dma_start3A_110] : memref<2x128x80xf32, #tpu.memory_space<vmem>> -> memref<1x128x80xf32, #tpu.memory_space<vmem>>
      %dma_start3A_112 = tpu.memref_squeeze %dma_start3A_111 : memref<1x128x80xf32, #tpu.memory_space<vmem>> -> memref<128x80xf32, #tpu.memory_space<vmem>>
      %dma_start3A_113 = arith.constant 0 : i32
      %dma_start3A_114 = tpu.memref_slice %arg12[%add3A_14, %dma_start3A_113] : memref<10112x80xf32, #tpu.memory_space<vmem_shared>> -> memref<128x80xf32, #tpu.memory_space<vmem_shared>>
      %dma_start3A_115 = arith.constant 0 : i32
      %dma_start3A_116 = tpu.memref_slice %arg12[%add3A_14, %dma_start3A_115] : memref<10112x80xf32, #tpu.memory_space<vmem_shared>> -> memref<128x80xf32, #tpu.memory_space<vmem_shared>>
      %dma_start3A_117 = arith.constant 0 : i32
      %dma_start3A_118 = arith.constant 0 : i32
      %dma_start3A_119 = tpu.memref_slice %arg11[%run_scoped3A_15, %dma_start3A_117, %dma_start3A_118] : memref<2x128x80xf32, #tpu.memory_space<vmem>> -> memref<1x128x80xf32, #tpu.memory_space<vmem>>
      %dma_start3A_120 = tpu.memref_squeeze %dma_start3A_119 : memref<1x128x80xf32, #tpu.memory_space<vmem>> -> memref<128x80xf32, #tpu.memory_space<vmem>>
      tpu.enqueue_dma source(%dma_start3A_120 : memref<128x80xf32, #tpu.memory_space<vmem>>) target(%dma_start3A_116 : memref<128x80xf32, #tpu.memory_space<vmem_shared>>) target_semaphore(%run_scoped3A_108 : memref<!tpu.dma_semaphore, #tpu.memory_space<semaphore_mem>>)
      %dma_wait3A_121 = arith.constant 0 : i32
      %dma_wait3A_122 = arith.constant 0 : i32
      %dma_wait3A_123 = tpu.memref_slice %arg11[%run_scoped3A_15, %dma_wait3A_121, %dma_wait3A_122] : memref<2x128x80xf32, #tpu.memory_space<vmem>> -> memref<1x128x80xf32, #tpu.memory_space<vmem>>
      %dma_wait3A_124 = tpu.memref_squeeze %dma_wait3A_123 : memref<1x128x80xf32, #tpu.memory_space<vmem>> -> memref<128x80xf32, #tpu.memory_space<vmem>>
      %dma_wait3A_125 = arith.constant 0 : i32
      %dma_wait3A_126 = tpu.memref_slice %arg12[%add3A_14, %dma_wait3A_125] : memref<10112x80xf32, #tpu.memory_space<vmem_shared>> -> memref<128x80xf32, #tpu.memory_space<vmem_shared>>
      %dma_wait3A_127 = arith.constant 0 : i32
      %dma_wait3A_128 = tpu.memref_slice %arg12[%add3A_14, %dma_wait3A_127] : memref<10112x80xf32, #tpu.memory_space<vmem_shared>> -> memref<128x80xf32, #tpu.memory_space<vmem_shared>>
      %dma_wait3A_129 = arith.constant 0 : i32
      %dma_wait3A_130 = arith.constant 0 : i32
      %dma_wait3A_131 = tpu.memref_slice %arg11[%run_scoped3A_15, %dma_wait3A_129, %dma_wait3A_130] : memref<2x128x80xf32, #tpu.memory_space<vmem>> -> memref<1x128x80xf32, #tpu.memory_space<vmem>>
      %dma_wait3A_132 = tpu.memref_squeeze %dma_wait3A_131 : memref<1x128x80xf32, #tpu.memory_space<vmem>> -> memref<128x80xf32, #tpu.memory_space<vmem>>
      tpu.wait_dma2 semaphore(%run_scoped3A_108 : memref<!tpu.dma_semaphore, #tpu.memory_space<semaphore_mem>>) src(%dma_wait3A_132 : memref<128x80xf32, #tpu.memory_space<vmem>>) dst(%dma_wait3A_128 : memref<128x80xf32, #tpu.memory_space<vmem_shared>>)
      tpu.yield
    }) : () -> ()
    %add3A_16 = arith.constant 512 : i32
    %add3A_17 = arith.addi %multiple_of3A, %add3A_16 : i32
    %run_scoped3A_18 = arith.constant 0 : i32
    "tpu.region"() ({
      %run_scoped3A_108 = tpu.sem_alloc : memref<!tpu.dma_semaphore, #tpu.memory_space<semaphore_mem>>
      %dma_start3A_109 = arith.constant 0 : i32
      %dma_start3A_110 = arith.constant 0 : i32
      %dma_start3A_111 = tpu.memref_slice %arg11[%run_scoped3A_18, %dma_start3A_109, %dma_start3A_110] : memref<2x128x80xf32, #tpu.memory_space<vmem>> -> memref<1x120x80xf32, #tpu.memory_space<vmem>>
      %dma_start3A_112 = tpu.memref_squeeze %dma_start3A_111 : memref<1x120x80xf32, #tpu.memory_space<vmem>> -> memref<120x80xf32, #tpu.memory_space<vmem>>
      %dma_start3A_113 = arith.constant 0 : i32
      %dma_start3A_114 = tpu.memref_slice %arg12[%add3A_17, %dma_start3A_113] : memref<10112x80xf32, #tpu.memory_space<vmem_shared>> -> memref<120x80xf32, #tpu.memory_space<vmem_shared>>
      %dma_start3A_115 = arith.constant 0 : i32
      %dma_start3A_116 = tpu.memref_slice %arg12[%add3A_17, %dma_start3A_115] : memref<10112x80xf32, #tpu.memory_space<vmem_shared>> -> memref<120x80xf32, #tpu.memory_space<vmem_shared>>
      %dma_start3A_117 = arith.constant 0 : i32
      %dma_start3A_118 = arith.constant 0 : i32
      %dma_start3A_119 = tpu.memref_slice %arg11[%run_scoped3A_18, %dma_start3A_117, %dma_start3A_118] : memref<2x128x80xf32, #tpu.memory_space<vmem>> -> memref<1x120x80xf32, #tpu.memory_space<vmem>>
      %dma_start3A_120 = tpu.memref_squeeze %dma_start3A_119 : memref<1x120x80xf32, #tpu.memory_space<vmem>> -> memref<120x80xf32, #tpu.memory_space<vmem>>
      tpu.enqueue_dma source(%dma_start3A_120 : memref<120x80xf32, #tpu.memory_space<vmem>>) target(%dma_start3A_116 : memref<120x80xf32, #tpu.memory_space<vmem_shared>>) target_semaphore(%run_scoped3A_108 : memref<!tpu.dma_semaphore, #tpu.memory_space<semaphore_mem>>)
      %dma_wait3A_121 = arith.constant 0 : i32
      %dma_wait3A_122 = arith.constant 0 : i32
      %dma_wait3A_123 = tpu.memref_slice %arg11[%run_scoped3A_18, %dma_wait3A_121, %dma_wait3A_122] : memref<2x128x80xf32, #tpu.memory_space<vmem>> -> memref<1x120x80xf32, #tpu.memory_space<vmem>>
      %dma_wait3A_124 = tpu.memref_squeeze %dma_wait3A_123 : memref<1x120x80xf32, #tpu.memory_space<vmem>> -> memref<120x80xf32, #tpu.memory_space<vmem>>
      %dma_wait3A_125 = arith.constant 0 : i32
      %dma_wait3A_126 = tpu.memref_slice %arg12[%add3A_17, %dma_wait3A_125] : memref<10112x80xf32, #tpu.memory_space<vmem_shared>> -> memref<120x80xf32, #tpu.memory_space<vmem_shared>>
      %dma_wait3A_127 = arith.constant 0 : i32
      %dma_wait3A_128 = tpu.memref_slice %arg12[%add3A_17, %dma_wait3A_127] : memref<10112x80xf32, #tpu.memory_space<vmem_shared>> -> memref<120x80xf32, #tpu.memory_space<vmem_shared>>
      %dma_wait3A_129 = arith.constant 0 : i32
      %dma_wait3A_130 = arith.constant 0 : i32
      %dma_wait3A_131 = tpu.memref_slice %arg11[%run_scoped3A_18, %dma_wait3A_129, %dma_wait3A_130] : memref<2x128x80xf32, #tpu.memory_space<vmem>> -> memref<1x120x80xf32, #tpu.memory_space<vmem>>
      %dma_wait3A_132 = tpu.memref_squeeze %dma_wait3A_131 : memref<1x120x80xf32, #tpu.memory_space<vmem>> -> memref<120x80xf32, #tpu.memory_space<vmem>>
      tpu.wait_dma2 semaphore(%run_scoped3A_108 : memref<!tpu.dma_semaphore, #tpu.memory_space<semaphore_mem>>) src(%dma_wait3A_132 : memref<120x80xf32, #tpu.memory_space<vmem>>) dst(%dma_wait3A_128 : memref<120x80xf32, #tpu.memory_space<vmem_shared>>)
      tpu.yield
    }) : () -> ()
    %lt3A = arith.constant 30 : i32
    %lt3A_19 = arith.cmpi slt, %add3A, %lt3A : i32
    %convert_element_type3A = arith.extui %lt3A_19 : i1 to i32
    %cond3A = arith.constant 0 : i32
    %cond3A_20 = arith.cmpi ne, %convert_element_type3A, %cond3A : i32
    scf.if %cond3A_20 {
      %mul3A_108 = arith.constant 82 : i32
      %mul3A_109 = arith.muli %add3A, %mul3A_108 : i32
      %run_scoped3A_110 = arith.constant 0 : i32
      "tpu.region"() ({
        %run_scoped3A_111 = tpu.sem_alloc : memref<!tpu.dma_semaphore, #tpu.memory_space<semaphore_mem>>
        %dma_start3A_112 = arith.constant 0 : i32
        %dma_start3A_113 = tpu.memref_slice %arg4[%run_scoped3A_110, %mul3A_109, %dma_start3A_112] : memref<2x2500x128xi32, #tpu.memory_space<hbm>> -> memref<1x82x128xi32, #tpu.memory_space<hbm>>
        %dma_start3A_114 = tpu.memref_squeeze %dma_start3A_113 : memref<1x82x128xi32, #tpu.memory_space<hbm>> -> memref<82x128xi32, #tpu.memory_space<hbm>>
        %dma_start3A_115 = arith.constant 0 : i32
        %dma_start3A_116 = tpu.memref_slice %arg4[%run_scoped3A_110, %mul3A_109, %dma_start3A_115] : memref<2x2500x128xi32, #tpu.memory_space<hbm>> -> memref<1x82x128xi32, #tpu.memory_space<hbm>>
        %dma_start3A_117 = tpu.memref_squeeze %dma_start3A_116 : memref<1x82x128xi32, #tpu.memory_space<hbm>> -> memref<82x128xi32, #tpu.memory_space<hbm>>
        tpu.enqueue_dma source(%dma_start3A_117 : memref<82x128xi32, #tpu.memory_space<hbm>>) target(%arg7 : memref<82x128xi32, #tpu.memory_space<vmem>>) target_semaphore(%run_scoped3A_111 : memref<!tpu.dma_semaphore, #tpu.memory_space<semaphore_mem>>)
        %dma_wait3A_118 = arith.constant 0 : i32
        %dma_wait3A_119 = tpu.memref_slice %arg4[%run_scoped3A_110, %mul3A_109, %dma_wait3A_118] : memref<2x2500x128xi32, #tpu.memory_space<hbm>> -> memref<1x82x128xi32, #tpu.memory_space<hbm>>
        %dma_wait3A_120 = tpu.memref_squeeze %dma_wait3A_119 : memref<1x82x128xi32, #tpu.memory_space<hbm>> -> memref<82x128xi32, #tpu.memory_space<hbm>>
        %dma_wait3A_121 = arith.constant 0 : i32
        %dma_wait3A_122 = tpu.memref_slice %arg4[%run_scoped3A_110, %mul3A_109, %dma_wait3A_121] : memref<2x2500x128xi32, #tpu.memory_space<hbm>> -> memref<1x82x128xi32, #tpu.memory_space<hbm>>
        %dma_wait3A_123 = tpu.memref_squeeze %dma_wait3A_122 : memref<1x82x128xi32, #tpu.memory_space<hbm>> -> memref<82x128xi32, #tpu.memory_space<hbm>>
        tpu.wait_dma2 semaphore(%run_scoped3A_111 : memref<!tpu.dma_semaphore, #tpu.memory_space<semaphore_mem>>) src(%dma_wait3A_123 : memref<82x128xi32, #tpu.memory_space<hbm>>) dst(%arg7 : memref<82x128xi32, #tpu.memory_space<vmem>>)
        tpu.yield
      }) : () -> ()
    } else {
    }
    %eq3A = arith.constant 30 : i32
    %eq3A_21 = arith.cmpi eq, %add3A, %eq3A : i32
    %convert_element_type3A_22 = arith.extui %eq3A_21 : i1 to i32
    %cond3A_23 = arith.constant 0 : i32
    %cond3A_24 = arith.cmpi ne, %convert_element_type3A_22, %cond3A_23 : i32
    scf.if %cond3A_24 {
      %run_scoped3A_108 = arith.constant 0 : i32
      "tpu.region"() ({
        %run_scoped3A_110 = tpu.sem_alloc : memref<!tpu.dma_semaphore, #tpu.memory_space<semaphore_mem>>
        %dma_start3A_111 = arith.constant 0 : i32
        %dma_start3A_112 = arith.constant 0 : i32
        %dma_start3A_113 = tpu.memref_slice %arg7[%dma_start3A_111, %dma_start3A_112] : memref<82x128xi32, #tpu.memory_space<vmem>> -> memref<40x128xi32, #tpu.memory_space<vmem>>
        %dma_start3A_114 = arith.constant 2460 : i32
        %dma_start3A_115 = arith.constant 0 : i32
        %dma_start3A_116 = tpu.memref_slice %arg4[%run_scoped3A_108, %dma_start3A_114, %dma_start3A_115] : memref<2x2500x128xi32, #tpu.memory_space<hbm>> -> memref<1x40x128xi32, #tpu.memory_space<hbm>>
        %dma_start3A_117 = tpu.memref_squeeze %dma_start3A_116 : memref<1x40x128xi32, #tpu.memory_space<hbm>> -> memref<40x128xi32, #tpu.memory_space<hbm>>
        %dma_start3A_118 = arith.constant 0 : i32
        %dma_start3A_119 = arith.constant 0 : i32
        %dma_start3A_120 = tpu.memref_slice %arg7[%dma_start3A_118, %dma_start3A_119] : memref<82x128xi32, #tpu.memory_space<vmem>> -> memref<40x128xi32, #tpu.memory_space<vmem>>
        %dma_start3A_121 = arith.constant 2460 : i32
        %dma_start3A_122 = arith.constant 0 : i32
        %dma_start3A_123 = tpu.memref_slice %arg4[%run_scoped3A_108, %dma_start3A_121, %dma_start3A_122] : memref<2x2500x128xi32, #tpu.memory_space<hbm>> -> memref<1x40x128xi32, #tpu.memory_space<hbm>>
        %dma_start3A_124 = tpu.memref_squeeze %dma_start3A_123 : memref<1x40x128xi32, #tpu.memory_space<hbm>> -> memref<40x128xi32, #tpu.memory_space<hbm>>
        tpu.enqueue_dma source(%dma_start3A_124 : memref<40x128xi32, #tpu.memory_space<hbm>>) target(%dma_start3A_120 : memref<40x128xi32, #tpu.memory_space<vmem>>) target_semaphore(%run_scoped3A_110 : memref<!tpu.dma_semaphore, #tpu.memory_space<semaphore_mem>>)
        %dma_wait3A_125 = arith.constant 0 : i32
        %dma_wait3A_126 = arith.constant 0 : i32
        %dma_wait3A_127 = tpu.memref_slice %arg7[%dma_wait3A_125, %dma_wait3A_126] : memref<82x128xi32, #tpu.memory_space<vmem>> -> memref<40x128xi32, #tpu.memory_space<vmem>>
        %dma_wait3A_128 = arith.constant 2460 : i32
        %dma_wait3A_129 = arith.constant 0 : i32
        %dma_wait3A_130 = tpu.memref_slice %arg4[%run_scoped3A_108, %dma_wait3A_128, %dma_wait3A_129] : memref<2x2500x128xi32, #tpu.memory_space<hbm>> -> memref<1x40x128xi32, #tpu.memory_space<hbm>>
        %dma_wait3A_131 = tpu.memref_squeeze %dma_wait3A_130 : memref<1x40x128xi32, #tpu.memory_space<hbm>> -> memref<40x128xi32, #tpu.memory_space<hbm>>
        %dma_wait3A_132 = arith.constant 0 : i32
        %dma_wait3A_133 = arith.constant 0 : i32
        %dma_wait3A_134 = tpu.memref_slice %arg7[%dma_wait3A_132, %dma_wait3A_133] : memref<82x128xi32, #tpu.memory_space<vmem>> -> memref<40x128xi32, #tpu.memory_space<vmem>>
        %dma_wait3A_135 = arith.constant 2460 : i32
        %dma_wait3A_136 = arith.constant 0 : i32
        %dma_wait3A_137 = tpu.memref_slice %arg4[%run_scoped3A_108, %dma_wait3A_135, %dma_wait3A_136] : memref<2x2500x128xi32, #tpu.memory_space<hbm>> -> memref<1x40x128xi32, #tpu.memory_space<hbm>>
        %dma_wait3A_138 = tpu.memref_squeeze %dma_wait3A_137 : memref<1x40x128xi32, #tpu.memory_space<hbm>> -> memref<40x128xi32, #tpu.memory_space<hbm>>
        tpu.wait_dma2 semaphore(%run_scoped3A_110 : memref<!tpu.dma_semaphore, #tpu.memory_space<semaphore_mem>>) src(%dma_wait3A_138 : memref<40x128xi32, #tpu.memory_space<hbm>>) dst(%dma_wait3A_134 : memref<40x128xi32, #tpu.memory_space<vmem>>)
        tpu.yield
      }) : () -> ()
      %run_scoped3A_109 = arith.constant 0 : i32
      "tpu.region"() ({
        %run_scoped3A_110 = tpu.sem_alloc : memref<!tpu.dma_semaphore, #tpu.memory_space<semaphore_mem>>
        %dma_start3A_111 = arith.constant 40 : i32
        %dma_start3A_112 = arith.constant 0 : i32
        %dma_start3A_113 = tpu.memref_slice %arg7[%dma_start3A_111, %dma_start3A_112] : memref<82x128xi32, #tpu.memory_space<vmem>> -> memref<42x128xi32, #tpu.memory_space<vmem>>
        %dma_start3A_114 = arith.constant 0 : i32
        %dma_start3A_115 = arith.constant 0 : i32
        %dma_start3A_116 = tpu.memref_slice %arg5[%run_scoped3A_109, %dma_start3A_114, %dma_start3A_115] : memref<2x124x128xi32, #tpu.memory_space<hbm>> -> memref<1x42x128xi32, #tpu.memory_space<hbm>>
        %dma_start3A_117 = tpu.memref_squeeze %dma_start3A_116 : memref<1x42x128xi32, #tpu.memory_space<hbm>> -> memref<42x128xi32, #tpu.memory_space<hbm>>
        %dma_start3A_118 = arith.constant 40 : i32
        %dma_start3A_119 = arith.constant 0 : i32
        %dma_start3A_120 = tpu.memref_slice %arg7[%dma_start3A_118, %dma_start3A_119] : memref<82x128xi32, #tpu.memory_space<vmem>> -> memref<42x128xi32, #tpu.memory_space<vmem>>
        %dma_start3A_121 = arith.constant 0 : i32
        %dma_start3A_122 = arith.constant 0 : i32
        %dma_start3A_123 = tpu.memref_slice %arg5[%run_scoped3A_109, %dma_start3A_121, %dma_start3A_122] : memref<2x124x128xi32, #tpu.memory_space<hbm>> -> memref<1x42x128xi32, #tpu.memory_space<hbm>>
        %dma_start3A_124 = tpu.memref_squeeze %dma_start3A_123 : memref<1x42x128xi32, #tpu.memory_space<hbm>> -> memref<42x128xi32, #tpu.memory_space<hbm>>
        tpu.enqueue_dma source(%dma_start3A_124 : memref<42x128xi32, #tpu.memory_space<hbm>>) target(%dma_start3A_120 : memref<42x128xi32, #tpu.memory_space<vmem>>) target_semaphore(%run_scoped3A_110 : memref<!tpu.dma_semaphore, #tpu.memory_space<semaphore_mem>>)
        %dma_wait3A_125 = arith.constant 40 : i32
        %dma_wait3A_126 = arith.constant 0 : i32
        %dma_wait3A_127 = tpu.memref_slice %arg7[%dma_wait3A_125, %dma_wait3A_126] : memref<82x128xi32, #tpu.memory_space<vmem>> -> memref<42x128xi32, #tpu.memory_space<vmem>>
        %dma_wait3A_128 = arith.constant 0 : i32
        %dma_wait3A_129 = arith.constant 0 : i32
        %dma_wait3A_130 = tpu.memref_slice %arg5[%run_scoped3A_109, %dma_wait3A_128, %dma_wait3A_129] : memref<2x124x128xi32, #tpu.memory_space<hbm>> -> memref<1x42x128xi32, #tpu.memory_space<hbm>>
        %dma_wait3A_131 = tpu.memref_squeeze %dma_wait3A_130 : memref<1x42x128xi32, #tpu.memory_space<hbm>> -> memref<42x128xi32, #tpu.memory_space<hbm>>
        %dma_wait3A_132 = arith.constant 40 : i32
        %dma_wait3A_133 = arith.constant 0 : i32
        %dma_wait3A_134 = tpu.memref_slice %arg7[%dma_wait3A_132, %dma_wait3A_133] : memref<82x128xi32, #tpu.memory_space<vmem>> -> memref<42x128xi32, #tpu.memory_space<vmem>>
        %dma_wait3A_135 = arith.constant 0 : i32
        %dma_wait3A_136 = arith.constant 0 : i32
        %dma_wait3A_137 = tpu.memref_slice %arg5[%run_scoped3A_109, %dma_wait3A_135, %dma_wait3A_136] : memref<2x124x128xi32, #tpu.memory_space<hbm>> -> memref<1x42x128xi32, #tpu.memory_space<hbm>>
        %dma_wait3A_138 = tpu.memref_squeeze %dma_wait3A_137 : memref<1x42x128xi32, #tpu.memory_space<hbm>> -> memref<42x128xi32, #tpu.memory_space<hbm>>
        tpu.wait_dma2 semaphore(%run_scoped3A_110 : memref<!tpu.dma_semaphore, #tpu.memory_space<semaphore_mem>>) src(%dma_wait3A_138 : memref<42x128xi32, #tpu.memory_space<hbm>>) dst(%dma_wait3A_134 : memref<42x128xi32, #tpu.memory_space<vmem>>)
        tpu.yield
      }) : () -> ()
    } else {
    }
    %gt3A = arith.constant 30 : i32
    %gt3A_25 = arith.cmpi sgt, %add3A, %gt3A : i32
    %convert_element_type3A_26 = arith.extui %gt3A_25 : i1 to i32
    %cond3A_27 = arith.constant 0 : i32
    %cond3A_28 = arith.cmpi ne, %convert_element_type3A_26, %cond3A_27 : i32
    scf.if %cond3A_28 {
      %sub3A = arith.constant 30 : i32
      %sub3A_108 = arith.subi %add3A, %sub3A : i32
      %sub3A_109 = arith.constant 1 : i32
      %sub3A_110 = arith.subi %sub3A_108, %sub3A_109 : i32
      %mul3A_111 = arith.constant 82 : i32
      %mul3A_112 = arith.muli %sub3A_110, %mul3A_111 : i32
      %add3A_113 = arith.constant 42 : i32
      %add3A_114 = arith.addi %add3A_113, %mul3A_112 : i32
      %run_scoped3A_115 = arith.constant 0 : i32
      "tpu.region"() ({
        %run_scoped3A_116 = tpu.sem_alloc : memref<!tpu.dma_semaphore, #tpu.memory_space<semaphore_mem>>
        %dma_start3A_117 = arith.constant 0 : i32
        %dma_start3A_118 = tpu.memref_slice %arg5[%run_scoped3A_115, %add3A_114, %dma_start3A_117] : memref<2x124x128xi32, #tpu.memory_space<hbm>> -> memref<1x82x128xi32, #tpu.memory_space<hbm>>
        %dma_start3A_119 = tpu.memref_squeeze %dma_start3A_118 : memref<1x82x128xi32, #tpu.memory_space<hbm>> -> memref<82x128xi32, #tpu.memory_space<hbm>>
        %dma_start3A_120 = arith.constant 0 : i32
        %dma_start3A_121 = tpu.memref_slice %arg5[%run_scoped3A_115, %add3A_114, %dma_start3A_120] : memref<2x124x128xi32, #tpu.memory_space<hbm>> -> memref<1x82x128xi32, #tpu.memory_space<hbm>>
        %dma_start3A_122 = tpu.memref_squeeze %dma_start3A_121 : memref<1x82x128xi32, #tpu.memory_space<hbm>> -> memref<82x128xi32, #tpu.memory_space<hbm>>
        tpu.enqueue_dma source(%dma_start3A_122 : memref<82x128xi32, #tpu.memory_space<hbm>>) target(%arg7 : memref<82x128xi32, #tpu.memory_space<vmem>>) target_semaphore(%run_scoped3A_116 : memref<!tpu.dma_semaphore, #tpu.memory_space<semaphore_mem>>)
        %dma_wait3A_123 = arith.constant 0 : i32
        %dma_wait3A_124 = tpu.memref_slice %arg5[%run_scoped3A_115, %add3A_114, %dma_wait3A_123] : memref<2x124x128xi32, #tpu.memory_space<hbm>> -> memref<1x82x128xi32, #tpu.memory_space<hbm>>
        %dma_wait3A_125 = tpu.memref_squeeze %dma_wait3A_124 : memref<1x82x128xi32, #tpu.memory_space<hbm>> -> memref<82x128xi32, #tpu.memory_space<hbm>>
        %dma_wait3A_126 = arith.constant 0 : i32
        %dma_wait3A_127 = tpu.memref_slice %arg5[%run_scoped3A_115, %add3A_114, %dma_wait3A_126] : memref<2x124x128xi32, #tpu.memory_space<hbm>> -> memref<1x82x128xi32, #tpu.memory_space<hbm>>
        %dma_wait3A_128 = tpu.memref_squeeze %dma_wait3A_127 : memref<1x82x128xi32, #tpu.memory_space<hbm>> -> memref<82x128xi32, #tpu.memory_space<hbm>>
        tpu.wait_dma2 semaphore(%run_scoped3A_116 : memref<!tpu.dma_semaphore, #tpu.memory_space<semaphore_mem>>) src(%dma_wait3A_128 : memref<82x128xi32, #tpu.memory_space<hbm>>) dst(%arg7 : memref<82x128xi32, #tpu.memory_space<vmem>>)
        tpu.yield
      }) : () -> ()
    } else {
    }
    %lt3A_29 = arith.constant 30 : i32
    %lt3A_30 = arith.cmpi slt, %add3A, %lt3A_29 : i32
    %convert_element_type3A_31 = arith.extui %lt3A_30 : i1 to i32
    %cond3A_32 = arith.constant 0 : i32
    %cond3A_33 = arith.cmpi ne, %convert_element_type3A_31, %cond3A_32 : i32
    scf.if %cond3A_33 {
      %mul3A_108 = arith.constant 82 : i32
      %mul3A_109 = arith.muli %add3A, %mul3A_108 : i32
      %run_scoped3A_110 = arith.constant 1 : i32
      "tpu.region"() ({
        %run_scoped3A_111 = tpu.sem_alloc : memref<!tpu.dma_semaphore, #tpu.memory_space<semaphore_mem>>
        %dma_start3A_112 = arith.constant 0 : i32
        %dma_start3A_113 = tpu.memref_slice %arg4[%run_scoped3A_110, %mul3A_109, %dma_start3A_112] : memref<2x2500x128xi32, #tpu.memory_space<hbm>> -> memref<1x82x128xi32, #tpu.memory_space<hbm>>
        %dma_start3A_114 = tpu.memref_squeeze %dma_start3A_113 : memref<1x82x128xi32, #tpu.memory_space<hbm>> -> memref<82x128xi32, #tpu.memory_space<hbm>>
        %dma_start3A_115 = arith.constant 0 : i32
        %dma_start3A_116 = tpu.memref_slice %arg4[%run_scoped3A_110, %mul3A_109, %dma_start3A_115] : memref<2x2500x128xi32, #tpu.memory_space<hbm>> -> memref<1x82x128xi32, #tpu.memory_space<hbm>>
        %dma_start3A_117 = tpu.memref_squeeze %dma_start3A_116 : memref<1x82x128xi32, #tpu.memory_space<hbm>> -> memref<82x128xi32, #tpu.memory_space<hbm>>
        tpu.enqueue_dma source(%dma_start3A_117 : memref<82x128xi32, #tpu.memory_space<hbm>>) target(%arg8 : memref<82x128xi32, #tpu.memory_space<vmem>>) target_semaphore(%run_scoped3A_111 : memref<!tpu.dma_semaphore, #tpu.memory_space<semaphore_mem>>)
        %dma_wait3A_118 = arith.constant 0 : i32
        %dma_wait3A_119 = tpu.memref_slice %arg4[%run_scoped3A_110, %mul3A_109, %dma_wait3A_118] : memref<2x2500x128xi32, #tpu.memory_space<hbm>> -> memref<1x82x128xi32, #tpu.memory_space<hbm>>
        %dma_wait3A_120 = tpu.memref_squeeze %dma_wait3A_119 : memref<1x82x128xi32, #tpu.memory_space<hbm>> -> memref<82x128xi32, #tpu.memory_space<hbm>>
        %dma_wait3A_121 = arith.constant 0 : i32
        %dma_wait3A_122 = tpu.memref_slice %arg4[%run_scoped3A_110, %mul3A_109, %dma_wait3A_121] : memref<2x2500x128xi32, #tpu.memory_space<hbm>> -> memref<1x82x128xi32, #tpu.memory_space<hbm>>
        %dma_wait3A_123 = tpu.memref_squeeze %dma_wait3A_122 : memref<1x82x128xi32, #tpu.memory_space<hbm>> -> memref<82x128xi32, #tpu.memory_space<hbm>>
        tpu.wait_dma2 semaphore(%run_scoped3A_111 : memref<!tpu.dma_semaphore, #tpu.memory_space<semaphore_mem>>) src(%dma_wait3A_123 : memref<82x128xi32, #tpu.memory_space<hbm>>) dst(%arg8 : memref<82x128xi32, #tpu.memory_space<vmem>>)
        tpu.yield
      }) : () -> ()
    } else {
    }
    %eq3A_34 = arith.constant 30 : i32
    %eq3A_35 = arith.cmpi eq, %add3A, %eq3A_34 : i32
    %convert_element_type3A_36 = arith.extui %eq3A_35 : i1 to i32
    %cond3A_37 = arith.constant 0 : i32
    %cond3A_38 = arith.cmpi ne, %convert_element_type3A_36, %cond3A_37 : i32
    scf.if %cond3A_38 {
      %run_scoped3A_108 = arith.constant 1 : i32
      "tpu.region"() ({
        %run_scoped3A_110 = tpu.sem_alloc : memref<!tpu.dma_semaphore, #tpu.memory_space<semaphore_mem>>
        %dma_start3A_111 = arith.constant 0 : i32
        %dma_start3A_112 = arith.constant 0 : i32
        %dma_start3A_113 = tpu.memref_slice %arg8[%dma_start3A_111, %dma_start3A_112] : memref<82x128xi32, #tpu.memory_space<vmem>> -> memref<40x128xi32, #tpu.memory_space<vmem>>
        %dma_start3A_114 = arith.constant 2460 : i32
        %dma_start3A_115 = arith.constant 0 : i32
        %dma_start3A_116 = tpu.memref_slice %arg4[%run_scoped3A_108, %dma_start3A_114, %dma_start3A_115] : memref<2x2500x128xi32, #tpu.memory_space<hbm>> -> memref<1x40x128xi32, #tpu.memory_space<hbm>>
        %dma_start3A_117 = tpu.memref_squeeze %dma_start3A_116 : memref<1x40x128xi32, #tpu.memory_space<hbm>> -> memref<40x128xi32, #tpu.memory_space<hbm>>
        %dma_start3A_118 = arith.constant 0 : i32
        %dma_start3A_119 = arith.constant 0 : i32
        %dma_start3A_120 = tpu.memref_slice %arg8[%dma_start3A_118, %dma_start3A_119] : memref<82x128xi32, #tpu.memory_space<vmem>> -> memref<40x128xi32, #tpu.memory_space<vmem>>
        %dma_start3A_121 = arith.constant 2460 : i32
        %dma_start3A_122 = arith.constant 0 : i32
        %dma_start3A_123 = tpu.memref_slice %arg4[%run_scoped3A_108, %dma_start3A_121, %dma_start3A_122] : memref<2x2500x128xi32, #tpu.memory_space<hbm>> -> memref<1x40x128xi32, #tpu.memory_space<hbm>>
        %dma_start3A_124 = tpu.memref_squeeze %dma_start3A_123 : memref<1x40x128xi32, #tpu.memory_space<hbm>> -> memref<40x128xi32, #tpu.memory_space<hbm>>
        tpu.enqueue_dma source(%dma_start3A_124 : memref<40x128xi32, #tpu.memory_space<hbm>>) target(%dma_start3A_120 : memref<40x128xi32, #tpu.memory_space<vmem>>) target_semaphore(%run_scoped3A_110 : memref<!tpu.dma_semaphore, #tpu.memory_space<semaphore_mem>>)
        %dma_wait3A_125 = arith.constant 0 : i32
        %dma_wait3A_126 = arith.constant 0 : i32
        %dma_wait3A_127 = tpu.memref_slice %arg8[%dma_wait3A_125, %dma_wait3A_126] : memref<82x128xi32, #tpu.memory_space<vmem>> -> memref<40x128xi32, #tpu.memory_space<vmem>>
        %dma_wait3A_128 = arith.constant 2460 : i32
        %dma_wait3A_129 = arith.constant 0 : i32
        %dma_wait3A_130 = tpu.memref_slice %arg4[%run_scoped3A_108, %dma_wait3A_128, %dma_wait3A_129] : memref<2x2500x128xi32, #tpu.memory_space<hbm>> -> memref<1x40x128xi32, #tpu.memory_space<hbm>>
        %dma_wait3A_131 = tpu.memref_squeeze %dma_wait3A_130 : memref<1x40x128xi32, #tpu.memory_space<hbm>> -> memref<40x128xi32, #tpu.memory_space<hbm>>
        %dma_wait3A_132 = arith.constant 0 : i32
        %dma_wait3A_133 = arith.constant 0 : i32
        %dma_wait3A_134 = tpu.memref_slice %arg8[%dma_wait3A_132, %dma_wait3A_133] : memref<82x128xi32, #tpu.memory_space<vmem>> -> memref<40x128xi32, #tpu.memory_space<vmem>>
        %dma_wait3A_135 = arith.constant 2460 : i32
        %dma_wait3A_136 = arith.constant 0 : i32
        %dma_wait3A_137 = tpu.memref_slice %arg4[%run_scoped3A_108, %dma_wait3A_135, %dma_wait3A_136] : memref<2x2500x128xi32, #tpu.memory_space<hbm>> -> memref<1x40x128xi32, #tpu.memory_space<hbm>>
        %dma_wait3A_138 = tpu.memref_squeeze %dma_wait3A_137 : memref<1x40x128xi32, #tpu.memory_space<hbm>> -> memref<40x128xi32, #tpu.memory_space<hbm>>
        tpu.wait_dma2 semaphore(%run_scoped3A_110 : memref<!tpu.dma_semaphore, #tpu.memory_space<semaphore_mem>>) src(%dma_wait3A_138 : memref<40x128xi32, #tpu.memory_space<hbm>>) dst(%dma_wait3A_134 : memref<40x128xi32, #tpu.memory_space<vmem>>)
        tpu.yield
      }) : () -> ()
      %run_scoped3A_109 = arith.constant 1 : i32
      "tpu.region"() ({
        %run_scoped3A_110 = tpu.sem_alloc : memref<!tpu.dma_semaphore, #tpu.memory_space<semaphore_mem>>
        %dma_start3A_111 = arith.constant 40 : i32
        %dma_start3A_112 = arith.constant 0 : i32
        %dma_start3A_113 = tpu.memref_slice %arg8[%dma_start3A_111, %dma_start3A_112] : memref<82x128xi32, #tpu.memory_space<vmem>> -> memref<42x128xi32, #tpu.memory_space<vmem>>
        %dma_start3A_114 = arith.constant 0 : i32
        %dma_start3A_115 = arith.constant 0 : i32
        %dma_start3A_116 = tpu.memref_slice %arg5[%run_scoped3A_109, %dma_start3A_114, %dma_start3A_115] : memref<2x124x128xi32, #tpu.memory_space<hbm>> -> memref<1x42x128xi32, #tpu.memory_space<hbm>>
        %dma_start3A_117 = tpu.memref_squeeze %dma_start3A_116 : memref<1x42x128xi32, #tpu.memory_space<hbm>> -> memref<42x128xi32, #tpu.memory_space<hbm>>
        %dma_start3A_118 = arith.constant 40 : i32
        %dma_start3A_119 = arith.constant 0 : i32
        %dma_start3A_120 = tpu.memref_slice %arg8[%dma_start3A_118, %dma_start3A_119] : memref<82x128xi32, #tpu.memory_space<vmem>> -> memref<42x128xi32, #tpu.memory_space<vmem>>
        %dma_start3A_121 = arith.constant 0 : i32
        %dma_start3A_122 = arith.constant 0 : i32
        %dma_start3A_123 = tpu.memref_slice %arg5[%run_scoped3A_109, %dma_start3A_121, %dma_start3A_122] : memref<2x124x128xi32, #tpu.memory_space<hbm>> -> memref<1x42x128xi32, #tpu.memory_space<hbm>>
        %dma_start3A_124 = tpu.memref_squeeze %dma_start3A_123 : memref<1x42x128xi32, #tpu.memory_space<hbm>> -> memref<42x128xi32, #tpu.memory_space<hbm>>
        tpu.enqueue_dma source(%dma_start3A_124 : memref<42x128xi32, #tpu.memory_space<hbm>>) target(%dma_start3A_120 : memref<42x128xi32, #tpu.memory_space<vmem>>) target_semaphore(%run_scoped3A_110 : memref<!tpu.dma_semaphore, #tpu.memory_space<semaphore_mem>>)
        %dma_wait3A_125 = arith.constant 40 : i32
        %dma_wait3A_126 = arith.constant 0 : i32
        %dma_wait3A_127 = tpu.memref_slice %arg8[%dma_wait3A_125, %dma_wait3A_126] : memref<82x128xi32, #tpu.memory_space<vmem>> -> memref<42x128xi32, #tpu.memory_space<vmem>>
        %dma_wait3A_128 = arith.constant 0 : i32
        %dma_wait3A_129 = arith.constant 0 : i32
        %dma_wait3A_130 = tpu.memref_slice %arg5[%run_scoped3A_109, %dma_wait3A_128, %dma_wait3A_129] : memref<2x124x128xi32, #tpu.memory_space<hbm>> -> memref<1x42x128xi32, #tpu.memory_space<hbm>>
        %dma_wait3A_131 = tpu.memref_squeeze %dma_wait3A_130 : memref<1x42x128xi32, #tpu.memory_space<hbm>> -> memref<42x128xi32, #tpu.memory_space<hbm>>
        %dma_wait3A_132 = arith.constant 40 : i32
        %dma_wait3A_133 = arith.constant 0 : i32
        %dma_wait3A_134 = tpu.memref_slice %arg8[%dma_wait3A_132, %dma_wait3A_133] : memref<82x128xi32, #tpu.memory_space<vmem>> -> memref<42x128xi32, #tpu.memory_space<vmem>>
        %dma_wait3A_135 = arith.constant 0 : i32
        %dma_wait3A_136 = arith.constant 0 : i32
        %dma_wait3A_137 = tpu.memref_slice %arg5[%run_scoped3A_109, %dma_wait3A_135, %dma_wait3A_136] : memref<2x124x128xi32, #tpu.memory_space<hbm>> -> memref<1x42x128xi32, #tpu.memory_space<hbm>>
        %dma_wait3A_138 = tpu.memref_squeeze %dma_wait3A_137 : memref<1x42x128xi32, #tpu.memory_space<hbm>> -> memref<42x128xi32, #tpu.memory_space<hbm>>
        tpu.wait_dma2 semaphore(%run_scoped3A_110 : memref<!tpu.dma_semaphore, #tpu.memory_space<semaphore_mem>>) src(%dma_wait3A_138 : memref<42x128xi32, #tpu.memory_space<hbm>>) dst(%dma_wait3A_134 : memref<42x128xi32, #tpu.memory_space<vmem>>)
        tpu.yield
      }) : () -> ()
    } else {
    }
    %gt3A_39 = arith.constant 30 : i32
    %gt3A_40 = arith.cmpi sgt, %add3A, %gt3A_39 : i32
    %convert_element_type3A_41 = arith.extui %gt3A_40 : i1 to i32
    %cond3A_42 = arith.constant 0 : i32
    %cond3A_43 = arith.cmpi ne, %convert_element_type3A_41, %cond3A_42 : i32
    scf.if %cond3A_43 {
      %sub3A = arith.constant 30 : i32
      %sub3A_108 = arith.subi %add3A, %sub3A : i32
      %sub3A_109 = arith.constant 1 : i32
      %sub3A_110 = arith.subi %sub3A_108, %sub3A_109 : i32
      %mul3A_111 = arith.constant 82 : i32
      %mul3A_112 = arith.muli %sub3A_110, %mul3A_111 : i32
      %add3A_113 = arith.constant 42 : i32
      %add3A_114 = arith.addi %add3A_113, %mul3A_112 : i32
      %run_scoped3A_115 = arith.constant 1 : i32
      "tpu.region"() ({
        %run_scoped3A_116 = tpu.sem_alloc : memref<!tpu.dma_semaphore, #tpu.memory_space<semaphore_mem>>
        %dma_start3A_117 = arith.constant 0 : i32
        %dma_start3A_118 = tpu.memref_slice %arg5[%run_scoped3A_115, %add3A_114, %dma_start3A_117] : memref<2x124x128xi32, #tpu.memory_space<hbm>> -> memref<1x82x128xi32, #tpu.memory_space<hbm>>
        %dma_start3A_119 = tpu.memref_squeeze %dma_start3A_118 : memref<1x82x128xi32, #tpu.memory_space<hbm>> -> memref<82x128xi32, #tpu.memory_space<hbm>>
        %dma_start3A_120 = arith.constant 0 : i32
        %dma_start3A_121 = tpu.memref_slice %arg5[%run_scoped3A_115, %add3A_114, %dma_start3A_120] : memref<2x124x128xi32, #tpu.memory_space<hbm>> -> memref<1x82x128xi32, #tpu.memory_space<hbm>>
        %dma_start3A_122 = tpu.memref_squeeze %dma_start3A_121 : memref<1x82x128xi32, #tpu.memory_space<hbm>> -> memref<82x128xi32, #tpu.memory_space<hbm>>
        tpu.enqueue_dma source(%dma_start3A_122 : memref<82x128xi32, #tpu.memory_space<hbm>>) target(%arg8 : memref<82x128xi32, #tpu.memory_space<vmem>>) target_semaphore(%run_scoped3A_116 : memref<!tpu.dma_semaphore, #tpu.memory_space<semaphore_mem>>)
        %dma_wait3A_123 = arith.constant 0 : i32
        %dma_wait3A_124 = tpu.memref_slice %arg5[%run_scoped3A_115, %add3A_114, %dma_wait3A_123] : memref<2x124x128xi32, #tpu.memory_space<hbm>> -> memref<1x82x128xi32, #tpu.memory_space<hbm>>
        %dma_wait3A_125 = tpu.memref_squeeze %dma_wait3A_124 : memref<1x82x128xi32, #tpu.memory_space<hbm>> -> memref<82x128xi32, #tpu.memory_space<hbm>>
        %dma_wait3A_126 = arith.constant 0 : i32
        %dma_wait3A_127 = tpu.memref_slice %arg5[%run_scoped3A_115, %add3A_114, %dma_wait3A_126] : memref<2x124x128xi32, #tpu.memory_space<hbm>> -> memref<1x82x128xi32, #tpu.memory_space<hbm>>
        %dma_wait3A_128 = tpu.memref_squeeze %dma_wait3A_127 : memref<1x82x128xi32, #tpu.memory_space<hbm>> -> memref<82x128xi32, #tpu.memory_space<hbm>>
        tpu.wait_dma2 semaphore(%run_scoped3A_116 : memref<!tpu.dma_semaphore, #tpu.memory_space<semaphore_mem>>) src(%dma_wait3A_128 : memref<82x128xi32, #tpu.memory_space<hbm>>) dst(%arg8 : memref<82x128xi32, #tpu.memory_space<vmem>>)
        tpu.yield
      }) : () -> ()
    } else {
    }
    %dma_start3A = arith.constant 0 : i32
    %dma_start3A_44 = arith.constant 0 : i32
    %dma_start3A_45 = arith.constant 0 : i32
    %dma_start3A_46 = arith.constant 0 : i32
    %dma_start3A_47 = arith.constant 0 : i32
    %dma_start3A_48 = tpu.memref_slice %arg9[%dma_start3A_44, %dma_start3A_46, %dma_start3A_47] : memref<2x128x80xf32, #tpu.memory_space<vmem>> -> memref<1x128x80xf32, #tpu.memory_space<vmem>>
    %dma_start3A_49 = tpu.memref_squeeze %dma_start3A_48 : memref<1x128x80xf32, #tpu.memory_space<vmem>> -> memref<128x80xf32, #tpu.memory_space<vmem>>
    %dma_start3A_50 = arith.constant 0 : i32
    %dma_start3A_51 = tpu.memref_slice %arg7[%dma_start3A, %dma_start3A_50] : memref<82x128xi32, #tpu.memory_space<vmem>> -> memref<1x128xi32, #tpu.memory_space<vmem>>
    %dma_start3A_52 = tpu.memref_squeeze %dma_start3A_51 : memref<1x128xi32, #tpu.memory_space<vmem>> -> memref<128xi32, #tpu.memory_space<vmem>>
    %dma_start3A_53 = arith.constant 0 : i32
    %dma_start3A_54 = arith.constant 0 : i32
    %dma_start3A_55 = tpu.memref_slice %arg2[%dma_start3A_53, %dma_start3A_54] : memref<10112x80xf32, #tpu.memory_space<hbm>> -> memref<10112x80xf32, #tpu.memory_space<hbm>>
    %dma_start3A_56 = tpu.memref_slice %arg13[%dma_start3A_45] : memref<2x!tpu.dma_semaphore, #tpu.memory_space<semaphore_mem>> -> memref<1x!tpu.dma_semaphore, #tpu.memory_space<semaphore_mem>>
    %dma_start3A_57 = tpu.memref_squeeze %dma_start3A_56 : memref<1x!tpu.dma_semaphore, #tpu.memory_space<semaphore_mem>> -> memref<!tpu.dma_semaphore, #tpu.memory_space<semaphore_mem>>
    tpu.enqueue_indirect_dma source(%dma_start3A_55 : memref<10112x80xf32, #tpu.memory_space<hbm>>) target(%dma_start3A_49 : memref<128x80xf32, #tpu.memory_space<vmem>>) offsets(%dma_start3A_52 : memref<128xi32, #tpu.memory_space<vmem>>) semaphore(%dma_start3A_57 : memref<!tpu.dma_semaphore, #tpu.memory_space<semaphore_mem>>)
    %dma_start3A_58 = arith.constant 0 : i32
    %dma_start3A_59 = arith.constant 0 : i32
    %dma_start3A_60 = arith.constant 0 : i32
    %dma_start3A_61 = arith.constant 0 : i32
    %dma_start3A_62 = arith.constant 0 : i32
    %dma_start3A_63 = tpu.memref_slice %arg10[%dma_start3A_59, %dma_start3A_61, %dma_start3A_62] : memref<2x128x16xf32, #tpu.memory_space<vmem>> -> memref<1x128x16xf32, #tpu.memory_space<vmem>>
    %dma_start3A_64 = tpu.memref_squeeze %dma_start3A_63 : memref<1x128x16xf32, #tpu.memory_space<vmem>> -> memref<128x16xf32, #tpu.memory_space<vmem>>
    %dma_start3A_65 = arith.constant 0 : i32
    %dma_start3A_66 = tpu.memref_slice %arg8[%dma_start3A_58, %dma_start3A_65] : memref<82x128xi32, #tpu.memory_space<vmem>> -> memref<1x128xi32, #tpu.memory_space<vmem>>
    %dma_start3A_67 = tpu.memref_squeeze %dma_start3A_66 : memref<1x128xi32, #tpu.memory_space<vmem>> -> memref<128xi32, #tpu.memory_space<vmem>>
    %dma_start3A_68 = arith.constant 0 : i32
    %dma_start3A_69 = arith.constant 0 : i32
    %dma_start3A_70 = tpu.memref_slice %arg3[%dma_start3A_68, %dma_start3A_69] : memref<10112x16xf32, #tpu.memory_space<hbm>> -> memref<10112x16xf32, #tpu.memory_space<hbm>>
    %dma_start3A_71 = tpu.memref_slice %arg14[%dma_start3A_60] : memref<2x!tpu.dma_semaphore, #tpu.memory_space<semaphore_mem>> -> memref<1x!tpu.dma_semaphore, #tpu.memory_space<semaphore_mem>>
    %dma_start3A_72 = tpu.memref_squeeze %dma_start3A_71 : memref<1x!tpu.dma_semaphore, #tpu.memory_space<semaphore_mem>> -> memref<!tpu.dma_semaphore, #tpu.memory_space<semaphore_mem>>
    tpu.enqueue_indirect_dma source(%dma_start3A_70 : memref<10112x16xf32, #tpu.memory_space<hbm>>) target(%dma_start3A_64 : memref<128x16xf32, #tpu.memory_space<vmem>>) offsets(%dma_start3A_67 : memref<128xi32, #tpu.memory_space<vmem>>) semaphore(%dma_start3A_72 : memref<!tpu.dma_semaphore, #tpu.memory_space<semaphore_mem>>)
    %barrier3A = arith.constant 0 : index
    tpu.barrier barrier_id(%barrier3A)
    %scan3A = arith.constant 0 : i32
    %scan3A_73 = arith.constant 0 : i32
    %scan3A_74 = arith.constant 41 : i32
    %scan3A_75 = arith.addi %scan3A_73, %scan3A_74 : i32
    %scan3A_76 = arith.constant 1 : i32
    scf.for %scan3A_108 = %scan3A_73 to %scan3A_75 step %scan3A_76  : i32 {
      %mul3A_109 = arith.constant 2 : i32
      %mul3A_110 = arith.muli %mul3A_109, %scan3A_108 : i32
      %add3A_111 = arith.constant 0 : i32
      %add3A_112 = arith.addi %mul3A_110, %add3A_111 : i32
      %add3A_113 = arith.constant 1 : i32
      %add3A_114 = arith.addi %add3A_112, %add3A_113 : i32
      %lt3A_115 = arith.constant 82 : i32
      %lt3A_116 = arith.cmpi slt, %add3A_114, %lt3A_115 : i32
      %convert_element_type3A_117 = arith.extui %lt3A_116 : i1 to i32
      %cond3A_118 = arith.constant 0 : i32
      %cond3A_119 = arith.cmpi ne, %convert_element_type3A_117, %cond3A_118 : i32
      scf.if %cond3A_119 {
        %add3A_230 = arith.constant 1 : i32
        %add3A_231 = arith.addi %add3A_112, %add3A_230 : i32
        %dma_start3A_232 = arith.constant 1 : i32
        %dma_start3A_233 = arith.constant 1 : i32
        %dma_start3A_234 = arith.constant 0 : i32
        %dma_start3A_235 = arith.constant 0 : i32
        %dma_start3A_236 = tpu.memref_slice %arg9[%dma_start3A_232, %dma_start3A_234, %dma_start3A_235] : memref<2x128x80xf32, #tpu.memory_space<vmem>> -> memref<1x128x80xf32, #tpu.memory_space<vmem>>
        %dma_start3A_237 = tpu.memref_squeeze %dma_start3A_236 : memref<1x128x80xf32, #tpu.memory_space<vmem>> -> memref<128x80xf32, #tpu.memory_space<vmem>>
        %dma_start3A_238 = arith.constant 0 : i32
        %dma_start3A_239 = tpu.memref_slice %arg7[%add3A_231, %dma_start3A_238] : memref<82x128xi32, #tpu.memory_space<vmem>> -> memref<1x128xi32, #tpu.memory_space<vmem>>
        %dma_start3A_240 = tpu.memref_squeeze %dma_start3A_239 : memref<1x128xi32, #tpu.memory_space<vmem>> -> memref<128xi32, #tpu.memory_space<vmem>>
        %dma_start3A_241 = arith.constant 0 : i32
        %dma_start3A_242 = arith.constant 0 : i32
        %dma_start3A_243 = tpu.memref_slice %arg2[%dma_start3A_241, %dma_start3A_242] : memref<10112x80xf32, #tpu.memory_space<hbm>> -> memref<10112x80xf32, #tpu.memory_space<hbm>>
        %dma_start3A_244 = tpu.memref_slice %arg13[%dma_start3A_233] : memref<2x!tpu.dma_semaphore, #tpu.memory_space<semaphore_mem>> -> memref<1x!tpu.dma_semaphore, #tpu.memory_space<semaphore_mem>>
        %dma_start3A_245 = tpu.memref_squeeze %dma_start3A_244 : memref<1x!tpu.dma_semaphore, #tpu.memory_space<semaphore_mem>> -> memref<!tpu.dma_semaphore, #tpu.memory_space<semaphore_mem>>
        tpu.enqueue_indirect_dma source(%dma_start3A_243 : memref<10112x80xf32, #tpu.memory_space<hbm>>) target(%dma_start3A_237 : memref<128x80xf32, #tpu.memory_space<vmem>>) offsets(%dma_start3A_240 : memref<128xi32, #tpu.memory_space<vmem>>) semaphore(%dma_start3A_245 : memref<!tpu.dma_semaphore, #tpu.memory_space<semaphore_mem>>)
        %dma_start3A_246 = arith.constant 1 : i32
        %dma_start3A_247 = arith.constant 1 : i32
        %dma_start3A_248 = arith.constant 0 : i32
        %dma_start3A_249 = arith.constant 0 : i32
        %dma_start3A_250 = tpu.memref_slice %arg10[%dma_start3A_246, %dma_start3A_248, %dma_start3A_249] : memref<2x128x16xf32, #tpu.memory_space<vmem>> -> memref<1x128x16xf32, #tpu.memory_space<vmem>>
        %dma_start3A_251 = tpu.memref_squeeze %dma_start3A_250 : memref<1x128x16xf32, #tpu.memory_space<vmem>> -> memref<128x16xf32, #tpu.memory_space<vmem>>
        %dma_start3A_252 = arith.constant 0 : i32
        %dma_start3A_253 = tpu.memref_slice %arg8[%add3A_231, %dma_start3A_252] : memref<82x128xi32, #tpu.memory_space<vmem>> -> memref<1x128xi32, #tpu.memory_space<vmem>>
        %dma_start3A_254 = tpu.memref_squeeze %dma_start3A_253 : memref<1x128xi32, #tpu.memory_space<vmem>> -> memref<128xi32, #tpu.memory_space<vmem>>
        %dma_start3A_255 = arith.constant 0 : i32
        %dma_start3A_256 = arith.constant 0 : i32
        %dma_start3A_257 = tpu.memref_slice %arg3[%dma_start3A_255, %dma_start3A_256] : memref<10112x16xf32, #tpu.memory_space<hbm>> -> memref<10112x16xf32, #tpu.memory_space<hbm>>
        %dma_start3A_258 = tpu.memref_slice %arg14[%dma_start3A_247] : memref<2x!tpu.dma_semaphore, #tpu.memory_space<semaphore_mem>> -> memref<1x!tpu.dma_semaphore, #tpu.memory_space<semaphore_mem>>
        %dma_start3A_259 = tpu.memref_squeeze %dma_start3A_258 : memref<1x!tpu.dma_semaphore, #tpu.memory_space<semaphore_mem>> -> memref<!tpu.dma_semaphore, #tpu.memory_space<semaphore_mem>>
        tpu.enqueue_indirect_dma source(%dma_start3A_257 : memref<10112x16xf32, #tpu.memory_space<hbm>>) target(%dma_start3A_251 : memref<128x16xf32, #tpu.memory_space<vmem>>) offsets(%dma_start3A_254 : memref<128xi32, #tpu.memory_space<vmem>>) semaphore(%dma_start3A_259 : memref<!tpu.dma_semaphore, #tpu.memory_space<semaphore_mem>>)
      } else {
      }
      %dma_wait3A_120 = arith.constant 0 : i32
      %dma_wait3A_121 = arith.constant 0 : i32
      %dma_wait3A_122 = arith.constant 0 : i32
      %dma_wait3A_123 = arith.constant 0 : i32
      %dma_wait3A_124 = tpu.memref_slice %arg9[%dma_wait3A_120, %dma_wait3A_122, %dma_wait3A_123] : memref<2x128x80xf32, #tpu.memory_space<vmem>> -> memref<1x128x80xf32, #tpu.memory_space<vmem>>
      %dma_wait3A_125 = tpu.memref_squeeze %dma_wait3A_124 : memref<1x128x80xf32, #tpu.memory_space<vmem>> -> memref<128x80xf32, #tpu.memory_space<vmem>>
      %dma_wait3A_126 = arith.constant 0 : i32
      %dma_wait3A_127 = tpu.memref_slice %arg7[%add3A_112, %dma_wait3A_126] : memref<82x128xi32, #tpu.memory_space<vmem>> -> memref<1x128xi32, #tpu.memory_space<vmem>>
      %dma_wait3A_128 = tpu.memref_squeeze %dma_wait3A_127 : memref<1x128xi32, #tpu.memory_space<vmem>> -> memref<128xi32, #tpu.memory_space<vmem>>
      %dma_wait3A_129 = arith.constant 0 : i32
      %dma_wait3A_130 = arith.constant 0 : i32
      %dma_wait3A_131 = tpu.memref_slice %arg2[%dma_wait3A_129, %dma_wait3A_130] : memref<10112x80xf32, #tpu.memory_space<hbm>> -> memref<10112x80xf32, #tpu.memory_space<hbm>>
      %dma_wait3A_132 = tpu.memref_slice %arg13[%dma_wait3A_121] : memref<2x!tpu.dma_semaphore, #tpu.memory_space<semaphore_mem>> -> memref<1x!tpu.dma_semaphore, #tpu.memory_space<semaphore_mem>>
      %dma_wait3A_133 = tpu.memref_squeeze %dma_wait3A_132 : memref<1x!tpu.dma_semaphore, #tpu.memory_space<semaphore_mem>> -> memref<!tpu.dma_semaphore, #tpu.memory_space<semaphore_mem>>
      tpu.wait_indirect_dma semaphore(%dma_wait3A_133 : memref<!tpu.dma_semaphore, #tpu.memory_space<semaphore_mem>>) src(%dma_wait3A_131 : memref<10112x80xf32, #tpu.memory_space<hbm>>) dst(%dma_wait3A_125 : memref<128x80xf32, #tpu.memory_space<vmem>>)
      %dma_wait3A_134 = arith.constant 0 : i32
      %dma_wait3A_135 = arith.constant 0 : i32
      %dma_wait3A_136 = arith.constant 0 : i32
      %dma_wait3A_137 = arith.constant 0 : i32
      %dma_wait3A_138 = tpu.memref_slice %arg10[%dma_wait3A_134, %dma_wait3A_136, %dma_wait3A_137] : memref<2x128x16xf32, #tpu.memory_space<vmem>> -> memref<1x128x16xf32, #tpu.memory_space<vmem>>
      %dma_wait3A_139 = tpu.memref_squeeze %dma_wait3A_138 : memref<1x128x16xf32, #tpu.memory_space<vmem>> -> memref<128x16xf32, #tpu.memory_space<vmem>>
      %dma_wait3A_140 = arith.constant 0 : i32
      %dma_wait3A_141 = tpu.memref_slice %arg8[%add3A_112, %dma_wait3A_140] : memref<82x128xi32, #tpu.memory_space<vmem>> -> memref<1x128xi32, #tpu.memory_space<vmem>>
      %dma_wait3A_142 = tpu.memref_squeeze %dma_wait3A_141 : memref<1x128xi32, #tpu.memory_space<vmem>> -> memref<128xi32, #tpu.memory_space<vmem>>
      %dma_wait3A_143 = arith.constant 0 : i32
      %dma_wait3A_144 = arith.constant 0 : i32
      %dma_wait3A_145 = tpu.memref_slice %arg3[%dma_wait3A_143, %dma_wait3A_144] : memref<10112x16xf32, #tpu.memory_space<hbm>> -> memref<10112x16xf32, #tpu.memory_space<hbm>>
      %dma_wait3A_146 = tpu.memref_slice %arg14[%dma_wait3A_135] : memref<2x!tpu.dma_semaphore, #tpu.memory_space<semaphore_mem>> -> memref<1x!tpu.dma_semaphore, #tpu.memory_space<semaphore_mem>>
      %dma_wait3A_147 = tpu.memref_squeeze %dma_wait3A_146 : memref<1x!tpu.dma_semaphore, #tpu.memory_space<semaphore_mem>> -> memref<!tpu.dma_semaphore, #tpu.memory_space<semaphore_mem>>
      tpu.wait_indirect_dma semaphore(%dma_wait3A_147 : memref<!tpu.dma_semaphore, #tpu.memory_space<semaphore_mem>>) src(%dma_wait3A_145 : memref<10112x16xf32, #tpu.memory_space<hbm>>) dst(%dma_wait3A_139 : memref<128x16xf32, #tpu.memory_space<vmem>>)
      %ge3A = arith.constant 2 : i32
      %ge3A_148 = arith.cmpi sge, %add3A_112, %ge3A : i32
      %convert_element_type3A_149 = arith.extui %ge3A_148 : i1 to i32
      %cond3A_150 = arith.constant 0 : i32
      %cond3A_151 = arith.cmpi ne, %convert_element_type3A_149, %cond3A_150 : i32
      scf.if %cond3A_151 {
        %sub3A = arith.constant 2 : i32
        %sub3A_230 = arith.subi %add3A_112, %sub3A : i32
        %dma_wait3A_231 = arith.constant 0 : i32
        %dma_wait3A_232 = arith.constant 0 : i32
        %dma_wait3A_233 = arith.constant 0 : i32
        %dma_wait3A_234 = arith.constant 0 : i32
        %dma_wait3A_235 = tpu.memref_slice %arg11[%dma_wait3A_231, %dma_wait3A_233, %dma_wait3A_234] : memref<2x128x80xf32, #tpu.memory_space<vmem>> -> memref<1x128x80xf32, #tpu.memory_space<vmem>>
        %dma_wait3A_236 = tpu.memref_squeeze %dma_wait3A_235 : memref<1x128x80xf32, #tpu.memory_space<vmem>> -> memref<128x80xf32, #tpu.memory_space<vmem>>
        %dma_wait3A_237 = arith.constant 0 : i32
        %dma_wait3A_238 = tpu.memref_slice %arg8[%sub3A_230, %dma_wait3A_237] : memref<82x128xi32, #tpu.memory_space<vmem>> -> memref<1x128xi32, #tpu.memory_space<vmem>>
        %dma_wait3A_239 = tpu.memref_squeeze %dma_wait3A_238 : memref<1x128xi32, #tpu.memory_space<vmem>> -> memref<128xi32, #tpu.memory_space<vmem>>
        %dma_wait3A_240 = arith.constant 0 : i32
        %dma_wait3A_241 = arith.constant 0 : i32
        %dma_wait3A_242 = tpu.memref_slice %arg12[%dma_wait3A_240, %dma_wait3A_241] : memref<10112x80xf32, #tpu.memory_space<vmem_shared>> -> memref<10112x80xf32, #tpu.memory_space<vmem_shared>>
        %dma_wait3A_243 = tpu.memref_slice %arg15[%dma_wait3A_232] : memref<2x!tpu.dma_semaphore, #tpu.memory_space<semaphore_mem>> -> memref<1x!tpu.dma_semaphore, #tpu.memory_space<semaphore_mem>>
        %dma_wait3A_244 = tpu.memref_squeeze %dma_wait3A_243 : memref<1x!tpu.dma_semaphore, #tpu.memory_space<semaphore_mem>> -> memref<!tpu.dma_semaphore, #tpu.memory_space<semaphore_mem>>
        tpu.wait_indirect_dma semaphore(%dma_wait3A_244 : memref<!tpu.dma_semaphore, #tpu.memory_space<semaphore_mem>>) src(%dma_wait3A_236 : memref<128x80xf32, #tpu.memory_space<vmem>>) dst(%dma_wait3A_242 : memref<10112x80xf32, #tpu.memory_space<vmem_shared>>)
      } else {
      }
      %parallel_loop3A_152 = arith.constant 0 : i32
      %parallel_loop3A_153 = arith.constant 128 : i32
      %parallel_loop3A_154 = arith.constant 1 : i32
      scf.for %parallel_loop3A_230 = %parallel_loop3A_152 to %parallel_loop3A_153 step %parallel_loop3A_154  : i32 {
        %parallel_loop3A_231 = arith.constant 0 : i32
        %parallel_loop3A_232 = arith.index_cast %parallel_loop3A_231 : i32 to index
        %parallel_loop3A_233 = arith.index_cast %parallel_loop3A_230 : i32 to index
        %parallel_loop3A_234 = arith.constant 0 : index
        %parallel_loop3A_235 = tpu.vector_load %arg10[%parallel_loop3A_232, %parallel_loop3A_233, %parallel_loop3A_234] {strides = array<i32>} : memref<2x128x16xf32, #tpu.memory_space<vmem>>, vector<1x1x16xf32>,
        %parallel_loop3A_236 = vector.shape_cast %parallel_loop3A_235 : vector<1x1x16xf32> to vector<16xf32>
        %parallel_loop3A_237 = arith.constant 0 : i32
        %parallel_loop3A_238 = arith.index_cast %parallel_loop3A_237 : i32 to index
        %parallel_loop3A_239 = arith.index_cast %parallel_loop3A_230 : i32 to index
        %parallel_loop3A_240 = arith.constant 64 : index
        %parallel_loop3A_241 = tpu.vector_load %arg9[%parallel_loop3A_238, %parallel_loop3A_239, %parallel_loop3A_240] {strides = array<i32>} : memref<2x128x80xf32, #tpu.memory_space<vmem>>, vector<1x1x16xf32>,
        %parallel_loop3A_242 = vector.shape_cast %parallel_loop3A_241 : vector<1x1x16xf32> to vector<16xf32>
        %parallel_loop3A_243 = arith.addf %parallel_loop3A_242, %parallel_loop3A_236 : vector<16xf32>
        %parallel_loop3A_244 = arith.constant 0.000000e+00 : f32
        %parallel_loop3A_245 = vector.broadcast %parallel_loop3A_244 : f32 to vector<16xf32>
        %parallel_loop3A_246 = arith.cmpf oge, %parallel_loop3A_243, %parallel_loop3A_245 : vector<16xf32>
        %parallel_loop3A_247 = arith.constant 2.000000e-01 : f32
        %parallel_loop3A_248 = vector.broadcast %parallel_loop3A_247 : f32 to vector<16xf32>
        %parallel_loop3A_249 = arith.mulf %parallel_loop3A_248, %parallel_loop3A_243 : vector<16xf32>
        %parallel_loop3A_250 = arith.select %parallel_loop3A_246, %parallel_loop3A_243, %parallel_loop3A_249 : vector<16xi1>, vector<16xf32>
        %parallel_loop3A_251 = math.exp %parallel_loop3A_250 : vector<16xf32>
        %parallel_loop3A_252 = arith.constant 0 : i32
        %parallel_loop3A_253 = arith.index_cast %parallel_loop3A_252 : i32 to index
        %parallel_loop3A_254 = arith.index_cast %parallel_loop3A_230 : i32 to index
        %parallel_loop3A_255 = arith.constant 0 : index
        %parallel_loop3A_256 = tpu.vector_load %arg9[%parallel_loop3A_253, %parallel_loop3A_254, %parallel_loop3A_255] {strides = array<i32>} : memref<2x128x80xf32, #tpu.memory_space<vmem>>, vector<1x1x16xf32>,
        %parallel_loop3A_257 = vector.shape_cast %parallel_loop3A_256 : vector<1x1x16xf32> to vector<16xf32>
        %parallel_loop3A_258 = arith.mulf %parallel_loop3A_257, %parallel_loop3A_251 : vector<16xf32>
        %parallel_loop3A_259 = arith.constant 0 : i32
        %parallel_loop3A_260 = arith.index_cast %parallel_loop3A_259 : i32 to index
        %parallel_loop3A_261 = arith.index_cast %parallel_loop3A_230 : i32 to index
        %parallel_loop3A_262 = arith.constant 0 : index
        %parallel_loop3A_263 = tpu.vector_load %arg11[%parallel_loop3A_260, %parallel_loop3A_261, %parallel_loop3A_262] {strides = array<i32>} : memref<2x128x80xf32, #tpu.memory_space<vmem>>, vector<1x1x16xf32>,
        %parallel_loop3A_264 = vector.shape_cast %parallel_loop3A_263 : vector<1x1x16xf32> to vector<16xf32>
        %parallel_loop3A_265 = vector.shape_cast %parallel_loop3A_258 : vector<16xf32> to vector<1x1x16xf32>
        tpu.vector_store %arg11[%parallel_loop3A_260, %parallel_loop3A_261, %parallel_loop3A_262], %parallel_loop3A_265 {strides = array<i32>} : memref<2x128x80xf32, #tpu.memory_space<vmem>>, vector<1x1x16xf32>,
        %parallel_loop3A_266 = arith.constant 0 : i32
        %parallel_loop3A_267 = arith.index_cast %parallel_loop3A_266 : i32 to index
        %parallel_loop3A_268 = arith.index_cast %parallel_loop3A_230 : i32 to index
        %parallel_loop3A_269 = arith.constant 16 : index
        %parallel_loop3A_270 = tpu.vector_load %arg9[%parallel_loop3A_267, %parallel_loop3A_268, %parallel_loop3A_269] {strides = array<i32>} : memref<2x128x80xf32, #tpu.memory_space<vmem>>, vector<1x1x16xf32>,
        %parallel_loop3A_271 = vector.shape_cast %parallel_loop3A_270 : vector<1x1x16xf32> to vector<16xf32>
        %parallel_loop3A_272 = arith.mulf %parallel_loop3A_271, %parallel_loop3A_251 : vector<16xf32>
        %parallel_loop3A_273 = arith.constant 0 : i32
        %parallel_loop3A_274 = arith.index_cast %parallel_loop3A_273 : i32 to index
        %parallel_loop3A_275 = arith.index_cast %parallel_loop3A_230 : i32 to index
        %parallel_loop3A_276 = arith.constant 16 : index
        %parallel_loop3A_277 = tpu.vector_load %arg11[%parallel_loop3A_274, %parallel_loop3A_275, %parallel_loop3A_276] {strides = array<i32>} : memref<2x128x80xf32, #tpu.memory_space<vmem>>, vector<1x1x16xf32>,
        %parallel_loop3A_278 = vector.shape_cast %parallel_loop3A_277 : vector<1x1x16xf32> to vector<16xf32>
        %parallel_loop3A_279 = vector.shape_cast %parallel_loop3A_272 : vector<16xf32> to vector<1x1x16xf32>
        tpu.vector_store %arg11[%parallel_loop3A_274, %parallel_loop3A_275, %parallel_loop3A_276], %parallel_loop3A_279 {strides = array<i32>} : memref<2x128x80xf32, #tpu.memory_space<vmem>>, vector<1x1x16xf32>,
        %parallel_loop3A_280 = arith.constant 0 : i32
        %parallel_loop3A_281 = arith.index_cast %parallel_loop3A_280 : i32 to index
        %parallel_loop3A_282 = arith.index_cast %parallel_loop3A_230 : i32 to index
        %parallel_loop3A_283 = arith.constant 32 : index
        %parallel_loop3A_284 = tpu.vector_load %arg9[%parallel_loop3A_281, %parallel_loop3A_282, %parallel_loop3A_283] {strides = array<i32>} : memref<2x128x80xf32, #tpu.memory_space<vmem>>, vector<1x1x16xf32>,
        %parallel_loop3A_285 = vector.shape_cast %parallel_loop3A_284 : vector<1x1x16xf32> to vector<16xf32>
        %parallel_loop3A_286 = arith.mulf %parallel_loop3A_285, %parallel_loop3A_251 : vector<16xf32>
        %parallel_loop3A_287 = arith.constant 0 : i32
        %parallel_loop3A_288 = arith.index_cast %parallel_loop3A_287 : i32 to index
        %parallel_loop3A_289 = arith.index_cast %parallel_loop3A_230 : i32 to index
        %parallel_loop3A_290 = arith.constant 32 : index
        %parallel_loop3A_291 = tpu.vector_load %arg11[%parallel_loop3A_288, %parallel_loop3A_289, %parallel_loop3A_290] {strides = array<i32>} : memref<2x128x80xf32, #tpu.memory_space<vmem>>, vector<1x1x16xf32>,
        %parallel_loop3A_292 = vector.shape_cast %parallel_loop3A_291 : vector<1x1x16xf32> to vector<16xf32>
        %parallel_loop3A_293 = vector.shape_cast %parallel_loop3A_286 : vector<16xf32> to vector<1x1x16xf32>
        tpu.vector_store %arg11[%parallel_loop3A_288, %parallel_loop3A_289, %parallel_loop3A_290], %parallel_loop3A_293 {strides = array<i32>} : memref<2x128x80xf32, #tpu.memory_space<vmem>>, vector<1x1x16xf32>,
        %parallel_loop3A_294 = arith.constant 0 : i32
        %parallel_loop3A_295 = arith.index_cast %parallel_loop3A_294 : i32 to index
        %parallel_loop3A_296 = arith.index_cast %parallel_loop3A_230 : i32 to index
        %parallel_loop3A_297 = arith.constant 48 : index
        %parallel_loop3A_298 = tpu.vector_load %arg9[%parallel_loop3A_295, %parallel_loop3A_296, %parallel_loop3A_297] {strides = array<i32>} : memref<2x128x80xf32, #tpu.memory_space<vmem>>, vector<1x1x16xf32>,
        %parallel_loop3A_299 = vector.shape_cast %parallel_loop3A_298 : vector<1x1x16xf32> to vector<16xf32>
        %parallel_loop3A_300 = arith.mulf %parallel_loop3A_299, %parallel_loop3A_251 : vector<16xf32>
        %parallel_loop3A_301 = arith.constant 0 : i32
        %parallel_loop3A_302 = arith.index_cast %parallel_loop3A_301 : i32 to index
        %parallel_loop3A_303 = arith.index_cast %parallel_loop3A_230 : i32 to index
        %parallel_loop3A_304 = arith.constant 48 : index
        %parallel_loop3A_305 = tpu.vector_load %arg11[%parallel_loop3A_302, %parallel_loop3A_303, %parallel_loop3A_304] {strides = array<i32>} : memref<2x128x80xf32, #tpu.memory_space<vmem>>, vector<1x1x16xf32>,
        %parallel_loop3A_306 = vector.shape_cast %parallel_loop3A_305 : vector<1x1x16xf32> to vector<16xf32>
        %parallel_loop3A_307 = vector.shape_cast %parallel_loop3A_300 : vector<16xf32> to vector<1x1x16xf32>
        tpu.vector_store %arg11[%parallel_loop3A_302, %parallel_loop3A_303, %parallel_loop3A_304], %parallel_loop3A_307 {strides = array<i32>} : memref<2x128x80xf32, #tpu.memory_space<vmem>>, vector<1x1x16xf32>,
        %parallel_loop3A_308 = arith.constant 0 : i32
        %parallel_loop3A_309 = arith.index_cast %parallel_loop3A_308 : i32 to index
        %parallel_loop3A_310 = arith.index_cast %parallel_loop3A_230 : i32 to index
        %parallel_loop3A_311 = arith.constant 64 : index
        %parallel_loop3A_312 = tpu.vector_load %arg11[%parallel_loop3A_309, %parallel_loop3A_310, %parallel_loop3A_311] {strides = array<i32>} : memref<2x128x80xf32, #tpu.memory_space<vmem>>, vector<1x1x16xf32>,
        %parallel_loop3A_313 = vector.shape_cast %parallel_loop3A_312 : vector<1x1x16xf32> to vector<16xf32>
        %parallel_loop3A_314 = vector.shape_cast %parallel_loop3A_251 : vector<16xf32> to vector<1x1x16xf32>
        tpu.vector_store %arg11[%parallel_loop3A_309, %parallel_loop3A_310, %parallel_loop3A_311], %parallel_loop3A_314 {strides = array<i32>} : memref<2x128x80xf32, #tpu.memory_space<vmem>>, vector<1x1x16xf32>,
      } {sc.loop_unroll_factor = 8 : i64, sc.parallel_access}
      %dma_start3A_155 = arith.constant 0 : i32
      %dma_start3A_156 = arith.constant 0 : i32
      %dma_start3A_157 = arith.constant 0 : i32
      %dma_start3A_158 = arith.constant 0 : i32
      %dma_start3A_159 = tpu.memref_slice %arg11[%dma_start3A_155, %dma_start3A_157, %dma_start3A_158] : memref<2x128x80xf32, #tpu.memory_space<vmem>> -> memref<1x128x80xf32, #tpu.memory_space<vmem>>
      %dma_start3A_160 = tpu.memref_squeeze %dma_start3A_159 : memref<1x128x80xf32, #tpu.memory_space<vmem>> -> memref<128x80xf32, #tpu.memory_space<vmem>>
      %dma_start3A_161 = arith.constant 0 : i32
      %dma_start3A_162 = tpu.memref_slice %arg8[%add3A_112, %dma_start3A_161] : memref<82x128xi32, #tpu.memory_space<vmem>> -> memref<1x128xi32, #tpu.memory_space<vmem>>
      %dma_start3A_163 = tpu.memref_squeeze %dma_start3A_162 : memref<1x128xi32, #tpu.memory_space<vmem>> -> memref<128xi32, #tpu.memory_space<vmem>>
      %dma_start3A_164 = arith.constant 0 : i32
      %dma_start3A_165 = arith.constant 0 : i32
      %dma_start3A_166 = tpu.memref_slice %arg12[%dma_start3A_164, %dma_start3A_165] : memref<10112x80xf32, #tpu.memory_space<vmem_shared>> -> memref<10112x80xf32, #tpu.memory_space<vmem_shared>>
      %dma_start3A_167 = tpu.memref_slice %arg15[%dma_start3A_156] : memref<2x!tpu.dma_semaphore, #tpu.memory_space<semaphore_mem>> -> memref<1x!tpu.dma_semaphore, #tpu.memory_space<semaphore_mem>>
      %dma_start3A_168 = tpu.memref_squeeze %dma_start3A_167 : memref<1x!tpu.dma_semaphore, #tpu.memory_space<semaphore_mem>> -> memref<!tpu.dma_semaphore, #tpu.memory_space<semaphore_mem>>
      tpu.enqueue_indirect_dma source(%dma_start3A_160 : memref<128x80xf32, #tpu.memory_space<vmem>>) target(%dma_start3A_166 : memref<10112x80xf32, #tpu.memory_space<vmem_shared>>) offsets(%dma_start3A_163 : memref<128xi32, #tpu.memory_space<vmem>>) semaphore(%dma_start3A_168 : memref<!tpu.dma_semaphore, #tpu.memory_space<semaphore_mem>>) {add = true}
      %mul3A_169 = arith.constant 2 : i32
      %mul3A_170 = arith.muli %mul3A_169, %scan3A_108 : i32
      %add3A_171 = arith.constant 1 : i32
      %add3A_172 = arith.addi %mul3A_170, %add3A_171 : i32
      %add3A_173 = arith.constant 1 : i32
      %add3A_174 = arith.addi %add3A_172, %add3A_173 : i32
      %lt3A_175 = arith.constant 82 : i32
      %lt3A_176 = arith.cmpi slt, %add3A_174, %lt3A_175 : i32
      %convert_element_type3A_177 = arith.extui %lt3A_176 : i1 to i32
      %cond3A_178 = arith.constant 0 : i32
      %cond3A_179 = arith.cmpi ne, %convert_element_type3A_177, %cond3A_178 : i32
      scf.if %cond3A_179 {
        %add3A_230 = arith.constant 1 : i32
        %add3A_231 = arith.addi %add3A_172, %add3A_230 : i32
        %dma_start3A_232 = arith.constant 0 : i32
        %dma_start3A_233 = arith.constant 0 : i32
        %dma_start3A_234 = arith.constant 0 : i32
        %dma_start3A_235 = arith.constant 0 : i32
        %dma_start3A_236 = tpu.memref_slice %arg9[%dma_start3A_232, %dma_start3A_234, %dma_start3A_235] : memref<2x128x80xf32, #tpu.memory_space<vmem>> -> memref<1x128x80xf32, #tpu.memory_space<vmem>>
        %dma_start3A_237 = tpu.memref_squeeze %dma_start3A_236 : memref<1x128x80xf32, #tpu.memory_space<vmem>> -> memref<128x80xf32, #tpu.memory_space<vmem>>
        %dma_start3A_238 = arith.constant 0 : i32
        %dma_start3A_239 = tpu.memref_slice %arg7[%add3A_231, %dma_start3A_238] : memref<82x128xi32, #tpu.memory_space<vmem>> -> memref<1x128xi32, #tpu.memory_space<vmem>>
        %dma_start3A_240 = tpu.memref_squeeze %dma_start3A_239 : memref<1x128xi32, #tpu.memory_space<vmem>> -> memref<128xi32, #tpu.memory_space<vmem>>
        %dma_start3A_241 = arith.constant 0 : i32
        %dma_start3A_242 = arith.constant 0 : i32
        %dma_start3A_243 = tpu.memref_slice %arg2[%dma_start3A_241, %dma_start3A_242] : memref<10112x80xf32, #tpu.memory_space<hbm>> -> memref<10112x80xf32, #tpu.memory_space<hbm>>
        %dma_start3A_244 = tpu.memref_slice %arg13[%dma_start3A_233] : memref<2x!tpu.dma_semaphore, #tpu.memory_space<semaphore_mem>> -> memref<1x!tpu.dma_semaphore, #tpu.memory_space<semaphore_mem>>
        %dma_start3A_245 = tpu.memref_squeeze %dma_start3A_244 : memref<1x!tpu.dma_semaphore, #tpu.memory_space<semaphore_mem>> -> memref<!tpu.dma_semaphore, #tpu.memory_space<semaphore_mem>>
        tpu.enqueue_indirect_dma source(%dma_start3A_243 : memref<10112x80xf32, #tpu.memory_space<hbm>>) target(%dma_start3A_237 : memref<128x80xf32, #tpu.memory_space<vmem>>) offsets(%dma_start3A_240 : memref<128xi32, #tpu.memory_space<vmem>>) semaphore(%dma_start3A_245 : memref<!tpu.dma_semaphore, #tpu.memory_space<semaphore_mem>>)
        %dma_start3A_246 = arith.constant 0 : i32
        %dma_start3A_247 = arith.constant 0 : i32
        %dma_start3A_248 = arith.constant 0 : i32
        %dma_start3A_249 = arith.constant 0 : i32
        %dma_start3A_250 = tpu.memref_slice %arg10[%dma_start3A_246, %dma_start3A_248, %dma_start3A_249] : memref<2x128x16xf32, #tpu.memory_space<vmem>> -> memref<1x128x16xf32, #tpu.memory_space<vmem>>
        %dma_start3A_251 = tpu.memref_squeeze %dma_start3A_250 : memref<1x128x16xf32, #tpu.memory_space<vmem>> -> memref<128x16xf32, #tpu.memory_space<vmem>>
        %dma_start3A_252 = arith.constant 0 : i32
        %dma_start3A_253 = tpu.memref_slice %arg8[%add3A_231, %dma_start3A_252] : memref<82x128xi32, #tpu.memory_space<vmem>> -> memref<1x128xi32, #tpu.memory_space<vmem>>
        %dma_start3A_254 = tpu.memref_squeeze %dma_start3A_253 : memref<1x128xi32, #tpu.memory_space<vmem>> -> memref<128xi32, #tpu.memory_space<vmem>>
        %dma_start3A_255 = arith.constant 0 : i32
        %dma_start3A_256 = arith.constant 0 : i32
        %dma_start3A_257 = tpu.memref_slice %arg3[%dma_start3A_255, %dma_start3A_256] : memref<10112x16xf32, #tpu.memory_space<hbm>> -> memref<10112x16xf32, #tpu.memory_space<hbm>>
        %dma_start3A_258 = tpu.memref_slice %arg14[%dma_start3A_247] : memref<2x!tpu.dma_semaphore, #tpu.memory_space<semaphore_mem>> -> memref<1x!tpu.dma_semaphore, #tpu.memory_space<semaphore_mem>>
        %dma_start3A_259 = tpu.memref_squeeze %dma_start3A_258 : memref<1x!tpu.dma_semaphore, #tpu.memory_space<semaphore_mem>> -> memref<!tpu.dma_semaphore, #tpu.memory_space<semaphore_mem>>
        tpu.enqueue_indirect_dma source(%dma_start3A_257 : memref<10112x16xf32, #tpu.memory_space<hbm>>) target(%dma_start3A_251 : memref<128x16xf32, #tpu.memory_space<vmem>>) offsets(%dma_start3A_254 : memref<128xi32, #tpu.memory_space<vmem>>) semaphore(%dma_start3A_259 : memref<!tpu.dma_semaphore, #tpu.memory_space<semaphore_mem>>)
      } else {
      }
      %dma_wait3A_180 = arith.constant 1 : i32
      %dma_wait3A_181 = arith.constant 1 : i32
      %dma_wait3A_182 = arith.constant 0 : i32
      %dma_wait3A_183 = arith.constant 0 : i32
      %dma_wait3A_184 = tpu.memref_slice %arg9[%dma_wait3A_180, %dma_wait3A_182, %dma_wait3A_183] : memref<2x128x80xf32, #tpu.memory_space<vmem>> -> memref<1x128x80xf32, #tpu.memory_space<vmem>>
      %dma_wait3A_185 = tpu.memref_squeeze %dma_wait3A_184 : memref<1x128x80xf32, #tpu.memory_space<vmem>> -> memref<128x80xf32, #tpu.memory_space<vmem>>
      %dma_wait3A_186 = arith.constant 0 : i32
      %dma_wait3A_187 = tpu.memref_slice %arg7[%add3A_172, %dma_wait3A_186] : memref<82x128xi32, #tpu.memory_space<vmem>> -> memref<1x128xi32, #tpu.memory_space<vmem>>
      %dma_wait3A_188 = tpu.memref_squeeze %dma_wait3A_187 : memref<1x128xi32, #tpu.memory_space<vmem>> -> memref<128xi32, #tpu.memory_space<vmem>>
      %dma_wait3A_189 = arith.constant 0 : i32
      %dma_wait3A_190 = arith.constant 0 : i32
      %dma_wait3A_191 = tpu.memref_slice %arg2[%dma_wait3A_189, %dma_wait3A_190] : memref<10112x80xf32, #tpu.memory_space<hbm>> -> memref<10112x80xf32, #tpu.memory_space<hbm>>
      %dma_wait3A_192 = tpu.memref_slice %arg13[%dma_wait3A_181] : memref<2x!tpu.dma_semaphore, #tpu.memory_space<semaphore_mem>> -> memref<1x!tpu.dma_semaphore, #tpu.memory_space<semaphore_mem>>
      %dma_wait3A_193 = tpu.memref_squeeze %dma_wait3A_192 : memref<1x!tpu.dma_semaphore, #tpu.memory_space<semaphore_mem>> -> memref<!tpu.dma_semaphore, #tpu.memory_space<semaphore_mem>>
      tpu.wait_indirect_dma semaphore(%dma_wait3A_193 : memref<!tpu.dma_semaphore, #tpu.memory_space<semaphore_mem>>) src(%dma_wait3A_191 : memref<10112x80xf32, #tpu.memory_space<hbm>>) dst(%dma_wait3A_185 : memref<128x80xf32, #tpu.memory_space<vmem>>)
      %dma_wait3A_194 = arith.constant 1 : i32
      %dma_wait3A_195 = arith.constant 1 : i32
      %dma_wait3A_196 = arith.constant 0 : i32
      %dma_wait3A_197 = arith.constant 0 : i32
      %dma_wait3A_198 = tpu.memref_slice %arg10[%dma_wait3A_194, %dma_wait3A_196, %dma_wait3A_197] : memref<2x128x16xf32, #tpu.memory_space<vmem>> -> memref<1x128x16xf32, #tpu.memory_space<vmem>>
      %dma_wait3A_199 = tpu.memref_squeeze %dma_wait3A_198 : memref<1x128x16xf32, #tpu.memory_space<vmem>> -> memref<128x16xf32, #tpu.memory_space<vmem>>
      %dma_wait3A_200 = arith.constant 0 : i32
      %dma_wait3A_201 = tpu.memref_slice %arg8[%add3A_172, %dma_wait3A_200] : memref<82x128xi32, #tpu.memory_space<vmem>> -> memref<1x128xi32, #tpu.memory_space<vmem>>
      %dma_wait3A_202 = tpu.memref_squeeze %dma_wait3A_201 : memref<1x128xi32, #tpu.memory_space<vmem>> -> memref<128xi32, #tpu.memory_space<vmem>>
      %dma_wait3A_203 = arith.constant 0 : i32
      %dma_wait3A_204 = arith.constant 0 : i32
      %dma_wait3A_205 = tpu.memref_slice %arg3[%dma_wait3A_203, %dma_wait3A_204] : memref<10112x16xf32, #tpu.memory_space<hbm>> -> memref<10112x16xf32, #tpu.memory_space<hbm>>
      %dma_wait3A_206 = tpu.memref_slice %arg14[%dma_wait3A_195] : memref<2x!tpu.dma_semaphore, #tpu.memory_space<semaphore_mem>> -> memref<1x!tpu.dma_semaphore, #tpu.memory_space<semaphore_mem>>
      %dma_wait3A_207 = tpu.memref_squeeze %dma_wait3A_206 : memref<1x!tpu.dma_semaphore, #tpu.memory_space<semaphore_mem>> -> memref<!tpu.dma_semaphore, #tpu.memory_space<semaphore_mem>>
      tpu.wait_indirect_dma semaphore(%dma_wait3A_207 : memref<!tpu.dma_semaphore, #tpu.memory_space<semaphore_mem>>) src(%dma_wait3A_205 : memref<10112x16xf32, #tpu.memory_space<hbm>>) dst(%dma_wait3A_199 : memref<128x16xf32, #tpu.memory_space<vmem>>)
      %ge3A_208 = arith.constant 2 : i32
      %ge3A_209 = arith.cmpi sge, %add3A_172, %ge3A_208 : i32
      %convert_element_type3A_210 = arith.extui %ge3A_209 : i1 to i32
      %cond3A_211 = arith.constant 0 : i32
      %cond3A_212 = arith.cmpi ne, %convert_element_type3A_210, %cond3A_211 : i32
      scf.if %cond3A_212 {
        %sub3A = arith.constant 2 : i32
        %sub3A_230 = arith.subi %add3A_172, %sub3A : i32
        %dma_wait3A_231 = arith.constant 1 : i32
        %dma_wait3A_232 = arith.constant 1 : i32
        %dma_wait3A_233 = arith.constant 0 : i32
        %dma_wait3A_234 = arith.constant 0 : i32
        %dma_wait3A_235 = tpu.memref_slice %arg11[%dma_wait3A_231, %dma_wait3A_233, %dma_wait3A_234] : memref<2x128x80xf32, #tpu.memory_space<vmem>> -> memref<1x128x80xf32, #tpu.memory_space<vmem>>
        %dma_wait3A_236 = tpu.memref_squeeze %dma_wait3A_235 : memref<1x128x80xf32, #tpu.memory_space<vmem>> -> memref<128x80xf32, #tpu.memory_space<vmem>>
        %dma_wait3A_237 = arith.constant 0 : i32
        %dma_wait3A_238 = tpu.memref_slice %arg8[%sub3A_230, %dma_wait3A_237] : memref<82x128xi32, #tpu.memory_space<vmem>> -> memref<1x128xi32, #tpu.memory_space<vmem>>
        %dma_wait3A_239 = tpu.memref_squeeze %dma_wait3A_238 : memref<1x128xi32, #tpu.memory_space<vmem>> -> memref<128xi32, #tpu.memory_space<vmem>>
        %dma_wait3A_240 = arith.constant 0 : i32
        %dma_wait3A_241 = arith.constant 0 : i32
        %dma_wait3A_242 = tpu.memref_slice %arg12[%dma_wait3A_240, %dma_wait3A_241] : memref<10112x80xf32, #tpu.memory_space<vmem_shared>> -> memref<10112x80xf32, #tpu.memory_space<vmem_shared>>
        %dma_wait3A_243 = tpu.memref_slice %arg15[%dma_wait3A_232] : memref<2x!tpu.dma_semaphore, #tpu.memory_space<semaphore_mem>> -> memref<1x!tpu.dma_semaphore, #tpu.memory_space<semaphore_mem>>
        %dma_wait3A_244 = tpu.memref_squeeze %dma_wait3A_243 : memref<1x!tpu.dma_semaphore, #tpu.memory_space<semaphore_mem>> -> memref<!tpu.dma_semaphore, #tpu.memory_space<semaphore_mem>>
        tpu.wait_indirect_dma semaphore(%dma_wait3A_244 : memref<!tpu.dma_semaphore, #tpu.memory_space<semaphore_mem>>) src(%dma_wait3A_236 : memref<128x80xf32, #tpu.memory_space<vmem>>) dst(%dma_wait3A_242 : memref<10112x80xf32, #tpu.memory_space<vmem_shared>>)
      } else {
      }
      %parallel_loop3A_213 = arith.constant 0 : i32
      %parallel_loop3A_214 = arith.constant 128 : i32
      %parallel_loop3A_215 = arith.constant 1 : i32
      scf.for %parallel_loop3A_230 = %parallel_loop3A_213 to %parallel_loop3A_214 step %parallel_loop3A_215  : i32 {
        %parallel_loop3A_231 = arith.constant 1 : i32
        %parallel_loop3A_232 = arith.index_cast %parallel_loop3A_231 : i32 to index
        %parallel_loop3A_233 = arith.index_cast %parallel_loop3A_230 : i32 to index
        %parallel_loop3A_234 = arith.constant 0 : index
        %parallel_loop3A_235 = tpu.vector_load %arg10[%parallel_loop3A_232, %parallel_loop3A_233, %parallel_loop3A_234] {strides = array<i32>} : memref<2x128x16xf32, #tpu.memory_space<vmem>>, vector<1x1x16xf32>,
        %parallel_loop3A_236 = vector.shape_cast %parallel_loop3A_235 : vector<1x1x16xf32> to vector<16xf32>
        %parallel_loop3A_237 = arith.constant 1 : i32
        %parallel_loop3A_238 = arith.index_cast %parallel_loop3A_237 : i32 to index
        %parallel_loop3A_239 = arith.index_cast %parallel_loop3A_230 : i32 to index
        %parallel_loop3A_240 = arith.constant 64 : index
        %parallel_loop3A_241 = tpu.vector_load %arg9[%parallel_loop3A_238, %parallel_loop3A_239, %parallel_loop3A_240] {strides = array<i32>} : memref<2x128x80xf32, #tpu.memory_space<vmem>>, vector<1x1x16xf32>,
        %parallel_loop3A_242 = vector.shape_cast %parallel_loop3A_241 : vector<1x1x16xf32> to vector<16xf32>
        %parallel_loop3A_243 = arith.addf %parallel_loop3A_242, %parallel_loop3A_236 : vector<16xf32>
        %parallel_loop3A_244 = arith.constant 0.000000e+00 : f32
        %parallel_loop3A_245 = vector.broadcast %parallel_loop3A_244 : f32 to vector<16xf32>
        %parallel_loop3A_246 = arith.cmpf oge, %parallel_loop3A_243, %parallel_loop3A_245 : vector<16xf32>
        %parallel_loop3A_247 = arith.constant 2.000000e-01 : f32
        %parallel_loop3A_248 = vector.broadcast %parallel_loop3A_247 : f32 to vector<16xf32>
        %parallel_loop3A_249 = arith.mulf %parallel_loop3A_248, %parallel_loop3A_243 : vector<16xf32>
        %parallel_loop3A_250 = arith.select %parallel_loop3A_246, %parallel_loop3A_243, %parallel_loop3A_249 : vector<16xi1>, vector<16xf32>
        %parallel_loop3A_251 = math.exp %parallel_loop3A_250 : vector<16xf32>
        %parallel_loop3A_252 = arith.constant 1 : i32
        %parallel_loop3A_253 = arith.index_cast %parallel_loop3A_252 : i32 to index
        %parallel_loop3A_254 = arith.index_cast %parallel_loop3A_230 : i32 to index
        %parallel_loop3A_255 = arith.constant 0 : index
        %parallel_loop3A_256 = tpu.vector_load %arg9[%parallel_loop3A_253, %parallel_loop3A_254, %parallel_loop3A_255] {strides = array<i32>} : memref<2x128x80xf32, #tpu.memory_space<vmem>>, vector<1x1x16xf32>,
        %parallel_loop3A_257 = vector.shape_cast %parallel_loop3A_256 : vector<1x1x16xf32> to vector<16xf32>
        %parallel_loop3A_258 = arith.mulf %parallel_loop3A_257, %parallel_loop3A_251 : vector<16xf32>
        %parallel_loop3A_259 = arith.constant 1 : i32
        %parallel_loop3A_260 = arith.index_cast %parallel_loop3A_259 : i32 to index
        %parallel_loop3A_261 = arith.index_cast %parallel_loop3A_230 : i32 to index
        %parallel_loop3A_262 = arith.constant 0 : index
        %parallel_loop3A_263 = tpu.vector_load %arg11[%parallel_loop3A_260, %parallel_loop3A_261, %parallel_loop3A_262] {strides = array<i32>} : memref<2x128x80xf32, #tpu.memory_space<vmem>>, vector<1x1x16xf32>,
        %parallel_loop3A_264 = vector.shape_cast %parallel_loop3A_263 : vector<1x1x16xf32> to vector<16xf32>
        %parallel_loop3A_265 = vector.shape_cast %parallel_loop3A_258 : vector<16xf32> to vector<1x1x16xf32>
        tpu.vector_store %arg11[%parallel_loop3A_260, %parallel_loop3A_261, %parallel_loop3A_262], %parallel_loop3A_265 {strides = array<i32>} : memref<2x128x80xf32, #tpu.memory_space<vmem>>, vector<1x1x16xf32>,
        %parallel_loop3A_266 = arith.constant 1 : i32
        %parallel_loop3A_267 = arith.index_cast %parallel_loop3A_266 : i32 to index
        %parallel_loop3A_268 = arith.index_cast %parallel_loop3A_230 : i32 to index
        %parallel_loop3A_269 = arith.constant 16 : index
        %parallel_loop3A_270 = tpu.vector_load %arg9[%parallel_loop3A_267, %parallel_loop3A_268, %parallel_loop3A_269] {strides = array<i32>} : memref<2x128x80xf32, #tpu.memory_space<vmem>>, vector<1x1x16xf32>,
        %parallel_loop3A_271 = vector.shape_cast %parallel_loop3A_270 : vector<1x1x16xf32> to vector<16xf32>
        %parallel_loop3A_272 = arith.mulf %parallel_loop3A_271, %parallel_loop3A_251 : vector<16xf32>
        %parallel_loop3A_273 = arith.constant 1 : i32
        %parallel_loop3A_274 = arith.index_cast %parallel_loop3A_273 : i32 to index
        %parallel_loop3A_275 = arith.index_cast %parallel_loop3A_230 : i32 to index
        %parallel_loop3A_276 = arith.constant 16 : index
        %parallel_loop3A_277 = tpu.vector_load %arg11[%parallel_loop3A_274, %parallel_loop3A_275, %parallel_loop3A_276] {strides = array<i32>} : memref<2x128x80xf32, #tpu.memory_space<vmem>>, vector<1x1x16xf32>,
        %parallel_loop3A_278 = vector.shape_cast %parallel_loop3A_277 : vector<1x1x16xf32> to vector<16xf32>
        %parallel_loop3A_279 = vector.shape_cast %parallel_loop3A_272 : vector<16xf32> to vector<1x1x16xf32>
        tpu.vector_store %arg11[%parallel_loop3A_274, %parallel_loop3A_275, %parallel_loop3A_276], %parallel_loop3A_279 {strides = array<i32>} : memref<2x128x80xf32, #tpu.memory_space<vmem>>, vector<1x1x16xf32>,
        %parallel_loop3A_280 = arith.constant 1 : i32
        %parallel_loop3A_281 = arith.index_cast %parallel_loop3A_280 : i32 to index
        %parallel_loop3A_282 = arith.index_cast %parallel_loop3A_230 : i32 to index
        %parallel_loop3A_283 = arith.constant 32 : index
        %parallel_loop3A_284 = tpu.vector_load %arg9[%parallel_loop3A_281, %parallel_loop3A_282, %parallel_loop3A_283] {strides = array<i32>} : memref<2x128x80xf32, #tpu.memory_space<vmem>>, vector<1x1x16xf32>,
        %parallel_loop3A_285 = vector.shape_cast %parallel_loop3A_284 : vector<1x1x16xf32> to vector<16xf32>
        %parallel_loop3A_286 = arith.mulf %parallel_loop3A_285, %parallel_loop3A_251 : vector<16xf32>
        %parallel_loop3A_287 = arith.constant 1 : i32
        %parallel_loop3A_288 = arith.index_cast %parallel_loop3A_287 : i32 to index
        %parallel_loop3A_289 = arith.index_cast %parallel_loop3A_230 : i32 to index
        %parallel_loop3A_290 = arith.constant 32 : index
        %parallel_loop3A_291 = tpu.vector_load %arg11[%parallel_loop3A_288, %parallel_loop3A_289, %parallel_loop3A_290] {strides = array<i32>} : memref<2x128x80xf32, #tpu.memory_space<vmem>>, vector<1x1x16xf32>,
        %parallel_loop3A_292 = vector.shape_cast %parallel_loop3A_291 : vector<1x1x16xf32> to vector<16xf32>
        %parallel_loop3A_293 = vector.shape_cast %parallel_loop3A_286 : vector<16xf32> to vector<1x1x16xf32>
        tpu.vector_store %arg11[%parallel_loop3A_288, %parallel_loop3A_289, %parallel_loop3A_290], %parallel_loop3A_293 {strides = array<i32>} : memref<2x128x80xf32, #tpu.memory_space<vmem>>, vector<1x1x16xf32>,
        %parallel_loop3A_294 = arith.constant 1 : i32
        %parallel_loop3A_295 = arith.index_cast %parallel_loop3A_294 : i32 to index
        %parallel_loop3A_296 = arith.index_cast %parallel_loop3A_230 : i32 to index
        %parallel_loop3A_297 = arith.constant 48 : index
        %parallel_loop3A_298 = tpu.vector_load %arg9[%parallel_loop3A_295, %parallel_loop3A_296, %parallel_loop3A_297] {strides = array<i32>} : memref<2x128x80xf32, #tpu.memory_space<vmem>>, vector<1x1x16xf32>,
        %parallel_loop3A_299 = vector.shape_cast %parallel_loop3A_298 : vector<1x1x16xf32> to vector<16xf32>
        %parallel_loop3A_300 = arith.mulf %parallel_loop3A_299, %parallel_loop3A_251 : vector<16xf32>
        %parallel_loop3A_301 = arith.constant 1 : i32
        %parallel_loop3A_302 = arith.index_cast %parallel_loop3A_301 : i32 to index
        %parallel_loop3A_303 = arith.index_cast %parallel_loop3A_230 : i32 to index
        %parallel_loop3A_304 = arith.constant 48 : index
        %parallel_loop3A_305 = tpu.vector_load %arg11[%parallel_loop3A_302, %parallel_loop3A_303, %parallel_loop3A_304] {strides = array<i32>} : memref<2x128x80xf32, #tpu.memory_space<vmem>>, vector<1x1x16xf32>,
        %parallel_loop3A_306 = vector.shape_cast %parallel_loop3A_305 : vector<1x1x16xf32> to vector<16xf32>
        %parallel_loop3A_307 = vector.shape_cast %parallel_loop3A_300 : vector<16xf32> to vector<1x1x16xf32>
        tpu.vector_store %arg11[%parallel_loop3A_302, %parallel_loop3A_303, %parallel_loop3A_304], %parallel_loop3A_307 {strides = array<i32>} : memref<2x128x80xf32, #tpu.memory_space<vmem>>, vector<1x1x16xf32>,
        %parallel_loop3A_308 = arith.constant 1 : i32
        %parallel_loop3A_309 = arith.index_cast %parallel_loop3A_308 : i32 to index
        %parallel_loop3A_310 = arith.index_cast %parallel_loop3A_230 : i32 to index
        %parallel_loop3A_311 = arith.constant 64 : index
        %parallel_loop3A_312 = tpu.vector_load %arg11[%parallel_loop3A_309, %parallel_loop3A_310, %parallel_loop3A_311] {strides = array<i32>} : memref<2x128x80xf32, #tpu.memory_space<vmem>>, vector<1x1x16xf32>,
        %parallel_loop3A_313 = vector.shape_cast %parallel_loop3A_312 : vector<1x1x16xf32> to vector<16xf32>
        %parallel_loop3A_314 = vector.shape_cast %parallel_loop3A_251 : vector<16xf32> to vector<1x1x16xf32>
        tpu.vector_store %arg11[%parallel_loop3A_309, %parallel_loop3A_310, %parallel_loop3A_311], %parallel_loop3A_314 {strides = array<i32>} : memref<2x128x80xf32, #tpu.memory_space<vmem>>, vector<1x1x16xf32>,
      } {sc.loop_unroll_factor = 8 : i64, sc.parallel_access}
      %dma_start3A_216 = arith.constant 1 : i32
      %dma_start3A_217 = arith.constant 1 : i32
      %dma_start3A_218 = arith.constant 0 : i32
      %dma_start3A_219 = arith.constant 0 : i32
      %dma_start3A_220 = tpu.memref_slice %arg11[%dma_start3A_216, %dma_start3A_218, %dma_start3A_219] : memref<2x128x80xf32, #tpu.memory_space<vmem>> -> memref<1x128x80xf32, #tpu.memory_space<vmem>>
      %dma_start3A_221 = tpu.memref_squeeze %dma_start3A_220 : memref<1x128x80xf32, #tpu.memory_space<vmem>> -> memref<128x80xf32, #tpu.memory_space<vmem>>
      %dma_start3A_222 = arith.constant 0 : i32
      %dma_start3A_223 = tpu.memref_slice %arg8[%add3A_172, %dma_start3A_222] : memref<82x128xi32, #tpu.memory_space<vmem>> -> memref<1x128xi32, #tpu.memory_space<vmem>>
      %dma_start3A_224 = tpu.memref_squeeze %dma_start3A_223 : memref<1x128xi32, #tpu.memory_space<vmem>> -> memref<128xi32, #tpu.memory_space<vmem>>
      %dma_start3A_225 = arith.constant 0 : i32
      %dma_start3A_226 = arith.constant 0 : i32
      %dma_start3A_227 = tpu.memref_slice %arg12[%dma_start3A_225, %dma_start3A_226] : memref<10112x80xf32, #tpu.memory_space<vmem_shared>> -> memref<10112x80xf32, #tpu.memory_space<vmem_shared>>
      %dma_start3A_228 = tpu.memref_slice %arg15[%dma_start3A_217] : memref<2x!tpu.dma_semaphore, #tpu.memory_space<semaphore_mem>> -> memref<1x!tpu.dma_semaphore, #tpu.memory_space<semaphore_mem>>
      %dma_start3A_229 = tpu.memref_squeeze %dma_start3A_228 : memref<1x!tpu.dma_semaphore, #tpu.memory_space<semaphore_mem>> -> memref<!tpu.dma_semaphore, #tpu.memory_space<semaphore_mem>>
      tpu.enqueue_indirect_dma source(%dma_start3A_221 : memref<128x80xf32, #tpu.memory_space<vmem>>) target(%dma_start3A_227 : memref<10112x80xf32, #tpu.memory_space<vmem_shared>>) offsets(%dma_start3A_224 : memref<128xi32, #tpu.memory_space<vmem>>) semaphore(%dma_start3A_229 : memref<!tpu.dma_semaphore, #tpu.memory_space<semaphore_mem>>) {add = true}
    }
    %scan3A_77 = arith.constant 41 : i32
    %dma_wait3A = arith.constant 0 : i32
    %dma_wait3A_78 = arith.constant 80 : i32
    %dma_wait3A_79 = arith.constant 0 : i32
    %dma_wait3A_80 = arith.constant 0 : i32
    %dma_wait3A_81 = arith.constant 0 : i32
    %dma_wait3A_82 = tpu.memref_slice %arg11[%dma_wait3A, %dma_wait3A_80, %dma_wait3A_81] : memref<2x128x80xf32, #tpu.memory_space<vmem>> -> memref<1x128x80xf32, #tpu.memory_space<vmem>>
    %dma_wait3A_83 = tpu.memref_squeeze %dma_wait3A_82 : memref<1x128x80xf32, #tpu.memory_space<vmem>> -> memref<128x80xf32, #tpu.memory_space<vmem>>
    %dma_wait3A_84 = arith.constant 0 : i32
    %dma_wait3A_85 = tpu.memref_slice %arg8[%dma_wait3A_78, %dma_wait3A_84] : memref<82x128xi32, #tpu.memory_space<vmem>> -> memref<1x128xi32, #tpu.memory_space<vmem>>
    %dma_wait3A_86 = tpu.memref_squeeze %dma_wait3A_85 : memref<1x128xi32, #tpu.memory_space<vmem>> -> memref<128xi32, #tpu.memory_space<vmem>>
    %dma_wait3A_87 = arith.constant 0 : i32
    %dma_wait3A_88 = arith.constant 0 : i32
    %dma_wait3A_89 = tpu.memref_slice %arg12[%dma_wait3A_87, %dma_wait3A_88] : memref<10112x80xf32, #tpu.memory_space<vmem_shared>> -> memref<10112x80xf32, #tpu.memory_space<vmem_shared>>
    %dma_wait3A_90 = tpu.memref_slice %arg15[%dma_wait3A_79] : memref<2x!tpu.dma_semaphore, #tpu.memory_space<semaphore_mem>> -> memref<1x!tpu.dma_semaphore, #tpu.memory_space<semaphore_mem>>
    %dma_wait3A_91 = tpu.memref_squeeze %dma_wait3A_90 : memref<1x!tpu.dma_semaphore, #tpu.memory_space<semaphore_mem>> -> memref<!tpu.dma_semaphore, #tpu.memory_space<semaphore_mem>>
    tpu.wait_indirect_dma semaphore(%dma_wait3A_91 : memref<!tpu.dma_semaphore, #tpu.memory_space<semaphore_mem>>) src(%dma_wait3A_83 : memref<128x80xf32, #tpu.memory_space<vmem>>) dst(%dma_wait3A_89 : memref<10112x80xf32, #tpu.memory_space<vmem_shared>>)
    %dma_wait3A_92 = arith.constant 1 : i32
    %dma_wait3A_93 = arith.constant 81 : i32
    %dma_wait3A_94 = arith.constant 1 : i32
    %dma_wait3A_95 = arith.constant 0 : i32
    %dma_wait3A_96 = arith.constant 0 : i32
    %dma_wait3A_97 = tpu.memref_slice %arg11[%dma_wait3A_92, %dma_wait3A_95, %dma_wait3A_96] : memref<2x128x80xf32, #tpu.memory_space<vmem>> -> memref<1x128x80xf32, #tpu.memory_space<vmem>>
    %dma_wait3A_98 = tpu.memref_squeeze %dma_wait3A_97 : memref<1x128x80xf32, #tpu.memory_space<vmem>> -> memref<128x80xf32, #tpu.memory_space<vmem>>
    %dma_wait3A_99 = arith.constant 0 : i32
    %dma_wait3A_100 = tpu.memref_slice %arg8[%dma_wait3A_93, %dma_wait3A_99] : memref<82x128xi32, #tpu.memory_space<vmem>> -> memref<1x128xi32, #tpu.memory_space<vmem>>
    %dma_wait3A_101 = tpu.memref_squeeze %dma_wait3A_100 : memref<1x128xi32, #tpu.memory_space<vmem>> -> memref<128xi32, #tpu.memory_space<vmem>>
    %dma_wait3A_102 = arith.constant 0 : i32
    %dma_wait3A_103 = arith.constant 0 : i32
    %dma_wait3A_104 = tpu.memref_slice %arg12[%dma_wait3A_102, %dma_wait3A_103] : memref<10112x80xf32, #tpu.memory_space<vmem_shared>> -> memref<10112x80xf32, #tpu.memory_space<vmem_shared>>
    %dma_wait3A_105 = tpu.memref_slice %arg15[%dma_wait3A_94] : memref<2x!tpu.dma_semaphore, #tpu.memory_space<semaphore_mem>> -> memref<1x!tpu.dma_semaphore, #tpu.memory_space<semaphore_mem>>
    %dma_wait3A_106 = tpu.memref_squeeze %dma_wait3A_105 : memref<1x!tpu.dma_semaphore, #tpu.memory_space<semaphore_mem>> -> memref<!tpu.dma_semaphore, #tpu.memory_space<semaphore_mem>>
    tpu.wait_indirect_dma semaphore(%dma_wait3A_106 : memref<!tpu.dma_semaphore, #tpu.memory_space<semaphore_mem>>) src(%dma_wait3A_98 : memref<128x80xf32, #tpu.memory_space<vmem>>) dst(%dma_wait3A_104 : memref<10112x80xf32, #tpu.memory_space<vmem_shared>>)
    %barrier3A_107 = arith.constant 0 : index
    tpu.barrier barrier_id(%barrier3A_107)
    "tpu.region"() ({
      %run_scoped3A_108 = tpu.sem_alloc : memref<!tpu.dma_semaphore, #tpu.memory_space<semaphore_mem>>
      %dma_start3A_109 = arith.constant 0 : i32
      %dma_start3A_110 = tpu.memref_slice %arg6[%arg0, %multiple_of3A, %dma_start3A_109] : memref<2x10112x80xf32, #tpu.memory_space<hbm>> -> memref<1x632x80xf32, #tpu.memory_space<hbm>>
      %dma_start3A_111 = tpu.memref_squeeze %dma_start3A_110 : memref<1x632x80xf32, #tpu.memory_space<hbm>> -> memref<632x80xf32, #tpu.memory_space<hbm>>
      %dma_start3A_112 = arith.constant 0 : i32
      %dma_start3A_113 = tpu.memref_slice %arg12[%multiple_of3A, %dma_start3A_112] : memref<10112x80xf32, #tpu.memory_space<vmem_shared>> -> memref<632x80xf32, #tpu.memory_space<vmem_shared>>
      tpu.enqueue_dma source(%dma_start3A_113 : memref<632x80xf32, #tpu.memory_space<vmem_shared>>) target(%dma_start3A_111 : memref<632x80xf32, #tpu.memory_space<hbm>>) target_semaphore(%run_scoped3A_108 : memref<!tpu.dma_semaphore, #tpu.memory_space<semaphore_mem>>)
      %dma_wait3A_114 = arith.constant 0 : i32
      %dma_wait3A_115 = tpu.memref_slice %arg6[%arg0, %multiple_of3A, %dma_wait3A_114] : memref<2x10112x80xf32, #tpu.memory_space<hbm>> -> memref<1x632x80xf32, #tpu.memory_space<hbm>>
      %dma_wait3A_116 = tpu.memref_squeeze %dma_wait3A_115 : memref<1x632x80xf32, #tpu.memory_space<hbm>> -> memref<632x80xf32, #tpu.memory_space<hbm>>
      %dma_wait3A_117 = arith.constant 0 : i32
      %dma_wait3A_118 = tpu.memref_slice %arg12[%multiple_of3A, %dma_wait3A_117] : memref<10112x80xf32, #tpu.memory_space<vmem_shared>> -> memref<632x80xf32, #tpu.memory_space<vmem_shared>>
      tpu.wait_dma2 semaphore(%run_scoped3A_108 : memref<!tpu.dma_semaphore, #tpu.memory_space<semaphore_mem>>) src(%dma_wait3A_118 : memref<632x80xf32, #tpu.memory_space<vmem_shared>>) dst(%dma_wait3A_116 : memref<632x80xf32, #tpu.memory_space<hbm>>)
      tpu.yield
    }) : () -> ()
    return
  }
}

#map = affine_map<(d0, d1) -> (0, 0)>
#map1 = affine_map<(d0, d1) -> (0, 0, 0)>
module attributes {stable_mosaic.version = 14 : i64} {
  func.func @edge_pass(%arg0: i32, %arg1: i32, %arg2: memref<10112x32xf32, #tpu.memory_space<hbm>>, %arg3: memref<10112x16xf32, #tpu.memory_space<hbm>>, %arg4: memref<2x2500x128xi32, #tpu.memory_space<hbm>>, %arg5: memref<2x124x128xi32, #tpu.memory_space<hbm>>, %arg6: memref<2x10112x32xf32, #tpu.memory_space<hbm>>, %arg7: memref<82x128xi32, #tpu.memory_space<vmem>>, %arg8: memref<82x128xi32, #tpu.memory_space<vmem>>, %arg9: memref<2x128x32xf32, #tpu.memory_space<vmem>>, %arg10: memref<2x128x16xf32, #tpu.memory_space<vmem>>, %arg11: memref<2x128x32xf32, #tpu.memory_space<vmem>>, %arg12: memref<10112x32xf32, #tpu.memory_space<vmem_shared>>, %arg13: memref<2x!tpu.dma_semaphore, #tpu.memory_space<semaphore_mem>>, %arg14: memref<2x!tpu.dma_semaphore, #tpu.memory_space<semaphore_mem>>, %arg15: memref<2x!tpu.dma_semaphore, #tpu.memory_space<semaphore_mem>>) attributes {dimension_semantics = [#tpu.dimension_semantics<core_parallel>, #tpu.dimension_semantics<subcore_parallel>], iteration_bounds = array<i64: 2, 16>, scalar_prefetch = 0 : i64, scratch_operands = 9 : i64, tpu.core_type = #tpu.core_type<sc_vector_subcore>, window_params = [{transform_indices = #map}, {transform_indices = #map}, {transform_indices = #map1}, {transform_indices = #map1}, {transform_indices = #map1}]} {
    %mul3A = arith.constant 16 : i32
    %mul3A_0 = arith.muli %arg0, %mul3A : i32
    %add3A = arith.addi %mul3A_0, %arg1 : i32
    %mul3A_1 = arith.constant 632 : i32
    %mul3A_2 = arith.muli %arg1, %mul3A_1 : i32
    %multiple_of3A = tpu.assume_multiple %mul3A_2, 8 : i32
    %parallel_loop3A = arith.constant 0 : i32
    %parallel_loop3A_3 = arith.constant 128 : i32
    %parallel_loop3A_4 = arith.constant 1 : i32
    scf.for %parallel_loop3A_108 = %parallel_loop3A to %parallel_loop3A_3 step %parallel_loop3A_4  : i32 {
      %parallel_loop3A_109 = arith.constant 0.000000e+00 : f32
      %parallel_loop3A_110 = vector.broadcast %parallel_loop3A_109 : f32 to vector<16xf32>
      %parallel_loop3A_111 = arith.constant 0 : i32
      %parallel_loop3A_112 = arith.index_cast %parallel_loop3A_111 : i32 to index
      %parallel_loop3A_113 = arith.index_cast %parallel_loop3A_108 : i32 to index
      %parallel_loop3A_114 = arith.constant 0 : index
      %parallel_loop3A_115 = tpu.vector_load %arg11[%parallel_loop3A_112, %parallel_loop3A_113, %parallel_loop3A_114] {strides = array<i32>} : memref<2x128x32xf32, #tpu.memory_space<vmem>>, vector<1x1x16xf32>,
      %parallel_loop3A_116 = vector.shape_cast %parallel_loop3A_115 : vector<1x1x16xf32> to vector<16xf32>
      %parallel_loop3A_117 = vector.shape_cast %parallel_loop3A_110 : vector<16xf32> to vector<1x1x16xf32>
      tpu.vector_store %arg11[%parallel_loop3A_112, %parallel_loop3A_113, %parallel_loop3A_114], %parallel_loop3A_117 {strides = array<i32>} : memref<2x128x32xf32, #tpu.memory_space<vmem>>, vector<1x1x16xf32>,
      %parallel_loop3A_118 = arith.constant 0.000000e+00 : f32
      %parallel_loop3A_119 = vector.broadcast %parallel_loop3A_118 : f32 to vector<16xf32>
      %parallel_loop3A_120 = arith.constant 0 : i32
      %parallel_loop3A_121 = arith.index_cast %parallel_loop3A_120 : i32 to index
      %parallel_loop3A_122 = arith.index_cast %parallel_loop3A_108 : i32 to index
      %parallel_loop3A_123 = arith.constant 16 : index
      %parallel_loop3A_124 = tpu.vector_load %arg11[%parallel_loop3A_121, %parallel_loop3A_122, %parallel_loop3A_123] {strides = array<i32>} : memref<2x128x32xf32, #tpu.memory_space<vmem>>, vector<1x1x16xf32>,
      %parallel_loop3A_125 = vector.shape_cast %parallel_loop3A_124 : vector<1x1x16xf32> to vector<16xf32>
      %parallel_loop3A_126 = vector.shape_cast %parallel_loop3A_119 : vector<16xf32> to vector<1x1x16xf32>
      tpu.vector_store %arg11[%parallel_loop3A_121, %parallel_loop3A_122, %parallel_loop3A_123], %parallel_loop3A_126 {strides = array<i32>} : memref<2x128x32xf32, #tpu.memory_space<vmem>>, vector<1x1x16xf32>,
    } {sc.loop_unroll_factor = 8 : i64, sc.parallel_access}
    %add3A_5 = arith.constant 0 : i32
    %add3A_6 = arith.addi %multiple_of3A, %add3A_5 : i32
    %run_scoped3A = arith.constant 0 : i32
    "tpu.region"() ({
      %run_scoped3A_108 = tpu.sem_alloc : memref<!tpu.dma_semaphore, #tpu.memory_space<semaphore_mem>>
      %dma_start3A_109 = arith.constant 0 : i32
      %dma_start3A_110 = arith.constant 0 : i32
      %dma_start3A_111 = tpu.memref_slice %arg11[%run_scoped3A, %dma_start3A_109, %dma_start3A_110] : memref<2x128x32xf32, #tpu.memory_space<vmem>> -> memref<1x128x32xf32, #tpu.memory_space<vmem>>
      %dma_start3A_112 = tpu.memref_squeeze %dma_start3A_111 : memref<1x128x32xf32, #tpu.memory_space<vmem>> -> memref<128x32xf32, #tpu.memory_space<vmem>>
      %dma_start3A_113 = arith.constant 0 : i32
      %dma_start3A_114 = tpu.memref_slice %arg12[%add3A_6, %dma_start3A_113] : memref<10112x32xf32, #tpu.memory_space<vmem_shared>> -> memref<128x32xf32, #tpu.memory_space<vmem_shared>>
      %dma_start3A_115 = arith.constant 0 : i32
      %dma_start3A_116 = tpu.memref_slice %arg12[%add3A_6, %dma_start3A_115] : memref<10112x32xf32, #tpu.memory_space<vmem_shared>> -> memref<128x32xf32, #tpu.memory_space<vmem_shared>>
      %dma_start3A_117 = arith.constant 0 : i32
      %dma_start3A_118 = arith.constant 0 : i32
      %dma_start3A_119 = tpu.memref_slice %arg11[%run_scoped3A, %dma_start3A_117, %dma_start3A_118] : memref<2x128x32xf32, #tpu.memory_space<vmem>> -> memref<1x128x32xf32, #tpu.memory_space<vmem>>
      %dma_start3A_120 = tpu.memref_squeeze %dma_start3A_119 : memref<1x128x32xf32, #tpu.memory_space<vmem>> -> memref<128x32xf32, #tpu.memory_space<vmem>>
      tpu.enqueue_dma source(%dma_start3A_120 : memref<128x32xf32, #tpu.memory_space<vmem>>) target(%dma_start3A_116 : memref<128x32xf32, #tpu.memory_space<vmem_shared>>) target_semaphore(%run_scoped3A_108 : memref<!tpu.dma_semaphore, #tpu.memory_space<semaphore_mem>>)
      %dma_wait3A_121 = arith.constant 0 : i32
      %dma_wait3A_122 = arith.constant 0 : i32
      %dma_wait3A_123 = tpu.memref_slice %arg11[%run_scoped3A, %dma_wait3A_121, %dma_wait3A_122] : memref<2x128x32xf32, #tpu.memory_space<vmem>> -> memref<1x128x32xf32, #tpu.memory_space<vmem>>
      %dma_wait3A_124 = tpu.memref_squeeze %dma_wait3A_123 : memref<1x128x32xf32, #tpu.memory_space<vmem>> -> memref<128x32xf32, #tpu.memory_space<vmem>>
      %dma_wait3A_125 = arith.constant 0 : i32
      %dma_wait3A_126 = tpu.memref_slice %arg12[%add3A_6, %dma_wait3A_125] : memref<10112x32xf32, #tpu.memory_space<vmem_shared>> -> memref<128x32xf32, #tpu.memory_space<vmem_shared>>
      %dma_wait3A_127 = arith.constant 0 : i32
      %dma_wait3A_128 = tpu.memref_slice %arg12[%add3A_6, %dma_wait3A_127] : memref<10112x32xf32, #tpu.memory_space<vmem_shared>> -> memref<128x32xf32, #tpu.memory_space<vmem_shared>>
      %dma_wait3A_129 = arith.constant 0 : i32
      %dma_wait3A_130 = arith.constant 0 : i32
      %dma_wait3A_131 = tpu.memref_slice %arg11[%run_scoped3A, %dma_wait3A_129, %dma_wait3A_130] : memref<2x128x32xf32, #tpu.memory_space<vmem>> -> memref<1x128x32xf32, #tpu.memory_space<vmem>>
      %dma_wait3A_132 = tpu.memref_squeeze %dma_wait3A_131 : memref<1x128x32xf32, #tpu.memory_space<vmem>> -> memref<128x32xf32, #tpu.memory_space<vmem>>
      tpu.wait_dma2 semaphore(%run_scoped3A_108 : memref<!tpu.dma_semaphore, #tpu.memory_space<semaphore_mem>>) src(%dma_wait3A_132 : memref<128x32xf32, #tpu.memory_space<vmem>>) dst(%dma_wait3A_128 : memref<128x32xf32, #tpu.memory_space<vmem_shared>>)
      tpu.yield
    }) : () -> ()
    %add3A_7 = arith.constant 128 : i32
    %add3A_8 = arith.addi %multiple_of3A, %add3A_7 : i32
    %run_scoped3A_9 = arith.constant 0 : i32
    "tpu.region"() ({
      %run_scoped3A_108 = tpu.sem_alloc : memref<!tpu.dma_semaphore, #tpu.memory_space<semaphore_mem>>
      %dma_start3A_109 = arith.constant 0 : i32
      %dma_start3A_110 = arith.constant 0 : i32
      %dma_start3A_111 = tpu.memref_slice %arg11[%run_scoped3A_9, %dma_start3A_109, %dma_start3A_110] : memref<2x128x32xf32, #tpu.memory_space<vmem>> -> memref<1x128x32xf32, #tpu.memory_space<vmem>>
      %dma_start3A_112 = tpu.memref_squeeze %dma_start3A_111 : memref<1x128x32xf32, #tpu.memory_space<vmem>> -> memref<128x32xf32, #tpu.memory_space<vmem>>
      %dma_start3A_113 = arith.constant 0 : i32
      %dma_start3A_114 = tpu.memref_slice %arg12[%add3A_8, %dma_start3A_113] : memref<10112x32xf32, #tpu.memory_space<vmem_shared>> -> memref<128x32xf32, #tpu.memory_space<vmem_shared>>
      %dma_start3A_115 = arith.constant 0 : i32
      %dma_start3A_116 = tpu.memref_slice %arg12[%add3A_8, %dma_start3A_115] : memref<10112x32xf32, #tpu.memory_space<vmem_shared>> -> memref<128x32xf32, #tpu.memory_space<vmem_shared>>
      %dma_start3A_117 = arith.constant 0 : i32
      %dma_start3A_118 = arith.constant 0 : i32
      %dma_start3A_119 = tpu.memref_slice %arg11[%run_scoped3A_9, %dma_start3A_117, %dma_start3A_118] : memref<2x128x32xf32, #tpu.memory_space<vmem>> -> memref<1x128x32xf32, #tpu.memory_space<vmem>>
      %dma_start3A_120 = tpu.memref_squeeze %dma_start3A_119 : memref<1x128x32xf32, #tpu.memory_space<vmem>> -> memref<128x32xf32, #tpu.memory_space<vmem>>
      tpu.enqueue_dma source(%dma_start3A_120 : memref<128x32xf32, #tpu.memory_space<vmem>>) target(%dma_start3A_116 : memref<128x32xf32, #tpu.memory_space<vmem_shared>>) target_semaphore(%run_scoped3A_108 : memref<!tpu.dma_semaphore, #tpu.memory_space<semaphore_mem>>)
      %dma_wait3A_121 = arith.constant 0 : i32
      %dma_wait3A_122 = arith.constant 0 : i32
      %dma_wait3A_123 = tpu.memref_slice %arg11[%run_scoped3A_9, %dma_wait3A_121, %dma_wait3A_122] : memref<2x128x32xf32, #tpu.memory_space<vmem>> -> memref<1x128x32xf32, #tpu.memory_space<vmem>>
      %dma_wait3A_124 = tpu.memref_squeeze %dma_wait3A_123 : memref<1x128x32xf32, #tpu.memory_space<vmem>> -> memref<128x32xf32, #tpu.memory_space<vmem>>
      %dma_wait3A_125 = arith.constant 0 : i32
      %dma_wait3A_126 = tpu.memref_slice %arg12[%add3A_8, %dma_wait3A_125] : memref<10112x32xf32, #tpu.memory_space<vmem_shared>> -> memref<128x32xf32, #tpu.memory_space<vmem_shared>>
      %dma_wait3A_127 = arith.constant 0 : i32
      %dma_wait3A_128 = tpu.memref_slice %arg12[%add3A_8, %dma_wait3A_127] : memref<10112x32xf32, #tpu.memory_space<vmem_shared>> -> memref<128x32xf32, #tpu.memory_space<vmem_shared>>
      %dma_wait3A_129 = arith.constant 0 : i32
      %dma_wait3A_130 = arith.constant 0 : i32
      %dma_wait3A_131 = tpu.memref_slice %arg11[%run_scoped3A_9, %dma_wait3A_129, %dma_wait3A_130] : memref<2x128x32xf32, #tpu.memory_space<vmem>> -> memref<1x128x32xf32, #tpu.memory_space<vmem>>
      %dma_wait3A_132 = tpu.memref_squeeze %dma_wait3A_131 : memref<1x128x32xf32, #tpu.memory_space<vmem>> -> memref<128x32xf32, #tpu.memory_space<vmem>>
      tpu.wait_dma2 semaphore(%run_scoped3A_108 : memref<!tpu.dma_semaphore, #tpu.memory_space<semaphore_mem>>) src(%dma_wait3A_132 : memref<128x32xf32, #tpu.memory_space<vmem>>) dst(%dma_wait3A_128 : memref<128x32xf32, #tpu.memory_space<vmem_shared>>)
      tpu.yield
    }) : () -> ()
    %add3A_10 = arith.constant 256 : i32
    %add3A_11 = arith.addi %multiple_of3A, %add3A_10 : i32
    %run_scoped3A_12 = arith.constant 0 : i32
    "tpu.region"() ({
      %run_scoped3A_108 = tpu.sem_alloc : memref<!tpu.dma_semaphore, #tpu.memory_space<semaphore_mem>>
      %dma_start3A_109 = arith.constant 0 : i32
      %dma_start3A_110 = arith.constant 0 : i32
      %dma_start3A_111 = tpu.memref_slice %arg11[%run_scoped3A_12, %dma_start3A_109, %dma_start3A_110] : memref<2x128x32xf32, #tpu.memory_space<vmem>> -> memref<1x128x32xf32, #tpu.memory_space<vmem>>
      %dma_start3A_112 = tpu.memref_squeeze %dma_start3A_111 : memref<1x128x32xf32, #tpu.memory_space<vmem>> -> memref<128x32xf32, #tpu.memory_space<vmem>>
      %dma_start3A_113 = arith.constant 0 : i32
      %dma_start3A_114 = tpu.memref_slice %arg12[%add3A_11, %dma_start3A_113] : memref<10112x32xf32, #tpu.memory_space<vmem_shared>> -> memref<128x32xf32, #tpu.memory_space<vmem_shared>>
      %dma_start3A_115 = arith.constant 0 : i32
      %dma_start3A_116 = tpu.memref_slice %arg12[%add3A_11, %dma_start3A_115] : memref<10112x32xf32, #tpu.memory_space<vmem_shared>> -> memref<128x32xf32, #tpu.memory_space<vmem_shared>>
      %dma_start3A_117 = arith.constant 0 : i32
      %dma_start3A_118 = arith.constant 0 : i32
      %dma_start3A_119 = tpu.memref_slice %arg11[%run_scoped3A_12, %dma_start3A_117, %dma_start3A_118] : memref<2x128x32xf32, #tpu.memory_space<vmem>> -> memref<1x128x32xf32, #tpu.memory_space<vmem>>
      %dma_start3A_120 = tpu.memref_squeeze %dma_start3A_119 : memref<1x128x32xf32, #tpu.memory_space<vmem>> -> memref<128x32xf32, #tpu.memory_space<vmem>>
      tpu.enqueue_dma source(%dma_start3A_120 : memref<128x32xf32, #tpu.memory_space<vmem>>) target(%dma_start3A_116 : memref<128x32xf32, #tpu.memory_space<vmem_shared>>) target_semaphore(%run_scoped3A_108 : memref<!tpu.dma_semaphore, #tpu.memory_space<semaphore_mem>>)
      %dma_wait3A_121 = arith.constant 0 : i32
      %dma_wait3A_122 = arith.constant 0 : i32
      %dma_wait3A_123 = tpu.memref_slice %arg11[%run_scoped3A_12, %dma_wait3A_121, %dma_wait3A_122] : memref<2x128x32xf32, #tpu.memory_space<vmem>> -> memref<1x128x32xf32, #tpu.memory_space<vmem>>
      %dma_wait3A_124 = tpu.memref_squeeze %dma_wait3A_123 : memref<1x128x32xf32, #tpu.memory_space<vmem>> -> memref<128x32xf32, #tpu.memory_space<vmem>>
      %dma_wait3A_125 = arith.constant 0 : i32
      %dma_wait3A_126 = tpu.memref_slice %arg12[%add3A_11, %dma_wait3A_125] : memref<10112x32xf32, #tpu.memory_space<vmem_shared>> -> memref<128x32xf32, #tpu.memory_space<vmem_shared>>
      %dma_wait3A_127 = arith.constant 0 : i32
      %dma_wait3A_128 = tpu.memref_slice %arg12[%add3A_11, %dma_wait3A_127] : memref<10112x32xf32, #tpu.memory_space<vmem_shared>> -> memref<128x32xf32, #tpu.memory_space<vmem_shared>>
      %dma_wait3A_129 = arith.constant 0 : i32
      %dma_wait3A_130 = arith.constant 0 : i32
      %dma_wait3A_131 = tpu.memref_slice %arg11[%run_scoped3A_12, %dma_wait3A_129, %dma_wait3A_130] : memref<2x128x32xf32, #tpu.memory_space<vmem>> -> memref<1x128x32xf32, #tpu.memory_space<vmem>>
      %dma_wait3A_132 = tpu.memref_squeeze %dma_wait3A_131 : memref<1x128x32xf32, #tpu.memory_space<vmem>> -> memref<128x32xf32, #tpu.memory_space<vmem>>
      tpu.wait_dma2 semaphore(%run_scoped3A_108 : memref<!tpu.dma_semaphore, #tpu.memory_space<semaphore_mem>>) src(%dma_wait3A_132 : memref<128x32xf32, #tpu.memory_space<vmem>>) dst(%dma_wait3A_128 : memref<128x32xf32, #tpu.memory_space<vmem_shared>>)
      tpu.yield
    }) : () -> ()
    %add3A_13 = arith.constant 384 : i32
    %add3A_14 = arith.addi %multiple_of3A, %add3A_13 : i32
    %run_scoped3A_15 = arith.constant 0 : i32
    "tpu.region"() ({
      %run_scoped3A_108 = tpu.sem_alloc : memref<!tpu.dma_semaphore, #tpu.memory_space<semaphore_mem>>
      %dma_start3A_109 = arith.constant 0 : i32
      %dma_start3A_110 = arith.constant 0 : i32
      %dma_start3A_111 = tpu.memref_slice %arg11[%run_scoped3A_15, %dma_start3A_109, %dma_start3A_110] : memref<2x128x32xf32, #tpu.memory_space<vmem>> -> memref<1x128x32xf32, #tpu.memory_space<vmem>>
      %dma_start3A_112 = tpu.memref_squeeze %dma_start3A_111 : memref<1x128x32xf32, #tpu.memory_space<vmem>> -> memref<128x32xf32, #tpu.memory_space<vmem>>
      %dma_start3A_113 = arith.constant 0 : i32
      %dma_start3A_114 = tpu.memref_slice %arg12[%add3A_14, %dma_start3A_113] : memref<10112x32xf32, #tpu.memory_space<vmem_shared>> -> memref<128x32xf32, #tpu.memory_space<vmem_shared>>
      %dma_start3A_115 = arith.constant 0 : i32
      %dma_start3A_116 = tpu.memref_slice %arg12[%add3A_14, %dma_start3A_115] : memref<10112x32xf32, #tpu.memory_space<vmem_shared>> -> memref<128x32xf32, #tpu.memory_space<vmem_shared>>
      %dma_start3A_117 = arith.constant 0 : i32
      %dma_start3A_118 = arith.constant 0 : i32
      %dma_start3A_119 = tpu.memref_slice %arg11[%run_scoped3A_15, %dma_start3A_117, %dma_start3A_118] : memref<2x128x32xf32, #tpu.memory_space<vmem>> -> memref<1x128x32xf32, #tpu.memory_space<vmem>>
      %dma_start3A_120 = tpu.memref_squeeze %dma_start3A_119 : memref<1x128x32xf32, #tpu.memory_space<vmem>> -> memref<128x32xf32, #tpu.memory_space<vmem>>
      tpu.enqueue_dma source(%dma_start3A_120 : memref<128x32xf32, #tpu.memory_space<vmem>>) target(%dma_start3A_116 : memref<128x32xf32, #tpu.memory_space<vmem_shared>>) target_semaphore(%run_scoped3A_108 : memref<!tpu.dma_semaphore, #tpu.memory_space<semaphore_mem>>)
      %dma_wait3A_121 = arith.constant 0 : i32
      %dma_wait3A_122 = arith.constant 0 : i32
      %dma_wait3A_123 = tpu.memref_slice %arg11[%run_scoped3A_15, %dma_wait3A_121, %dma_wait3A_122] : memref<2x128x32xf32, #tpu.memory_space<vmem>> -> memref<1x128x32xf32, #tpu.memory_space<vmem>>
      %dma_wait3A_124 = tpu.memref_squeeze %dma_wait3A_123 : memref<1x128x32xf32, #tpu.memory_space<vmem>> -> memref<128x32xf32, #tpu.memory_space<vmem>>
      %dma_wait3A_125 = arith.constant 0 : i32
      %dma_wait3A_126 = tpu.memref_slice %arg12[%add3A_14, %dma_wait3A_125] : memref<10112x32xf32, #tpu.memory_space<vmem_shared>> -> memref<128x32xf32, #tpu.memory_space<vmem_shared>>
      %dma_wait3A_127 = arith.constant 0 : i32
      %dma_wait3A_128 = tpu.memref_slice %arg12[%add3A_14, %dma_wait3A_127] : memref<10112x32xf32, #tpu.memory_space<vmem_shared>> -> memref<128x32xf32, #tpu.memory_space<vmem_shared>>
      %dma_wait3A_129 = arith.constant 0 : i32
      %dma_wait3A_130 = arith.constant 0 : i32
      %dma_wait3A_131 = tpu.memref_slice %arg11[%run_scoped3A_15, %dma_wait3A_129, %dma_wait3A_130] : memref<2x128x32xf32, #tpu.memory_space<vmem>> -> memref<1x128x32xf32, #tpu.memory_space<vmem>>
      %dma_wait3A_132 = tpu.memref_squeeze %dma_wait3A_131 : memref<1x128x32xf32, #tpu.memory_space<vmem>> -> memref<128x32xf32, #tpu.memory_space<vmem>>
      tpu.wait_dma2 semaphore(%run_scoped3A_108 : memref<!tpu.dma_semaphore, #tpu.memory_space<semaphore_mem>>) src(%dma_wait3A_132 : memref<128x32xf32, #tpu.memory_space<vmem>>) dst(%dma_wait3A_128 : memref<128x32xf32, #tpu.memory_space<vmem_shared>>)
      tpu.yield
    }) : () -> ()
    %add3A_16 = arith.constant 512 : i32
    %add3A_17 = arith.addi %multiple_of3A, %add3A_16 : i32
    %run_scoped3A_18 = arith.constant 0 : i32
    "tpu.region"() ({
      %run_scoped3A_108 = tpu.sem_alloc : memref<!tpu.dma_semaphore, #tpu.memory_space<semaphore_mem>>
      %dma_start3A_109 = arith.constant 0 : i32
      %dma_start3A_110 = arith.constant 0 : i32
      %dma_start3A_111 = tpu.memref_slice %arg11[%run_scoped3A_18, %dma_start3A_109, %dma_start3A_110] : memref<2x128x32xf32, #tpu.memory_space<vmem>> -> memref<1x120x32xf32, #tpu.memory_space<vmem>>
      %dma_start3A_112 = tpu.memref_squeeze %dma_start3A_111 : memref<1x120x32xf32, #tpu.memory_space<vmem>> -> memref<120x32xf32, #tpu.memory_space<vmem>>
      %dma_start3A_113 = arith.constant 0 : i32
      %dma_start3A_114 = tpu.memref_slice %arg12[%add3A_17, %dma_start3A_113] : memref<10112x32xf32, #tpu.memory_space<vmem_shared>> -> memref<120x32xf32, #tpu.memory_space<vmem_shared>>
      %dma_start3A_115 = arith.constant 0 : i32
      %dma_start3A_116 = tpu.memref_slice %arg12[%add3A_17, %dma_start3A_115] : memref<10112x32xf32, #tpu.memory_space<vmem_shared>> -> memref<120x32xf32, #tpu.memory_space<vmem_shared>>
      %dma_start3A_117 = arith.constant 0 : i32
      %dma_start3A_118 = arith.constant 0 : i32
      %dma_start3A_119 = tpu.memref_slice %arg11[%run_scoped3A_18, %dma_start3A_117, %dma_start3A_118] : memref<2x128x32xf32, #tpu.memory_space<vmem>> -> memref<1x120x32xf32, #tpu.memory_space<vmem>>
      %dma_start3A_120 = tpu.memref_squeeze %dma_start3A_119 : memref<1x120x32xf32, #tpu.memory_space<vmem>> -> memref<120x32xf32, #tpu.memory_space<vmem>>
      tpu.enqueue_dma source(%dma_start3A_120 : memref<120x32xf32, #tpu.memory_space<vmem>>) target(%dma_start3A_116 : memref<120x32xf32, #tpu.memory_space<vmem_shared>>) target_semaphore(%run_scoped3A_108 : memref<!tpu.dma_semaphore, #tpu.memory_space<semaphore_mem>>)
      %dma_wait3A_121 = arith.constant 0 : i32
      %dma_wait3A_122 = arith.constant 0 : i32
      %dma_wait3A_123 = tpu.memref_slice %arg11[%run_scoped3A_18, %dma_wait3A_121, %dma_wait3A_122] : memref<2x128x32xf32, #tpu.memory_space<vmem>> -> memref<1x120x32xf32, #tpu.memory_space<vmem>>
      %dma_wait3A_124 = tpu.memref_squeeze %dma_wait3A_123 : memref<1x120x32xf32, #tpu.memory_space<vmem>> -> memref<120x32xf32, #tpu.memory_space<vmem>>
      %dma_wait3A_125 = arith.constant 0 : i32
      %dma_wait3A_126 = tpu.memref_slice %arg12[%add3A_17, %dma_wait3A_125] : memref<10112x32xf32, #tpu.memory_space<vmem_shared>> -> memref<120x32xf32, #tpu.memory_space<vmem_shared>>
      %dma_wait3A_127 = arith.constant 0 : i32
      %dma_wait3A_128 = tpu.memref_slice %arg12[%add3A_17, %dma_wait3A_127] : memref<10112x32xf32, #tpu.memory_space<vmem_shared>> -> memref<120x32xf32, #tpu.memory_space<vmem_shared>>
      %dma_wait3A_129 = arith.constant 0 : i32
      %dma_wait3A_130 = arith.constant 0 : i32
      %dma_wait3A_131 = tpu.memref_slice %arg11[%run_scoped3A_18, %dma_wait3A_129, %dma_wait3A_130] : memref<2x128x32xf32, #tpu.memory_space<vmem>> -> memref<1x120x32xf32, #tpu.memory_space<vmem>>
      %dma_wait3A_132 = tpu.memref_squeeze %dma_wait3A_131 : memref<1x120x32xf32, #tpu.memory_space<vmem>> -> memref<120x32xf32, #tpu.memory_space<vmem>>
      tpu.wait_dma2 semaphore(%run_scoped3A_108 : memref<!tpu.dma_semaphore, #tpu.memory_space<semaphore_mem>>) src(%dma_wait3A_132 : memref<120x32xf32, #tpu.memory_space<vmem>>) dst(%dma_wait3A_128 : memref<120x32xf32, #tpu.memory_space<vmem_shared>>)
      tpu.yield
    }) : () -> ()
    %lt3A = arith.constant 30 : i32
    %lt3A_19 = arith.cmpi slt, %add3A, %lt3A : i32
    %convert_element_type3A = arith.extui %lt3A_19 : i1 to i32
    %cond3A = arith.constant 0 : i32
    %cond3A_20 = arith.cmpi ne, %convert_element_type3A, %cond3A : i32
    scf.if %cond3A_20 {
      %mul3A_108 = arith.constant 82 : i32
      %mul3A_109 = arith.muli %add3A, %mul3A_108 : i32
      %run_scoped3A_110 = arith.constant 0 : i32
      "tpu.region"() ({
        %run_scoped3A_111 = tpu.sem_alloc : memref<!tpu.dma_semaphore, #tpu.memory_space<semaphore_mem>>
        %dma_start3A_112 = arith.constant 0 : i32
        %dma_start3A_113 = tpu.memref_slice %arg4[%run_scoped3A_110, %mul3A_109, %dma_start3A_112] : memref<2x2500x128xi32, #tpu.memory_space<hbm>> -> memref<1x82x128xi32, #tpu.memory_space<hbm>>
        %dma_start3A_114 = tpu.memref_squeeze %dma_start3A_113 : memref<1x82x128xi32, #tpu.memory_space<hbm>> -> memref<82x128xi32, #tpu.memory_space<hbm>>
        %dma_start3A_115 = arith.constant 0 : i32
        %dma_start3A_116 = tpu.memref_slice %arg4[%run_scoped3A_110, %mul3A_109, %dma_start3A_115] : memref<2x2500x128xi32, #tpu.memory_space<hbm>> -> memref<1x82x128xi32, #tpu.memory_space<hbm>>
        %dma_start3A_117 = tpu.memref_squeeze %dma_start3A_116 : memref<1x82x128xi32, #tpu.memory_space<hbm>> -> memref<82x128xi32, #tpu.memory_space<hbm>>
        tpu.enqueue_dma source(%dma_start3A_117 : memref<82x128xi32, #tpu.memory_space<hbm>>) target(%arg7 : memref<82x128xi32, #tpu.memory_space<vmem>>) target_semaphore(%run_scoped3A_111 : memref<!tpu.dma_semaphore, #tpu.memory_space<semaphore_mem>>)
        %dma_wait3A_118 = arith.constant 0 : i32
        %dma_wait3A_119 = tpu.memref_slice %arg4[%run_scoped3A_110, %mul3A_109, %dma_wait3A_118] : memref<2x2500x128xi32, #tpu.memory_space<hbm>> -> memref<1x82x128xi32, #tpu.memory_space<hbm>>
        %dma_wait3A_120 = tpu.memref_squeeze %dma_wait3A_119 : memref<1x82x128xi32, #tpu.memory_space<hbm>> -> memref<82x128xi32, #tpu.memory_space<hbm>>
        %dma_wait3A_121 = arith.constant 0 : i32
        %dma_wait3A_122 = tpu.memref_slice %arg4[%run_scoped3A_110, %mul3A_109, %dma_wait3A_121] : memref<2x2500x128xi32, #tpu.memory_space<hbm>> -> memref<1x82x128xi32, #tpu.memory_space<hbm>>
        %dma_wait3A_123 = tpu.memref_squeeze %dma_wait3A_122 : memref<1x82x128xi32, #tpu.memory_space<hbm>> -> memref<82x128xi32, #tpu.memory_space<hbm>>
        tpu.wait_dma2 semaphore(%run_scoped3A_111 : memref<!tpu.dma_semaphore, #tpu.memory_space<semaphore_mem>>) src(%dma_wait3A_123 : memref<82x128xi32, #tpu.memory_space<hbm>>) dst(%arg7 : memref<82x128xi32, #tpu.memory_space<vmem>>)
        tpu.yield
      }) : () -> ()
    } else {
    }
    %eq3A = arith.constant 30 : i32
    %eq3A_21 = arith.cmpi eq, %add3A, %eq3A : i32
    %convert_element_type3A_22 = arith.extui %eq3A_21 : i1 to i32
    %cond3A_23 = arith.constant 0 : i32
    %cond3A_24 = arith.cmpi ne, %convert_element_type3A_22, %cond3A_23 : i32
    scf.if %cond3A_24 {
      %run_scoped3A_108 = arith.constant 0 : i32
      "tpu.region"() ({
        %run_scoped3A_110 = tpu.sem_alloc : memref<!tpu.dma_semaphore, #tpu.memory_space<semaphore_mem>>
        %dma_start3A_111 = arith.constant 0 : i32
        %dma_start3A_112 = arith.constant 0 : i32
        %dma_start3A_113 = tpu.memref_slice %arg7[%dma_start3A_111, %dma_start3A_112] : memref<82x128xi32, #tpu.memory_space<vmem>> -> memref<40x128xi32, #tpu.memory_space<vmem>>
        %dma_start3A_114 = arith.constant 2460 : i32
        %dma_start3A_115 = arith.constant 0 : i32
        %dma_start3A_116 = tpu.memref_slice %arg4[%run_scoped3A_108, %dma_start3A_114, %dma_start3A_115] : memref<2x2500x128xi32, #tpu.memory_space<hbm>> -> memref<1x40x128xi32, #tpu.memory_space<hbm>>
        %dma_start3A_117 = tpu.memref_squeeze %dma_start3A_116 : memref<1x40x128xi32, #tpu.memory_space<hbm>> -> memref<40x128xi32, #tpu.memory_space<hbm>>
        %dma_start3A_118 = arith.constant 0 : i32
        %dma_start3A_119 = arith.constant 0 : i32
        %dma_start3A_120 = tpu.memref_slice %arg7[%dma_start3A_118, %dma_start3A_119] : memref<82x128xi32, #tpu.memory_space<vmem>> -> memref<40x128xi32, #tpu.memory_space<vmem>>
        %dma_start3A_121 = arith.constant 2460 : i32
        %dma_start3A_122 = arith.constant 0 : i32
        %dma_start3A_123 = tpu.memref_slice %arg4[%run_scoped3A_108, %dma_start3A_121, %dma_start3A_122] : memref<2x2500x128xi32, #tpu.memory_space<hbm>> -> memref<1x40x128xi32, #tpu.memory_space<hbm>>
        %dma_start3A_124 = tpu.memref_squeeze %dma_start3A_123 : memref<1x40x128xi32, #tpu.memory_space<hbm>> -> memref<40x128xi32, #tpu.memory_space<hbm>>
        tpu.enqueue_dma source(%dma_start3A_124 : memref<40x128xi32, #tpu.memory_space<hbm>>) target(%dma_start3A_120 : memref<40x128xi32, #tpu.memory_space<vmem>>) target_semaphore(%run_scoped3A_110 : memref<!tpu.dma_semaphore, #tpu.memory_space<semaphore_mem>>)
        %dma_wait3A_125 = arith.constant 0 : i32
        %dma_wait3A_126 = arith.constant 0 : i32
        %dma_wait3A_127 = tpu.memref_slice %arg7[%dma_wait3A_125, %dma_wait3A_126] : memref<82x128xi32, #tpu.memory_space<vmem>> -> memref<40x128xi32, #tpu.memory_space<vmem>>
        %dma_wait3A_128 = arith.constant 2460 : i32
        %dma_wait3A_129 = arith.constant 0 : i32
        %dma_wait3A_130 = tpu.memref_slice %arg4[%run_scoped3A_108, %dma_wait3A_128, %dma_wait3A_129] : memref<2x2500x128xi32, #tpu.memory_space<hbm>> -> memref<1x40x128xi32, #tpu.memory_space<hbm>>
        %dma_wait3A_131 = tpu.memref_squeeze %dma_wait3A_130 : memref<1x40x128xi32, #tpu.memory_space<hbm>> -> memref<40x128xi32, #tpu.memory_space<hbm>>
        %dma_wait3A_132 = arith.constant 0 : i32
        %dma_wait3A_133 = arith.constant 0 : i32
        %dma_wait3A_134 = tpu.memref_slice %arg7[%dma_wait3A_132, %dma_wait3A_133] : memref<82x128xi32, #tpu.memory_space<vmem>> -> memref<40x128xi32, #tpu.memory_space<vmem>>
        %dma_wait3A_135 = arith.constant 2460 : i32
        %dma_wait3A_136 = arith.constant 0 : i32
        %dma_wait3A_137 = tpu.memref_slice %arg4[%run_scoped3A_108, %dma_wait3A_135, %dma_wait3A_136] : memref<2x2500x128xi32, #tpu.memory_space<hbm>> -> memref<1x40x128xi32, #tpu.memory_space<hbm>>
        %dma_wait3A_138 = tpu.memref_squeeze %dma_wait3A_137 : memref<1x40x128xi32, #tpu.memory_space<hbm>> -> memref<40x128xi32, #tpu.memory_space<hbm>>
        tpu.wait_dma2 semaphore(%run_scoped3A_110 : memref<!tpu.dma_semaphore, #tpu.memory_space<semaphore_mem>>) src(%dma_wait3A_138 : memref<40x128xi32, #tpu.memory_space<hbm>>) dst(%dma_wait3A_134 : memref<40x128xi32, #tpu.memory_space<vmem>>)
        tpu.yield
      }) : () -> ()
      %run_scoped3A_109 = arith.constant 0 : i32
      "tpu.region"() ({
        %run_scoped3A_110 = tpu.sem_alloc : memref<!tpu.dma_semaphore, #tpu.memory_space<semaphore_mem>>
        %dma_start3A_111 = arith.constant 40 : i32
        %dma_start3A_112 = arith.constant 0 : i32
        %dma_start3A_113 = tpu.memref_slice %arg7[%dma_start3A_111, %dma_start3A_112] : memref<82x128xi32, #tpu.memory_space<vmem>> -> memref<42x128xi32, #tpu.memory_space<vmem>>
        %dma_start3A_114 = arith.constant 0 : i32
        %dma_start3A_115 = arith.constant 0 : i32
        %dma_start3A_116 = tpu.memref_slice %arg5[%run_scoped3A_109, %dma_start3A_114, %dma_start3A_115] : memref<2x124x128xi32, #tpu.memory_space<hbm>> -> memref<1x42x128xi32, #tpu.memory_space<hbm>>
        %dma_start3A_117 = tpu.memref_squeeze %dma_start3A_116 : memref<1x42x128xi32, #tpu.memory_space<hbm>> -> memref<42x128xi32, #tpu.memory_space<hbm>>
        %dma_start3A_118 = arith.constant 40 : i32
        %dma_start3A_119 = arith.constant 0 : i32
        %dma_start3A_120 = tpu.memref_slice %arg7[%dma_start3A_118, %dma_start3A_119] : memref<82x128xi32, #tpu.memory_space<vmem>> -> memref<42x128xi32, #tpu.memory_space<vmem>>
        %dma_start3A_121 = arith.constant 0 : i32
        %dma_start3A_122 = arith.constant 0 : i32
        %dma_start3A_123 = tpu.memref_slice %arg5[%run_scoped3A_109, %dma_start3A_121, %dma_start3A_122] : memref<2x124x128xi32, #tpu.memory_space<hbm>> -> memref<1x42x128xi32, #tpu.memory_space<hbm>>
        %dma_start3A_124 = tpu.memref_squeeze %dma_start3A_123 : memref<1x42x128xi32, #tpu.memory_space<hbm>> -> memref<42x128xi32, #tpu.memory_space<hbm>>
        tpu.enqueue_dma source(%dma_start3A_124 : memref<42x128xi32, #tpu.memory_space<hbm>>) target(%dma_start3A_120 : memref<42x128xi32, #tpu.memory_space<vmem>>) target_semaphore(%run_scoped3A_110 : memref<!tpu.dma_semaphore, #tpu.memory_space<semaphore_mem>>)
        %dma_wait3A_125 = arith.constant 40 : i32
        %dma_wait3A_126 = arith.constant 0 : i32
        %dma_wait3A_127 = tpu.memref_slice %arg7[%dma_wait3A_125, %dma_wait3A_126] : memref<82x128xi32, #tpu.memory_space<vmem>> -> memref<42x128xi32, #tpu.memory_space<vmem>>
        %dma_wait3A_128 = arith.constant 0 : i32
        %dma_wait3A_129 = arith.constant 0 : i32
        %dma_wait3A_130 = tpu.memref_slice %arg5[%run_scoped3A_109, %dma_wait3A_128, %dma_wait3A_129] : memref<2x124x128xi32, #tpu.memory_space<hbm>> -> memref<1x42x128xi32, #tpu.memory_space<hbm>>
        %dma_wait3A_131 = tpu.memref_squeeze %dma_wait3A_130 : memref<1x42x128xi32, #tpu.memory_space<hbm>> -> memref<42x128xi32, #tpu.memory_space<hbm>>
        %dma_wait3A_132 = arith.constant 40 : i32
        %dma_wait3A_133 = arith.constant 0 : i32
        %dma_wait3A_134 = tpu.memref_slice %arg7[%dma_wait3A_132, %dma_wait3A_133] : memref<82x128xi32, #tpu.memory_space<vmem>> -> memref<42x128xi32, #tpu.memory_space<vmem>>
        %dma_wait3A_135 = arith.constant 0 : i32
        %dma_wait3A_136 = arith.constant 0 : i32
        %dma_wait3A_137 = tpu.memref_slice %arg5[%run_scoped3A_109, %dma_wait3A_135, %dma_wait3A_136] : memref<2x124x128xi32, #tpu.memory_space<hbm>> -> memref<1x42x128xi32, #tpu.memory_space<hbm>>
        %dma_wait3A_138 = tpu.memref_squeeze %dma_wait3A_137 : memref<1x42x128xi32, #tpu.memory_space<hbm>> -> memref<42x128xi32, #tpu.memory_space<hbm>>
        tpu.wait_dma2 semaphore(%run_scoped3A_110 : memref<!tpu.dma_semaphore, #tpu.memory_space<semaphore_mem>>) src(%dma_wait3A_138 : memref<42x128xi32, #tpu.memory_space<hbm>>) dst(%dma_wait3A_134 : memref<42x128xi32, #tpu.memory_space<vmem>>)
        tpu.yield
      }) : () -> ()
    } else {
    }
    %gt3A = arith.constant 30 : i32
    %gt3A_25 = arith.cmpi sgt, %add3A, %gt3A : i32
    %convert_element_type3A_26 = arith.extui %gt3A_25 : i1 to i32
    %cond3A_27 = arith.constant 0 : i32
    %cond3A_28 = arith.cmpi ne, %convert_element_type3A_26, %cond3A_27 : i32
    scf.if %cond3A_28 {
      %sub3A = arith.constant 30 : i32
      %sub3A_108 = arith.subi %add3A, %sub3A : i32
      %sub3A_109 = arith.constant 1 : i32
      %sub3A_110 = arith.subi %sub3A_108, %sub3A_109 : i32
      %mul3A_111 = arith.constant 82 : i32
      %mul3A_112 = arith.muli %sub3A_110, %mul3A_111 : i32
      %add3A_113 = arith.constant 42 : i32
      %add3A_114 = arith.addi %add3A_113, %mul3A_112 : i32
      %run_scoped3A_115 = arith.constant 0 : i32
      "tpu.region"() ({
        %run_scoped3A_116 = tpu.sem_alloc : memref<!tpu.dma_semaphore, #tpu.memory_space<semaphore_mem>>
        %dma_start3A_117 = arith.constant 0 : i32
        %dma_start3A_118 = tpu.memref_slice %arg5[%run_scoped3A_115, %add3A_114, %dma_start3A_117] : memref<2x124x128xi32, #tpu.memory_space<hbm>> -> memref<1x82x128xi32, #tpu.memory_space<hbm>>
        %dma_start3A_119 = tpu.memref_squeeze %dma_start3A_118 : memref<1x82x128xi32, #tpu.memory_space<hbm>> -> memref<82x128xi32, #tpu.memory_space<hbm>>
        %dma_start3A_120 = arith.constant 0 : i32
        %dma_start3A_121 = tpu.memref_slice %arg5[%run_scoped3A_115, %add3A_114, %dma_start3A_120] : memref<2x124x128xi32, #tpu.memory_space<hbm>> -> memref<1x82x128xi32, #tpu.memory_space<hbm>>
        %dma_start3A_122 = tpu.memref_squeeze %dma_start3A_121 : memref<1x82x128xi32, #tpu.memory_space<hbm>> -> memref<82x128xi32, #tpu.memory_space<hbm>>
        tpu.enqueue_dma source(%dma_start3A_122 : memref<82x128xi32, #tpu.memory_space<hbm>>) target(%arg7 : memref<82x128xi32, #tpu.memory_space<vmem>>) target_semaphore(%run_scoped3A_116 : memref<!tpu.dma_semaphore, #tpu.memory_space<semaphore_mem>>)
        %dma_wait3A_123 = arith.constant 0 : i32
        %dma_wait3A_124 = tpu.memref_slice %arg5[%run_scoped3A_115, %add3A_114, %dma_wait3A_123] : memref<2x124x128xi32, #tpu.memory_space<hbm>> -> memref<1x82x128xi32, #tpu.memory_space<hbm>>
        %dma_wait3A_125 = tpu.memref_squeeze %dma_wait3A_124 : memref<1x82x128xi32, #tpu.memory_space<hbm>> -> memref<82x128xi32, #tpu.memory_space<hbm>>
        %dma_wait3A_126 = arith.constant 0 : i32
        %dma_wait3A_127 = tpu.memref_slice %arg5[%run_scoped3A_115, %add3A_114, %dma_wait3A_126] : memref<2x124x128xi32, #tpu.memory_space<hbm>> -> memref<1x82x128xi32, #tpu.memory_space<hbm>>
        %dma_wait3A_128 = tpu.memref_squeeze %dma_wait3A_127 : memref<1x82x128xi32, #tpu.memory_space<hbm>> -> memref<82x128xi32, #tpu.memory_space<hbm>>
        tpu.wait_dma2 semaphore(%run_scoped3A_116 : memref<!tpu.dma_semaphore, #tpu.memory_space<semaphore_mem>>) src(%dma_wait3A_128 : memref<82x128xi32, #tpu.memory_space<hbm>>) dst(%arg7 : memref<82x128xi32, #tpu.memory_space<vmem>>)
        tpu.yield
      }) : () -> ()
    } else {
    }
    %lt3A_29 = arith.constant 30 : i32
    %lt3A_30 = arith.cmpi slt, %add3A, %lt3A_29 : i32
    %convert_element_type3A_31 = arith.extui %lt3A_30 : i1 to i32
    %cond3A_32 = arith.constant 0 : i32
    %cond3A_33 = arith.cmpi ne, %convert_element_type3A_31, %cond3A_32 : i32
    scf.if %cond3A_33 {
      %mul3A_108 = arith.constant 82 : i32
      %mul3A_109 = arith.muli %add3A, %mul3A_108 : i32
      %run_scoped3A_110 = arith.constant 1 : i32
      "tpu.region"() ({
        %run_scoped3A_111 = tpu.sem_alloc : memref<!tpu.dma_semaphore, #tpu.memory_space<semaphore_mem>>
        %dma_start3A_112 = arith.constant 0 : i32
        %dma_start3A_113 = tpu.memref_slice %arg4[%run_scoped3A_110, %mul3A_109, %dma_start3A_112] : memref<2x2500x128xi32, #tpu.memory_space<hbm>> -> memref<1x82x128xi32, #tpu.memory_space<hbm>>
        %dma_start3A_114 = tpu.memref_squeeze %dma_start3A_113 : memref<1x82x128xi32, #tpu.memory_space<hbm>> -> memref<82x128xi32, #tpu.memory_space<hbm>>
        %dma_start3A_115 = arith.constant 0 : i32
        %dma_start3A_116 = tpu.memref_slice %arg4[%run_scoped3A_110, %mul3A_109, %dma_start3A_115] : memref<2x2500x128xi32, #tpu.memory_space<hbm>> -> memref<1x82x128xi32, #tpu.memory_space<hbm>>
        %dma_start3A_117 = tpu.memref_squeeze %dma_start3A_116 : memref<1x82x128xi32, #tpu.memory_space<hbm>> -> memref<82x128xi32, #tpu.memory_space<hbm>>
        tpu.enqueue_dma source(%dma_start3A_117 : memref<82x128xi32, #tpu.memory_space<hbm>>) target(%arg8 : memref<82x128xi32, #tpu.memory_space<vmem>>) target_semaphore(%run_scoped3A_111 : memref<!tpu.dma_semaphore, #tpu.memory_space<semaphore_mem>>)
        %dma_wait3A_118 = arith.constant 0 : i32
        %dma_wait3A_119 = tpu.memref_slice %arg4[%run_scoped3A_110, %mul3A_109, %dma_wait3A_118] : memref<2x2500x128xi32, #tpu.memory_space<hbm>> -> memref<1x82x128xi32, #tpu.memory_space<hbm>>
        %dma_wait3A_120 = tpu.memref_squeeze %dma_wait3A_119 : memref<1x82x128xi32, #tpu.memory_space<hbm>> -> memref<82x128xi32, #tpu.memory_space<hbm>>
        %dma_wait3A_121 = arith.constant 0 : i32
        %dma_wait3A_122 = tpu.memref_slice %arg4[%run_scoped3A_110, %mul3A_109, %dma_wait3A_121] : memref<2x2500x128xi32, #tpu.memory_space<hbm>> -> memref<1x82x128xi32, #tpu.memory_space<hbm>>
        %dma_wait3A_123 = tpu.memref_squeeze %dma_wait3A_122 : memref<1x82x128xi32, #tpu.memory_space<hbm>> -> memref<82x128xi32, #tpu.memory_space<hbm>>
        tpu.wait_dma2 semaphore(%run_scoped3A_111 : memref<!tpu.dma_semaphore, #tpu.memory_space<semaphore_mem>>) src(%dma_wait3A_123 : memref<82x128xi32, #tpu.memory_space<hbm>>) dst(%arg8 : memref<82x128xi32, #tpu.memory_space<vmem>>)
        tpu.yield
      }) : () -> ()
    } else {
    }
    %eq3A_34 = arith.constant 30 : i32
    %eq3A_35 = arith.cmpi eq, %add3A, %eq3A_34 : i32
    %convert_element_type3A_36 = arith.extui %eq3A_35 : i1 to i32
    %cond3A_37 = arith.constant 0 : i32
    %cond3A_38 = arith.cmpi ne, %convert_element_type3A_36, %cond3A_37 : i32
    scf.if %cond3A_38 {
      %run_scoped3A_108 = arith.constant 1 : i32
      "tpu.region"() ({
        %run_scoped3A_110 = tpu.sem_alloc : memref<!tpu.dma_semaphore, #tpu.memory_space<semaphore_mem>>
        %dma_start3A_111 = arith.constant 0 : i32
        %dma_start3A_112 = arith.constant 0 : i32
        %dma_start3A_113 = tpu.memref_slice %arg8[%dma_start3A_111, %dma_start3A_112] : memref<82x128xi32, #tpu.memory_space<vmem>> -> memref<40x128xi32, #tpu.memory_space<vmem>>
        %dma_start3A_114 = arith.constant 2460 : i32
        %dma_start3A_115 = arith.constant 0 : i32
        %dma_start3A_116 = tpu.memref_slice %arg4[%run_scoped3A_108, %dma_start3A_114, %dma_start3A_115] : memref<2x2500x128xi32, #tpu.memory_space<hbm>> -> memref<1x40x128xi32, #tpu.memory_space<hbm>>
        %dma_start3A_117 = tpu.memref_squeeze %dma_start3A_116 : memref<1x40x128xi32, #tpu.memory_space<hbm>> -> memref<40x128xi32, #tpu.memory_space<hbm>>
        %dma_start3A_118 = arith.constant 0 : i32
        %dma_start3A_119 = arith.constant 0 : i32
        %dma_start3A_120 = tpu.memref_slice %arg8[%dma_start3A_118, %dma_start3A_119] : memref<82x128xi32, #tpu.memory_space<vmem>> -> memref<40x128xi32, #tpu.memory_space<vmem>>
        %dma_start3A_121 = arith.constant 2460 : i32
        %dma_start3A_122 = arith.constant 0 : i32
        %dma_start3A_123 = tpu.memref_slice %arg4[%run_scoped3A_108, %dma_start3A_121, %dma_start3A_122] : memref<2x2500x128xi32, #tpu.memory_space<hbm>> -> memref<1x40x128xi32, #tpu.memory_space<hbm>>
        %dma_start3A_124 = tpu.memref_squeeze %dma_start3A_123 : memref<1x40x128xi32, #tpu.memory_space<hbm>> -> memref<40x128xi32, #tpu.memory_space<hbm>>
        tpu.enqueue_dma source(%dma_start3A_124 : memref<40x128xi32, #tpu.memory_space<hbm>>) target(%dma_start3A_120 : memref<40x128xi32, #tpu.memory_space<vmem>>) target_semaphore(%run_scoped3A_110 : memref<!tpu.dma_semaphore, #tpu.memory_space<semaphore_mem>>)
        %dma_wait3A_125 = arith.constant 0 : i32
        %dma_wait3A_126 = arith.constant 0 : i32
        %dma_wait3A_127 = tpu.memref_slice %arg8[%dma_wait3A_125, %dma_wait3A_126] : memref<82x128xi32, #tpu.memory_space<vmem>> -> memref<40x128xi32, #tpu.memory_space<vmem>>
        %dma_wait3A_128 = arith.constant 2460 : i32
        %dma_wait3A_129 = arith.constant 0 : i32
        %dma_wait3A_130 = tpu.memref_slice %arg4[%run_scoped3A_108, %dma_wait3A_128, %dma_wait3A_129] : memref<2x2500x128xi32, #tpu.memory_space<hbm>> -> memref<1x40x128xi32, #tpu.memory_space<hbm>>
        %dma_wait3A_131 = tpu.memref_squeeze %dma_wait3A_130 : memref<1x40x128xi32, #tpu.memory_space<hbm>> -> memref<40x128xi32, #tpu.memory_space<hbm>>
        %dma_wait3A_132 = arith.constant 0 : i32
        %dma_wait3A_133 = arith.constant 0 : i32
        %dma_wait3A_134 = tpu.memref_slice %arg8[%dma_wait3A_132, %dma_wait3A_133] : memref<82x128xi32, #tpu.memory_space<vmem>> -> memref<40x128xi32, #tpu.memory_space<vmem>>
        %dma_wait3A_135 = arith.constant 2460 : i32
        %dma_wait3A_136 = arith.constant 0 : i32
        %dma_wait3A_137 = tpu.memref_slice %arg4[%run_scoped3A_108, %dma_wait3A_135, %dma_wait3A_136] : memref<2x2500x128xi32, #tpu.memory_space<hbm>> -> memref<1x40x128xi32, #tpu.memory_space<hbm>>
        %dma_wait3A_138 = tpu.memref_squeeze %dma_wait3A_137 : memref<1x40x128xi32, #tpu.memory_space<hbm>> -> memref<40x128xi32, #tpu.memory_space<hbm>>
        tpu.wait_dma2 semaphore(%run_scoped3A_110 : memref<!tpu.dma_semaphore, #tpu.memory_space<semaphore_mem>>) src(%dma_wait3A_138 : memref<40x128xi32, #tpu.memory_space<hbm>>) dst(%dma_wait3A_134 : memref<40x128xi32, #tpu.memory_space<vmem>>)
        tpu.yield
      }) : () -> ()
      %run_scoped3A_109 = arith.constant 1 : i32
      "tpu.region"() ({
        %run_scoped3A_110 = tpu.sem_alloc : memref<!tpu.dma_semaphore, #tpu.memory_space<semaphore_mem>>
        %dma_start3A_111 = arith.constant 40 : i32
        %dma_start3A_112 = arith.constant 0 : i32
        %dma_start3A_113 = tpu.memref_slice %arg8[%dma_start3A_111, %dma_start3A_112] : memref<82x128xi32, #tpu.memory_space<vmem>> -> memref<42x128xi32, #tpu.memory_space<vmem>>
        %dma_start3A_114 = arith.constant 0 : i32
        %dma_start3A_115 = arith.constant 0 : i32
        %dma_start3A_116 = tpu.memref_slice %arg5[%run_scoped3A_109, %dma_start3A_114, %dma_start3A_115] : memref<2x124x128xi32, #tpu.memory_space<hbm>> -> memref<1x42x128xi32, #tpu.memory_space<hbm>>
        %dma_start3A_117 = tpu.memref_squeeze %dma_start3A_116 : memref<1x42x128xi32, #tpu.memory_space<hbm>> -> memref<42x128xi32, #tpu.memory_space<hbm>>
        %dma_start3A_118 = arith.constant 40 : i32
        %dma_start3A_119 = arith.constant 0 : i32
        %dma_start3A_120 = tpu.memref_slice %arg8[%dma_start3A_118, %dma_start3A_119] : memref<82x128xi32, #tpu.memory_space<vmem>> -> memref<42x128xi32, #tpu.memory_space<vmem>>
        %dma_start3A_121 = arith.constant 0 : i32
        %dma_start3A_122 = arith.constant 0 : i32
        %dma_start3A_123 = tpu.memref_slice %arg5[%run_scoped3A_109, %dma_start3A_121, %dma_start3A_122] : memref<2x124x128xi32, #tpu.memory_space<hbm>> -> memref<1x42x128xi32, #tpu.memory_space<hbm>>
        %dma_start3A_124 = tpu.memref_squeeze %dma_start3A_123 : memref<1x42x128xi32, #tpu.memory_space<hbm>> -> memref<42x128xi32, #tpu.memory_space<hbm>>
        tpu.enqueue_dma source(%dma_start3A_124 : memref<42x128xi32, #tpu.memory_space<hbm>>) target(%dma_start3A_120 : memref<42x128xi32, #tpu.memory_space<vmem>>) target_semaphore(%run_scoped3A_110 : memref<!tpu.dma_semaphore, #tpu.memory_space<semaphore_mem>>)
        %dma_wait3A_125 = arith.constant 40 : i32
        %dma_wait3A_126 = arith.constant 0 : i32
        %dma_wait3A_127 = tpu.memref_slice %arg8[%dma_wait3A_125, %dma_wait3A_126] : memref<82x128xi32, #tpu.memory_space<vmem>> -> memref<42x128xi32, #tpu.memory_space<vmem>>
        %dma_wait3A_128 = arith.constant 0 : i32
        %dma_wait3A_129 = arith.constant 0 : i32
        %dma_wait3A_130 = tpu.memref_slice %arg5[%run_scoped3A_109, %dma_wait3A_128, %dma_wait3A_129] : memref<2x124x128xi32, #tpu.memory_space<hbm>> -> memref<1x42x128xi32, #tpu.memory_space<hbm>>
        %dma_wait3A_131 = tpu.memref_squeeze %dma_wait3A_130 : memref<1x42x128xi32, #tpu.memory_space<hbm>> -> memref<42x128xi32, #tpu.memory_space<hbm>>
        %dma_wait3A_132 = arith.constant 40 : i32
        %dma_wait3A_133 = arith.constant 0 : i32
        %dma_wait3A_134 = tpu.memref_slice %arg8[%dma_wait3A_132, %dma_wait3A_133] : memref<82x128xi32, #tpu.memory_space<vmem>> -> memref<42x128xi32, #tpu.memory_space<vmem>>
        %dma_wait3A_135 = arith.constant 0 : i32
        %dma_wait3A_136 = arith.constant 0 : i32
        %dma_wait3A_137 = tpu.memref_slice %arg5[%run_scoped3A_109, %dma_wait3A_135, %dma_wait3A_136] : memref<2x124x128xi32, #tpu.memory_space<hbm>> -> memref<1x42x128xi32, #tpu.memory_space<hbm>>
        %dma_wait3A_138 = tpu.memref_squeeze %dma_wait3A_137 : memref<1x42x128xi32, #tpu.memory_space<hbm>> -> memref<42x128xi32, #tpu.memory_space<hbm>>
        tpu.wait_dma2 semaphore(%run_scoped3A_110 : memref<!tpu.dma_semaphore, #tpu.memory_space<semaphore_mem>>) src(%dma_wait3A_138 : memref<42x128xi32, #tpu.memory_space<hbm>>) dst(%dma_wait3A_134 : memref<42x128xi32, #tpu.memory_space<vmem>>)
        tpu.yield
      }) : () -> ()
    } else {
    }
    %gt3A_39 = arith.constant 30 : i32
    %gt3A_40 = arith.cmpi sgt, %add3A, %gt3A_39 : i32
    %convert_element_type3A_41 = arith.extui %gt3A_40 : i1 to i32
    %cond3A_42 = arith.constant 0 : i32
    %cond3A_43 = arith.cmpi ne, %convert_element_type3A_41, %cond3A_42 : i32
    scf.if %cond3A_43 {
      %sub3A = arith.constant 30 : i32
      %sub3A_108 = arith.subi %add3A, %sub3A : i32
      %sub3A_109 = arith.constant 1 : i32
      %sub3A_110 = arith.subi %sub3A_108, %sub3A_109 : i32
      %mul3A_111 = arith.constant 82 : i32
      %mul3A_112 = arith.muli %sub3A_110, %mul3A_111 : i32
      %add3A_113 = arith.constant 42 : i32
      %add3A_114 = arith.addi %add3A_113, %mul3A_112 : i32
      %run_scoped3A_115 = arith.constant 1 : i32
      "tpu.region"() ({
        %run_scoped3A_116 = tpu.sem_alloc : memref<!tpu.dma_semaphore, #tpu.memory_space<semaphore_mem>>
        %dma_start3A_117 = arith.constant 0 : i32
        %dma_start3A_118 = tpu.memref_slice %arg5[%run_scoped3A_115, %add3A_114, %dma_start3A_117] : memref<2x124x128xi32, #tpu.memory_space<hbm>> -> memref<1x82x128xi32, #tpu.memory_space<hbm>>
        %dma_start3A_119 = tpu.memref_squeeze %dma_start3A_118 : memref<1x82x128xi32, #tpu.memory_space<hbm>> -> memref<82x128xi32, #tpu.memory_space<hbm>>
        %dma_start3A_120 = arith.constant 0 : i32
        %dma_start3A_121 = tpu.memref_slice %arg5[%run_scoped3A_115, %add3A_114, %dma_start3A_120] : memref<2x124x128xi32, #tpu.memory_space<hbm>> -> memref<1x82x128xi32, #tpu.memory_space<hbm>>
        %dma_start3A_122 = tpu.memref_squeeze %dma_start3A_121 : memref<1x82x128xi32, #tpu.memory_space<hbm>> -> memref<82x128xi32, #tpu.memory_space<hbm>>
        tpu.enqueue_dma source(%dma_start3A_122 : memref<82x128xi32, #tpu.memory_space<hbm>>) target(%arg8 : memref<82x128xi32, #tpu.memory_space<vmem>>) target_semaphore(%run_scoped3A_116 : memref<!tpu.dma_semaphore, #tpu.memory_space<semaphore_mem>>)
        %dma_wait3A_123 = arith.constant 0 : i32
        %dma_wait3A_124 = tpu.memref_slice %arg5[%run_scoped3A_115, %add3A_114, %dma_wait3A_123] : memref<2x124x128xi32, #tpu.memory_space<hbm>> -> memref<1x82x128xi32, #tpu.memory_space<hbm>>
        %dma_wait3A_125 = tpu.memref_squeeze %dma_wait3A_124 : memref<1x82x128xi32, #tpu.memory_space<hbm>> -> memref<82x128xi32, #tpu.memory_space<hbm>>
        %dma_wait3A_126 = arith.constant 0 : i32
        %dma_wait3A_127 = tpu.memref_slice %arg5[%run_scoped3A_115, %add3A_114, %dma_wait3A_126] : memref<2x124x128xi32, #tpu.memory_space<hbm>> -> memref<1x82x128xi32, #tpu.memory_space<hbm>>
        %dma_wait3A_128 = tpu.memref_squeeze %dma_wait3A_127 : memref<1x82x128xi32, #tpu.memory_space<hbm>> -> memref<82x128xi32, #tpu.memory_space<hbm>>
        tpu.wait_dma2 semaphore(%run_scoped3A_116 : memref<!tpu.dma_semaphore, #tpu.memory_space<semaphore_mem>>) src(%dma_wait3A_128 : memref<82x128xi32, #tpu.memory_space<hbm>>) dst(%arg8 : memref<82x128xi32, #tpu.memory_space<vmem>>)
        tpu.yield
      }) : () -> ()
    } else {
    }
    %dma_start3A = arith.constant 0 : i32
    %dma_start3A_44 = arith.constant 0 : i32
    %dma_start3A_45 = arith.constant 0 : i32
    %dma_start3A_46 = arith.constant 0 : i32
    %dma_start3A_47 = arith.constant 0 : i32
    %dma_start3A_48 = tpu.memref_slice %arg9[%dma_start3A_44, %dma_start3A_46, %dma_start3A_47] : memref<2x128x32xf32, #tpu.memory_space<vmem>> -> memref<1x128x32xf32, #tpu.memory_space<vmem>>
    %dma_start3A_49 = tpu.memref_squeeze %dma_start3A_48 : memref<1x128x32xf32, #tpu.memory_space<vmem>> -> memref<128x32xf32, #tpu.memory_space<vmem>>
    %dma_start3A_50 = arith.constant 0 : i32
    %dma_start3A_51 = tpu.memref_slice %arg7[%dma_start3A, %dma_start3A_50] : memref<82x128xi32, #tpu.memory_space<vmem>> -> memref<1x128xi32, #tpu.memory_space<vmem>>
    %dma_start3A_52 = tpu.memref_squeeze %dma_start3A_51 : memref<1x128xi32, #tpu.memory_space<vmem>> -> memref<128xi32, #tpu.memory_space<vmem>>
    %dma_start3A_53 = arith.constant 0 : i32
    %dma_start3A_54 = arith.constant 0 : i32
    %dma_start3A_55 = tpu.memref_slice %arg2[%dma_start3A_53, %dma_start3A_54] : memref<10112x32xf32, #tpu.memory_space<hbm>> -> memref<10112x32xf32, #tpu.memory_space<hbm>>
    %dma_start3A_56 = tpu.memref_slice %arg13[%dma_start3A_45] : memref<2x!tpu.dma_semaphore, #tpu.memory_space<semaphore_mem>> -> memref<1x!tpu.dma_semaphore, #tpu.memory_space<semaphore_mem>>
    %dma_start3A_57 = tpu.memref_squeeze %dma_start3A_56 : memref<1x!tpu.dma_semaphore, #tpu.memory_space<semaphore_mem>> -> memref<!tpu.dma_semaphore, #tpu.memory_space<semaphore_mem>>
    tpu.enqueue_indirect_dma source(%dma_start3A_55 : memref<10112x32xf32, #tpu.memory_space<hbm>>) target(%dma_start3A_49 : memref<128x32xf32, #tpu.memory_space<vmem>>) offsets(%dma_start3A_52 : memref<128xi32, #tpu.memory_space<vmem>>) semaphore(%dma_start3A_57 : memref<!tpu.dma_semaphore, #tpu.memory_space<semaphore_mem>>)
    %dma_start3A_58 = arith.constant 0 : i32
    %dma_start3A_59 = arith.constant 0 : i32
    %dma_start3A_60 = arith.constant 0 : i32
    %dma_start3A_61 = arith.constant 0 : i32
    %dma_start3A_62 = arith.constant 0 : i32
    %dma_start3A_63 = tpu.memref_slice %arg10[%dma_start3A_59, %dma_start3A_61, %dma_start3A_62] : memref<2x128x16xf32, #tpu.memory_space<vmem>> -> memref<1x128x16xf32, #tpu.memory_space<vmem>>
    %dma_start3A_64 = tpu.memref_squeeze %dma_start3A_63 : memref<1x128x16xf32, #tpu.memory_space<vmem>> -> memref<128x16xf32, #tpu.memory_space<vmem>>
    %dma_start3A_65 = arith.constant 0 : i32
    %dma_start3A_66 = tpu.memref_slice %arg8[%dma_start3A_58, %dma_start3A_65] : memref<82x128xi32, #tpu.memory_space<vmem>> -> memref<1x128xi32, #tpu.memory_space<vmem>>
    %dma_start3A_67 = tpu.memref_squeeze %dma_start3A_66 : memref<1x128xi32, #tpu.memory_space<vmem>> -> memref<128xi32, #tpu.memory_space<vmem>>
    %dma_start3A_68 = arith.constant 0 : i32
    %dma_start3A_69 = arith.constant 0 : i32
    %dma_start3A_70 = tpu.memref_slice %arg3[%dma_start3A_68, %dma_start3A_69] : memref<10112x16xf32, #tpu.memory_space<hbm>> -> memref<10112x16xf32, #tpu.memory_space<hbm>>
    %dma_start3A_71 = tpu.memref_slice %arg14[%dma_start3A_60] : memref<2x!tpu.dma_semaphore, #tpu.memory_space<semaphore_mem>> -> memref<1x!tpu.dma_semaphore, #tpu.memory_space<semaphore_mem>>
    %dma_start3A_72 = tpu.memref_squeeze %dma_start3A_71 : memref<1x!tpu.dma_semaphore, #tpu.memory_space<semaphore_mem>> -> memref<!tpu.dma_semaphore, #tpu.memory_space<semaphore_mem>>
    tpu.enqueue_indirect_dma source(%dma_start3A_70 : memref<10112x16xf32, #tpu.memory_space<hbm>>) target(%dma_start3A_64 : memref<128x16xf32, #tpu.memory_space<vmem>>) offsets(%dma_start3A_67 : memref<128xi32, #tpu.memory_space<vmem>>) semaphore(%dma_start3A_72 : memref<!tpu.dma_semaphore, #tpu.memory_space<semaphore_mem>>)
    %barrier3A = arith.constant 0 : index
    tpu.barrier barrier_id(%barrier3A)
    %scan3A = arith.constant 0 : i32
    %scan3A_73 = arith.constant 0 : i32
    %scan3A_74 = arith.constant 41 : i32
    %scan3A_75 = arith.addi %scan3A_73, %scan3A_74 : i32
    %scan3A_76 = arith.constant 1 : i32
    scf.for %scan3A_108 = %scan3A_73 to %scan3A_75 step %scan3A_76  : i32 {
      %mul3A_109 = arith.constant 2 : i32
      %mul3A_110 = arith.muli %mul3A_109, %scan3A_108 : i32
      %add3A_111 = arith.constant 0 : i32
      %add3A_112 = arith.addi %mul3A_110, %add3A_111 : i32
      %add3A_113 = arith.constant 1 : i32
      %add3A_114 = arith.addi %add3A_112, %add3A_113 : i32
      %lt3A_115 = arith.constant 82 : i32
      %lt3A_116 = arith.cmpi slt, %add3A_114, %lt3A_115 : i32
      %convert_element_type3A_117 = arith.extui %lt3A_116 : i1 to i32
      %cond3A_118 = arith.constant 0 : i32
      %cond3A_119 = arith.cmpi ne, %convert_element_type3A_117, %cond3A_118 : i32
      scf.if %cond3A_119 {
        %add3A_230 = arith.constant 1 : i32
        %add3A_231 = arith.addi %add3A_112, %add3A_230 : i32
        %dma_start3A_232 = arith.constant 1 : i32
        %dma_start3A_233 = arith.constant 1 : i32
        %dma_start3A_234 = arith.constant 0 : i32
        %dma_start3A_235 = arith.constant 0 : i32
        %dma_start3A_236 = tpu.memref_slice %arg9[%dma_start3A_232, %dma_start3A_234, %dma_start3A_235] : memref<2x128x32xf32, #tpu.memory_space<vmem>> -> memref<1x128x32xf32, #tpu.memory_space<vmem>>
        %dma_start3A_237 = tpu.memref_squeeze %dma_start3A_236 : memref<1x128x32xf32, #tpu.memory_space<vmem>> -> memref<128x32xf32, #tpu.memory_space<vmem>>
        %dma_start3A_238 = arith.constant 0 : i32
        %dma_start3A_239 = tpu.memref_slice %arg7[%add3A_231, %dma_start3A_238] : memref<82x128xi32, #tpu.memory_space<vmem>> -> memref<1x128xi32, #tpu.memory_space<vmem>>
        %dma_start3A_240 = tpu.memref_squeeze %dma_start3A_239 : memref<1x128xi32, #tpu.memory_space<vmem>> -> memref<128xi32, #tpu.memory_space<vmem>>
        %dma_start3A_241 = arith.constant 0 : i32
        %dma_start3A_242 = arith.constant 0 : i32
        %dma_start3A_243 = tpu.memref_slice %arg2[%dma_start3A_241, %dma_start3A_242] : memref<10112x32xf32, #tpu.memory_space<hbm>> -> memref<10112x32xf32, #tpu.memory_space<hbm>>
        %dma_start3A_244 = tpu.memref_slice %arg13[%dma_start3A_233] : memref<2x!tpu.dma_semaphore, #tpu.memory_space<semaphore_mem>> -> memref<1x!tpu.dma_semaphore, #tpu.memory_space<semaphore_mem>>
        %dma_start3A_245 = tpu.memref_squeeze %dma_start3A_244 : memref<1x!tpu.dma_semaphore, #tpu.memory_space<semaphore_mem>> -> memref<!tpu.dma_semaphore, #tpu.memory_space<semaphore_mem>>
        tpu.enqueue_indirect_dma source(%dma_start3A_243 : memref<10112x32xf32, #tpu.memory_space<hbm>>) target(%dma_start3A_237 : memref<128x32xf32, #tpu.memory_space<vmem>>) offsets(%dma_start3A_240 : memref<128xi32, #tpu.memory_space<vmem>>) semaphore(%dma_start3A_245 : memref<!tpu.dma_semaphore, #tpu.memory_space<semaphore_mem>>)
        %dma_start3A_246 = arith.constant 1 : i32
        %dma_start3A_247 = arith.constant 1 : i32
        %dma_start3A_248 = arith.constant 0 : i32
        %dma_start3A_249 = arith.constant 0 : i32
        %dma_start3A_250 = tpu.memref_slice %arg10[%dma_start3A_246, %dma_start3A_248, %dma_start3A_249] : memref<2x128x16xf32, #tpu.memory_space<vmem>> -> memref<1x128x16xf32, #tpu.memory_space<vmem>>
        %dma_start3A_251 = tpu.memref_squeeze %dma_start3A_250 : memref<1x128x16xf32, #tpu.memory_space<vmem>> -> memref<128x16xf32, #tpu.memory_space<vmem>>
        %dma_start3A_252 = arith.constant 0 : i32
        %dma_start3A_253 = tpu.memref_slice %arg8[%add3A_231, %dma_start3A_252] : memref<82x128xi32, #tpu.memory_space<vmem>> -> memref<1x128xi32, #tpu.memory_space<vmem>>
        %dma_start3A_254 = tpu.memref_squeeze %dma_start3A_253 : memref<1x128xi32, #tpu.memory_space<vmem>> -> memref<128xi32, #tpu.memory_space<vmem>>
        %dma_start3A_255 = arith.constant 0 : i32
        %dma_start3A_256 = arith.constant 0 : i32
        %dma_start3A_257 = tpu.memref_slice %arg3[%dma_start3A_255, %dma_start3A_256] : memref<10112x16xf32, #tpu.memory_space<hbm>> -> memref<10112x16xf32, #tpu.memory_space<hbm>>
        %dma_start3A_258 = tpu.memref_slice %arg14[%dma_start3A_247] : memref<2x!tpu.dma_semaphore, #tpu.memory_space<semaphore_mem>> -> memref<1x!tpu.dma_semaphore, #tpu.memory_space<semaphore_mem>>
        %dma_start3A_259 = tpu.memref_squeeze %dma_start3A_258 : memref<1x!tpu.dma_semaphore, #tpu.memory_space<semaphore_mem>> -> memref<!tpu.dma_semaphore, #tpu.memory_space<semaphore_mem>>
        tpu.enqueue_indirect_dma source(%dma_start3A_257 : memref<10112x16xf32, #tpu.memory_space<hbm>>) target(%dma_start3A_251 : memref<128x16xf32, #tpu.memory_space<vmem>>) offsets(%dma_start3A_254 : memref<128xi32, #tpu.memory_space<vmem>>) semaphore(%dma_start3A_259 : memref<!tpu.dma_semaphore, #tpu.memory_space<semaphore_mem>>)
      } else {
      }
      %dma_wait3A_120 = arith.constant 0 : i32
      %dma_wait3A_121 = arith.constant 0 : i32
      %dma_wait3A_122 = arith.constant 0 : i32
      %dma_wait3A_123 = arith.constant 0 : i32
      %dma_wait3A_124 = tpu.memref_slice %arg9[%dma_wait3A_120, %dma_wait3A_122, %dma_wait3A_123] : memref<2x128x32xf32, #tpu.memory_space<vmem>> -> memref<1x128x32xf32, #tpu.memory_space<vmem>>
      %dma_wait3A_125 = tpu.memref_squeeze %dma_wait3A_124 : memref<1x128x32xf32, #tpu.memory_space<vmem>> -> memref<128x32xf32, #tpu.memory_space<vmem>>
      %dma_wait3A_126 = arith.constant 0 : i32
      %dma_wait3A_127 = tpu.memref_slice %arg7[%add3A_112, %dma_wait3A_126] : memref<82x128xi32, #tpu.memory_space<vmem>> -> memref<1x128xi32, #tpu.memory_space<vmem>>
      %dma_wait3A_128 = tpu.memref_squeeze %dma_wait3A_127 : memref<1x128xi32, #tpu.memory_space<vmem>> -> memref<128xi32, #tpu.memory_space<vmem>>
      %dma_wait3A_129 = arith.constant 0 : i32
      %dma_wait3A_130 = arith.constant 0 : i32
      %dma_wait3A_131 = tpu.memref_slice %arg2[%dma_wait3A_129, %dma_wait3A_130] : memref<10112x32xf32, #tpu.memory_space<hbm>> -> memref<10112x32xf32, #tpu.memory_space<hbm>>
      %dma_wait3A_132 = tpu.memref_slice %arg13[%dma_wait3A_121] : memref<2x!tpu.dma_semaphore, #tpu.memory_space<semaphore_mem>> -> memref<1x!tpu.dma_semaphore, #tpu.memory_space<semaphore_mem>>
      %dma_wait3A_133 = tpu.memref_squeeze %dma_wait3A_132 : memref<1x!tpu.dma_semaphore, #tpu.memory_space<semaphore_mem>> -> memref<!tpu.dma_semaphore, #tpu.memory_space<semaphore_mem>>
      tpu.wait_indirect_dma semaphore(%dma_wait3A_133 : memref<!tpu.dma_semaphore, #tpu.memory_space<semaphore_mem>>) src(%dma_wait3A_131 : memref<10112x32xf32, #tpu.memory_space<hbm>>) dst(%dma_wait3A_125 : memref<128x32xf32, #tpu.memory_space<vmem>>)
      %dma_wait3A_134 = arith.constant 0 : i32
      %dma_wait3A_135 = arith.constant 0 : i32
      %dma_wait3A_136 = arith.constant 0 : i32
      %dma_wait3A_137 = arith.constant 0 : i32
      %dma_wait3A_138 = tpu.memref_slice %arg10[%dma_wait3A_134, %dma_wait3A_136, %dma_wait3A_137] : memref<2x128x16xf32, #tpu.memory_space<vmem>> -> memref<1x128x16xf32, #tpu.memory_space<vmem>>
      %dma_wait3A_139 = tpu.memref_squeeze %dma_wait3A_138 : memref<1x128x16xf32, #tpu.memory_space<vmem>> -> memref<128x16xf32, #tpu.memory_space<vmem>>
      %dma_wait3A_140 = arith.constant 0 : i32
      %dma_wait3A_141 = tpu.memref_slice %arg8[%add3A_112, %dma_wait3A_140] : memref<82x128xi32, #tpu.memory_space<vmem>> -> memref<1x128xi32, #tpu.memory_space<vmem>>
      %dma_wait3A_142 = tpu.memref_squeeze %dma_wait3A_141 : memref<1x128xi32, #tpu.memory_space<vmem>> -> memref<128xi32, #tpu.memory_space<vmem>>
      %dma_wait3A_143 = arith.constant 0 : i32
      %dma_wait3A_144 = arith.constant 0 : i32
      %dma_wait3A_145 = tpu.memref_slice %arg3[%dma_wait3A_143, %dma_wait3A_144] : memref<10112x16xf32, #tpu.memory_space<hbm>> -> memref<10112x16xf32, #tpu.memory_space<hbm>>
      %dma_wait3A_146 = tpu.memref_slice %arg14[%dma_wait3A_135] : memref<2x!tpu.dma_semaphore, #tpu.memory_space<semaphore_mem>> -> memref<1x!tpu.dma_semaphore, #tpu.memory_space<semaphore_mem>>
      %dma_wait3A_147 = tpu.memref_squeeze %dma_wait3A_146 : memref<1x!tpu.dma_semaphore, #tpu.memory_space<semaphore_mem>> -> memref<!tpu.dma_semaphore, #tpu.memory_space<semaphore_mem>>
      tpu.wait_indirect_dma semaphore(%dma_wait3A_147 : memref<!tpu.dma_semaphore, #tpu.memory_space<semaphore_mem>>) src(%dma_wait3A_145 : memref<10112x16xf32, #tpu.memory_space<hbm>>) dst(%dma_wait3A_139 : memref<128x16xf32, #tpu.memory_space<vmem>>)
      %ge3A = arith.constant 2 : i32
      %ge3A_148 = arith.cmpi sge, %add3A_112, %ge3A : i32
      %convert_element_type3A_149 = arith.extui %ge3A_148 : i1 to i32
      %cond3A_150 = arith.constant 0 : i32
      %cond3A_151 = arith.cmpi ne, %convert_element_type3A_149, %cond3A_150 : i32
      scf.if %cond3A_151 {
        %sub3A = arith.constant 2 : i32
        %sub3A_230 = arith.subi %add3A_112, %sub3A : i32
        %dma_wait3A_231 = arith.constant 0 : i32
        %dma_wait3A_232 = arith.constant 0 : i32
        %dma_wait3A_233 = arith.constant 0 : i32
        %dma_wait3A_234 = arith.constant 0 : i32
        %dma_wait3A_235 = tpu.memref_slice %arg11[%dma_wait3A_231, %dma_wait3A_233, %dma_wait3A_234] : memref<2x128x32xf32, #tpu.memory_space<vmem>> -> memref<1x128x32xf32, #tpu.memory_space<vmem>>
        %dma_wait3A_236 = tpu.memref_squeeze %dma_wait3A_235 : memref<1x128x32xf32, #tpu.memory_space<vmem>> -> memref<128x32xf32, #tpu.memory_space<vmem>>
        %dma_wait3A_237 = arith.constant 0 : i32
        %dma_wait3A_238 = tpu.memref_slice %arg8[%sub3A_230, %dma_wait3A_237] : memref<82x128xi32, #tpu.memory_space<vmem>> -> memref<1x128xi32, #tpu.memory_space<vmem>>
        %dma_wait3A_239 = tpu.memref_squeeze %dma_wait3A_238 : memref<1x128xi32, #tpu.memory_space<vmem>> -> memref<128xi32, #tpu.memory_space<vmem>>
        %dma_wait3A_240 = arith.constant 0 : i32
        %dma_wait3A_241 = arith.constant 0 : i32
        %dma_wait3A_242 = tpu.memref_slice %arg12[%dma_wait3A_240, %dma_wait3A_241] : memref<10112x32xf32, #tpu.memory_space<vmem_shared>> -> memref<10112x32xf32, #tpu.memory_space<vmem_shared>>
        %dma_wait3A_243 = tpu.memref_slice %arg15[%dma_wait3A_232] : memref<2x!tpu.dma_semaphore, #tpu.memory_space<semaphore_mem>> -> memref<1x!tpu.dma_semaphore, #tpu.memory_space<semaphore_mem>>
        %dma_wait3A_244 = tpu.memref_squeeze %dma_wait3A_243 : memref<1x!tpu.dma_semaphore, #tpu.memory_space<semaphore_mem>> -> memref<!tpu.dma_semaphore, #tpu.memory_space<semaphore_mem>>
        tpu.wait_indirect_dma semaphore(%dma_wait3A_244 : memref<!tpu.dma_semaphore, #tpu.memory_space<semaphore_mem>>) src(%dma_wait3A_236 : memref<128x32xf32, #tpu.memory_space<vmem>>) dst(%dma_wait3A_242 : memref<10112x32xf32, #tpu.memory_space<vmem_shared>>)
      } else {
      }
      %parallel_loop3A_152 = arith.constant 0 : i32
      %parallel_loop3A_153 = arith.constant 128 : i32
      %parallel_loop3A_154 = arith.constant 1 : i32
      scf.for %parallel_loop3A_230 = %parallel_loop3A_152 to %parallel_loop3A_153 step %parallel_loop3A_154  : i32 {
        %parallel_loop3A_231 = arith.constant 0 : i32
        %parallel_loop3A_232 = arith.index_cast %parallel_loop3A_231 : i32 to index
        %parallel_loop3A_233 = arith.index_cast %parallel_loop3A_230 : i32 to index
        %parallel_loop3A_234 = arith.constant 0 : index
        %parallel_loop3A_235 = tpu.vector_load %arg10[%parallel_loop3A_232, %parallel_loop3A_233, %parallel_loop3A_234] {strides = array<i32>} : memref<2x128x16xf32, #tpu.memory_space<vmem>>, vector<1x1x16xf32>,
        %parallel_loop3A_236 = vector.shape_cast %parallel_loop3A_235 : vector<1x1x16xf32> to vector<16xf32>
        %parallel_loop3A_237 = arith.constant 0 : i32
        %parallel_loop3A_238 = arith.index_cast %parallel_loop3A_237 : i32 to index
        %parallel_loop3A_239 = arith.index_cast %parallel_loop3A_230 : i32 to index
        %parallel_loop3A_240 = arith.constant 16 : index
        %parallel_loop3A_241 = tpu.vector_load %arg9[%parallel_loop3A_238, %parallel_loop3A_239, %parallel_loop3A_240] {strides = array<i32>} : memref<2x128x32xf32, #tpu.memory_space<vmem>>, vector<1x1x16xf32>,
        %parallel_loop3A_242 = vector.shape_cast %parallel_loop3A_241 : vector<1x1x16xf32> to vector<16xf32>
        %parallel_loop3A_243 = arith.addf %parallel_loop3A_242, %parallel_loop3A_236 : vector<16xf32>
        %parallel_loop3A_244 = arith.constant 0.000000e+00 : f32
        %parallel_loop3A_245 = vector.broadcast %parallel_loop3A_244 : f32 to vector<16xf32>
        %parallel_loop3A_246 = arith.cmpf oge, %parallel_loop3A_243, %parallel_loop3A_245 : vector<16xf32>
        %parallel_loop3A_247 = arith.constant 2.000000e-01 : f32
        %parallel_loop3A_248 = vector.broadcast %parallel_loop3A_247 : f32 to vector<16xf32>
        %parallel_loop3A_249 = arith.mulf %parallel_loop3A_248, %parallel_loop3A_243 : vector<16xf32>
        %parallel_loop3A_250 = arith.select %parallel_loop3A_246, %parallel_loop3A_243, %parallel_loop3A_249 : vector<16xi1>, vector<16xf32>
        %parallel_loop3A_251 = math.exp %parallel_loop3A_250 : vector<16xf32>
        %parallel_loop3A_252 = arith.constant 0 : i32
        %parallel_loop3A_253 = arith.index_cast %parallel_loop3A_252 : i32 to index
        %parallel_loop3A_254 = arith.index_cast %parallel_loop3A_230 : i32 to index
        %parallel_loop3A_255 = arith.constant 0 : index
        %parallel_loop3A_256 = tpu.vector_load %arg9[%parallel_loop3A_253, %parallel_loop3A_254, %parallel_loop3A_255] {strides = array<i32>} : memref<2x128x32xf32, #tpu.memory_space<vmem>>, vector<1x1x16xf32>,
        %parallel_loop3A_257 = vector.shape_cast %parallel_loop3A_256 : vector<1x1x16xf32> to vector<16xf32>
        %parallel_loop3A_258 = arith.mulf %parallel_loop3A_257, %parallel_loop3A_251 : vector<16xf32>
        %parallel_loop3A_259 = arith.constant 0 : i32
        %parallel_loop3A_260 = arith.index_cast %parallel_loop3A_259 : i32 to index
        %parallel_loop3A_261 = arith.index_cast %parallel_loop3A_230 : i32 to index
        %parallel_loop3A_262 = arith.constant 0 : index
        %parallel_loop3A_263 = tpu.vector_load %arg11[%parallel_loop3A_260, %parallel_loop3A_261, %parallel_loop3A_262] {strides = array<i32>} : memref<2x128x32xf32, #tpu.memory_space<vmem>>, vector<1x1x16xf32>,
        %parallel_loop3A_264 = vector.shape_cast %parallel_loop3A_263 : vector<1x1x16xf32> to vector<16xf32>
        %parallel_loop3A_265 = vector.shape_cast %parallel_loop3A_258 : vector<16xf32> to vector<1x1x16xf32>
        tpu.vector_store %arg11[%parallel_loop3A_260, %parallel_loop3A_261, %parallel_loop3A_262], %parallel_loop3A_265 {strides = array<i32>} : memref<2x128x32xf32, #tpu.memory_space<vmem>>, vector<1x1x16xf32>,
        %parallel_loop3A_266 = arith.constant 0 : i32
        %parallel_loop3A_267 = arith.index_cast %parallel_loop3A_266 : i32 to index
        %parallel_loop3A_268 = arith.index_cast %parallel_loop3A_230 : i32 to index
        %parallel_loop3A_269 = arith.constant 16 : index
        %parallel_loop3A_270 = tpu.vector_load %arg11[%parallel_loop3A_267, %parallel_loop3A_268, %parallel_loop3A_269] {strides = array<i32>} : memref<2x128x32xf32, #tpu.memory_space<vmem>>, vector<1x1x16xf32>,
        %parallel_loop3A_271 = vector.shape_cast %parallel_loop3A_270 : vector<1x1x16xf32> to vector<16xf32>
        %parallel_loop3A_272 = vector.shape_cast %parallel_loop3A_251 : vector<16xf32> to vector<1x1x16xf32>
        tpu.vector_store %arg11[%parallel_loop3A_267, %parallel_loop3A_268, %parallel_loop3A_269], %parallel_loop3A_272 {strides = array<i32>} : memref<2x128x32xf32, #tpu.memory_space<vmem>>, vector<1x1x16xf32>,
      } {sc.loop_unroll_factor = 8 : i64, sc.parallel_access}
      %dma_start3A_155 = arith.constant 0 : i32
      %dma_start3A_156 = arith.constant 0 : i32
      %dma_start3A_157 = arith.constant 0 : i32
      %dma_start3A_158 = arith.constant 0 : i32
      %dma_start3A_159 = tpu.memref_slice %arg11[%dma_start3A_155, %dma_start3A_157, %dma_start3A_158] : memref<2x128x32xf32, #tpu.memory_space<vmem>> -> memref<1x128x32xf32, #tpu.memory_space<vmem>>
      %dma_start3A_160 = tpu.memref_squeeze %dma_start3A_159 : memref<1x128x32xf32, #tpu.memory_space<vmem>> -> memref<128x32xf32, #tpu.memory_space<vmem>>
      %dma_start3A_161 = arith.constant 0 : i32
      %dma_start3A_162 = tpu.memref_slice %arg8[%add3A_112, %dma_start3A_161] : memref<82x128xi32, #tpu.memory_space<vmem>> -> memref<1x128xi32, #tpu.memory_space<vmem>>
      %dma_start3A_163 = tpu.memref_squeeze %dma_start3A_162 : memref<1x128xi32, #tpu.memory_space<vmem>> -> memref<128xi32, #tpu.memory_space<vmem>>
      %dma_start3A_164 = arith.constant 0 : i32
      %dma_start3A_165 = arith.constant 0 : i32
      %dma_start3A_166 = tpu.memref_slice %arg12[%dma_start3A_164, %dma_start3A_165] : memref<10112x32xf32, #tpu.memory_space<vmem_shared>> -> memref<10112x32xf32, #tpu.memory_space<vmem_shared>>
      %dma_start3A_167 = tpu.memref_slice %arg15[%dma_start3A_156] : memref<2x!tpu.dma_semaphore, #tpu.memory_space<semaphore_mem>> -> memref<1x!tpu.dma_semaphore, #tpu.memory_space<semaphore_mem>>
      %dma_start3A_168 = tpu.memref_squeeze %dma_start3A_167 : memref<1x!tpu.dma_semaphore, #tpu.memory_space<semaphore_mem>> -> memref<!tpu.dma_semaphore, #tpu.memory_space<semaphore_mem>>
      tpu.enqueue_indirect_dma source(%dma_start3A_160 : memref<128x32xf32, #tpu.memory_space<vmem>>) target(%dma_start3A_166 : memref<10112x32xf32, #tpu.memory_space<vmem_shared>>) offsets(%dma_start3A_163 : memref<128xi32, #tpu.memory_space<vmem>>) semaphore(%dma_start3A_168 : memref<!tpu.dma_semaphore, #tpu.memory_space<semaphore_mem>>) {add = true}
      %mul3A_169 = arith.constant 2 : i32
      %mul3A_170 = arith.muli %mul3A_169, %scan3A_108 : i32
      %add3A_171 = arith.constant 1 : i32
      %add3A_172 = arith.addi %mul3A_170, %add3A_171 : i32
      %add3A_173 = arith.constant 1 : i32
      %add3A_174 = arith.addi %add3A_172, %add3A_173 : i32
      %lt3A_175 = arith.constant 82 : i32
      %lt3A_176 = arith.cmpi slt, %add3A_174, %lt3A_175 : i32
      %convert_element_type3A_177 = arith.extui %lt3A_176 : i1 to i32
      %cond3A_178 = arith.constant 0 : i32
      %cond3A_179 = arith.cmpi ne, %convert_element_type3A_177, %cond3A_178 : i32
      scf.if %cond3A_179 {
        %add3A_230 = arith.constant 1 : i32
        %add3A_231 = arith.addi %add3A_172, %add3A_230 : i32
        %dma_start3A_232 = arith.constant 0 : i32
        %dma_start3A_233 = arith.constant 0 : i32
        %dma_start3A_234 = arith.constant 0 : i32
        %dma_start3A_235 = arith.constant 0 : i32
        %dma_start3A_236 = tpu.memref_slice %arg9[%dma_start3A_232, %dma_start3A_234, %dma_start3A_235] : memref<2x128x32xf32, #tpu.memory_space<vmem>> -> memref<1x128x32xf32, #tpu.memory_space<vmem>>
        %dma_start3A_237 = tpu.memref_squeeze %dma_start3A_236 : memref<1x128x32xf32, #tpu.memory_space<vmem>> -> memref<128x32xf32, #tpu.memory_space<vmem>>
        %dma_start3A_238 = arith.constant 0 : i32
        %dma_start3A_239 = tpu.memref_slice %arg7[%add3A_231, %dma_start3A_238] : memref<82x128xi32, #tpu.memory_space<vmem>> -> memref<1x128xi32, #tpu.memory_space<vmem>>
        %dma_start3A_240 = tpu.memref_squeeze %dma_start3A_239 : memref<1x128xi32, #tpu.memory_space<vmem>> -> memref<128xi32, #tpu.memory_space<vmem>>
        %dma_start3A_241 = arith.constant 0 : i32
        %dma_start3A_242 = arith.constant 0 : i32
        %dma_start3A_243 = tpu.memref_slice %arg2[%dma_start3A_241, %dma_start3A_242] : memref<10112x32xf32, #tpu.memory_space<hbm>> -> memref<10112x32xf32, #tpu.memory_space<hbm>>
        %dma_start3A_244 = tpu.memref_slice %arg13[%dma_start3A_233] : memref<2x!tpu.dma_semaphore, #tpu.memory_space<semaphore_mem>> -> memref<1x!tpu.dma_semaphore, #tpu.memory_space<semaphore_mem>>
        %dma_start3A_245 = tpu.memref_squeeze %dma_start3A_244 : memref<1x!tpu.dma_semaphore, #tpu.memory_space<semaphore_mem>> -> memref<!tpu.dma_semaphore, #tpu.memory_space<semaphore_mem>>
        tpu.enqueue_indirect_dma source(%dma_start3A_243 : memref<10112x32xf32, #tpu.memory_space<hbm>>) target(%dma_start3A_237 : memref<128x32xf32, #tpu.memory_space<vmem>>) offsets(%dma_start3A_240 : memref<128xi32, #tpu.memory_space<vmem>>) semaphore(%dma_start3A_245 : memref<!tpu.dma_semaphore, #tpu.memory_space<semaphore_mem>>)
        %dma_start3A_246 = arith.constant 0 : i32
        %dma_start3A_247 = arith.constant 0 : i32
        %dma_start3A_248 = arith.constant 0 : i32
        %dma_start3A_249 = arith.constant 0 : i32
        %dma_start3A_250 = tpu.memref_slice %arg10[%dma_start3A_246, %dma_start3A_248, %dma_start3A_249] : memref<2x128x16xf32, #tpu.memory_space<vmem>> -> memref<1x128x16xf32, #tpu.memory_space<vmem>>
        %dma_start3A_251 = tpu.memref_squeeze %dma_start3A_250 : memref<1x128x16xf32, #tpu.memory_space<vmem>> -> memref<128x16xf32, #tpu.memory_space<vmem>>
        %dma_start3A_252 = arith.constant 0 : i32
        %dma_start3A_253 = tpu.memref_slice %arg8[%add3A_231, %dma_start3A_252] : memref<82x128xi32, #tpu.memory_space<vmem>> -> memref<1x128xi32, #tpu.memory_space<vmem>>
        %dma_start3A_254 = tpu.memref_squeeze %dma_start3A_253 : memref<1x128xi32, #tpu.memory_space<vmem>> -> memref<128xi32, #tpu.memory_space<vmem>>
        %dma_start3A_255 = arith.constant 0 : i32
        %dma_start3A_256 = arith.constant 0 : i32
        %dma_start3A_257 = tpu.memref_slice %arg3[%dma_start3A_255, %dma_start3A_256] : memref<10112x16xf32, #tpu.memory_space<hbm>> -> memref<10112x16xf32, #tpu.memory_space<hbm>>
        %dma_start3A_258 = tpu.memref_slice %arg14[%dma_start3A_247] : memref<2x!tpu.dma_semaphore, #tpu.memory_space<semaphore_mem>> -> memref<1x!tpu.dma_semaphore, #tpu.memory_space<semaphore_mem>>
        %dma_start3A_259 = tpu.memref_squeeze %dma_start3A_258 : memref<1x!tpu.dma_semaphore, #tpu.memory_space<semaphore_mem>> -> memref<!tpu.dma_semaphore, #tpu.memory_space<semaphore_mem>>
        tpu.enqueue_indirect_dma source(%dma_start3A_257 : memref<10112x16xf32, #tpu.memory_space<hbm>>) target(%dma_start3A_251 : memref<128x16xf32, #tpu.memory_space<vmem>>) offsets(%dma_start3A_254 : memref<128xi32, #tpu.memory_space<vmem>>) semaphore(%dma_start3A_259 : memref<!tpu.dma_semaphore, #tpu.memory_space<semaphore_mem>>)
      } else {
      }
      %dma_wait3A_180 = arith.constant 1 : i32
      %dma_wait3A_181 = arith.constant 1 : i32
      %dma_wait3A_182 = arith.constant 0 : i32
      %dma_wait3A_183 = arith.constant 0 : i32
      %dma_wait3A_184 = tpu.memref_slice %arg9[%dma_wait3A_180, %dma_wait3A_182, %dma_wait3A_183] : memref<2x128x32xf32, #tpu.memory_space<vmem>> -> memref<1x128x32xf32, #tpu.memory_space<vmem>>
      %dma_wait3A_185 = tpu.memref_squeeze %dma_wait3A_184 : memref<1x128x32xf32, #tpu.memory_space<vmem>> -> memref<128x32xf32, #tpu.memory_space<vmem>>
      %dma_wait3A_186 = arith.constant 0 : i32
      %dma_wait3A_187 = tpu.memref_slice %arg7[%add3A_172, %dma_wait3A_186] : memref<82x128xi32, #tpu.memory_space<vmem>> -> memref<1x128xi32, #tpu.memory_space<vmem>>
      %dma_wait3A_188 = tpu.memref_squeeze %dma_wait3A_187 : memref<1x128xi32, #tpu.memory_space<vmem>> -> memref<128xi32, #tpu.memory_space<vmem>>
      %dma_wait3A_189 = arith.constant 0 : i32
      %dma_wait3A_190 = arith.constant 0 : i32
      %dma_wait3A_191 = tpu.memref_slice %arg2[%dma_wait3A_189, %dma_wait3A_190] : memref<10112x32xf32, #tpu.memory_space<hbm>> -> memref<10112x32xf32, #tpu.memory_space<hbm>>
      %dma_wait3A_192 = tpu.memref_slice %arg13[%dma_wait3A_181] : memref<2x!tpu.dma_semaphore, #tpu.memory_space<semaphore_mem>> -> memref<1x!tpu.dma_semaphore, #tpu.memory_space<semaphore_mem>>
      %dma_wait3A_193 = tpu.memref_squeeze %dma_wait3A_192 : memref<1x!tpu.dma_semaphore, #tpu.memory_space<semaphore_mem>> -> memref<!tpu.dma_semaphore, #tpu.memory_space<semaphore_mem>>
      tpu.wait_indirect_dma semaphore(%dma_wait3A_193 : memref<!tpu.dma_semaphore, #tpu.memory_space<semaphore_mem>>) src(%dma_wait3A_191 : memref<10112x32xf32, #tpu.memory_space<hbm>>) dst(%dma_wait3A_185 : memref<128x32xf32, #tpu.memory_space<vmem>>)
      %dma_wait3A_194 = arith.constant 1 : i32
      %dma_wait3A_195 = arith.constant 1 : i32
      %dma_wait3A_196 = arith.constant 0 : i32
      %dma_wait3A_197 = arith.constant 0 : i32
      %dma_wait3A_198 = tpu.memref_slice %arg10[%dma_wait3A_194, %dma_wait3A_196, %dma_wait3A_197] : memref<2x128x16xf32, #tpu.memory_space<vmem>> -> memref<1x128x16xf32, #tpu.memory_space<vmem>>
      %dma_wait3A_199 = tpu.memref_squeeze %dma_wait3A_198 : memref<1x128x16xf32, #tpu.memory_space<vmem>> -> memref<128x16xf32, #tpu.memory_space<vmem>>
      %dma_wait3A_200 = arith.constant 0 : i32
      %dma_wait3A_201 = tpu.memref_slice %arg8[%add3A_172, %dma_wait3A_200] : memref<82x128xi32, #tpu.memory_space<vmem>> -> memref<1x128xi32, #tpu.memory_space<vmem>>
      %dma_wait3A_202 = tpu.memref_squeeze %dma_wait3A_201 : memref<1x128xi32, #tpu.memory_space<vmem>> -> memref<128xi32, #tpu.memory_space<vmem>>
      %dma_wait3A_203 = arith.constant 0 : i32
      %dma_wait3A_204 = arith.constant 0 : i32
      %dma_wait3A_205 = tpu.memref_slice %arg3[%dma_wait3A_203, %dma_wait3A_204] : memref<10112x16xf32, #tpu.memory_space<hbm>> -> memref<10112x16xf32, #tpu.memory_space<hbm>>
      %dma_wait3A_206 = tpu.memref_slice %arg14[%dma_wait3A_195] : memref<2x!tpu.dma_semaphore, #tpu.memory_space<semaphore_mem>> -> memref<1x!tpu.dma_semaphore, #tpu.memory_space<semaphore_mem>>
      %dma_wait3A_207 = tpu.memref_squeeze %dma_wait3A_206 : memref<1x!tpu.dma_semaphore, #tpu.memory_space<semaphore_mem>> -> memref<!tpu.dma_semaphore, #tpu.memory_space<semaphore_mem>>
      tpu.wait_indirect_dma semaphore(%dma_wait3A_207 : memref<!tpu.dma_semaphore, #tpu.memory_space<semaphore_mem>>) src(%dma_wait3A_205 : memref<10112x16xf32, #tpu.memory_space<hbm>>) dst(%dma_wait3A_199 : memref<128x16xf32, #tpu.memory_space<vmem>>)
      %ge3A_208 = arith.constant 2 : i32
      %ge3A_209 = arith.cmpi sge, %add3A_172, %ge3A_208 : i32
      %convert_element_type3A_210 = arith.extui %ge3A_209 : i1 to i32
      %cond3A_211 = arith.constant 0 : i32
      %cond3A_212 = arith.cmpi ne, %convert_element_type3A_210, %cond3A_211 : i32
      scf.if %cond3A_212 {
        %sub3A = arith.constant 2 : i32
        %sub3A_230 = arith.subi %add3A_172, %sub3A : i32
        %dma_wait3A_231 = arith.constant 1 : i32
        %dma_wait3A_232 = arith.constant 1 : i32
        %dma_wait3A_233 = arith.constant 0 : i32
        %dma_wait3A_234 = arith.constant 0 : i32
        %dma_wait3A_235 = tpu.memref_slice %arg11[%dma_wait3A_231, %dma_wait3A_233, %dma_wait3A_234] : memref<2x128x32xf32, #tpu.memory_space<vmem>> -> memref<1x128x32xf32, #tpu.memory_space<vmem>>
        %dma_wait3A_236 = tpu.memref_squeeze %dma_wait3A_235 : memref<1x128x32xf32, #tpu.memory_space<vmem>> -> memref<128x32xf32, #tpu.memory_space<vmem>>
        %dma_wait3A_237 = arith.constant 0 : i32
        %dma_wait3A_238 = tpu.memref_slice %arg8[%sub3A_230, %dma_wait3A_237] : memref<82x128xi32, #tpu.memory_space<vmem>> -> memref<1x128xi32, #tpu.memory_space<vmem>>
        %dma_wait3A_239 = tpu.memref_squeeze %dma_wait3A_238 : memref<1x128xi32, #tpu.memory_space<vmem>> -> memref<128xi32, #tpu.memory_space<vmem>>
        %dma_wait3A_240 = arith.constant 0 : i32
        %dma_wait3A_241 = arith.constant 0 : i32
        %dma_wait3A_242 = tpu.memref_slice %arg12[%dma_wait3A_240, %dma_wait3A_241] : memref<10112x32xf32, #tpu.memory_space<vmem_shared>> -> memref<10112x32xf32, #tpu.memory_space<vmem_shared>>
        %dma_wait3A_243 = tpu.memref_slice %arg15[%dma_wait3A_232] : memref<2x!tpu.dma_semaphore, #tpu.memory_space<semaphore_mem>> -> memref<1x!tpu.dma_semaphore, #tpu.memory_space<semaphore_mem>>
        %dma_wait3A_244 = tpu.memref_squeeze %dma_wait3A_243 : memref<1x!tpu.dma_semaphore, #tpu.memory_space<semaphore_mem>> -> memref<!tpu.dma_semaphore, #tpu.memory_space<semaphore_mem>>
        tpu.wait_indirect_dma semaphore(%dma_wait3A_244 : memref<!tpu.dma_semaphore, #tpu.memory_space<semaphore_mem>>) src(%dma_wait3A_236 : memref<128x32xf32, #tpu.memory_space<vmem>>) dst(%dma_wait3A_242 : memref<10112x32xf32, #tpu.memory_space<vmem_shared>>)
      } else {
      }
      %parallel_loop3A_213 = arith.constant 0 : i32
      %parallel_loop3A_214 = arith.constant 128 : i32
      %parallel_loop3A_215 = arith.constant 1 : i32
      scf.for %parallel_loop3A_230 = %parallel_loop3A_213 to %parallel_loop3A_214 step %parallel_loop3A_215  : i32 {
        %parallel_loop3A_231 = arith.constant 1 : i32
        %parallel_loop3A_232 = arith.index_cast %parallel_loop3A_231 : i32 to index
        %parallel_loop3A_233 = arith.index_cast %parallel_loop3A_230 : i32 to index
        %parallel_loop3A_234 = arith.constant 0 : index
        %parallel_loop3A_235 = tpu.vector_load %arg10[%parallel_loop3A_232, %parallel_loop3A_233, %parallel_loop3A_234] {strides = array<i32>} : memref<2x128x16xf32, #tpu.memory_space<vmem>>, vector<1x1x16xf32>,
        %parallel_loop3A_236 = vector.shape_cast %parallel_loop3A_235 : vector<1x1x16xf32> to vector<16xf32>
        %parallel_loop3A_237 = arith.constant 1 : i32
        %parallel_loop3A_238 = arith.index_cast %parallel_loop3A_237 : i32 to index
        %parallel_loop3A_239 = arith.index_cast %parallel_loop3A_230 : i32 to index
        %parallel_loop3A_240 = arith.constant 16 : index
        %parallel_loop3A_241 = tpu.vector_load %arg9[%parallel_loop3A_238, %parallel_loop3A_239, %parallel_loop3A_240] {strides = array<i32>} : memref<2x128x32xf32, #tpu.memory_space<vmem>>, vector<1x1x16xf32>,
        %parallel_loop3A_242 = vector.shape_cast %parallel_loop3A_241 : vector<1x1x16xf32> to vector<16xf32>
        %parallel_loop3A_243 = arith.addf %parallel_loop3A_242, %parallel_loop3A_236 : vector<16xf32>
        %parallel_loop3A_244 = arith.constant 0.000000e+00 : f32
        %parallel_loop3A_245 = vector.broadcast %parallel_loop3A_244 : f32 to vector<16xf32>
        %parallel_loop3A_246 = arith.cmpf oge, %parallel_loop3A_243, %parallel_loop3A_245 : vector<16xf32>
        %parallel_loop3A_247 = arith.constant 2.000000e-01 : f32
        %parallel_loop3A_248 = vector.broadcast %parallel_loop3A_247 : f32 to vector<16xf32>
        %parallel_loop3A_249 = arith.mulf %parallel_loop3A_248, %parallel_loop3A_243 : vector<16xf32>
        %parallel_loop3A_250 = arith.select %parallel_loop3A_246, %parallel_loop3A_243, %parallel_loop3A_249 : vector<16xi1>, vector<16xf32>
        %parallel_loop3A_251 = math.exp %parallel_loop3A_250 : vector<16xf32>
        %parallel_loop3A_252 = arith.constant 1 : i32
        %parallel_loop3A_253 = arith.index_cast %parallel_loop3A_252 : i32 to index
        %parallel_loop3A_254 = arith.index_cast %parallel_loop3A_230 : i32 to index
        %parallel_loop3A_255 = arith.constant 0 : index
        %parallel_loop3A_256 = tpu.vector_load %arg9[%parallel_loop3A_253, %parallel_loop3A_254, %parallel_loop3A_255] {strides = array<i32>} : memref<2x128x32xf32, #tpu.memory_space<vmem>>, vector<1x1x16xf32>,
        %parallel_loop3A_257 = vector.shape_cast %parallel_loop3A_256 : vector<1x1x16xf32> to vector<16xf32>
        %parallel_loop3A_258 = arith.mulf %parallel_loop3A_257, %parallel_loop3A_251 : vector<16xf32>
        %parallel_loop3A_259 = arith.constant 1 : i32
        %parallel_loop3A_260 = arith.index_cast %parallel_loop3A_259 : i32 to index
        %parallel_loop3A_261 = arith.index_cast %parallel_loop3A_230 : i32 to index
        %parallel_loop3A_262 = arith.constant 0 : index
        %parallel_loop3A_263 = tpu.vector_load %arg11[%parallel_loop3A_260, %parallel_loop3A_261, %parallel_loop3A_262] {strides = array<i32>} : memref<2x128x32xf32, #tpu.memory_space<vmem>>, vector<1x1x16xf32>,
        %parallel_loop3A_264 = vector.shape_cast %parallel_loop3A_263 : vector<1x1x16xf32> to vector<16xf32>
        %parallel_loop3A_265 = vector.shape_cast %parallel_loop3A_258 : vector<16xf32> to vector<1x1x16xf32>
        tpu.vector_store %arg11[%parallel_loop3A_260, %parallel_loop3A_261, %parallel_loop3A_262], %parallel_loop3A_265 {strides = array<i32>} : memref<2x128x32xf32, #tpu.memory_space<vmem>>, vector<1x1x16xf32>,
        %parallel_loop3A_266 = arith.constant 1 : i32
        %parallel_loop3A_267 = arith.index_cast %parallel_loop3A_266 : i32 to index
        %parallel_loop3A_268 = arith.index_cast %parallel_loop3A_230 : i32 to index
        %parallel_loop3A_269 = arith.constant 16 : index
        %parallel_loop3A_270 = tpu.vector_load %arg11[%parallel_loop3A_267, %parallel_loop3A_268, %parallel_loop3A_269] {strides = array<i32>} : memref<2x128x32xf32, #tpu.memory_space<vmem>>, vector<1x1x16xf32>,
        %parallel_loop3A_271 = vector.shape_cast %parallel_loop3A_270 : vector<1x1x16xf32> to vector<16xf32>
        %parallel_loop3A_272 = vector.shape_cast %parallel_loop3A_251 : vector<16xf32> to vector<1x1x16xf32>
        tpu.vector_store %arg11[%parallel_loop3A_267, %parallel_loop3A_268, %parallel_loop3A_269], %parallel_loop3A_272 {strides = array<i32>} : memref<2x128x32xf32, #tpu.memory_space<vmem>>, vector<1x1x16xf32>,
      } {sc.loop_unroll_factor = 8 : i64, sc.parallel_access}
      %dma_start3A_216 = arith.constant 1 : i32
      %dma_start3A_217 = arith.constant 1 : i32
      %dma_start3A_218 = arith.constant 0 : i32
      %dma_start3A_219 = arith.constant 0 : i32
      %dma_start3A_220 = tpu.memref_slice %arg11[%dma_start3A_216, %dma_start3A_218, %dma_start3A_219] : memref<2x128x32xf32, #tpu.memory_space<vmem>> -> memref<1x128x32xf32, #tpu.memory_space<vmem>>
      %dma_start3A_221 = tpu.memref_squeeze %dma_start3A_220 : memref<1x128x32xf32, #tpu.memory_space<vmem>> -> memref<128x32xf32, #tpu.memory_space<vmem>>
      %dma_start3A_222 = arith.constant 0 : i32
      %dma_start3A_223 = tpu.memref_slice %arg8[%add3A_172, %dma_start3A_222] : memref<82x128xi32, #tpu.memory_space<vmem>> -> memref<1x128xi32, #tpu.memory_space<vmem>>
      %dma_start3A_224 = tpu.memref_squeeze %dma_start3A_223 : memref<1x128xi32, #tpu.memory_space<vmem>> -> memref<128xi32, #tpu.memory_space<vmem>>
      %dma_start3A_225 = arith.constant 0 : i32
      %dma_start3A_226 = arith.constant 0 : i32
      %dma_start3A_227 = tpu.memref_slice %arg12[%dma_start3A_225, %dma_start3A_226] : memref<10112x32xf32, #tpu.memory_space<vmem_shared>> -> memref<10112x32xf32, #tpu.memory_space<vmem_shared>>
      %dma_start3A_228 = tpu.memref_slice %arg15[%dma_start3A_217] : memref<2x!tpu.dma_semaphore, #tpu.memory_space<semaphore_mem>> -> memref<1x!tpu.dma_semaphore, #tpu.memory_space<semaphore_mem>>
      %dma_start3A_229 = tpu.memref_squeeze %dma_start3A_228 : memref<1x!tpu.dma_semaphore, #tpu.memory_space<semaphore_mem>> -> memref<!tpu.dma_semaphore, #tpu.memory_space<semaphore_mem>>
      tpu.enqueue_indirect_dma source(%dma_start3A_221 : memref<128x32xf32, #tpu.memory_space<vmem>>) target(%dma_start3A_227 : memref<10112x32xf32, #tpu.memory_space<vmem_shared>>) offsets(%dma_start3A_224 : memref<128xi32, #tpu.memory_space<vmem>>) semaphore(%dma_start3A_229 : memref<!tpu.dma_semaphore, #tpu.memory_space<semaphore_mem>>) {add = true}
    }
    %scan3A_77 = arith.constant 41 : i32
    %dma_wait3A = arith.constant 0 : i32
    %dma_wait3A_78 = arith.constant 80 : i32
    %dma_wait3A_79 = arith.constant 0 : i32
    %dma_wait3A_80 = arith.constant 0 : i32
    %dma_wait3A_81 = arith.constant 0 : i32
    %dma_wait3A_82 = tpu.memref_slice %arg11[%dma_wait3A, %dma_wait3A_80, %dma_wait3A_81] : memref<2x128x32xf32, #tpu.memory_space<vmem>> -> memref<1x128x32xf32, #tpu.memory_space<vmem>>
    %dma_wait3A_83 = tpu.memref_squeeze %dma_wait3A_82 : memref<1x128x32xf32, #tpu.memory_space<vmem>> -> memref<128x32xf32, #tpu.memory_space<vmem>>
    %dma_wait3A_84 = arith.constant 0 : i32
    %dma_wait3A_85 = tpu.memref_slice %arg8[%dma_wait3A_78, %dma_wait3A_84] : memref<82x128xi32, #tpu.memory_space<vmem>> -> memref<1x128xi32, #tpu.memory_space<vmem>>
    %dma_wait3A_86 = tpu.memref_squeeze %dma_wait3A_85 : memref<1x128xi32, #tpu.memory_space<vmem>> -> memref<128xi32, #tpu.memory_space<vmem>>
    %dma_wait3A_87 = arith.constant 0 : i32
    %dma_wait3A_88 = arith.constant 0 : i32
    %dma_wait3A_89 = tpu.memref_slice %arg12[%dma_wait3A_87, %dma_wait3A_88] : memref<10112x32xf32, #tpu.memory_space<vmem_shared>> -> memref<10112x32xf32, #tpu.memory_space<vmem_shared>>
    %dma_wait3A_90 = tpu.memref_slice %arg15[%dma_wait3A_79] : memref<2x!tpu.dma_semaphore, #tpu.memory_space<semaphore_mem>> -> memref<1x!tpu.dma_semaphore, #tpu.memory_space<semaphore_mem>>
    %dma_wait3A_91 = tpu.memref_squeeze %dma_wait3A_90 : memref<1x!tpu.dma_semaphore, #tpu.memory_space<semaphore_mem>> -> memref<!tpu.dma_semaphore, #tpu.memory_space<semaphore_mem>>
    tpu.wait_indirect_dma semaphore(%dma_wait3A_91 : memref<!tpu.dma_semaphore, #tpu.memory_space<semaphore_mem>>) src(%dma_wait3A_83 : memref<128x32xf32, #tpu.memory_space<vmem>>) dst(%dma_wait3A_89 : memref<10112x32xf32, #tpu.memory_space<vmem_shared>>)
    %dma_wait3A_92 = arith.constant 1 : i32
    %dma_wait3A_93 = arith.constant 81 : i32
    %dma_wait3A_94 = arith.constant 1 : i32
    %dma_wait3A_95 = arith.constant 0 : i32
    %dma_wait3A_96 = arith.constant 0 : i32
    %dma_wait3A_97 = tpu.memref_slice %arg11[%dma_wait3A_92, %dma_wait3A_95, %dma_wait3A_96] : memref<2x128x32xf32, #tpu.memory_space<vmem>> -> memref<1x128x32xf32, #tpu.memory_space<vmem>>
    %dma_wait3A_98 = tpu.memref_squeeze %dma_wait3A_97 : memref<1x128x32xf32, #tpu.memory_space<vmem>> -> memref<128x32xf32, #tpu.memory_space<vmem>>
    %dma_wait3A_99 = arith.constant 0 : i32
    %dma_wait3A_100 = tpu.memref_slice %arg8[%dma_wait3A_93, %dma_wait3A_99] : memref<82x128xi32, #tpu.memory_space<vmem>> -> memref<1x128xi32, #tpu.memory_space<vmem>>
    %dma_wait3A_101 = tpu.memref_squeeze %dma_wait3A_100 : memref<1x128xi32, #tpu.memory_space<vmem>> -> memref<128xi32, #tpu.memory_space<vmem>>
    %dma_wait3A_102 = arith.constant 0 : i32
    %dma_wait3A_103 = arith.constant 0 : i32
    %dma_wait3A_104 = tpu.memref_slice %arg12[%dma_wait3A_102, %dma_wait3A_103] : memref<10112x32xf32, #tpu.memory_space<vmem_shared>> -> memref<10112x32xf32, #tpu.memory_space<vmem_shared>>
    %dma_wait3A_105 = tpu.memref_slice %arg15[%dma_wait3A_94] : memref<2x!tpu.dma_semaphore, #tpu.memory_space<semaphore_mem>> -> memref<1x!tpu.dma_semaphore, #tpu.memory_space<semaphore_mem>>
    %dma_wait3A_106 = tpu.memref_squeeze %dma_wait3A_105 : memref<1x!tpu.dma_semaphore, #tpu.memory_space<semaphore_mem>> -> memref<!tpu.dma_semaphore, #tpu.memory_space<semaphore_mem>>
    tpu.wait_indirect_dma semaphore(%dma_wait3A_106 : memref<!tpu.dma_semaphore, #tpu.memory_space<semaphore_mem>>) src(%dma_wait3A_98 : memref<128x32xf32, #tpu.memory_space<vmem>>) dst(%dma_wait3A_104 : memref<10112x32xf32, #tpu.memory_space<vmem_shared>>)
    %barrier3A_107 = arith.constant 0 : index
    tpu.barrier barrier_id(%barrier3A_107)
    "tpu.region"() ({
      %run_scoped3A_108 = tpu.sem_alloc : memref<!tpu.dma_semaphore, #tpu.memory_space<semaphore_mem>>
      %dma_start3A_109 = arith.constant 0 : i32
      %dma_start3A_110 = tpu.memref_slice %arg6[%arg0, %multiple_of3A, %dma_start3A_109] : memref<2x10112x32xf32, #tpu.memory_space<hbm>> -> memref<1x632x32xf32, #tpu.memory_space<hbm>>
      %dma_start3A_111 = tpu.memref_squeeze %dma_start3A_110 : memref<1x632x32xf32, #tpu.memory_space<hbm>> -> memref<632x32xf32, #tpu.memory_space<hbm>>
      %dma_start3A_112 = arith.constant 0 : i32
      %dma_start3A_113 = tpu.memref_slice %arg12[%multiple_of3A, %dma_start3A_112] : memref<10112x32xf32, #tpu.memory_space<vmem_shared>> -> memref<632x32xf32, #tpu.memory_space<vmem_shared>>
      tpu.enqueue_dma source(%dma_start3A_113 : memref<632x32xf32, #tpu.memory_space<vmem_shared>>) target(%dma_start3A_111 : memref<632x32xf32, #tpu.memory_space<hbm>>) target_semaphore(%run_scoped3A_108 : memref<!tpu.dma_semaphore, #tpu.memory_space<semaphore_mem>>)
      %dma_wait3A_114 = arith.constant 0 : i32
      %dma_wait3A_115 = tpu.memref_slice %arg6[%arg0, %multiple_of3A, %dma_wait3A_114] : memref<2x10112x32xf32, #tpu.memory_space<hbm>> -> memref<1x632x32xf32, #tpu.memory_space<hbm>>
      %dma_wait3A_116 = tpu.memref_squeeze %dma_wait3A_115 : memref<1x632x32xf32, #tpu.memory_space<hbm>> -> memref<632x32xf32, #tpu.memory_space<hbm>>
      %dma_wait3A_117 = arith.constant 0 : i32
      %dma_wait3A_118 = tpu.memref_slice %arg12[%multiple_of3A, %dma_wait3A_117] : memref<10112x32xf32, #tpu.memory_space<vmem_shared>> -> memref<632x32xf32, #tpu.memory_space<vmem_shared>>
      tpu.wait_dma2 semaphore(%run_scoped3A_108 : memref<!tpu.dma_semaphore, #tpu.memory_space<semaphore_mem>>) src(%dma_wait3A_118 : memref<632x32xf32, #tpu.memory_space<vmem_shared>>) dst(%dma_wait3A_116 : memref<632x32xf32, #tpu.memory_space<hbm>>)
      tpu.yield
    }) : () -> ()
    return
  }
}

module attributes {stable_mosaic.version = 14 : i64} {
  func.func @_mm_body(%arg0: i32, %arg1: memref<1000x128xf32, #tpu.memory_space<vmem>>, %arg2: memref<128x64xf32, #tpu.memory_space<vmem>>, %arg3: memref<64x96xf32, #tpu.memory_space<vmem>>, %arg4: memref<1000x80xf32, #tpu.memory_space<vmem>>, %arg5: memref<1000x16xf32, #tpu.memory_space<vmem>>) attributes {dimension_semantics = [#tpu.dimension_semantics<arbitrary>], iteration_bounds = array<i64: 10>, scalar_prefetch = 0 : i64, scratch_operands = 0 : i64, tpu.core_type = #tpu.core_type<tc>, window_params = [{transform_indices = @transform_0, window_bounds = array<i64: 1000, 128>}, {pipeline_mode = #tpu.pipeline_mode<synchronous>, transform_indices = @transform_1, window_bounds = array<i64: 128, 64>}, {pipeline_mode = #tpu.pipeline_mode<synchronous>, transform_indices = @transform_2, window_bounds = array<i64: 64, 96>}, {transform_indices = @transform_3, window_bounds = array<i64: 1000, 80>}, {transform_indices = @transform_4, window_bounds = array<i64: 1000, 16>}]} {
    %get3A = arith.constant 0 : index
    %get3A_0 = arith.constant 0 : index
    %get3A_1 = vector.load %arg2[%get3A, %get3A_0] : memref<128x64xf32, #tpu.memory_space<vmem>>, vector<128x64xf32>
    %get3A_2 = arith.constant 0 : index
    %get3A_3 = arith.constant 0 : index
    %get3A_4 = vector.load %arg3[%get3A_2, %get3A_3] : memref<64x96xf32, #tpu.memory_space<vmem>>, vector<64x96xf32>
    %dot_general3A = arith.constant dense<0.000000e+00> : vector<128x96xf32>
    %dot_general3A_5 = tpu.matmul %get3A_1, %get3A_4, %dot_general3A {dimension_numbers = #tpu.dot_dimension_numbers<[1], [0], [0], [1], [0, 0, 1, 1], [], []>, transpose_lhs_hint = false} : vector<128x64xf32>, vector<64x96xf32>, vector<128x96xf32> -> vector<128x96xf32>
    %get3A_6 = arith.constant 0 : index
    %get3A_7 = arith.constant 0 : index
    %get3A_8 = vector.load %arg1[%get3A_6, %get3A_7] : memref<1000x128xf32, #tpu.memory_space<vmem>>, vector<1000x128xf32>
    %dot_general3A_9 = arith.constant dense<0.000000e+00> : vector<1000x96xf32>
    %dot_general3A_10 = tpu.matmul %get3A_8, %dot_general3A_5, %dot_general3A_9 {dimension_numbers = #tpu.dot_dimension_numbers<[1], [0], [0], [1], [0, 0, 1, 1], [], []>, transpose_lhs_hint = false} : vector<1000x128xf32>, vector<128x96xf32>, vector<1000x96xf32> -> vector<1000x96xf32>
    %slice3A = vector.extract_strided_slice %dot_general3A_10 {offsets = [0, 0], sizes = [1000, 80], strides = [1, 1]} : vector<1000x96xf32> to vector<1000x80xf32>
    %swap3A = arith.constant 0 : index
    %swap3A_11 = arith.constant 0 : index
    %swap3A_12 = vector.load %arg4[%swap3A, %swap3A_11] : memref<1000x80xf32, #tpu.memory_space<vmem>>, vector<1000x80xf32>
    tpu.vector_store %arg4[%swap3A, %swap3A_11], %slice3A {strides = array<i32>} : memref<1000x80xf32, #tpu.memory_space<vmem>>, vector<1000x80xf32>,
    %slice3A_13 = vector.extract_strided_slice %dot_general3A_10 {offsets = [0, 80], sizes = [1000, 16], strides = [1, 1]} : vector<1000x96xf32> to vector<1000x16xf32>
    %swap3A_14 = arith.constant 0 : index
    %swap3A_15 = arith.constant 0 : index
    %swap3A_16 = vector.load %arg5[%swap3A_14, %swap3A_15] : memref<1000x16xf32, #tpu.memory_space<vmem>>, vector<1000x16xf32>
    tpu.vector_store %arg5[%swap3A_14, %swap3A_15], %slice3A_13 {strides = array<i32>} : memref<1000x16xf32, #tpu.memory_space<vmem>>, vector<1000x16xf32>,
    return
  }
  func.func @transform_0(%arg0: i32) -> (i32, i32) {
    %c0_i32 = arith.constant 0 : i32
    %c0_i32_0 = arith.constant 0 : i32
    return %arg0, %c0_i32 : i32, i32
  }
  func.func @transform_1(%arg0: i32) -> (i32, i32) {
    %c0_i32 = arith.constant 0 : i32
    %c0_i32_0 = arith.constant 0 : i32
    %c0_i32_1 = arith.constant 0 : i32
    return %c0_i32, %c0_i32_0 : i32, i32
  }
  func.func @transform_2(%arg0: i32) -> (i32, i32) {
    %c0_i32 = arith.constant 0 : i32
    %c0_i32_0 = arith.constant 0 : i32
    %c0_i32_1 = arith.constant 0 : i32
    return %c0_i32, %c0_i32_0 : i32, i32
  }
  func.func @transform_3(%arg0: i32) -> (i32, i32) {
    %c0_i32 = arith.constant 0 : i32
    %c0_i32_0 = arith.constant 0 : i32
    return %arg0, %c0_i32 : i32, i32
  }
  func.func @transform_4(%arg0: i32) -> (i32, i32) {
    %c0_i32 = arith.constant 0 : i32
    %c0_i32_0 = arith.constant 0 : i32
    return %arg0, %c0_i32 : i32, i32
  }
}

module attributes {stable_mosaic.version = 14 : i64} {
  func.func @_finalize1_body(%arg0: i32, %arg1: memref<2x1264x80xf32, #tpu.memory_space<vmem>>, %arg2: memref<64x16xf32, #tpu.memory_space<vmem>>, %arg3: memref<16x48xf32, #tpu.memory_space<vmem>>, %arg4: memref<64x64xf32, #tpu.memory_space<vmem>>, %arg5: memref<1x64xf32, #tpu.memory_space<vmem>>, %arg6: memref<1264x32xf32, #tpu.memory_space<vmem>>, %arg7: memref<1264x16xf32, #tpu.memory_space<vmem>>) attributes {dimension_semantics = [#tpu.dimension_semantics<arbitrary>], iteration_bounds = array<i64: 8>, scalar_prefetch = 0 : i64, scratch_operands = 0 : i64, tpu.core_type = #tpu.core_type<tc>, window_params = [{transform_indices = @transform_0, window_bounds = array<i64: 2, 1264, 80>}, {pipeline_mode = #tpu.pipeline_mode<synchronous>, transform_indices = @transform_1, window_bounds = array<i64: 64, 16>}, {pipeline_mode = #tpu.pipeline_mode<synchronous>, transform_indices = @transform_2, window_bounds = array<i64: 16, 48>}, {pipeline_mode = #tpu.pipeline_mode<synchronous>, transform_indices = @transform_3, window_bounds = array<i64: 64, 64>}, {pipeline_mode = #tpu.pipeline_mode<synchronous>, transform_indices = @transform_4, window_bounds = array<i64: 1, 64>}, {transform_indices = @transform_5, window_bounds = array<i64: 1264, 32>}, {transform_indices = @transform_6, window_bounds = array<i64: 1264, 16>}]} {
    %get3A = arith.constant 0 : index
    %get3A_0 = arith.constant 0 : index
    %get3A_1 = vector.load %arg2[%get3A, %get3A_0] : memref<64x16xf32, #tpu.memory_space<vmem>>, vector<64x16xf32>
    %get3A_2 = arith.constant 0 : index
    %get3A_3 = arith.constant 0 : index
    %get3A_4 = vector.load %arg3[%get3A_2, %get3A_3] : memref<16x48xf32, #tpu.memory_space<vmem>>, vector<16x48xf32>
    %dot_general3A = arith.constant dense<0.000000e+00> : vector<64x48xf32>
    %dot_general3A_5 = tpu.matmul %get3A_1, %get3A_4, %dot_general3A {dimension_numbers = #tpu.dot_dimension_numbers<[1], [0], [0], [1], [0, 0, 1, 1], [], []>, transpose_lhs_hint = false} : vector<64x16xf32>, vector<16x48xf32>, vector<64x48xf32> -> vector<64x48xf32>
    %get3A_6 = arith.constant 0 : index
    %get3A_7 = arith.constant 0 : index
    %get3A_8 = vector.load %arg4[%get3A_6, %get3A_7] : memref<64x64xf32, #tpu.memory_space<vmem>>, vector<64x64xf32>
    %dot_general3A_9 = arith.constant dense<0.000000e+00> : vector<64x48xf32>
    %dot_general3A_10 = tpu.matmul %get3A_8, %dot_general3A_5, %dot_general3A_9 {dimension_numbers = #tpu.dot_dimension_numbers<[0], [0], [1], [1], [0, 1, 1, 1], [], []>, transpose_lhs_hint = false} : vector<64x64xf32>, vector<64x48xf32>, vector<64x48xf32> -> vector<64x48xf32>
    %get3A_11 = arith.constant 0 : index
    %get3A_12 = arith.constant 0 : index
    %get3A_13 = vector.load %arg5[%get3A_11, %get3A_12] : memref<1x64xf32, #tpu.memory_space<vmem>>, vector<1x64xf32>
    %get3A_14 = arith.constant 0 : index
    %get3A_15 = arith.constant 0 : index
    %get3A_16 = vector.load %arg4[%get3A_14, %get3A_15] : memref<64x64xf32, #tpu.memory_space<vmem>>, vector<64x64xf32>
    %dot_general3A_17 = arith.constant dense<0.000000e+00> : vector<1x64xf32>
    %dot_general3A_18 = tpu.matmul %get3A_13, %get3A_16, %dot_general3A_17 {dimension_numbers = #tpu.dot_dimension_numbers<[1], [0], [0], [1], [0, 0, 1, 1], [], []>, transpose_lhs_hint = false} : vector<1x64xf32>, vector<64x64xf32>, vector<1x64xf32> -> vector<1x64xf32>
    %get3A_19 = arith.constant 0 : index
    %get3A_20 = arith.constant 0 : index
    %get3A_21 = arith.constant 0 : index
    %get3A_22 = vector.load %arg1[%get3A_19, %get3A_20, %get3A_21] : memref<2x1264x80xf32, #tpu.memory_space<vmem>>, vector<1x1264x80xf32>
    %get3A_23 = vector.shape_cast %get3A_22 : vector<1x1264x80xf32> to vector<1264x80xf32>
    %get3A_24 = arith.constant 1 : index
    %get3A_25 = arith.constant 0 : index
    %get3A_26 = arith.constant 0 : index
    %get3A_27 = vector.load %arg1[%get3A_24, %get3A_25, %get3A_26] : memref<2x1264x80xf32, #tpu.memory_space<vmem>>, vector<1x1264x80xf32>
    %get3A_28 = vector.shape_cast %get3A_27 : vector<1x1264x80xf32> to vector<1264x80xf32>
    %add3A = arith.addf %get3A_23, %get3A_28 : vector<1264x80xf32>
    %slice3A = vector.extract_strided_slice %add3A {offsets = [0, 0], sizes = [1264, 64], strides = [1, 1]} : vector<1264x80xf32> to vector<1264x64xf32>
    %slice3A_29 = vector.extract_strided_slice %add3A {offsets = [0, 64], sizes = [1264, 16], strides = [1, 1]} : vector<1264x80xf32> to vector<1264x16xf32>
    %tile3A = tpu.concatenate %slice3A_29, %slice3A_29, %slice3A_29, %slice3A_29 in 1 : vector<1264x16xf32>, vector<1264x16xf32>, vector<1264x16xf32>, vector<1264x16xf32> -> vector<1264x64xf32>
    %add3A_30 = arith.constant 1.000000e-16 : f32
    %add3A_31 = vector.broadcast %add3A_30 : f32 to vector<1264x64xf32>
    %add3A_32 = arith.addf %tile3A, %add3A_31 : vector<1264x64xf32>
    %div3A = arith.divf %slice3A, %add3A_32 : vector<1264x64xf32>
    %add3A_33 = vector.broadcast %dot_general3A_18 : vector<1x64xf32> to vector<1264x64xf32>
    %add3A_34 = arith.addf %div3A, %add3A_33 : vector<1264x64xf32>
    %gt3A = arith.constant 0.000000e+00 : f32
    %gt3A_35 = vector.broadcast %gt3A : f32 to vector<1264x64xf32>
    %gt3A_36 = arith.cmpf ogt, %add3A_34, %gt3A_35 : vector<1264x64xf32>
    %min3A = arith.constant 0.000000e+00 : f32
    %min3A_37 = vector.broadcast %min3A : f32 to vector<1264x64xf32>
    %min3A_38 = arith.minimumf %add3A_34, %min3A_37 : vector<1264x64xf32>
    %exp3A = math.exp %min3A_38 : vector<1264x64xf32>
    %sub3A = arith.constant 1.000000e+00 : f32
    %sub3A_39 = vector.broadcast %sub3A : f32 to vector<1264x64xf32>
    %sub3A_40 = arith.subf %exp3A, %sub3A_39 : vector<1264x64xf32>
    %select_n3A = arith.select %gt3A_36, %add3A_34, %sub3A_40 : vector<1264x64xi1>, vector<1264x64xf32>
    %dot_general3A_41 = arith.constant dense<0.000000e+00> : vector<1264x48xf32>
    %dot_general3A_42 = tpu.matmul %select_n3A, %dot_general3A_10, %dot_general3A_41 {dimension_numbers = #tpu.dot_dimension_numbers<[1], [0], [0], [1], [0, 0, 1, 1], [], []>, transpose_lhs_hint = false} : vector<1264x64xf32>, vector<64x48xf32>, vector<1264x48xf32> -> vector<1264x48xf32>
    %slice3A_43 = vector.extract_strided_slice %dot_general3A_42 {offsets = [0, 0], sizes = [1264, 32], strides = [1, 1]} : vector<1264x48xf32> to vector<1264x32xf32>
    %swap3A = arith.constant 0 : index
    %swap3A_44 = arith.constant 0 : index
    %swap3A_45 = vector.load %arg6[%swap3A, %swap3A_44] : memref<1264x32xf32, #tpu.memory_space<vmem>>, vector<1264x32xf32>
    tpu.vector_store %arg6[%swap3A, %swap3A_44], %slice3A_43 {strides = array<i32>} : memref<1264x32xf32, #tpu.memory_space<vmem>>, vector<1264x32xf32>,
    %slice3A_46 = vector.extract_strided_slice %dot_general3A_42 {offsets = [0, 32], sizes = [1264, 16], strides = [1, 1]} : vector<1264x48xf32> to vector<1264x16xf32>
    %swap3A_47 = arith.constant 0 : index
    %swap3A_48 = arith.constant 0 : index
    %swap3A_49 = vector.load %arg7[%swap3A_47, %swap3A_48] : memref<1264x16xf32, #tpu.memory_space<vmem>>, vector<1264x16xf32>
    tpu.vector_store %arg7[%swap3A_47, %swap3A_48], %slice3A_46 {strides = array<i32>} : memref<1264x16xf32, #tpu.memory_space<vmem>>, vector<1264x16xf32>,
    return
  }
  func.func @transform_0(%arg0: i32) -> (i32, i32, i32) {
    %c0_i32 = arith.constant 0 : i32
    %c0_i32_0 = arith.constant 0 : i32
    %c0_i32_1 = arith.constant 0 : i32
    return %c0_i32, %arg0, %c0_i32_0 : i32, i32, i32
  }
  func.func @transform_1(%arg0: i32) -> (i32, i32) {
    %c0_i32 = arith.constant 0 : i32
    %c0_i32_0 = arith.constant 0 : i32
    %c0_i32_1 = arith.constant 0 : i32
    return %c0_i32, %c0_i32_0 : i32, i32
  }
  func.func @transform_2(%arg0: i32) -> (i32, i32) {
    %c0_i32 = arith.constant 0 : i32
    %c0_i32_0 = arith.constant 0 : i32
    %c0_i32_1 = arith.constant 0 : i32
    return %c0_i32, %c0_i32_0 : i32, i32
  }
  func.func @transform_3(%arg0: i32) -> (i32, i32) {
    %c0_i32 = arith.constant 0 : i32
    %c0_i32_0 = arith.constant 0 : i32
    %c0_i32_1 = arith.constant 0 : i32
    return %c0_i32, %c0_i32_0 : i32, i32
  }
  func.func @transform_4(%arg0: i32) -> (i32, i32) {
    %c0_i32 = arith.constant 0 : i32
    %c0_i32_0 = arith.constant 0 : i32
    %c0_i32_1 = arith.constant 0 : i32
    return %c0_i32, %c0_i32_0 : i32, i32
  }
  func.func @transform_5(%arg0: i32) -> (i32, i32) {
    %c0_i32 = arith.constant 0 : i32
    %c0_i32_0 = arith.constant 0 : i32
    return %arg0, %c0_i32 : i32, i32
  }
  func.func @transform_6(%arg0: i32) -> (i32, i32) {
    %c0_i32 = arith.constant 0 : i32
    %c0_i32_0 = arith.constant 0 : i32
    return %arg0, %c0_i32 : i32, i32
  }
}

module attributes {stable_mosaic.version = 14 : i64} {
  func.func @_finalize2_body(%arg0: i32, %arg1: memref<2x1000x32xf32, #tpu.memory_space<vmem>>, %arg2: memref<1x16xf32, #tpu.memory_space<vmem>>, %arg3: memref<1000x16xf32, #tpu.memory_space<vmem>>) attributes {dimension_semantics = [#tpu.dimension_semantics<arbitrary>], iteration_bounds = array<i64: 10>, scalar_prefetch = 0 : i64, scratch_operands = 0 : i64, tpu.core_type = #tpu.core_type<tc>, window_params = [{transform_indices = @transform_0, window_bounds = array<i64: 2, 1000, 32>}, {pipeline_mode = #tpu.pipeline_mode<synchronous>, transform_indices = @transform_1, window_bounds = array<i64: 1, 16>}, {transform_indices = @transform_2, window_bounds = array<i64: 1000, 16>}]} {
    %get3A = arith.constant 0 : index
    %get3A_0 = arith.constant 0 : index
    %get3A_1 = arith.constant 0 : index
    %get3A_2 = vector.load %arg1[%get3A, %get3A_0, %get3A_1] : memref<2x1000x32xf32, #tpu.memory_space<vmem>>, vector<1x1000x32xf32>
    %get3A_3 = vector.shape_cast %get3A_2 : vector<1x1000x32xf32> to vector<1000x32xf32>
    %get3A_4 = arith.constant 1 : index
    %get3A_5 = arith.constant 0 : index
    %get3A_6 = arith.constant 0 : index
    %get3A_7 = vector.load %arg1[%get3A_4, %get3A_5, %get3A_6] : memref<2x1000x32xf32, #tpu.memory_space<vmem>>, vector<1x1000x32xf32>
    %get3A_8 = vector.shape_cast %get3A_7 : vector<1x1000x32xf32> to vector<1000x32xf32>
    %add3A = arith.addf %get3A_3, %get3A_8 : vector<1000x32xf32>
    %slice3A = vector.extract_strided_slice %add3A {offsets = [0, 0], sizes = [1000, 16], strides = [1, 1]} : vector<1000x32xf32> to vector<1000x16xf32>
    %slice3A_9 = vector.extract_strided_slice %add3A {offsets = [0, 16], sizes = [1000, 16], strides = [1, 1]} : vector<1000x32xf32> to vector<1000x16xf32>
    %add3A_10 = arith.constant 1.000000e-16 : f32
    %add3A_11 = vector.broadcast %add3A_10 : f32 to vector<1000x16xf32>
    %add3A_12 = arith.addf %slice3A_9, %add3A_11 : vector<1000x16xf32>
    %div3A = arith.divf %slice3A, %add3A_12 : vector<1000x16xf32>
    %get3A_13 = arith.constant 0 : index
    %get3A_14 = arith.constant 0 : index
    %get3A_15 = vector.load %arg2[%get3A_13, %get3A_14] : memref<1x16xf32, #tpu.memory_space<vmem>>, vector<1x16xf32>
    %add3A_16 = vector.broadcast %get3A_15 : vector<1x16xf32> to vector<1000x16xf32>
    %add3A_17 = arith.addf %div3A, %add3A_16 : vector<1000x16xf32>
    %reduce_max3A = arith.constant dense<0xFF800000> : vector<1000xf32>
    %reduce_max3A_18 = vector.multi_reduction <maximumf>, %add3A_17, %reduce_max3A [1] : vector<1000x16xf32> to vector<1000xf32>
    %broadcast_in_dim3A = vector.shape_cast %reduce_max3A_18 : vector<1000xf32> to vector<1000x1xf32>
    %sub3A = vector.broadcast %broadcast_in_dim3A : vector<1000x1xf32> to vector<1000x16xf32>
    %sub3A_19 = arith.subf %add3A_17, %sub3A : vector<1000x16xf32>
    %exp3A = math.exp %sub3A_19 : vector<1000x16xf32>
    %reduce_sum3A = arith.constant dense<0.000000e+00> : vector<1000xf32>
    %reduce_sum3A_20 = vector.multi_reduction <add>, %exp3A, %reduce_sum3A [1] : vector<1000x16xf32> to vector<1000xf32>
    %broadcast_in_dim3A_21 = vector.shape_cast %reduce_sum3A_20 : vector<1000xf32> to vector<1000x1xf32>
    %log3A = math.log %broadcast_in_dim3A_21 : vector<1000x1xf32>
    %sub3A_22 = vector.broadcast %broadcast_in_dim3A : vector<1000x1xf32> to vector<1000x16xf32>
    %sub3A_23 = arith.subf %add3A_17, %sub3A_22 : vector<1000x16xf32>
    %sub3A_24 = vector.broadcast %log3A : vector<1000x1xf32> to vector<1000x16xf32>
    %sub3A_25 = arith.subf %sub3A_23, %sub3A_24 : vector<1000x16xf32>
    %swap3A = arith.constant 0 : index
    %swap3A_26 = arith.constant 0 : index
    %swap3A_27 = vector.load %arg3[%swap3A, %swap3A_26] : memref<1000x16xf32, #tpu.memory_space<vmem>>, vector<1000x16xf32>
    tpu.vector_store %arg3[%swap3A, %swap3A_26], %sub3A_25 {strides = array<i32>} : memref<1000x16xf32, #tpu.memory_space<vmem>>, vector<1000x16xf32>,
    return
  }
  func.func @transform_0(%arg0: i32) -> (i32, i32, i32) {
    %c0_i32 = arith.constant 0 : i32
    %c0_i32_0 = arith.constant 0 : i32
    %c0_i32_1 = arith.constant 0 : i32
    return %c0_i32, %arg0, %c0_i32_0 : i32, i32, i32
  }
  func.func @transform_1(%arg0: i32) -> (i32, i32) {
    %c0_i32 = arith.constant 0 : i32
    %c0_i32_0 = arith.constant 0 : i32
    %c0_i32_1 = arith.constant 0 : i32
    return %c0_i32, %c0_i32_0 : i32, i32
  }
  func.func @transform_2(%arg0: i32) -> (i32, i32) {
    %c0_i32 = arith.constant 0 : i32
    %c0_i32_0 = arith.constant 0 : i32
    return %arg0, %c0_i32 : i32, i32
  }
}

</mosaic_0001>

<sc_bundles>
// kernel: kernel.10.cloned.1.call-start
scs
__scs_entry_jumppad:
0x0: {  	(pc) =	sbr.rel $0x88, $3  }
0x1: {  	(tag) =	ssettag $0x0;
	lr =	simm.s32 $0x1  }
0x2: {  	[smem:$0x3F97] =	sst lr;
	_ =	strace $0xD0000000  }
0x3: {  	_ = 	snop  }
0x4: {  	_ = 	snop  }
0x5: {  	_ = 	snop  }
0x6: {  	_ = 	snop  }
0x7: {  	_ = 	snop  }
__scs_overlays_trampoline_lowered:
0x8: {  	[smem:$0x3FA6] =	sst s0  }
0x9: {  	[smem:$0x3FA7] =	sst s1  }
0xa: {  	[smem:$0x3FA8] =	sst s2  }
0xb: {  	[smem:$0x3FA9] =	sst s3  }
0xc: {  	[smem:$0x3FAA] =	sst s4  }
0xd: {  	[smem:$0x3FAB] =	sst s5  }
0xe: {  	[smem:$0x3FAC] =	sst s6  }
0xf: {  	[smem:$0x3FAD] =	sst s7  }
0x10: {  	[smem:$0x3FAE] =	sst s8  }
0x11: {  	[smem:$0x3FAF] =	sst s9;
	s0 =	simm.s32 @!p0 $0x0  }
0x12: {  	s1 =	sld [smem:$0x3F95];
	s0 =	simm.s32 @p0 $0x1  }
0x13: {  	[smem:$0x3FB0] =	sst s0;
	s0 =	simm.s32 @!p1 $0x0  }
0x14: {  	s2 =	sld [smem:$0x3F94];
	s0 =	simm.s32 @p1 $0x1  }
0x15: {  	[smem:$0x3FB1] =	sst s0;
	s0 =	simm.s32 @!p2 $0x0  }
0x16: {  	s3 =	sld [smem:$0x3FDB];
	s0 =	simm.s32 @p2 $0x1  }
0x17: {  	s4 =	simm.s32 $0x1BF5;
	[smem:$0x3FB3] =	sst s0  }
0x18: {  	s0 =	sld [smem:$0x3F96];
	_ =	swait.ge [sflag:s4], $0x0  }
0x19: {  	s7 =	sld [smem:$0x3F97]  }
0x1a: {  	s8 =	sadd.s32 $0xFFFFE003, lr  }
0x1b: {  	s9 =	sadd.s32 $0xFFFFFEF7, lr;
	s5 =	simm.s32 $0xFFFFFFFF;
	p2 =	slt.u32 s8, $0xFFFFF086  }
0x1c: {  	p1 =	slt.u32 s9, $0xF7A;
	s5 =	simm.s32 @!p2 $0x0  }
0x1d: {  	s5 =	simm.s32 @p1 $0x1;
	p0 =	seq.s32 s7, s2  }
0x1e: {  	s7 =	smul.u32 @!p0 $0xF7A, s2;
	p2 =	seq.s32 @!p0 s5, $0x0  }
0x1f: {  	s9 =	smul.u32 $0xF7A, s1;
	s8 =	simm.s32 @!p0 $0x1BF5;
	p2 =	por !p2, p0  }
0x20: {  	[sflag:s8] =	ssyncset.s32 @!p0 $0xFFFFF086;
	s6 =	sadd.s32 @!p0 s3, s7;
	s7 =	simm.s32 @!p0 $0x108  }
0x21: {  	s3 =	sadd.s32 s3, s9;
	s6 =	sadd.s32 @!p0 $0x88, s6;
	s7 =	simm.s32 @p2 $0x1082  }
0x22: {  	[simem:s7], [sflag:s8] =	dma.local @!p0 [hbm:s6], $0xF7A  }
0x23: {  	s9 =	sor.u32 $0xD0000000, s2;
	s6 =	simm.s32 $0x108;
	_ =	swait.ge @!p0 [sflag:s8], $0x0  }
0x24: {  	s3 =	sadd.s32 $0x88, s3;
	s6 =	simm.s32 @!p1 $0x1082;
	[sflag:s4] =	ssyncset.s32 $0xFFFFF086  }
0x25: {  	[simem:s6], [sflag:s4] =	dma.local [hbm:s3], $0xF7A  }
0x26: {  	[smem:$0x3F97] =	sst s1;
	(tag) =	ssettag s2;
	_ =	strace s9  }
0x27: {  	s1 =	sld [smem:$0x3FA7]  }
0x28: {  	s2 =	sld [smem:$0x3FA8]  }
0x29: {  	s4 =	sld [smem:$0x3FAA]  }
0x2a: {  	p0 =	seq.s32 s5, $0x0;
	s5 =	sld [smem:$0x3FAB]  }
0x2b: {  	s6 =	sld [smem:$0x3FAC]  }
0x2c: {  	s7 =	sld [smem:$0x3FAD]  }
0x2d: {  	s3 =	simm.s32 $0x108;
	s8 =	sld [smem:$0x3FAE]  }
0x2e: {  	s3 =	simm.s32 @!p0 $0x1082;
	s9 =	sld [smem:$0x3FAF]  }
0x2f: {  	lr =	sadd.s32 s0, s3;
	s0 =	sld [smem:$0x3FA6]  }
0x30: {  	s3 =	sld [smem:$0x3FA9]  }
0x31: {  	[smem:$0x3FB2] =	sst s10  }
0x32: {  	s10 =	sld [smem:$0x3FB0];
	_ =	sdelay $0x3  }
0x33: {  	p0 =	seq.s32 s10, $0x1;
	s10 =	sld [smem:$0x3FB2];
	_ =	sdelay $0x3  }
0x34: {  	[smem:$0x3FB2] =	sst s10  }
0x35: {  	s10 =	sld [smem:$0x3FB1];
	_ =	sdelay $0x3  }
0x36: {  	p1 =	seq.s32 s10, $0x1;
	s10 =	sld [smem:$0x3FB2];
	_ =	sdelay $0x3  }
0x37: {  	[smem:$0x3FB2] =	sst s10  }
0x38: {  	s10 =	sld [smem:$0x3FB3]  }
0x39: {  	_ = 	snop;
	(pc) =	sbr.ind lr, $3  }
0x3a: {  	_ = 	snop  }
0x3b: {  	_ = 	snop  }
0x3c: {  	p2 =	seq.s32 s10, $0x1;
	s10 =	sld [smem:$0x3FB2]  }
0x3d: {  	_ =	shalt  }
0x3e: {  	_ =	shalt  }
0x3f: {  	_ =	shalt  }
0x40: {  	_ =	shalt  }
0x41: {  	_ =	shalt  }
0x42: {  	_ =	shalt  }
0x43: {  	_ =	shalt  }
0x44: {  	_ =	shalt  }
0x45: {  	_ =	shalt  }
0x46: {  	_ =	shalt  }
0x47: {  	_ =	shalt  }
0x48: {  	_ =	shalt  }
0x49: {  	_ =	shalt  }
0x4a: {  	_ =	shalt  }
0x4b: {  	_ =	shalt  }
0x4c: {  	_ =	shalt  }
0x4d: {  	_ =	shalt  }
0x4e: {  	_ =	shalt  }
0x4f: {  	_ =	shalt  }
0x50: {  	_ =	shalt  }
0x51: {  	_ =	shalt  }
0x52: {  	_ =	shalt  }
0x53: {  	_ =	shalt  }
0x54: {  	_ =	shalt  }
0x55: {  	_ =	shalt  }
0x56: {  	_ =	shalt  }
0x57: {  	_ =	shalt  }
0x58: {  	_ =	shalt  }
0x59: {  	_ =	shalt  }
0x5a: {  	_ =	shalt  }
0x5b: {  	_ =	shalt  }
0x5c: {  	_ =	shalt  }
0x5d: {  	_ =	shalt  }
0x5e: {  	_ =	shalt  }
0x5f: {  	_ =	shalt  }
0x60: {  	_ =	shalt  }
0x61: {  	_ =	shalt  }
0x62: {  	_ =	shalt  }
0x63: {  	_ =	shalt  }
0x64: {  	_ =	shalt  }
0x65: {  	_ =	shalt  }
0x66: {  	_ =	shalt  }
0x67: {  	_ =	shalt  }
0x68: {  	_ =	shalt  }
0x69: {  	_ =	shalt  }
0x6a: {  	_ =	shalt  }
0x6b: {  	_ =	shalt  }
0x6c: {  	_ =	shalt  }
0x6d: {  	_ =	shalt  }
0x6e: {  	_ =	shalt  }
0x6f: {  	_ =	shalt  }
0x70: {  	_ =	shalt  }
0x71: {  	_ =	shalt  }
0x72: {  	_ =	shalt  }
0x73: {  	_ =	shalt  }
0x74: {  	_ =	shalt  }
0x75: {  	_ =	shalt  }
0x76: {  	_ =	shalt  }
0x77: {  	_ =	shalt  }
0x78: {  	_ =	shalt  }
0x79: {  	_ =	shalt  }
0x7a: {  	_ =	shalt  }
0x7b: {  	_ =	shalt  }
0x7c: {  	_ =	shalt  }
0x7d: {  	_ =	shalt  }
0x7e: {  	_ =	shalt  }
0x7f: {  	_ =	shalt  }
0x80: {  	_ =	shalt  }
0x81: {  	_ =	shalt  }
0x82: {  	_ =	shalt  }
0x83: {  	_ =	shalt  }
0x84: {  	_ =	shalt  }
0x85: {  	_ =	shalt  }
0x86: {  	_ =	shalt  }
0x87: {  	_ =	shalt  }
.Lfunc_end0:
.L_simem_size_0:
called_computation.1_lowered:
.L_overlay_start_0:
0x88: {  	s2 =	sld [smem:$0x3FD9]  }
0x89: {  	s3 =	sld [smem:$0x3FFE];
	_ =	sdelay $0x1  }
0x8a: {  	s1 =	srdreg.scid  }
0x8b: {  	s0 =	sand.u32 $0x1, s1  }
0x8c: {  	s17 =	sshll.u32 s0, $0xA;
	s2 =	sadd.s32 s3, s2  }
0x8d: {  	s2 =	sadd.s32 s2, s17  }
0x8e: {  	[smem:$0x3FBE] =	sst s2  }
0x8f: {  	_ = 	snop  }
0x90: {  	s2 =	sld [smem:$0x3FD0];
	(tm) =	ssettm $0x1  }
0x91: {  	s18 =	sld [smem:$0x3FFB];
	_ =	sdelay $0x3  }
0x92: {  	_ =	strace s18  }
0x93: {  	s3 =	sld [smem:$0x3FFC];
	_ =	sdelay $0x3  }
0x94: {  	_ =	strace s3  }
0x95: {  	s3 =	sld [smem:$0x3FFD];
	_ =	sdelay $0x3  }
0x96: {  	_ =	strace s3  }
0x97: {  	_ =	strace $0x8FFFFFFF  }
0x98: {  	s19 =	sld [smem:$0x3FDB];
	_ =	sdelay $0x1  }
0x99: {  	s4 =	simm.s32 $_scs_section_size  }
0x9a: {  	s5 =	simm.s32 $_size__tile_overlayer_lowered;
	s6 =	simm.s32 $_tile_overlayer_lowered  }
0x9b: {  	s22 =	simm.s32 $0x1BFF;
	s21 =	sshll.u32 s6, $0x1;
	s3 =	sadd.s32 s4, s19  }
0x9c: {  	s7 =	simm.s32 $0x0;
	s20 =	sshll.u32 s5, $0x1;
	s5 =	sadd.s32 s21, s3  }
0x9d: {  	[timem:s7], [sflag:s22] =	dma.local [hbm:s5], s20  }
0x9e: {  	_ =	swait.ge [sflag:s22], s20  }
0x9f: {  	s4 =	ssub.s32 $0x0, s20;
	[sflag:s22] =	ssyncset.done $0x0  }
0xa0: {  	[sflag:s22] =	ssyncadd.s32 s4;
	_ =	sdelay $0x1  }
0xa1: {  	s23 =	simm.s32 $0x1B8B  }
0xa2: {  	_ =	swait.ge [sflag:s23], $0x1  }
0xa3: {  	[sflag:s23] =	ssyncset.done $0x0  }
0xa4: {  	s25 =	simm.s32 $0x1B8E;
	s24 =	sld [smem:$0x3FFE];
	[sflag:s23] =	ssyncadd.s32 $0xFFFFFFFF  }
0xa5: {  	s26 =	simm.s32 $execute0_lowered;
	[smem:$0x3FD2] =	sst s25  }
0xa6: {  	s5 =	sshll.u32 s26, $0x1;
	_ =	strace $0x80000049;
	[dreg:$0x1] =	wrdreg $0xFFFFFFFF  }
0xa7: {  	s28 =	simm.s32 $_size_execute0_lowered;
	s3 =	sadd.s32 s3, s5;
	[dreg:$0x0] =	wrdreg $0x0  }
0xa8: {  	s5 =	sshll.u32 s28, $0x1;
	[dreg:$0x2] =	wrdreg s3  }
0xa9: {  	[dreg:$0x3] =	wrdreg s5  }
0xaa: {  	[dreg:$0x4] =	wrdreg $0xC0  }
0xab: {  	_ =	task [dreg:s7], $0x5FFFF  }
0xac: {  	[dreg:$0x1] =	wrdreg $0xFFFFFFFF  }
0xad: {  	[dreg:$0x0] =	wrdreg $0x60  }
0xae: {  	[dreg:$0x2] =	wrdreg s24  }
0xaf: {  	[dreg:$0x3] =	wrdreg s2  }
0xb0: {  	[dreg:$0x4] =	wrdreg $0xA2000  }
0xb1: {  	[dreg:$0x5] =	wrdreg $0x9  }
0xb2: {  	_ =	task.clear_ibuf [dreg:s7], $0x6FFFF;
	_ =	strace $0x90000049  }
0xb3: {  	s29 =	simm.s32 $0x9;
	_ =	strace $0x8000004B  }
0xb4: {  	_ =	swait.ge [sflag:s29], $0x1  }
0xb5: {  	[sflag:s29] =	ssyncadd.s32 $0xFFFFFFFF  }
0xb6: {  	_ =	strace $0x9000004B  }
0xb7: {  	_ =	sfence  }
0xb8: {  	s30 =	sld [smem:$0x0];
	_ =	sdelay $0x2  }
0xb9: {  	s31 =	sshll.u32 s1, $0xD;
	s1 =	sshrl.u32 s1, $0x2  }
0xba: {  	s3 =	sand.u32 $0x4000, s31;
	s1 =	sadd.s32 s1, s30  }
0xbb: {  	s0 =	sor.u32 s3, s0;
	s1 =	sshll.u32 s1, $0x11  }
0xbc: {  	s0 =	sor.u32 s1, s0  }
0xbd: {  	s0 =	sadd.s32 $0x8F2B, s0  }
0xbe: {  	[sflag:s0] =	ssyncadd.remote.s32 $0x1  }
0xbf: {  	_ =	sfence.sel $0xFFFF  }
0xc0: {  	[dreg:$0x0] =	wrdreg $0xFFFFFFFF;
	(pc) =	sbr.abs _section_cstart, $3  }
0xc1: {  	[dreg:$0x1] =	wrdreg $0xFFFFFFFF  }
0xc2: {  	_ =	task.clear_ibuf [dreg:s7], $0x2FFFF;
	_ =	strace $0x9FFFFFFF  }
0xc3: {  	(tm) =	ssettm $0x7FFFFFFF  }
tec
execute0_lowered:
.L_overlay_start_1:
0x0: {  	(tag) =	ssettag $0x1  }
0x1: {  	s0 =	rddreg [dreg:$0x0]  }
0x2: {  	s2 =	rddreg [dreg:$0x1]  }
0x3: {  	s3 =	rddreg [dreg:$0x2]  }
0x4: {  	s1 =	srdreg.scid;
	s12 =	stileid.u32;
	s4 =	simm.s32 $0x0  }
0x5: {  	s28 =	simm.s32 $0x6200;
	s29 =	simm.s32 $0x7A00;
	s30 =	simm.s32 $0x1  }
0x6: {  	s31 =	simm.s32 $0x3;
	s1 =	sand.u32 $0x1, s1;
	s6 =	smul.u32 $0x4F00, s12  }
0x7: {  	[smem:$0x7FF] =	sst s4;
	s5 =	sadd.s32 $0x16400, s0;
	s8 =	sadd.s32 $0x2A00, s0  }
0x8: {  	s10 =	smul.u32 $0x13C00, s12;
	s11 =	sadd.s32 $0x1A00, s0;
	s24 =	sadd.s32 $0x1CA0, s0  }
0x9: {  	s25 =	sadd.s32 $0x2460, s0;
	s14 =	sadd.s32 $0xC3C0, s0;
	s15 =	sadd.s32 $0x16000, s0  }
0xa: {  	s16 =	sadd.s32 $0x21C0, s0;
	_ =	strace $0x8000004A;
	[dreg:$0x4] =	wrdreg s11  }
0xb: {  	s7 =	smul.u32 $0x4F000, s1;
	s9 =	ssub.s32 $0x2, s1;
	[dreg:$0x9] =	wrdreg s24  }
0xc: {  	s1 =	sshll.u32 s1, $0x4;
	[dreg:$0xa] =	wrdreg s25;
	s24 =	simm.s32 $0x4  }
0xd: {  	s25 =	simm.s32 $0x9200;
	s19 =	sshrl.u32 s9, $0x1;
	s1 =	sor.u32 s12, s1  }
0xe: {  	s10 =	sshrl.u32 s10, $0x2;
	s7 =	sadd.s32 s6, s7;
	s22 =	smul.u32 $0x2900, s1  }
0xf: {  	s9 =	ssub.s32 s9, s19;
	s20 =	sadd.s32 s10, s3;
	s26 =	smul.u32 $0x520, s1  }
0x10: {  	p0 =	slt.u32 s1, $0x1E;
	s7 =	sshrl.u32 s7, $0x3;
	s10 =	sadd.s32 $0x1000, s20  }
0x11: {  	s21 =	sadd.s32 $0x2000, s20;
	s23 =	sadd.s32 $0x3000, s20;
	[dreg:$0x5] =	wrdreg s10  }
0x12: {  	p2 =	sne.s32 @!p0 s1, $0x1E;
	s1 =	simm.s32 $0x6;
	[dreg:$0x6] =	wrdreg s21  }
0x13: {  	s13 =	sadd.s32 s7, s0;
	s7 =	sadd.s32 s6, s3;
	[dreg:$0x7] =	wrdreg s23  }
0x14: {  	s6 =	sadd.s32 $0x4000, s20;
	s10 =	sshrl.u32 s22, $0x3;
	s17 =	sadd.s32 s8, s26  }
0x15: {  	s20 =	smax.u32 s9, $0x1;
	s21 =	simm.s32 $0x8200;
	s22 =	simm.s32 $0x7  }
0x16: {  	p1 =	por !p2, p0;
	p2 =	por p2, p0;
	s23 =	simm.s32 $0x80  }
0x17: {  	s0 =	simm.s32 $0x2;
	s26 =	simm.s32 $0x5;
	s10 =	sadd.s32 s8, s10  }
0x18: {  	v0 =	vimm.f32 $0.0e+00;
	[dreg:$0x8] =	wrdreg s6;
	s19 =	sadd.s32 $0x20200, s13;
	s18 =	sadd.s32 $0x9C40, s10  }
.LBB2_1:
0x19: {  	s6 =	simm.s32 $0x8280  }
0x1a: {  	[tilespmem:s6+$0xFFFFFF80] =	vst v0  }
0x1b: {  	[tilespmem:s6+$0x70] =	vst v0  }
0x1c: {  	[tilespmem:s6+$0x60] =	vst v0  }
0x1d: {  	[tilespmem:s6+$0x50] =	vst v0  }
0x1e: {  	[tilespmem:s6+$0x40] =	vst v0  }
0x1f: {  	[tilespmem:s6+$0x30] =	vst v0  }
0x20: {  	[tilespmem:s6+$0x20] =	vst v0  }
0x21: {  	[tilespmem:s6+$0x10] =	vst v0  }
0x22: {  	[tilespmem:s6+$0x0] =	vst v0  }
0x23: {  	[tilespmem:s6+$0xFFFFFFF0] =	vst v0  }
0x24: {  	[tilespmem:s6+$0xFFFFFFE0] =	vst v0  }
0x25: {  	[tilespmem:s6+$0xFFFFFFD0] =	vst v0  }
0x26: {  	[tilespmem:s6+$0xFFFFFFC0] =	vst v0  }
0x27: {  	[tilespmem:s6+$0xFFFFFFB0] =	vst v0  }
0x28: {  	s8 =	simm.s32 $0x0;
	[tilespmem:s6+$0xFFFFFFA0] =	vst v0  }
.LBB2_2:
0x29: {  	s8 =	sadd.s32 $0x8, s8;
	[tilespmem:s6+$0xFFFFFF90] =	vst v0;
	s6 =	sadd.s32 $0x100, s6  }
0x2a: {  	[tilespmem:s6+$0xFFFFFF80] =	vst v0;
	p3 =	slt.u32 s8, $0x78  }
0x2b: {  	[tilespmem:s6+$0x70] =	vst v0  }
0x2c: {  	[tilespmem:s6+$0x60] =	vst v0  }
0x2d: {  	[tilespmem:s6+$0x50] =	vst v0  }
0x2e: {  	[tilespmem:s6+$0x40] =	vst v0  }
0x2f: {  	[tilespmem:s6+$0x30] =	vst v0  }
0x30: {  	[tilespmem:s6+$0x20] =	vst v0  }
0x31: {  	[tilespmem:s6+$0x10] =	vst v0  }
0x32: {  	[tilespmem:s6+$0x0] =	vst v0  }
0x33: {  	[tilespmem:s6+$0xFFFFFFF0] =	vst v0  }
.Ltmp0:
0x34: {  	[tilespmem:s6+$0xFFFFFFE0] =	vst v0;
	(pc) =	sbr.rel @p3 .LBB2_2-.Ltmp0, $4  }
0x35: {  	[tilespmem:s6+$0xFFFFFFD0] =	vst v0  }
0x36: {  	[tilespmem:s6+$0xFFFFFFC0] =	vst v0  }
0x37: {  	[tilespmem:s6+$0xFFFFFFB0] =	vst v0  }
0x38: {  	[tilespmem:s6+$0xFFFFFFA0] =	vst v0  }
0x39: {  	[tilespmem:s6+$0xFFFFFF90] =	vst v0  }
0x3a: {  	[spmem:s7] =	stream.linear.scatter [tilespmem:s21], [sflag:$0x7], $0x1000, $0x38;
	[tilespmem:$0xF100] =	vst v63  }
0x3b: {  	_ =	swait.ge [sflag:s22], $0x1000  }
0x3c: {  	[sflag:s22] =	ssyncset.done $0x0  }
0x3d: {  	s13 =	rddreg [dreg:$0x5];
	[sflag:s22] =	ssyncadd.s32 $0xFFFFF000  }
0x3e: {  	[spmem:s13] =	stream.linear.scatter [tilespmem:s21], [sflag:$0x7], $0x1000, $0x38;
	[tilespmem:$0xF100] =	vst v63  }
0x3f: {  	_ =	swait.ge [sflag:s22], $0x1000  }
0x40: {  	[sflag:s22] =	ssyncset.done $0x0  }
0x41: {  	s8 =	rddreg [dreg:$0x6];
	[sflag:s22] =	ssyncadd.s32 $0xFFFFF000  }
0x42: {  	[spmem:s8] =	stream.linear.scatter [tilespmem:s21], [sflag:$0x7], $0x1000, $0x38;
	[tilespmem:$0xF100] =	vst v63  }
0x43: {  	_ =	swait.ge [sflag:s22], $0x1000  }
0x44: {  	[sflag:s22] =	ssyncset.done $0x0  }
0x45: {  	s9 =	rddreg [dreg:$0x7];
	[sflag:s22] =	ssyncadd.s32 $0xFFFFF000  }
0x46: {  	[spmem:s9] =	stream.linear.scatter [tilespmem:s21], [sflag:$0x7], $0x1000, $0x38;
	[tilespmem:$0xF100] =	vst v63  }
0x47: {  	_ =	swait.ge [sflag:s22], $0x1000  }
0x48: {  	[sflag:s22] =	ssyncset.done $0x0  }
0x49: {  	s10 =	rddreg [dreg:$0x8];
	[sflag:s22] =	ssyncadd.s32 $0xFFFFF000  }
0x4a: {  	[spmem:s10] =	stream.linear.scatter [tilespmem:s21], [sflag:$0x7], $0xF00, $0x38;
	[tilespmem:$0xF100] =	vst v63  }
0x4b: {  	_ =	swait.ge [sflag:s22], $0xF00  }
0x4c: {  	[sflag:s22] =	ssyncset.done $0x0  }
0x4d: {  	s6 =	simm.s32 @p0 $0x0;
	s8 =	simm.s32 @p0 $0x7;
	[sflag:s22] =	ssyncadd.s32 $0xFFFFF100  }
0x4e: {  	[tilespmem:s6], [sflag:$0x7] =	stream.linear.gather @p0 [hbm4b:s17+s6], $0x2900, $0x38;
	[tilespmem:$0xF100] =	vst v63  }
0x4f: {  	_ =	swait.ge @p0 [sflag:s8], $0x2900  }
0x50: {  	[sflag:s8] =	ssyncset.done @p0 $0x0  }
0x51: {  	s9 =	simm.s32 @p0 $0x2900;
	[sflag:s8] =	ssyncadd.s32 @p0 $0xFFFFD700  }
0x52: {  	[tilespmem:s9], [sflag:$0x7] =	stream.linear.gather @p0 [hbm4b:s18+s6], $0x2900, $0x38;
	[tilespmem:$0xF100] =	vst v63  }
0x53: {  	_ =	swait.ge @p0 [sflag:s8], $0x2900  }
0x54: {  	[sflag:s8] =	ssyncset.done @p0 $0x0  }
0x55: {  	s6 =	simm.s32 @!p1 $0x0;
	[sflag:s8] =	ssyncadd.s32 @p0 $0xFFFFD700;
	s8 =	rddreg [dreg:$0x9]  }
0x56: {  	[tilespmem:s6], [sflag:$0x7] =	stream.linear.gather @!p1 [hbm4b:s8+s6], $0x2900, $0x38;
	[tilespmem:$0xF100] =	vst v63  }
0x57: {  	s8 =	simm.s32 @!p1 $0x7  }
0x58: {  	_ =	swait.ge @!p1 [sflag:s8], $0x2900  }
0x59: {  	[sflag:s8] =	ssyncset.done @!p1 $0x0  }
0x5a: {  	s9 =	simm.s32 @!p1 $0x2900;
	s10 =	rddreg [dreg:$0xa];
	[sflag:s8] =	ssyncadd.s32 @!p1 $0xFFFFD700  }
0x5b: {  	[tilespmem:s9], [sflag:$0x7] =	stream.linear.gather @!p1 [hbm4b:s10+s6], $0x2900, $0x38;
	[tilespmem:$0xF100] =	vst v63  }
0x5c: {  	_ =	swait.ge @!p1 [sflag:s8], $0x2900  }
0x5d: {  	[sflag:s8] =	ssyncset.done @!p1 $0x0  }
0x5e: {  	s6 =	simm.s32 @!p2 $0x0;
	[sflag:s8] =	ssyncadd.s32 @!p1 $0xFFFFD700;
	s8 =	simm.s32 @!p2 $0x7  }
0x5f: {  	[tilespmem:s6], [sflag:$0x7] =	stream.linear.gather @!p2 [hbm4b:s14+s6], $0x1400, $0x38;
	[tilespmem:$0xF100] =	vst v63  }
0x60: {  	_ =	swait.ge @!p2 [sflag:s8], $0x1400  }
0x61: {  	[sflag:s8] =	ssyncset.done @!p2 $0x0  }
0x62: {  	s9 =	simm.s32 @!p2 $0x1400;
	s10 =	rddreg [dreg:$0x4];
	[sflag:s8] =	ssyncadd.s32 @!p2 $0xFFFFEC00  }
0x63: {  	[tilespmem:s9], [sflag:$0x7] =	stream.linear.gather @!p2 [hbm4b:s10+s6], $0x1500, $0x38;
	[tilespmem:$0xF100] =	vst v63  }
0x64: {  	_ =	swait.ge @!p2 [sflag:s8], $0x1500  }
0x65: {  	[sflag:s8] =	ssyncset.done @!p2 $0x0  }
0x66: {  	s9 =	simm.s32 @!p2 $0x2900;
	[sflag:s8] =	ssyncadd.s32 @!p2 $0xFFFFEB00  }
0x67: {  	[tilespmem:s9], [sflag:$0x7] =	stream.linear.gather @!p2 [hbm4b:s15+s6], $0x1400, $0x38;
	[tilespmem:$0xF100] =	vst v63  }
0x68: {  	_ =	swait.ge @!p2 [sflag:s8], $0x1400  }
0x69: {  	[sflag:s8] =	ssyncset.done @!p2 $0x0  }
0x6a: {  	s9 =	simm.s32 @!p2 $0x3D00;
	[sflag:s8] =	ssyncadd.s32 @!p2 $0xFFFFEC00  }
0x6b: {  	[tilespmem:s9], [sflag:$0x7] =	stream.linear.gather @!p2 [hbm4b:s16+s6], $0x1500, $0x38;
	[tilespmem:$0xF100] =	vst v63  }
0x6c: {  	_ =	swait.ge @!p2 [sflag:s8], $0x1500  }
0x6d: {  	[sflag:s8] =	ssyncset.done @!p2 $0x0  }
0x6e: {  	s11 =	simm.s32 $0x5200;
	s6 =	simm.s32 $0x0;
	[sflag:s8] =	ssyncadd.s32 @!p2 $0xFFFFEB00  }
0x6f: {  	[tilespmem:s11], [sflag:$0x1] =	stream.indirect.gather [hbm4b:s5+s23], $0x20, s6, s23, $0xb8;
	[tilespmem:$0xF100] =	vst v63  }
0x70: {  	s12 =	simm.s32 $0x2900;
	s13 =	simm.s32 $0x7200  }
0x71: {  	[tilespmem:s13], [sflag:$0x3] =	stream.indirect.gather [hbm4b:s2+s23], $0x10, s12, s23, $0xb8;
	[tilespmem:$0xF100] =	vst v63  }
0x72: {  	[bflag:$0x0] =	sbarrier.arrive $0xFFFF  }
.LBB2_4:
0x73: {  	s8 =	sshllo.u32 s6, $0x1  }
0x74: {  	s8 =	sshll.u32 s8, $0x7  }
0x75: {  	[tilespmem:s28], [sflag:$0x2] =	stream.indirect.gather [hbm4b:s5+s23], $0x20, s8, s23, $0xb8;
	[tilespmem:$0xF100] =	vst v63  }
0x76: {  	s9 =	sadd.s32 $0x2900, s8  }
0x77: {  	[tilespmem:s29], [sflag:$0x4] =	stream.indirect.gather [hbm4b:s2+s23], $0x10, s9, s23, $0xb8;
	[tilespmem:$0xF100] =	vst v63  }
0x78: {  	_ =	swait.ge [sflag:s30], $0x1000  }
0x79: {  	[sflag:s30] =	ssyncset.done $0x0  }
0x7a: {  	[sflag:s30] =	ssyncadd.s32 $0xFFFFF000  }
0x7b: {  	_ =	swait.ge [sflag:s31], $0x800  }
0x7c: {  	p3 =	seq.s32 s6, $0x0;
	[sflag:s31] =	ssyncset.done $0x0  }
0x7d: {  	s9 =	simm.s32 @!p3 $0x5;
	[sflag:s31] =	ssyncadd.s32 $0xFFFFF800  }
0x7e: {  	_ =	swait.ge @!p3 [sflag:s9], $0x1000  }
0x7f: {  	[sflag:s9] =	ssyncset.done @!p3 $0x0  }
0x80: {  	s13 =	simm.s32 $0x7240;
	[sflag:s9] =	ssyncadd.s32 @!p3 $0xFFFFF000  }
0x81: {  	s10 =	simm.s32 $0x5280;
	v1 =	vld [tilespmem:s13+$0x30]  }
0x82: {  	v2 =	vld [tilespmem:s10+$0x70]  }
0x83: {  	v3 =	vld [tilespmem:s10+$0xFFFFFF90]  }
0x84: {  	v4 =	vld [tilespmem:s13+$0xFFFFFFD0]  }
0x85: {  	v5 =	vld [tilespmem:s10+$0xFFFFFFB0]  }
0x86: {  	v6 =	vld [tilespmem:s13+$0xFFFFFFE0]  }
0x87: {  	v7 =	vld [tilespmem:s10+$0xFFFFFFD0]  }
0x88: {  	v8 =	vld [tilespmem:s13+$0xFFFFFFF0]  }
0x89: {  	v9 =	vld [tilespmem:s10+$0xFFFFFFF0]  }
0x8a: {  	v10 =	vld [tilespmem:s13+$0x0]  }
0x8b: {  	v11 =	vld [tilespmem:s10+$0x10]  }
0x8c: {  	v12 =	vld [tilespmem:s10+$0x30]  }
0x8d: {  	v14 =	vld [tilespmem:s13+$0x20];
	v1 =	vadd.f32 v2, v1  }
0x8e: {  	v6 =	vadd.f32 v7, v6;
	v7 =	vld [tilespmem:s13+$0xFFFFFFC0]  }
0x8f: {  	v2 =	vld [tilespmem:s13+$0x10];
	v13 =	vmul.f32 $2.000000030e-01, v1  }
0x90: {  	s9 =	simm.s32 $0x5380;
	v15 =	vld [tilespmem:s10+$0xFFFFFF80];
	v4 =	vadd.f32 v5, v4;
	vm0 =	vge.f32 v1, $0.0e+00  }
0x91: {  	v19 =	vld [tilespmem:s9+$0xFFFFFFF0];
	v8 =	vadd.f32 v9, v8;
	v16 =	vmul.f32 $2.000000030e-01, v6;
	v1 =	vsel vm0, v1, v13  }
0x92: {  	v5 =	vld [tilespmem:s10+$0x50];
	v13 =	vmul.f32 $2.000000030e-01, v4;
	v1 =	vmul.f32 $1.442695020e+00, v1  }
0x93: {  	v9 =	vld [tilespmem:s10+$0xFFFFFFA0];
	vm1 =	vge.f32 v8, $0.0e+00;
	vm0 =	vge.f32 v4, $0.0e+00;
	v3 =	vadd.f32 v3, v7  }
0x94: {  	v7 =	vld [tilespmem:s10+$0x0];
	v2 =	vadd.f32 v12, v2;
	(erf) = vpow2.f32 v1;
	v1 =	vsel vm0, v4, v13  }
0x95: {  	v4 =	vadd.f32 v11, v10;
	v10 =	vld [tilespmem:s10+$0x60];
	vm0 =	vge.f32 v6, $0.0e+00;
	v11 =	vmul.f32 $2.000000030e-01, v8  }
0x96: {  	v13 =	vld [tilespmem:s10+$0xFFFFFFC0];
	v12 =	vmul.f32 $2.000000030e-01, v3;
	v1 =	vmul.f32 $1.442695020e+00, v1;
	v6 =	vsel vm0, v6, v16  }
0x97: {  	v16 =	vld [tilespmem:s10+$0xFFFFFFE0];
	v17 =	vmul.f32 $2.000000030e-01, v4;
	v8 =	vsel vm1, v8, v11;
	v6 =	vmul.f32 $1.442695020e+00, v6  }
0x98: {  	vm0 =	vge.f32 v4, $0.0e+00;
	v11 =	vld [tilespmem:s10+$0x20];
	v8 =	vmul.f32 $1.442695020e+00, v8;
	(erf) = vpow2.f32 v1  }
0x99: {  	s11 =	simm.s32 $0x72C0;
	v1 =	vld [tilespmem:s10+$0x40];
	v4 =	vsel vm0, v4, v17;
	vm0 =	vge.f32 v3, $0.0e+00;
	(erf) = vpow2.f32 v6  }
0x9a: {  	v17 =	vld [tilespmem:s11+$0x30];
	v6 =	vmul.f32 $2.000000030e-01, v2;
	v4 =	vmul.f32 $1.442695020e+00, v4;
	v3 =	vsel vm0, v3, v12  }
0x9b: {  	v12 =	vld [tilespmem:s9+$0x70];
	(erf) = vpow2.f32 v8;
	v3 =	vmul.f32 $1.442695020e+00, v3  }
0x9c: {  	vm0 =	vge.f32 v2, $0.0e+00;
	(erf) = vpow2.f32 v4;
	v4 =	vadd.f32 v5, v14;
	v5 =	vld [tilespmem:s11+$0xFFFFFFD0]  }
0x9d: {  	v2 =	vsel vm0, v2, v6;
	(erf) = vpow2.f32 v3;
	v3 =	vld [tilespmem:s9+$0xFFFFFFB0]  }
0x9e: {  	v8 =	vld [tilespmem:s9+$0xFFFFFF90];
	v2 =	vmul.f32 $1.442695020e+00, v2;
	v6 =	vmul.f32 $2.000000030e-01, v4  }
0x9f: {  	v14 =	vld [tilespmem:s11+$0xFFFFFFE0];
	vm0 =	vge.f32 v4, $0.0e+00  }
0xa0: {  	v18 =	vpop (erf);
	(erf) = vpow2.f32 v2;
	v2 =	vld [tilespmem:s9+$0xFFFFFFD0];
	v12 =	vadd.f32 v12, v17;
	v4 =	vsel vm0, v4, v6  }
0xa1: {  	s10 =	simm.s32 $0x8280;
	v6 =	vmul.f32 v18, v10;
	v10 =	vld [tilespmem:s11+$0xFFFFFFF0];
	v4 =	vmul.f32 $1.442695020e+00, v4  }
0xa2: {  	[tilespmem:s10+$0x70] =	vst v18;
	v17 =	vpop (erf);
	v20 =	vmul.f32 $2.000000030e-01, v12;
	v3 =	vadd.f32 v3, v5;
	v5 =	vld [tilespmem:s11+$0x0]  }
0xa3: {  	vm0 =	vge.f32 v12, $0.0e+00;
	[tilespmem:s10+$0x60] =	vst v6;
	v6 =	vmul.f32 v17, v9;
	v9 =	vpop (erf);
	(erf) = vpow2.f32 v4;
	v4 =	vld [tilespmem:s9+$0x10]  }
0xa4: {  	[tilespmem:s10+$0xFFFFFFB0] =	vst v17;
	v12 =	vsel vm0, v12, v20;
	v13 =	vmul.f32 v9, v13;
	v20 =	vld [tilespmem:s11+$0x10]  }
0xa5: {  	v18 =	vpop (erf);
	v14 =	vadd.f32 v2, v14;
	v17 =	vmul.f32 $2.000000030e-01, v3;
	v2 =	vmul.f32 $1.442695020e+00, v12;
	[tilespmem:s10+$0xFFFFFFA0] =	vst v6;
	v6 =	vld [tilespmem:s9+$0x30]  }
0xa6: {  	vm0 =	vge.f32 v3, $0.0e+00;
	v16 =	vmul.f32 v18, v16;
	[tilespmem:s10+$0xFFFFFFF0] =	vst v18;
	v18 =	vld [tilespmem:s11+$0xFFFFFFC0];
	v10 =	vadd.f32 v19, v10  }
0xa7: {  	[tilespmem:s10+$0xFFFFFFD0] =	vst v9;
	v9 =	vmul.f32 $2.000000030e-01, v14;
	v19 =	vld [tilespmem:s11+$0x20];
	v12 =	vpop (erf);
	(erf) = vpow2.f32 v2;
	v3 =	vsel vm0, v3, v17  }
0xa8: {  	vm0 =	vge.f32 v14, $0.0e+00;
	v17 =	vld [tilespmem:s9+$0x50];
	v21 =	vmul.f32 v12, v7;
	v7 =	vpop (erf);
	vm1 =	vge.f32 v10, $0.0e+00  }
0xa9: {  	[tilespmem:s10+$0xFFFFFFC0] =	vst v13;
	v3 =	vmul.f32 $1.442695020e+00, v3;
	v15 =	vmul.f32 v7, v15;
	v13 =	vpop (erf);
	v22 =	vadd.f32 v4, v5  }
0xaa: {  	v63 =	vld [tilespmem:s9+$0x60];
	[tilespmem:s10+$0xFFFFFFE0] =	vst v16;
	v4 =	vmul.f32 $2.000000030e-01, v10;
	v5 =	vsel vm0, v14, v9;
	v14 =	vmul.f32 v13, v11  }
0xab: {  	v2 =	vld [tilespmem:s9+$0xFFFFFF80];
	[tilespmem:s10+$0x10] =	vst v12;
	v20 =	vadd.f32 v6, v20;
	v9 =	vmul.f32 $1.442695020e+00, v5;
	(erf) = vpow2.f32 v3  }
0xac: {  	[tilespmem:s10+$0xFFFFFF90] =	vst v7;
	v7 =	vld [tilespmem:s9+$0xFFFFFFA0];
	v12 =	vadd.f32 v8, v18;
	vm0 =	vge.f32 v22, $0.0e+00;
	v16 =	vmul.f32 $2.000000030e-01, v22  }
0xad: {  	[tilespmem:s10+$0x0] =	vst v21;
	v5 =	vld [tilespmem:s9+$0xFFFFFFC0];
	v4 =	vsel vm1, v10, v4;
	vm1 =	vge.f32 v20, $0.0e+00;
	v10 =	vadd.f32 v17, v19  }
0xae: {  	v6 =	vld [tilespmem:s9+$0x0];
	[tilespmem:s10+$0xFFFFFF80] =	vst v15;
	v3 =	vmul.f32 $2.000000030e-01, v20;
	v11 =	vmul.f32 $1.442695020e+00, v4;
	v15 =	vsel vm0, v22, v16  }
0xaf: {  	[tilespmem:s10+$0x30] =	vst v13;
	v4 =	vld [tilespmem:s9+$0xFFFFFFE0];
	v8 =	vpop (erf);
	vm0 =	vge.f32 v12, $0.0e+00;
	v16 =	vmul.f32 $2.000000030e-01, v12;
	v18 =	vmul.f32 $2.000000030e-01, v10  }
0xb0: {  	[tilespmem:s10+$0x20] =	vst v14;
	v17 =	vsel vm1, v20, v3;
	vm1 =	vge.f32 v10, $0.0e+00;
	v15 =	vmul.f32 $1.442695020e+00, v15;
	v3 =	vld [tilespmem:s9+$0x20];
	v14 =	vpop (erf)  }
0xb1: {  	s12 =	simm.s32 $0x8;
	s13 =	simm.s32 $0x7340;
	s11 =	simm.s32 $0x8280;
	[tilespmem:s10+$0x50] =	vst v8;
	v13 =	vmul.f32 $1.442695020e+00, v17;
	v17 =	vsel vm1, v10, v18;
	v10 =	vld [tilespmem:s9+$0x40];
	v18 =	vmul.f32 v14, v63  }
.LBB2_5:
0xb2: {  	v19 =	vld [tilespmem:s13+$0x30];
	v12 =	vsel vm0, v12, v16;
	v16 =	vmul.f32 $1.442695020e+00, v17;
	s9 =	sadd.s32 $0x100, s9;
	(erf) = vpow2.f32 v9;
	s10 =	sadd.s32 $0x100, s10  }
0xb3: {  	s12 =	sadd.s32 $0x8, s12;
	v9 =	vld [tilespmem:s9+$0x70];
	v17 =	vmul.f32 $1.442695020e+00, v12;
	[tilespmem:s10+$0x60] =	vst v18;
	(erf) = vpow2.f32 v11  }
0xb4: {  	p4 =	slt.u32 s12, $0x78;
	v11 =	vld [tilespmem:s9+$0xFFFFFF90];
	[tilespmem:s10+$0x70] =	vst v14;
	(erf) = vpow2.f32 v15;
	v15 =	vmul.f32 v8, v1  }
0xb5: {  	v8 =	vld [tilespmem:s13+$0xFFFFFFD0];
	(erf) = vpow2.f32 v17;
	v12 =	vpop (erf)  }
0xb6: {  	v14 =	vld [tilespmem:s9+$0xFFFFFFB0];
	v7 =	vmul.f32 v12, v7;
	(erf) = vpow2.f32 v13;
	[tilespmem:s11+$0x40] =	vst v15;
	v1 =	vmov v10;
	s11 =	smov.u32 s10  }
0xb7: {  	v10 =	vld [tilespmem:s13+$0xFFFFFFE0];
	[tilespmem:s10+$0xFFFFFFB0] =	vst v12;
	(erf) = vpow2.f32 v16  }
0xb8: {  	v12 =	vld [tilespmem:s9+$0xFFFFFFD0];
	v9 =	vadd.f32 v9, v19;
	[tilespmem:s10+$0xFFFFFFA0] =	vst v7  }
0xb9: {  	v7 =	vld [tilespmem:s13+$0xFFFFFFF0]  }
0xba: {  	v13 =	vld [tilespmem:s9+$0xFFFFFFF0];
	v19 =	vmul.f32 $2.000000030e-01, v9  }
0xbb: {  	vm0 =	vge.f32 v9, $0.0e+00;
	v8 =	vadd.f32 v14, v8;
	v14 =	vld [tilespmem:s13+$0x0];
	v16 =	vpop (erf)  }
0xbc: {  	v17 =	vld [tilespmem:s9+$0x10];
	v9 =	vsel vm0, v9, v19;
	v5 =	vmul.f32 v16, v5;
	[tilespmem:s10+$0xFFFFFFD0] =	vst v16;
	v15 =	vpop (erf)  }
0xbd: {  	v16 =	vmul.f32 $2.000000030e-01, v8;
	v10 =	vadd.f32 v12, v10;
	v12 =	vld [tilespmem:s13+$0x10];
	v9 =	vmul.f32 $1.442695020e+00, v9;
	[tilespmem:s10+$0xFFFFFFF0] =	vst v15;
	v18 =	vpop (erf)  }
0xbe: {  	vm0 =	vge.f32 v8, $0.0e+00;
	v4 =	vmul.f32 v15, v4;
	v19 =	vld [tilespmem:s9+$0x30];
	[tilespmem:s10+$0xFFFFFFC0] =	vst v5;
	v5 =	vmul.f32 v18, v6;
	v6 =	vpop (erf)  }
0xbf: {  	v15 =	vmul.f32 $2.000000030e-01, v10;
	v13 =	vadd.f32 v13, v7;
	v20 =	vld [tilespmem:s13+$0x20];
	(erf) = vpow2.f32 v9;
	[tilespmem:s10+$0xFFFFFF90] =	vst v6;
	v21 =	vpop (erf)  }
0xc0: {  	v7 =	vsel vm0, v8, v16;
	vm0 =	vge.f32 v10, $0.0e+00;
	v6 =	vmul.f32 v6, v2;
	v16 =	vld [tilespmem:s9+$0x50];
	[tilespmem:s10+$0xFFFFFFE0] =	vst v4;
	v8 =	vpop (erf)  }
0xc1: {  	v4 =	vld [tilespmem:s13+$0xFFFFFFC0];
	vm1 =	vge.f32 v13, $0.0e+00;
	v22 =	vmul.f32 $2.000000030e-01, v13;
	v14 =	vadd.f32 v17, v14;
	[tilespmem:s10+$0x0] =	vst v5  }
0xc2: {  	v3 =	vmul.f32 v21, v3;
	v5 =	vmul.f32 $1.442695020e+00, v7;
	v9 =	vsel vm0, v10, v15;
	v2 =	vld [tilespmem:s9+$0xFFFFFF80];
	[tilespmem:s10+$0xFFFFFF80] =	vst v6  }
0xc3: {  	v7 =	vld [tilespmem:s9+$0xFFFFFFA0];
	vm0 =	vge.f32 v14, $0.0e+00;
	v6 =	vmul.f32 $2.000000030e-01, v14;
	v10 =	vadd.f32 v19, v12;
	[tilespmem:s10+$0x10] =	vst v18  }
0xc4: {  	v9 =	vmul.f32 $1.442695020e+00, v9;
	v13 =	vsel vm1, v13, v22;
	v18 =	vld [tilespmem:s9+$0x60];
	(erf) = vpow2.f32 v5;
	[tilespmem:s10+$0x20] =	vst v3  }
.Ltmp1:
0xc5: {  	v5 =	vld [tilespmem:s9+$0xFFFFFFC0];
	vm1 =	vge.f32 v10, $0.0e+00;
	v3 =	vmul.f32 $2.000000030e-01, v10;
	v17 =	vadd.f32 v16, v20;
	[tilespmem:s10+$0x30] =	vst v21;
	(pc) =	sbr.rel @p4 .LBB2_5-.Ltmp1, $4  }
0xc6: {  	v12 =	vadd.f32 v11, v4;
	v11 =	vmul.f32 $1.442695020e+00, v13;
	v4 =	vld [tilespmem:s9+$0xFFFFFFE0];
	v13 =	vsel vm0, v14, v6;
	[tilespmem:s10+$0x50] =	vst v8  }
0xc7: {  	v6 =	vld [tilespmem:s9+$0x0];
	v10 =	vsel vm1, v10, v3;
	vm1 =	vge.f32 v17, $0.0e+00;
	v19 =	vmul.f32 $2.000000030e-01, v17  }
0xc8: {  	v15 =	vmul.f32 $1.442695020e+00, v13;
	vm0 =	vge.f32 v12, $0.0e+00;
	v16 =	vmul.f32 $2.000000030e-01, v12;
	v3 =	vld [tilespmem:s9+$0x20];
	v14 =	vpop (erf)  }
0xc9: {  	s13 =	sadd.s32 $0x80, s13;
	v13 =	vmul.f32 $1.442695020e+00, v10;
	v17 =	vsel vm1, v17, v19;
	v10 =	vld [tilespmem:s9+$0x40];
	v18 =	vmul.f32 v14, v18  }
0xca: {  	(erf) = vpow2.f32 v9  }
0xcb: {  	v12 =	vsel vm0, v12, v16;
	(erf) = vpow2.f32 v11  }
0xcc: {  	v9 =	vmul.f32 $1.442695020e+00, v12  }
0xcd: {  	(erf) = vpow2.f32 v15  }
0xce: {  	s9 =	sadd.s32 $0x100, s10;
	(erf) = vpow2.f32 v9  }
0xcf: {  	v1 =	vmul.f32 v8, v1;
	[tilespmem:s9+$0x60] =	vst v18  }
0xd0: {  	[tilespmem:s9+$0x70] =	vst v14;
	v8 =	vpop (erf)  }
0xd1: {  	[tilespmem:s11+$0x40] =	vst v1;
	v9 =	vmul.f32 $1.442695020e+00, v17;
	v7 =	vmul.f32 v8, v7  }
0xd2: {  	(erf) = vpow2.f32 v13;
	[tilespmem:s9+$0xFFFFFFB0] =	vst v8  }
0xd3: {  	(erf) = vpow2.f32 v9;
	[tilespmem:s9+$0xFFFFFFA0] =	vst v7;
	v1 =	vpop (erf)  }
0xd4: {  	v5 =	vmul.f32 v1, v5;
	[tilespmem:s9+$0xFFFFFFD0] =	vst v1;
	v1 =	vpop (erf)  }
0xd5: {  	[tilespmem:s9+$0xFFFFFFF0] =	vst v1  }
0xd6: {  	v7 =	vpop (erf);
	[tilespmem:s9+$0xFFFFFFC0] =	vst v5  }
0xd7: {  	v1 =	vmul.f32 v1, v4;
	v4 =	vpop (erf);
	[tilespmem:s9+$0x10] =	vst v7  }
0xd8: {  	v5 =	vmul.f32 v7, v6;
	[tilespmem:s9+$0xFFFFFF90] =	vst v4  }
0xd9: {  	v2 =	vmul.f32 v4, v2;
	[tilespmem:s9+$0xFFFFFFE0] =	vst v1  }
0xda: {  	[tilespmem:s9+$0x0] =	vst v5  }
0xdb: {  	v1 =	vpop (erf);
	[tilespmem:s9+$0xFFFFFF80] =	vst v2  }
0xdc: {  	v2 =	vmul.f32 v1, v3;
	v3 =	vpop (erf);
	[tilespmem:s9+$0x30] =	vst v1  }
0xdd: {  	s13 =	sshll.u32 s6, $0x8;
	v1 =	vmul.f32 v3, v10;
	[tilespmem:s9+$0x50] =	vst v3  }
0xde: {  	p4 =	seq.s32 s6, $0x28;
	s10 =	sand.u32 $0x3FFFFF00, s13;
	[tilespmem:s9+$0x20] =	vst v2  }
0xdf: {  	s10 =	sadd.s32 $0x2900, s10;
	[tilespmem:s9+$0x40] =	vst v1;
	s9 =	sshll.u32 @!p4 s6, $0x8  }
0xe0: {  	[spmem:s3] =	stream.indirect.scatter.add.f32 [tilespmem:s21], [sflag:$0x5], $0x20, s10, s23, $0xb8;
	[tilespmem:$0xF100] =	vst v63  }
0xe1: {  	s12 =	simm.s32 @!p4 $0x5200;
	s11 =	simm.s32 @!p4 $0x80;
	s10 =	sadd.s32 @!p4 $0x100, s9  }
0xe2: {  	[tilespmem:s12], [sflag:$0x1] =	stream.indirect.gather @!p4 [hbm4b:s5+s11], $0x20, s10, s11, $0xb8;
	[tilespmem:$0xF100] =	vst v63  }
0xe3: {  	s9 =	sadd.s32 @!p4 $0x2A00, s9;
	s10 =	simm.s32 @!p4 $0x7200  }
0xe4: {  	[tilespmem:s10], [sflag:$0x3] =	stream.indirect.gather @!p4 [hbm4b:s2+s11], $0x10, s9, s11, $0xb8;
	[tilespmem:$0xF100] =	vst v63  }
0xe5: {  	_ =	swait.ge [sflag:s0], $0x1000  }
0xe6: {  	[sflag:s0] =	ssyncset.done $0x0  }
0xe7: {  	[sflag:s0] =	ssyncadd.s32 $0xFFFFF000  }
0xe8: {  	_ =	swait.ge [sflag:s24], $0x800  }
0xe9: {  	[sflag:s24] =	ssyncset.done $0x0  }
0xea: {  	s9 =	simm.s32 @!p3 $0x6;
	[sflag:s24] =	ssyncadd.s32 $0xFFFFF800  }
0xeb: {  	_ =	swait.ge @!p3 [sflag:s9], $0x1000  }
0xec: {  	[sflag:s9] =	ssyncset.done @!p3 $0x0  }
0xed: {  	s11 =	simm.s32 $0x7A70;
	[sflag:s9] =	ssyncadd.s32 @!p3 $0xFFFFF000  }
0xee: {  	s12 =	simm.s32 $0x62F0;
	v1 =	vld [tilespmem:s11+$0x0]  }
0xef: {  	v2 =	vld [tilespmem:s12+$0x0]  }
0xf0: {  	v3 =	vld [tilespmem:s12+$0xFFFFFF20]  }
0xf1: {  	v4 =	vld [tilespmem:s11+$0xFFFFFFA0]  }
0xf2: {  	v5 =	vld [tilespmem:s12+$0xFFFFFF40]  }
0xf3: {  	v6 =	vld [tilespmem:s11+$0xFFFFFFB0]  }
0xf4: {  	v7 =	vld [tilespmem:s12+$0xFFFFFF60]  }
0xf5: {  	v8 =	vld [tilespmem:s11+$0xFFFFFFC0]  }
0xf6: {  	v9 =	vld [tilespmem:s12+$0xFFFFFF80]  }
0xf7: {  	v10 =	vld [tilespmem:s11+$0xFFFFFFD0]  }
0xf8: {  	v11 =	vld [tilespmem:s12+$0xFFFFFFA0]  }
0xf9: {  	v12 =	vld [tilespmem:s12+$0xFFFFFFC0];
	v1 =	vadd.f32 v2, v1  }
0xfa: {  	v6 =	vadd.f32 v7, v6;
	v7 =	vld [tilespmem:s11+$0xFFFFFF90]  }
0xfb: {  	v2 =	vld [tilespmem:s11+$0xFFFFFFE0];
	v13 =	vmul.f32 $2.000000030e-01, v1  }
0xfc: {  	v14 =	vld [tilespmem:s11+$0xFFFFFFF0];
	v4 =	vadd.f32 v5, v4;
	vm0 =	vge.f32 v1, $0.0e+00  }
0xfd: {  	s9 =	simm.s32 $0x63F0;
	v15 =	vld [tilespmem:s12+$0xFFFFFF10];
	v8 =	vadd.f32 v9, v8;
	v16 =	vmul.f32 $2.000000030e-01, v6;
	v1 =	vsel vm0, v1, v13  }
0xfe: {  	v19 =	vld [tilespmem:s9+$0xFFFFFF80];
	v13 =	vmul.f32 $2.000000030e-01, v4;
	v1 =	vmul.f32 $1.442695020e+00, v1  }
0xff: {  	v5 =	vld [tilespmem:s12+$0xFFFFFFE0];
	vm1 =	vge.f32 v8, $0.0e+00;
	vm0 =	vge.f32 v4, $0.0e+00;
	v3 =	vadd.f32 v3, v7  }
0x100: {  	v9 =	vld [tilespmem:s12+$0xFFFFFF30];
	v2 =	vadd.f32 v12, v2;
	(erf) = vpow2.f32 v1;
	v1 =	vsel vm0, v4, v13  }
0x101: {  	v7 =	vld [tilespmem:s12+$0xFFFFFF90];
	v4 =	vadd.f32 v11, v10;
	vm0 =	vge.f32 v6, $0.0e+00;
	v11 =	vmul.f32 $2.000000030e-01, v8  }
0x102: {  	v10 =	vld [tilespmem:s12+$0xFFFFFFF0];
	v12 =	vmul.f32 $2.000000030e-01, v3;
	v1 =	vmul.f32 $1.442695020e+00, v1;
	v6 =	vsel vm0, v6, v16  }
0x103: {  	v13 =	vld [tilespmem:s12+$0xFFFFFF50];
	v17 =	vmul.f32 $2.000000030e-01, v4;
	v8 =	vsel vm1, v8, v11;
	v6 =	vmul.f32 $1.442695020e+00, v6  }
0x104: {  	v16 =	vld [tilespmem:s12+$0xFFFFFF70];
	vm0 =	vge.f32 v4, $0.0e+00;
	v8 =	vmul.f32 $1.442695020e+00, v8;
	(erf) = vpow2.f32 v1  }
0x105: {  	s13 =	simm.s32 $0x7AF0;
	v11 =	vld [tilespmem:s12+$0xFFFFFFB0];
	v4 =	vsel vm0, v4, v17;
	vm0 =	vge.f32 v3, $0.0e+00;
	(erf) = vpow2.f32 v6  }
0x106: {  	v17 =	vld [tilespmem:s13+$0x0];
	v6 =	vmul.f32 $2.000000030e-01, v2;
	v4 =	vmul.f32 $1.442695020e+00, v4;
	v3 =	vsel vm0, v3, v12  }
0x107: {  	v12 =	vld [tilespmem:s9+$0x0];
	(erf) = vpow2.f32 v8;
	v3 =	vmul.f32 $1.442695020e+00, v3  }
0x108: {  	vm0 =	vge.f32 v2, $0.0e+00;
	(erf) = vpow2.f32 v4;
	v4 =	vadd.f32 v5, v14;
	v5 =	vld [tilespmem:s13+$0xFFFFFFA0]  }
0x109: {  	v2 =	vsel vm0, v2, v6;
	(erf) = vpow2.f32 v3;
	v3 =	vld [tilespmem:s9+$0xFFFFFF40]  }
0x10a: {  	v8 =	vld [tilespmem:s9+$0xFFFFFF20];
	v2 =	vmul.f32 $1.442695020e+00, v2;
	v6 =	vmul.f32 $2.000000030e-01, v4  }
0x10b: {  	v14 =	vld [tilespmem:s13+$0xFFFFFFB0];
	vm0 =	vge.f32 v4, $0.0e+00  }
0x10c: {  	v18 =	vpop (erf);
	(erf) = vpow2.f32 v2;
	v2 =	vld [tilespmem:s9+$0xFFFFFF60];
	v12 =	vadd.f32 v12, v17;
	v4 =	vsel vm0, v4, v6  }
0x10d: {  	s10 =	simm.s32 $0x92F0;
	v6 =	vmul.f32 v18, v10;
	v10 =	vld [tilespmem:s13+$0xFFFFFFC0];
	v4 =	vmul.f32 $1.442695020e+00, v4  }
0x10e: {  	[tilespmem:s10+$0x0] =	vst v18;
	v17 =	vpop (erf);
	v20 =	vmul.f32 $2.000000030e-01, v12;
	v3 =	vadd.f32 v3, v5;
	v5 =	vld [tilespmem:s13+$0xFFFFFFD0]  }
0x10f: {  	vm0 =	vge.f32 v12, $0.0e+00;
	[tilespmem:s10+$0xFFFFFFF0] =	vst v6;
	v6 =	vmul.f32 v17, v9;
	v9 =	vpop (erf);
	(erf) = vpow2.f32 v4;
	v4 =	vld [tilespmem:s9+$0xFFFFFFA0]  }
0x110: {  	[tilespmem:s10+$0xFFFFFF40] =	vst v17;
	v12 =	vsel vm0, v12, v20;
	v13 =	vmul.f32 v9, v13;
	v20 =	vld [tilespmem:s13+$0xFFFFFFE0]  }
0x111: {  	v18 =	vpop (erf);
	v14 =	vadd.f32 v2, v14;
	v17 =	vmul.f32 $2.000000030e-01, v3;
	v2 =	vmul.f32 $1.442695020e+00, v12;
	[tilespmem:s10+$0xFFFFFF30] =	vst v6;
	v6 =	vld [tilespmem:s9+$0xFFFFFFC0]  }
0x112: {  	vm0 =	vge.f32 v3, $0.0e+00;
	v16 =	vmul.f32 v18, v16;
	[tilespmem:s10+$0xFFFFFF80] =	vst v18;
	v18 =	vld [tilespmem:s13+$0xFFFFFF90];
	v10 =	vadd.f32 v19, v10  }
0x113: {  	[tilespmem:s10+$0xFFFFFF60] =	vst v9;
	v9 =	vmul.f32 $2.000000030e-01, v14;
	v19 =	vld [tilespmem:s13+$0xFFFFFFF0];
	v12 =	vpop (erf);
	(erf) = vpow2.f32 v2;
	v3 =	vsel vm0, v3, v17  }
0x114: {  	vm0 =	vge.f32 v14, $0.0e+00;
	v17 =	vld [tilespmem:s9+$0xFFFFFFE0];
	v21 =	vmul.f32 v12, v7;
	v7 =	vpop (erf);
	vm1 =	vge.f32 v10, $0.0e+00  }
0x115: {  	v63 =	vld [tilespmem:s9+$0xFFFFFFF0];
	[tilespmem:s10+$0xFFFFFF50] =	vst v13;
	v3 =	vmul.f32 $1.442695020e+00, v3;
	v15 =	vmul.f32 v7, v15;
	v13 =	vpop (erf);
	v22 =	vadd.f32 v4, v5  }
0x116: {  	v1 =	vld [tilespmem:s12+$0xFFFFFFD0];
	[tilespmem:s10+$0xFFFFFF70] =	vst v16;
	v4 =	vmul.f32 $2.000000030e-01, v10;
	v5 =	vsel vm0, v14, v9;
	v14 =	vmul.f32 v13, v11  }
0x117: {  	v2 =	vld [tilespmem:s9+$0xFFFFFF10];
	[tilespmem:s10+$0xFFFFFFA0] =	vst v12;
	v20 =	vadd.f32 v6, v20;
	v9 =	vmul.f32 $1.442695020e+00, v5;
	(erf) = vpow2.f32 v3  }
0x118: {  	[tilespmem:s10+$0xFFFFFF20] =	vst v7;
	v7 =	vld [tilespmem:s9+$0xFFFFFF30];
	v12 =	vadd.f32 v8, v18;
	vm0 =	vge.f32 v22, $0.0e+00;
	v16 =	vmul.f32 $2.000000030e-01, v22  }
0x119: {  	[tilespmem:s10+$0xFFFFFF90] =	vst v21;
	v5 =	vld [tilespmem:s9+$0xFFFFFF50];
	v4 =	vsel vm1, v10, v4;
	vm1 =	vge.f32 v20, $0.0e+00;
	v10 =	vadd.f32 v17, v19  }
0x11a: {  	v6 =	vld [tilespmem:s9+$0xFFFFFF90];
	[tilespmem:s10+$0xFFFFFF10] =	vst v15;
	v3 =	vmul.f32 $2.000000030e-01, v20;
	v11 =	vmul.f32 $1.442695020e+00, v4;
	v15 =	vsel vm0, v22, v16  }
0x11b: {  	[tilespmem:s10+$0xFFFFFFC0] =	vst v13;
	v4 =	vld [tilespmem:s9+$0xFFFFFF70];
	v8 =	vpop (erf);
	vm0 =	vge.f32 v12, $0.0e+00;
	v16 =	vmul.f32 $2.000000030e-01, v12;
	v18 =	vmul.f32 $2.000000030e-01, v10  }
0x11c: {  	[tilespmem:s10+$0xFFFFFFB0] =	vst v14;
	v17 =	vsel vm1, v20, v3;
	vm1 =	vge.f32 v10, $0.0e+00;
	v15 =	vmul.f32 $1.442695020e+00, v15;
	v3 =	vld [tilespmem:s9+$0xFFFFFFB0];
	v14 =	vpop (erf)  }
0x11d: {  	s11 =	simm.s32 $0x92F0;
	s12 =	simm.s32 $0x8;
	s13 =	simm.s32 $0x7B70;
	[tilespmem:s10+$0xFFFFFFE0] =	vst v8;
	v13 =	vmul.f32 $1.442695020e+00, v17;
	v17 =	vsel vm1, v10, v18;
	v10 =	vld [tilespmem:s9+$0xFFFFFFD0];
	v18 =	vmul.f32 v14, v63  }
.LBB2_7:
0x11e: {  	v19 =	vld [tilespmem:s13+$0x0];
	v12 =	vsel vm0, v12, v16;
	v16 =	vmul.f32 $1.442695020e+00, v17;
	s9 =	sadd.s32 $0x100, s9;
	(erf) = vpow2.f32 v9;
	s10 =	sadd.s32 $0x100, s10  }
0x11f: {  	s12 =	sadd.s32 $0x8, s12;
	v9 =	vld [tilespmem:s9+$0x0];
	v17 =	vmul.f32 $1.442695020e+00, v12;
	[tilespmem:s10+$0xFFFFFFF0] =	vst v18;
	(erf) = vpow2.f32 v11  }
0x120: {  	p3 =	slt.u32 s12, $0x78;
	v11 =	vld [tilespmem:s9+$0xFFFFFF20];
	[tilespmem:s10+$0x0] =	vst v14;
	(erf) = vpow2.f32 v15;
	v15 =	vmul.f32 v8, v1  }
0x121: {  	v8 =	vld [tilespmem:s13+$0xFFFFFFA0];
	(erf) = vpow2.f32 v17;
	v12 =	vpop (erf)  }
0x122: {  	v14 =	vld [tilespmem:s9+$0xFFFFFF40];
	v7 =	vmul.f32 v12, v7;
	(erf) = vpow2.f32 v13;
	[tilespmem:s11+$0xFFFFFFD0] =	vst v15;
	v1 =	vmov v10;
	s11 =	smov.u32 s10  }
0x123: {  	v10 =	vld [tilespmem:s13+$0xFFFFFFB0];
	[tilespmem:s10+$0xFFFFFF40] =	vst v12;
	(erf) = vpow2.f32 v16  }
0x124: {  	v12 =	vld [tilespmem:s9+$0xFFFFFF60];
	v9 =	vadd.f32 v9, v19;
	[tilespmem:s10+$0xFFFFFF30] =	vst v7  }
0x125: {  	v7 =	vld [tilespmem:s13+$0xFFFFFFC0]  }
0x126: {  	v13 =	vld [tilespmem:s9+$0xFFFFFF80];
	v19 =	vmul.f32 $2.000000030e-01, v9  }
0x127: {  	vm0 =	vge.f32 v9, $0.0e+00;
	v8 =	vadd.f32 v14, v8;
	v14 =	vld [tilespmem:s13+$0xFFFFFFD0];
	v16 =	vpop (erf)  }
0x128: {  	v17 =	vld [tilespmem:s9+$0xFFFFFFA0];
	v9 =	vsel vm0, v9, v19;
	v5 =	vmul.f32 v16, v5;
	[tilespmem:s10+$0xFFFFFF60] =	vst v16;
	v15 =	vpop (erf)  }
0x129: {  	v16 =	vmul.f32 $2.000000030e-01, v8;
	v10 =	vadd.f32 v12, v10;
	v12 =	vld [tilespmem:s13+$0xFFFFFFE0];
	v9 =	vmul.f32 $1.442695020e+00, v9;
	[tilespmem:s10+$0xFFFFFF80] =	vst v15;
	v18 =	vpop (erf)  }
0x12a: {  	vm0 =	vge.f32 v8, $0.0e+00;
	v4 =	vmul.f32 v15, v4;
	v19 =	vld [tilespmem:s9+$0xFFFFFFC0];
	[tilespmem:s10+$0xFFFFFF50] =	vst v5;
	v5 =	vmul.f32 v18, v6;
	v6 =	vpop (erf)  }
0x12b: {  	v15 =	vmul.f32 $2.000000030e-01, v10;
	v13 =	vadd.f32 v13, v7;
	v20 =	vld [tilespmem:s13+$0xFFFFFFF0];
	(erf) = vpow2.f32 v9;
	[tilespmem:s10+$0xFFFFFF20] =	vst v6;
	v21 =	vpop (erf)  }
0x12c: {  	v7 =	vsel vm0, v8, v16;
	vm0 =	vge.f32 v10, $0.0e+00;
	v6 =	vmul.f32 v6, v2;
	v16 =	vld [tilespmem:s9+$0xFFFFFFE0];
	[tilespmem:s10+$0xFFFFFF70] =	vst v4;
	v8 =	vpop (erf)  }
0x12d: {  	v4 =	vld [tilespmem:s13+$0xFFFFFF90];
	vm1 =	vge.f32 v13, $0.0e+00;
	v22 =	vmul.f32 $2.000000030e-01, v13;
	v14 =	vadd.f32 v17, v14;
	[tilespmem:s10+$0xFFFFFF90] =	vst v5  }
0x12e: {  	v3 =	vmul.f32 v21, v3;
	v5 =	vmul.f32 $1.442695020e+00, v7;
	v9 =	vsel vm0, v10, v15;
	v2 =	vld [tilespmem:s9+$0xFFFFFF10];
	[tilespmem:s10+$0xFFFFFF10] =	vst v6  }
0x12f: {  	v7 =	vld [tilespmem:s9+$0xFFFFFF30];
	vm0 =	vge.f32 v14, $0.0e+00;
	v6 =	vmul.f32 $2.000000030e-01, v14;
	v10 =	vadd.f32 v19, v12;
	[tilespmem:s10+$0xFFFFFFA0] =	vst v18  }
0x130: {  	v9 =	vmul.f32 $1.442695020e+00, v9;
	v13 =	vsel vm1, v13, v22;
	v18 =	vld [tilespmem:s9+$0xFFFFFFF0];
	(erf) = vpow2.f32 v5;
	[tilespmem:s10+$0xFFFFFFB0] =	vst v3  }
.Ltmp2:
0x131: {  	v5 =	vld [tilespmem:s9+$0xFFFFFF50];
	vm1 =	vge.f32 v10, $0.0e+00;
	v3 =	vmul.f32 $2.000000030e-01, v10;
	v17 =	vadd.f32 v16, v20;
	[tilespmem:s10+$0xFFFFFFC0] =	vst v21;
	(pc) =	sbr.rel @p3 .LBB2_7-.Ltmp2, $4  }
0x132: {  	v12 =	vadd.f32 v11, v4;
	v11 =	vmul.f32 $1.442695020e+00, v13;
	v4 =	vld [tilespmem:s9+$0xFFFFFF70];
	v13 =	vsel vm0, v14, v6;
	[tilespmem:s10+$0xFFFFFFE0] =	vst v8  }
0x133: {  	v6 =	vld [tilespmem:s9+$0xFFFFFF90];
	v10 =	vsel vm1, v10, v3;
	vm1 =	vge.f32 v17, $0.0e+00;
	v19 =	vmul.f32 $2.000000030e-01, v17  }
0x134: {  	v15 =	vmul.f32 $1.442695020e+00, v13;
	vm0 =	vge.f32 v12, $0.0e+00;
	v16 =	vmul.f32 $2.000000030e-01, v12;
	v3 =	vld [tilespmem:s9+$0xFFFFFFB0];
	v14 =	vpop (erf)  }
0x135: {  	s13 =	sadd.s32 $0x80, s13;
	v13 =	vmul.f32 $1.442695020e+00, v10;
	v17 =	vsel vm1, v17, v19;
	v10 =	vld [tilespmem:s9+$0xFFFFFFD0];
	v18 =	vmul.f32 v14, v18  }
0x136: {  	(erf) = vpow2.f32 v9  }
0x137: {  	v12 =	vsel vm0, v12, v16;
	(erf) = vpow2.f32 v11  }
0x138: {  	v58 =	vmul.f32 $1.442695020e+00, v12  }
0x139: {  	(erf) = vpow2.f32 v15  }
0x13a: {  	s9 =	sadd.s32 $0x100, s10;
	(erf) = vpow2.f32 v58  }
0x13b: {  	v1 =	vmul.f32 v8, v1;
	[tilespmem:s9+$0xFFFFFFF0] =	vst v18  }
0x13c: {  	[tilespmem:s9+$0x0] =	vst v14;
	v59 =	vpop (erf)  }
0x13d: {  	v60 =	vmul.f32 $1.442695020e+00, v17;
	[tilespmem:s11+$0xFFFFFFD0] =	vst v1;
	v7 =	vmul.f32 v59, v7  }
0x13e: {  	(erf) = vpow2.f32 v13;
	[tilespmem:s9+$0xFFFFFF40] =	vst v59  }
0x13f: {  	(erf) = vpow2.f32 v60;
	[tilespmem:s9+$0xFFFFFF30] =	vst v7;
	v1 =	vpop (erf)  }
0x140: {  	v5 =	vmul.f32 v1, v5;
	[tilespmem:s9+$0xFFFFFF60] =	vst v1;
	v1 =	vpop (erf)  }
0x141: {  	[tilespmem:s9+$0xFFFFFF80] =	vst v1  }
0x142: {  	v61 =	vpop (erf);
	[tilespmem:s9+$0xFFFFFF50] =	vst v5  }
0x143: {  	v1 =	vmul.f32 v1, v4;
	v62 =	vpop (erf);
	[tilespmem:s9+$0xFFFFFFA0] =	vst v61  }
0x144: {  	v63 =	vmul.f32 v61, v6;
	[tilespmem:s9+$0xFFFFFF20] =	vst v62  }
0x145: {  	v2 =	vmul.f32 v62, v2;
	[tilespmem:s9+$0xFFFFFF70] =	vst v1  }
0x146: {  	s6 =	sadd.s32 $0x1, s6;
	[tilespmem:s9+$0xFFFFFF90] =	vst v63  }
0x147: {  	p3 =	sne.s32 s6, $0x29;
	v1 =	vpop (erf);
	[tilespmem:s9+$0xFFFFFF10] =	vst v2  }
.Ltmp3:
0x148: {  	v2 =	vmul.f32 v1, v3;
	v3 =	vpop (erf);
	[tilespmem:s9+$0xFFFFFFC0] =	vst v1;
	(pc) =	sbr.rel @p3 .LBB2_4-.Ltmp3, $4  }
0x149: {  	v1 =	vmul.f32 v3, v10;
	[tilespmem:s9+$0xFFFFFFE0] =	vst v3  }
0x14a: {  	s8 =	sand.u32 $0x3FFFFF80, s8;
	[tilespmem:s9+$0xFFFFFFB0] =	vst v2  }
0x14b: {  	s8 =	sadd.s32 $0x2900, s8;
	[tilespmem:s9+$0xFFFFFFD0] =	vst v1  }
0x14c: {  	[spmem:s3] =	stream.indirect.scatter.add.f32 [tilespmem:s25], [sflag:$0x6], $0x20, s8, s23, $0xb8;
	[tilespmem:$0xF100] =	vst v63  }
0x14d: {  	_ =	swait.ge [sflag:s26], $0x1000  }
0x14e: {  	[sflag:s26] =	ssyncset.done $0x0  }
0x14f: {  	[sflag:s26] =	ssyncadd.s32 $0xFFFFF000  }
0x150: {  	s6 =	stileid.u32;
	_ =	swait.ge [sflag:s1], $0x1000  }
0x151: {  	s8 =	sshrl.u32 s7, $0x3;
	s4 =	sadd.s32 $0x1, s4;
	[sflag:s1] =	ssyncset.done $0x0  }
0x152: {  	s6 =	sshll.u32 s6, $0x6;
	p3 =	sne.s32 s4, s20;
	[sflag:s1] =	ssyncadd.s32 $0xFFFFF000  }
.Ltmp4:
0x153: {  	s6 =	sor.u32 $0x1C07, s6;
	[bflag:$0x0] =	sbarrier.arrive $0xFFFF;
	(pc) =	sbr.rel @p3 .LBB2_1-.Ltmp4, $4  }
0x154: {  	[hbm:s19], [sflag:s6] =	dma.local [spmem:s8], $0x9E0  }
0x155: {  	_ =	swait.ge [sflag:s22], $0x9E0  }
0x156: {  	[sflag:s22] =	ssyncset.done $0x0  }
0x157: {  	[sflag:s22] =	ssyncadd.s32 $0xFFFFF620  }
0x158: {  	_ =	sfence.sel $0x180000  }
0x159: {  	[bflag:$0x0] =	sbarrier.arrive $0xFFFF  }
0x15a: {  	_ =	strace $0x9000004A  }
0x15b: {  	s0 =	stileid.u32;
	[bflag:$0x2] =	sbarrier.arrive $0xFFFF  }
0x15c: {  	p0 =	sne.s32 s0, $0x0;
	s0 =	rddreg [dreg:$0x3]  }
0x15d: {  	s0 =	sadd.s32 @!p0 $0x100000, s0  }
0x15e: {  	[sflag:s0] =	ssyncadd.tile.s32 @!p0 $0x1;
	_ =	shalt  }
.Lfunc_end2:
_tile_overlayer_lowered:
.L_overlay_start_2:
0x15f: {  	(tag) =	ssettag $0x2  }
0x160: {  	s0 =	rddreg [dreg:$0x0];
	s2 =	stileid.u32  }
0x161: {  	s1 =	rddreg [dreg:$0x1];
	p0 =	sne.s32 s2, $0x0  }
0x162: {  	s3 =	rddreg [dreg:$0x2];
	[bflag:$0x3] =	sbarrier.arrive $0xFFFF;
	s2 =	simm.s32 @!p0 $0x1C07  }
0x163: {  	[timem:s3], [sflag:s2] =	dma.local @!p0 [hbm:s0], s1  }
0x164: {  	s0 =	simm.s32 @!p0 $0x7  }
0x165: {  	_ =	swait.ge @!p0 [sflag:s0], s1  }
0x166: {  	s1 =	ssub.s32 @!p0 $0x0, s1;
	[sflag:s0] =	ssyncset.done @!p0 $0x0  }
0x167: {  	[sflag:s0] =	ssyncadd.s32 @!p0 s1  }
0x168: {  	[bflag:$0x3] =	sbarrier.arrive $0xFFFF  }
0x169: {  	_ =	shalt  }

// kernel: kernel.7.cloned.1.call-start
scs
__scs_entry_jumppad:
0x0: {  	(pc) =	sbr.rel $0x88, $3  }
0x1: {  	(tag) =	ssettag $0x0;
	lr =	simm.s32 $0x1  }
0x2: {  	[smem:$0x3F97] =	sst lr;
	_ =	strace $0xD0000000  }
0x3: {  	_ = 	snop  }
0x4: {  	_ = 	snop  }
0x5: {  	_ = 	snop  }
0x6: {  	_ = 	snop  }
0x7: {  	_ = 	snop  }
__scs_overlays_trampoline_lowered:
0x8: {  	[smem:$0x3FA6] =	sst s0  }
0x9: {  	[smem:$0x3FA7] =	sst s1  }
0xa: {  	[smem:$0x3FA8] =	sst s2  }
0xb: {  	[smem:$0x3FA9] =	sst s3  }
0xc: {  	[smem:$0x3FAA] =	sst s4  }
0xd: {  	[smem:$0x3FAB] =	sst s5  }
0xe: {  	[smem:$0x3FAC] =	sst s6  }
0xf: {  	[smem:$0x3FAD] =	sst s7  }
0x10: {  	[smem:$0x3FAE] =	sst s8  }
0x11: {  	[smem:$0x3FAF] =	sst s9;
	s0 =	simm.s32 @!p0 $0x0  }
0x12: {  	s1 =	sld [smem:$0x3F95];
	s0 =	simm.s32 @p0 $0x1  }
0x13: {  	[smem:$0x3FB0] =	sst s0;
	s0 =	simm.s32 @!p1 $0x0  }
0x14: {  	s2 =	sld [smem:$0x3F94];
	s0 =	simm.s32 @p1 $0x1  }
0x15: {  	[smem:$0x3FB1] =	sst s0;
	s0 =	simm.s32 @!p2 $0x0  }
0x16: {  	s3 =	sld [smem:$0x3FDB];
	s0 =	simm.s32 @p2 $0x1  }
0x17: {  	s4 =	simm.s32 $0x1BF5;
	[smem:$0x3FB3] =	sst s0  }
0x18: {  	s0 =	sld [smem:$0x3F96];
	_ =	swait.ge [sflag:s4], $0x0  }
0x19: {  	s7 =	sld [smem:$0x3F97]  }
0x1a: {  	s8 =	sadd.s32 $0xFFFFE003, lr  }
0x1b: {  	s9 =	sadd.s32 $0xFFFFFEF7, lr;
	s5 =	simm.s32 $0xFFFFFFFF;
	p2 =	slt.u32 s8, $0xFFFFF086  }
0x1c: {  	p1 =	slt.u32 s9, $0xF7A;
	s5 =	simm.s32 @!p2 $0x0  }
0x1d: {  	s5 =	simm.s32 @p1 $0x1;
	p0 =	seq.s32 s7, s2  }
0x1e: {  	s7 =	smul.u32 @!p0 $0xF7A, s2;
	p2 =	seq.s32 @!p0 s5, $0x0  }
0x1f: {  	s9 =	smul.u32 $0xF7A, s1;
	s8 =	simm.s32 @!p0 $0x1BF5;
	p2 =	por !p2, p0  }
0x20: {  	[sflag:s8] =	ssyncset.s32 @!p0 $0xFFFFF086;
	s6 =	sadd.s32 @!p0 s3, s7;
	s7 =	simm.s32 @!p0 $0x108  }
0x21: {  	s3 =	sadd.s32 s3, s9;
	s6 =	sadd.s32 @!p0 $0x88, s6;
	s7 =	simm.s32 @p2 $0x1082  }
0x22: {  	[simem:s7], [sflag:s8] =	dma.local @!p0 [hbm:s6], $0xF7A  }
0x23: {  	s9 =	sor.u32 $0xD0000000, s2;
	s6 =	simm.s32 $0x108;
	_ =	swait.ge @!p0 [sflag:s8], $0x0  }
0x24: {  	s3 =	sadd.s32 $0x88, s3;
	s6 =	simm.s32 @!p1 $0x1082;
	[sflag:s4] =	ssyncset.s32 $0xFFFFF086  }
0x25: {  	[simem:s6], [sflag:s4] =	dma.local [hbm:s3], $0xF7A  }
0x26: {  	[smem:$0x3F97] =	sst s1;
	(tag) =	ssettag s2;
	_ =	strace s9  }
0x27: {  	s1 =	sld [smem:$0x3FA7]  }
0x28: {  	s2 =	sld [smem:$0x3FA8]  }
0x29: {  	s4 =	sld [smem:$0x3FAA]  }
0x2a: {  	p0 =	seq.s32 s5, $0x0;
	s5 =	sld [smem:$0x3FAB]  }
0x2b: {  	s6 =	sld [smem:$0x3FAC]  }
0x2c: {  	s7 =	sld [smem:$0x3FAD]  }
0x2d: {  	s3 =	simm.s32 $0x108;
	s8 =	sld [smem:$0x3FAE]  }
0x2e: {  	s3 =	simm.s32 @!p0 $0x1082;
	s9 =	sld [smem:$0x3FAF]  }
0x2f: {  	lr =	sadd.s32 s0, s3;
	s0 =	sld [smem:$0x3FA6]  }
0x30: {  	s3 =	sld [smem:$0x3FA9]  }
0x31: {  	[smem:$0x3FB2] =	sst s10  }
0x32: {  	s10 =	sld [smem:$0x3FB0];
	_ =	sdelay $0x3  }
0x33: {  	p0 =	seq.s32 s10, $0x1;
	s10 =	sld [smem:$0x3FB2];
	_ =	sdelay $0x3  }
0x34: {  	[smem:$0x3FB2] =	sst s10  }
0x35: {  	s10 =	sld [smem:$0x3FB1];
	_ =	sdelay $0x3  }
0x36: {  	p1 =	seq.s32 s10, $0x1;
	s10 =	sld [smem:$0x3FB2];
	_ =	sdelay $0x3  }
0x37: {  	[smem:$0x3FB2] =	sst s10  }
0x38: {  	s10 =	sld [smem:$0x3FB3]  }
0x39: {  	_ = 	snop;
	(pc) =	sbr.ind lr, $3  }
0x3a: {  	_ = 	snop  }
0x3b: {  	_ = 	snop  }
0x3c: {  	p2 =	seq.s32 s10, $0x1;
	s10 =	sld [smem:$0x3FB2]  }
0x3d: {  	_ =	shalt  }
0x3e: {  	_ =	shalt  }
0x3f: {  	_ =	shalt  }
0x40: {  	_ =	shalt  }
0x41: {  	_ =	shalt  }
0x42: {  	_ =	shalt  }
0x43: {  	_ =	shalt  }
0x44: {  	_ =	shalt  }
0x45: {  	_ =	shalt  }
0x46: {  	_ =	shalt  }
0x47: {  	_ =	shalt  }
0x48: {  	_ =	shalt  }
0x49: {  	_ =	shalt  }
0x4a: {  	_ =	shalt  }
0x4b: {  	_ =	shalt  }
0x4c: {  	_ =	shalt  }
0x4d: {  	_ =	shalt  }
0x4e: {  	_ =	shalt  }
0x4f: {  	_ =	shalt  }
0x50: {  	_ =	shalt  }
0x51: {  	_ =	shalt  }
0x52: {  	_ =	shalt  }
0x53: {  	_ =	shalt  }
0x54: {  	_ =	shalt  }
0x55: {  	_ =	shalt  }
0x56: {  	_ =	shalt  }
0x57: {  	_ =	shalt  }
0x58: {  	_ =	shalt  }
0x59: {  	_ =	shalt  }
0x5a: {  	_ =	shalt  }
0x5b: {  	_ =	shalt  }
0x5c: {  	_ =	shalt  }
0x5d: {  	_ =	shalt  }
0x5e: {  	_ =	shalt  }
0x5f: {  	_ =	shalt  }
0x60: {  	_ =	shalt  }
0x61: {  	_ =	shalt  }
0x62: {  	_ =	shalt  }
0x63: {  	_ =	shalt  }
0x64: {  	_ =	shalt  }
0x65: {  	_ =	shalt  }
0x66: {  	_ =	shalt  }
0x67: {  	_ =	shalt  }
0x68: {  	_ =	shalt  }
0x69: {  	_ =	shalt  }
0x6a: {  	_ =	shalt  }
0x6b: {  	_ =	shalt  }
0x6c: {  	_ =	shalt  }
0x6d: {  	_ =	shalt  }
0x6e: {  	_ =	shalt  }
0x6f: {  	_ =	shalt  }
0x70: {  	_ =	shalt  }
0x71: {  	_ =	shalt  }
0x72: {  	_ =	shalt  }
0x73: {  	_ =	shalt  }
0x74: {  	_ =	shalt  }
0x75: {  	_ =	shalt  }
0x76: {  	_ =	shalt  }
0x77: {  	_ =	shalt  }
0x78: {  	_ =	shalt  }
0x79: {  	_ =	shalt  }
0x7a: {  	_ =	shalt  }
0x7b: {  	_ =	shalt  }
0x7c: {  	_ =	shalt  }
0x7d: {  	_ =	shalt  }
0x7e: {  	_ =	shalt  }
0x7f: {  	_ =	shalt  }
0x80: {  	_ =	shalt  }
0x81: {  	_ =	shalt  }
0x82: {  	_ =	shalt  }
0x83: {  	_ =	shalt  }
0x84: {  	_ =	shalt  }
0x85: {  	_ =	shalt  }
0x86: {  	_ =	shalt  }
0x87: {  	_ =	shalt  }
.Lfunc_end0:
.L_simem_size_0:
called_computation_lowered:
.L_overlay_start_0:
0x88: {  	s2 =	sld [smem:$0x3FD9]  }
0x89: {  	s3 =	sld [smem:$0x3FFE];
	_ =	sdelay $0x1  }
0x8a: {  	s1 =	srdreg.scid  }
0x8b: {  	s0 =	sand.u32 $0x1, s1  }
0x8c: {  	s17 =	sshll.u32 s0, $0xA;
	s2 =	sadd.s32 s3, s2  }
0x8d: {  	s2 =	sadd.s32 s2, s17  }
0x8e: {  	[smem:$0x3FBE] =	sst s2  }
0x8f: {  	_ = 	snop  }
0x90: {  	s2 =	sld [smem:$0x3FD0];
	(tm) =	ssettm $0x1  }
0x91: {  	s18 =	sld [smem:$0x3FFB];
	_ =	sdelay $0x3  }
0x92: {  	_ =	strace s18  }
0x93: {  	s3 =	sld [smem:$0x3FFC];
	_ =	sdelay $0x3  }
0x94: {  	_ =	strace s3  }
0x95: {  	s3 =	sld [smem:$0x3FFD];
	_ =	sdelay $0x3  }
0x96: {  	_ =	strace s3  }
0x97: {  	_ =	strace $0x8FFFFFFF  }
0x98: {  	s19 =	sld [smem:$0x3FDB];
	_ =	sdelay $0x1  }
0x99: {  	s4 =	simm.s32 $_scs_section_size  }
0x9a: {  	s5 =	simm.s32 $_size__tile_overlayer_lowered;
	s6 =	simm.s32 $_tile_overlayer_lowered  }
0x9b: {  	s22 =	simm.s32 $0x1BFF;
	s21 =	sshll.u32 s6, $0x1;
	s3 =	sadd.s32 s4, s19  }
0x9c: {  	s7 =	simm.s32 $0x0;
	s20 =	sshll.u32 s5, $0x1;
	s5 =	sadd.s32 s21, s3  }
0x9d: {  	[timem:s7], [sflag:s22] =	dma.local [hbm:s5], s20  }
0x9e: {  	_ =	swait.ge [sflag:s22], s20  }
0x9f: {  	s4 =	ssub.s32 $0x0, s20;
	[sflag:s22] =	ssyncset.done $0x0  }
0xa0: {  	[sflag:s22] =	ssyncadd.s32 s4;
	_ =	sdelay $0x1  }
0xa1: {  	s23 =	simm.s32 $0x1B8B  }
0xa2: {  	_ =	swait.ge [sflag:s23], $0x1  }
0xa3: {  	[sflag:s23] =	ssyncset.done $0x0  }
0xa4: {  	s25 =	simm.s32 $0x1B8E;
	s24 =	sld [smem:$0x3FFE];
	[sflag:s23] =	ssyncadd.s32 $0xFFFFFFFF  }
0xa5: {  	s26 =	simm.s32 $execute0_lowered;
	[smem:$0x3FD2] =	sst s25  }
0xa6: {  	s5 =	sshll.u32 s26, $0x1;
	_ =	strace $0x80000046;
	[dreg:$0x1] =	wrdreg $0xFFFFFFFF  }
0xa7: {  	s28 =	simm.s32 $_size_execute0_lowered;
	s3 =	sadd.s32 s3, s5;
	[dreg:$0x0] =	wrdreg $0x0  }
0xa8: {  	s5 =	sshll.u32 s28, $0x1;
	[dreg:$0x2] =	wrdreg s3  }
0xa9: {  	[dreg:$0x3] =	wrdreg s5  }
0xaa: {  	[dreg:$0x4] =	wrdreg $0xC0  }
0xab: {  	_ =	task [dreg:s7], $0x5FFFF  }
0xac: {  	[dreg:$0x1] =	wrdreg $0xFFFFFFFF  }
0xad: {  	[dreg:$0x0] =	wrdreg $0x60  }
0xae: {  	[dreg:$0x2] =	wrdreg s24  }
0xaf: {  	[dreg:$0x3] =	wrdreg s2  }
0xb0: {  	[dreg:$0x4] =	wrdreg $0x102000  }
0xb1: {  	[dreg:$0x5] =	wrdreg $0x9  }
0xb2: {  	_ =	task.clear_ibuf [dreg:s7], $0x6FFFF;
	_ =	strace $0x90000046  }
0xb3: {  	s29 =	simm.s32 $0x9;
	_ =	strace $0x80000048  }
0xb4: {  	_ =	swait.ge [sflag:s29], $0x1  }
0xb5: {  	[sflag:s29] =	ssyncadd.s32 $0xFFFFFFFF  }
0xb6: {  	_ =	strace $0x90000048  }
0xb7: {  	_ =	sfence  }
0xb8: {  	s30 =	sld [smem:$0x0];
	_ =	sdelay $0x2  }
0xb9: {  	s31 =	sshll.u32 s1, $0xD;
	s1 =	sshrl.u32 s1, $0x2  }
0xba: {  	s3 =	sand.u32 $0x4000, s31;
	s1 =	sadd.s32 s1, s30  }
0xbb: {  	s0 =	sor.u32 s3, s0;
	s1 =	sshll.u32 s1, $0x11  }
0xbc: {  	s0 =	sor.u32 s1, s0  }
0xbd: {  	s0 =	sadd.s32 $0x8F2B, s0  }
0xbe: {  	[sflag:s0] =	ssyncadd.remote.s32 $0x1  }
0xbf: {  	_ =	sfence.sel $0xFFFF  }
0xc0: {  	[dreg:$0x0] =	wrdreg $0xFFFFFFFF;
	(pc) =	sbr.abs _section_cstart, $3  }
0xc1: {  	[dreg:$0x1] =	wrdreg $0xFFFFFFFF  }
0xc2: {  	_ =	task.clear_ibuf [dreg:s7], $0x2FFFF;
	_ =	strace $0x9FFFFFFF  }
0xc3: {  	(tm) =	ssettm $0x7FFFFFFF  }
tec
execute0_lowered:
.L_overlay_start_1:
0x0: {  	(tag) =	ssettag $0x1  }
0x1: {  	s0 =	rddreg [dreg:$0x0]  }
0x2: {  	s2 =	rddreg [dreg:$0x1]  }
0x3: {  	s3 =	rddreg [dreg:$0x2];
	s1 =	srdreg.scid  }
0x4: {  	s12 =	stileid.u32;
	s4 =	simm.s32 $0x0;
	s28 =	simm.s32 $0x7A00  }
0x5: {  	s29 =	simm.s32 $0xAA00;
	s30 =	simm.s32 $0x1;
	s31 =	simm.s32 $0x3  }
0x6: {  	s1 =	sand.u32 $0x1, s1;
	s6 =	smul.u32 $0xC580, s12;
	[smem:$0x7FF] =	sst s4  }
0x7: {  	s5 =	sadd.s32 $0x16400, s0;
	s8 =	sadd.s32 $0x2A00, s0;
	s10 =	smul.u32 $0x31600, s12  }
0x8: {  	s11 =	sadd.s32 $0x1A00, s0;
	s23 =	sadd.s32 $0x1CA0, s0;
	s24 =	sadd.s32 $0x2460, s0  }
0x9: {  	s26 =	sadd.s32 $0xC3C0, s0;
	_ =	strace $0x80000047;
	[dreg:$0x4] =	wrdreg s11  }
0xa: {  	s15 =	sadd.s32 $0x16000, s0;
	s16 =	sadd.s32 $0x21C0, s0;
	[dreg:$0x9] =	wrdreg s23  }
0xb: {  	s7 =	smul.u32 $0xC5800, s1;
	s9 =	ssub.s32 $0x2, s1;
	[dreg:$0xa] =	wrdreg s24  }
0xc: {  	s1 =	sshll.u32 s1, $0x4;
	[dreg:$0xb] =	wrdreg s26;
	s23 =	simm.s32 $0x80  }
0xd: {  	s24 =	simm.s32 $0x4;
	s26 =	simm.s32 $0x5;
	s18 =	sshrl.u32 s9, $0x1  }
0xe: {  	s10 =	sshrl.u32 s10, $0x2;
	s1 =	sor.u32 s12, s1;
	s7 =	sadd.s32 s6, s7  }
0xf: {  	s9 =	ssub.s32 s9, s18;
	s19 =	sadd.s32 s10, s3;
	s21 =	smul.u32 $0x2900, s1  }
0x10: {  	s25 =	smul.u32 $0x520, s1;
	p0 =	slt.u32 s1, $0x1E;
	s7 =	sshrl.u32 s7, $0x3  }
0x11: {  	s10 =	sadd.s32 $0x2800, s19;
	s20 =	sadd.s32 $0x5000, s19;
	s22 =	sadd.s32 $0x7800, s19  }
0x12: {  	p2 =	sne.s32 @!p0 s1, $0x1E;
	s1 =	simm.s32 $0x6;
	[dreg:$0x5] =	wrdreg s10  }
0x13: {  	s14 =	sadd.s32 s7, s0;
	s7 =	sadd.s32 s6, s3;
	[dreg:$0x6] =	wrdreg s20  }
0x14: {  	[dreg:$0x7] =	wrdreg s22;
	s6 =	sadd.s32 $0xA000, s19;
	s10 =	sshrl.u32 s21, $0x3  }
0x15: {  	s17 =	sadd.s32 s8, s25;
	s20 =	smax.u32 s9, $0x1;
	s21 =	simm.s32 $0xB200  }
0x16: {  	s22 =	simm.s32 $0x7;
	p1 =	por !p2, p0;
	p2 =	por p2, p0  }
0x17: {  	s0 =	simm.s32 $0x2;
	s25 =	simm.s32 $0xDA00;
	s10 =	sadd.s32 s8, s10  }
0x18: {  	v0 =	vimm.f32 $0.0e+00;
	[dreg:$0x8] =	wrdreg s6;
	s19 =	sadd.s32 $0x2F000, s14;
	s18 =	sadd.s32 $0x9C40, s10  }
.LBB2_1:
0x19: {  	s6 =	simm.s32 $0xB340  }
0x1a: {  	[tilespmem:s6+$0xFFFFFEC0] =	vst v0  }
0x1b: {  	[tilespmem:s6+$0x130] =	vst v0  }
0x1c: {  	[tilespmem:s6+$0x120] =	vst v0  }
0x1d: {  	[tilespmem:s6+$0x110] =	vst v0  }
0x1e: {  	[tilespmem:s6+$0x100] =	vst v0  }
0x1f: {  	[tilespmem:s6+$0xF0] =	vst v0  }
0x20: {  	[tilespmem:s6+$0xE0] =	vst v0  }
0x21: {  	[tilespmem:s6+$0xD0] =	vst v0  }
0x22: {  	[tilespmem:s6+$0xC0] =	vst v0  }
0x23: {  	[tilespmem:s6+$0xB0] =	vst v0  }
0x24: {  	[tilespmem:s6+$0xA0] =	vst v0  }
0x25: {  	[tilespmem:s6+$0x90] =	vst v0  }
0x26: {  	[tilespmem:s6+$0x80] =	vst v0  }
0x27: {  	[tilespmem:s6+$0x70] =	vst v0  }
0x28: {  	[tilespmem:s6+$0x60] =	vst v0  }
0x29: {  	[tilespmem:s6+$0x50] =	vst v0  }
0x2a: {  	[tilespmem:s6+$0x40] =	vst v0  }
0x2b: {  	[tilespmem:s6+$0x30] =	vst v0  }
0x2c: {  	[tilespmem:s6+$0x20] =	vst v0  }
0x2d: {  	[tilespmem:s6+$0x10] =	vst v0  }
0x2e: {  	[tilespmem:s6+$0x0] =	vst v0  }
0x2f: {  	[tilespmem:s6+$0xFFFFFFF0] =	vst v0  }
0x30: {  	[tilespmem:s6+$0xFFFFFFE0] =	vst v0  }
0x31: {  	[tilespmem:s6+$0xFFFFFFD0] =	vst v0  }
0x32: {  	[tilespmem:s6+$0xFFFFFFC0] =	vst v0  }
0x33: {  	[tilespmem:s6+$0xFFFFFFB0] =	vst v0  }
0x34: {  	[tilespmem:s6+$0xFFFFFFA0] =	vst v0  }
0x35: {  	[tilespmem:s6+$0xFFFFFF90] =	vst v0  }
0x36: {  	[tilespmem:s6+$0xFFFFFF80] =	vst v0  }
0x37: {  	[tilespmem:s6+$0xFFFFFF70] =	vst v0  }
0x38: {  	[tilespmem:s6+$0xFFFFFF60] =	vst v0  }
0x39: {  	[tilespmem:s6+$0xFFFFFF50] =	vst v0  }
0x3a: {  	[tilespmem:s6+$0xFFFFFF40] =	vst v0  }
0x3b: {  	[tilespmem:s6+$0xFFFFFF30] =	vst v0  }
0x3c: {  	[tilespmem:s6+$0xFFFFFF20] =	vst v0  }
0x3d: {  	[tilespmem:s6+$0xFFFFFF10] =	vst v0  }
0x3e: {  	[tilespmem:s6+$0xFFFFFF00] =	vst v0  }
0x3f: {  	[tilespmem:s6+$0xFFFFFEF0] =	vst v0  }
0x40: {  	s8 =	simm.s32 $0x0;
	[tilespmem:s6+$0xFFFFFEE0] =	vst v0  }
.LBB2_2:
0x41: {  	s8 =	sadd.s32 $0x8, s8;
	[tilespmem:s6+$0xFFFFFED0] =	vst v0;
	s6 =	sadd.s32 $0x280, s6  }
0x42: {  	[tilespmem:s6+$0xFFFFFEC0] =	vst v0;
	p3 =	slt.u32 s8, $0x78  }
0x43: {  	[tilespmem:s6+$0x130] =	vst v0  }
0x44: {  	[tilespmem:s6+$0x120] =	vst v0  }
0x45: {  	[tilespmem:s6+$0x110] =	vst v0  }
0x46: {  	[tilespmem:s6+$0x100] =	vst v0  }
0x47: {  	[tilespmem:s6+$0xF0] =	vst v0  }
0x48: {  	[tilespmem:s6+$0xE0] =	vst v0  }
0x49: {  	[tilespmem:s6+$0xD0] =	vst v0  }
0x4a: {  	[tilespmem:s6+$0xC0] =	vst v0  }
0x4b: {  	[tilespmem:s6+$0xB0] =	vst v0  }
0x4c: {  	[tilespmem:s6+$0xA0] =	vst v0  }
0x4d: {  	[tilespmem:s6+$0x90] =	vst v0  }
0x4e: {  	[tilespmem:s6+$0x80] =	vst v0  }
0x4f: {  	[tilespmem:s6+$0x70] =	vst v0  }
0x50: {  	[tilespmem:s6+$0x60] =	vst v0  }
0x51: {  	[tilespmem:s6+$0x50] =	vst v0  }
0x52: {  	[tilespmem:s6+$0x40] =	vst v0  }
0x53: {  	[tilespmem:s6+$0x30] =	vst v0  }
0x54: {  	[tilespmem:s6+$0x20] =	vst v0  }
0x55: {  	[tilespmem:s6+$0x10] =	vst v0  }
0x56: {  	[tilespmem:s6+$0x0] =	vst v0  }
0x57: {  	[tilespmem:s6+$0xFFFFFFF0] =	vst v0  }
0x58: {  	[tilespmem:s6+$0xFFFFFFE0] =	vst v0  }
0x59: {  	[tilespmem:s6+$0xFFFFFFD0] =	vst v0  }
0x5a: {  	[tilespmem:s6+$0xFFFFFFC0] =	vst v0  }
0x5b: {  	[tilespmem:s6+$0xFFFFFFB0] =	vst v0  }
0x5c: {  	[tilespmem:s6+$0xFFFFFFA0] =	vst v0  }
0x5d: {  	[tilespmem:s6+$0xFFFFFF90] =	vst v0  }
0x5e: {  	[tilespmem:s6+$0xFFFFFF80] =	vst v0  }
0x5f: {  	[tilespmem:s6+$0xFFFFFF70] =	vst v0  }
0x60: {  	[tilespmem:s6+$0xFFFFFF60] =	vst v0  }
0x61: {  	[tilespmem:s6+$0xFFFFFF50] =	vst v0  }
0x62: {  	[tilespmem:s6+$0xFFFFFF40] =	vst v0  }
0x63: {  	[tilespmem:s6+$0xFFFFFF30] =	vst v0  }
.Ltmp0:
0x64: {  	[tilespmem:s6+$0xFFFFFF20] =	vst v0;
	(pc) =	sbr.rel @p3 .LBB2_2-.Ltmp0, $4  }
0x65: {  	[tilespmem:s6+$0xFFFFFF10] =	vst v0  }
0x66: {  	[tilespmem:s6+$0xFFFFFF00] =	vst v0  }
0x67: {  	[tilespmem:s6+$0xFFFFFEF0] =	vst v0  }
0x68: {  	[tilespmem:s6+$0xFFFFFEE0] =	vst v0  }
0x69: {  	[tilespmem:s6+$0xFFFFFED0] =	vst v0  }
0x6a: {  	[spmem:s7] =	stream.linear.scatter [tilespmem:s21], [sflag:$0x7], $0x2800, $0x38;
	[tilespmem:$0x1C780] =	vst v63  }
0x6b: {  	_ =	swait.ge [sflag:s22], $0x2800  }
0x6c: {  	[sflag:s22] =	ssyncset.done $0x0  }
0x6d: {  	s8 =	rddreg [dreg:$0x5];
	[sflag:s22] =	ssyncadd.s32 $0xFFFFD800  }
0x6e: {  	[spmem:s8] =	stream.linear.scatter [tilespmem:s21], [sflag:$0x7], $0x2800, $0x38;
	[tilespmem:$0x1C780] =	vst v63  }
0x6f: {  	_ =	swait.ge [sflag:s22], $0x2800  }
0x70: {  	[sflag:s22] =	ssyncset.done $0x0  }
0x71: {  	s9 =	rddreg [dreg:$0x6];
	[sflag:s22] =	ssyncadd.s32 $0xFFFFD800  }
0x72: {  	[spmem:s9] =	stream.linear.scatter [tilespmem:s21], [sflag:$0x7], $0x2800, $0x38;
	[tilespmem:$0x1C780] =	vst v63  }
0x73: {  	_ =	swait.ge [sflag:s22], $0x2800  }
0x74: {  	[sflag:s22] =	ssyncset.done $0x0  }
0x75: {  	s10 =	rddreg [dreg:$0x7];
	[sflag:s22] =	ssyncadd.s32 $0xFFFFD800  }
0x76: {  	[spmem:s10] =	stream.linear.scatter [tilespmem:s21], [sflag:$0x7], $0x2800, $0x38;
	[tilespmem:$0x1C780] =	vst v63  }
0x77: {  	_ =	swait.ge [sflag:s22], $0x2800  }
0x78: {  	[sflag:s22] =	ssyncset.done $0x0  }
0x79: {  	s11 =	rddreg [dreg:$0x8];
	[sflag:s22] =	ssyncadd.s32 $0xFFFFD800  }
0x7a: {  	[spmem:s11] =	stream.linear.scatter [tilespmem:s21], [sflag:$0x7], $0x2580, $0x38;
	[tilespmem:$0x1C780] =	vst v63  }
0x7b: {  	_ =	swait.ge [sflag:s22], $0x2580  }
0x7c: {  	[sflag:s22] =	ssyncset.done $0x0  }
0x7d: {  	s6 =	simm.s32 @p0 $0x0;
	s8 =	simm.s32 @p0 $0x7;
	[sflag:s22] =	ssyncadd.s32 $0xFFFFDA80  }
0x7e: {  	[tilespmem:s6], [sflag:$0x7] =	stream.linear.gather @p0 [hbm4b:s17+s6], $0x2900, $0x38;
	[tilespmem:$0x1C780] =	vst v63  }
0x7f: {  	_ =	swait.ge @p0 [sflag:s8], $0x2900  }
0x80: {  	[sflag:s8] =	ssyncset.done @p0 $0x0  }
0x81: {  	s9 =	simm.s32 @p0 $0x2900;
	[sflag:s8] =	ssyncadd.s32 @p0 $0xFFFFD700  }
0x82: {  	[tilespmem:s9], [sflag:$0x7] =	stream.linear.gather @p0 [hbm4b:s18+s6], $0x2900, $0x38;
	[tilespmem:$0x1C780] =	vst v63  }
0x83: {  	_ =	swait.ge @p0 [sflag:s8], $0x2900  }
0x84: {  	[sflag:s8] =	ssyncset.done @p0 $0x0  }
0x85: {  	s6 =	simm.s32 @!p1 $0x0;
	[sflag:s8] =	ssyncadd.s32 @p0 $0xFFFFD700;
	s8 =	rddreg [dreg:$0x9]  }
0x86: {  	[tilespmem:s6], [sflag:$0x7] =	stream.linear.gather @!p1 [hbm4b:s8+s6], $0x2900, $0x38;
	[tilespmem:$0x1C780] =	vst v63  }
0x87: {  	s8 =	simm.s32 @!p1 $0x7  }
0x88: {  	_ =	swait.ge @!p1 [sflag:s8], $0x2900  }
0x89: {  	[sflag:s8] =	ssyncset.done @!p1 $0x0  }
0x8a: {  	s9 =	simm.s32 @!p1 $0x2900;
	s10 =	rddreg [dreg:$0xa];
	[sflag:s8] =	ssyncadd.s32 @!p1 $0xFFFFD700  }
0x8b: {  	[tilespmem:s9], [sflag:$0x7] =	stream.linear.gather @!p1 [hbm4b:s10+s6], $0x2900, $0x38;
	[tilespmem:$0x1C780] =	vst v63  }
0x8c: {  	_ =	swait.ge @!p1 [sflag:s8], $0x2900  }
0x8d: {  	[sflag:s8] =	ssyncset.done @!p1 $0x0  }
0x8e: {  	s6 =	simm.s32 @!p2 $0x0;
	[sflag:s8] =	ssyncadd.s32 @!p1 $0xFFFFD700;
	s8 =	rddreg [dreg:$0xb]  }
0x8f: {  	[tilespmem:s6], [sflag:$0x7] =	stream.linear.gather @!p2 [hbm4b:s8+s6], $0x1400, $0x38;
	[tilespmem:$0x1C780] =	vst v63  }
0x90: {  	s8 =	simm.s32 @!p2 $0x7  }
0x91: {  	_ =	swait.ge @!p2 [sflag:s8], $0x1400  }
0x92: {  	[sflag:s8] =	ssyncset.done @!p2 $0x0  }
0x93: {  	s9 =	simm.s32 @!p2 $0x1400;
	s10 =	rddreg [dreg:$0x4];
	[sflag:s8] =	ssyncadd.s32 @!p2 $0xFFFFEC00  }
0x94: {  	[tilespmem:s9], [sflag:$0x7] =	stream.linear.gather @!p2 [hbm4b:s10+s6], $0x1500, $0x38;
	[tilespmem:$0x1C780] =	vst v63  }
0x95: {  	_ =	swait.ge @!p2 [sflag:s8], $0x1500  }
0x96: {  	[sflag:s8] =	ssyncset.done @!p2 $0x0  }
0x97: {  	s9 =	simm.s32 @!p2 $0x2900;
	[sflag:s8] =	ssyncadd.s32 @!p2 $0xFFFFEB00  }
0x98: {  	[tilespmem:s9], [sflag:$0x7] =	stream.linear.gather @!p2 [hbm4b:s15+s6], $0x1400, $0x38;
	[tilespmem:$0x1C780] =	vst v63  }
0x99: {  	_ =	swait.ge @!p2 [sflag:s8], $0x1400  }
0x9a: {  	[sflag:s8] =	ssyncset.done @!p2 $0x0  }
0x9b: {  	s9 =	simm.s32 @!p2 $0x3D00;
	[sflag:s8] =	ssyncadd.s32 @!p2 $0xFFFFEC00  }
0x9c: {  	[tilespmem:s9], [sflag:$0x7] =	stream.linear.gather @!p2 [hbm4b:s16+s6], $0x1500, $0x38;
	[tilespmem:$0x1C780] =	vst v63  }
0x9d: {  	_ =	swait.ge @!p2 [sflag:s8], $0x1500  }
0x9e: {  	[sflag:s8] =	ssyncset.done @!p2 $0x0  }
0x9f: {  	s12 =	simm.s32 $0x5200;
	s6 =	simm.s32 $0x0;
	[sflag:s8] =	ssyncadd.s32 @!p2 $0xFFFFEB00  }
0xa0: {  	[tilespmem:s12], [sflag:$0x1] =	stream.indirect.gather [hbm4b:s5+s23], $0x50, s6, s23, $0xb8;
	[tilespmem:$0x1C780] =	vst v63  }
0xa1: {  	s13 =	simm.s32 $0x2900;
	s14 =	simm.s32 $0xA200  }
0xa2: {  	[tilespmem:s14], [sflag:$0x3] =	stream.indirect.gather [hbm4b:s2+s23], $0x10, s13, s23, $0xb8;
	[tilespmem:$0x1C780] =	vst v63  }
0xa3: {  	[bflag:$0x0] =	sbarrier.arrive $0xFFFF  }
.LBB2_4:
0xa4: {  	s8 =	sshllo.u32 s6, $0x1  }
0xa5: {  	s8 =	sshll.u32 s8, $0x7  }
0xa6: {  	[tilespmem:s28], [sflag:$0x2] =	stream.indirect.gather [hbm4b:s5+s23], $0x50, s8, s23, $0xb8;
	[tilespmem:$0x1C780] =	vst v63  }
0xa7: {  	s9 =	sadd.s32 $0x2900, s8  }
0xa8: {  	[tilespmem:s29], [sflag:$0x4] =	stream.indirect.gather [hbm4b:s2+s23], $0x10, s9, s23, $0xb8;
	[tilespmem:$0x1C780] =	vst v63  }
0xa9: {  	_ =	swait.ge [sflag:s30], $0x2800  }
0xaa: {  	[sflag:s30] =	ssyncset.done $0x0  }
0xab: {  	[sflag:s30] =	ssyncadd.s32 $0xFFFFD800  }
0xac: {  	_ =	swait.ge [sflag:s31], $0x800  }
0xad: {  	p3 =	seq.s32 s6, $0x0;
	[sflag:s31] =	ssyncset.done $0x0  }
0xae: {  	s9 =	simm.s32 @!p3 $0x5;
	[sflag:s31] =	ssyncadd.s32 $0xFFFFF800  }
0xaf: {  	_ =	swait.ge @!p3 [sflag:s9], $0x2800  }
0xb0: {  	[sflag:s9] =	ssyncset.done @!p3 $0x0  }
0xb1: {  	s14 =	simm.s32 $0xA240;
	[sflag:s9] =	ssyncadd.s32 @!p3 $0xFFFFD800  }
0xb2: {  	s12 =	simm.s32 $0x5340;
	v1 =	vld [tilespmem:s14+$0x30]  }
0xb3: {  	v2 =	vld [tilespmem:s12+$0x130];
	_ =	sdelay $0x1  }
0xb4: {  	v3 =	vld [tilespmem:s12+$0xFFFFFF00]  }
0xb5: {  	v4 =	vld [tilespmem:s14+$0xFFFFFFD0]  }
0xb6: {  	v5 =	vld [tilespmem:s12+$0xFFFFFF50]  }
0xb7: {  	v6 =	vld [tilespmem:s14+$0xFFFFFFE0];
	v1 =	vadd.f32 v2, v1  }
0xb8: {  	v7 =	vld [tilespmem:s14+$0xFFFFFFF0]  }
0xb9: {  	v9 =	vld [tilespmem:s12+$0xFFFFFFF0];
	v8 =	vmul.f32 $2.000000030e-01, v1  }
0xba: {  	v2 =	vld [tilespmem:s12+$0xFFFFFFA0];
	vm0 =	vge.f32 v1, $0.0e+00  }
0xbb: {  	v10 =	vld [tilespmem:s14+$0x0];
	v1 =	vsel vm0, v1, v8  }
0xbc: {  	v8 =	vld [tilespmem:s12+$0x40];
	v1 =	vmul.f32 $1.442695020e+00, v1  }
0xbd: {  	v11 =	vld [tilespmem:s12+$0x90];
	v4 =	vadd.f32 v5, v4  }
0xbe: {  	v5 =	vld [tilespmem:s14+$0x10];
	v7 =	vadd.f32 v9, v7;
	(erf) = vpow2.f32 v1  }
0xbf: {  	v9 =	vld [tilespmem:s14+$0xFFFFFFC0];
	v2 =	vadd.f32 v2, v6;
	v1 =	vmul.f32 $2.000000030e-01, v4  }
0xc0: {  	vm14 =	vge.f32 v4, $0.0e+00;
	vm1 =	vge.f32 v7, $0.0e+00;
	v6 =	vld [tilespmem:s14+$0x20]  }
0xc1: {  	v12 =	vmul.f32 $2.000000030e-01, v2;
	v1 =	vsel vm14, v4, v1;
	v4 =	vld [tilespmem:s12+$0xE0];
	v8 =	vadd.f32 v8, v10  }
0xc2: {  	vm15 =	vge.f32 v2, $0.0e+00;
	v10 =	vmul.f32 $2.000000030e-01, v7;
	v1 =	vmul.f32 $1.442695020e+00, v1  }
0xc3: {  	v5 =	vadd.f32 v11, v5;
	v2 =	vsel vm15, v2, v12;
	v12 =	vld [tilespmem:s12+$0xF0];
	v13 =	vmul.f32 $2.000000030e-01, v8  }
0xc4: {  	v7 =	vsel vm1, v7, v10;
	(erf) = vpow2.f32 v1;
	v1 =	vadd.f32 v3, v9  }
0xc5: {  	v2 =	vmul.f32 $1.442695020e+00, v2;
	vm4 =	vge.f32 v8, $0.0e+00;
	v3 =	vmul.f32 $2.000000030e-01, v5  }
0xc6: {  	v8 =	vsel vm4, v8, v13;
	v4 =	vadd.f32 v4, v6;
	v9 =	vmul.f32 $2.000000030e-01, v1  }
0xc7: {  	v6 =	vmul.f32 $1.442695020e+00, v7;
	vm6 =	vge.f32 v1, $0.0e+00;
	v8 =	vmul.f32 $1.442695020e+00, v8;
	v7 =	vpop (erf)  }
0xc8: {  	v1 =	vsel vm6, v1, v9;
	(erf) = vpow2.f32 v2;
	v11 =	vmul.f32 v7, v12  }
0xc9: {  	s11 =	simm.s32 $0xA2C0;
	v1 =	vmul.f32 $1.442695020e+00, v1;
	(erf) = vpow2.f32 v6  }
0xca: {  	s9 =	simm.s32 $0xB340;
	v17 =	vld [tilespmem:s11+$0x30];
	vm5 =	vge.f32 v5, $0.0e+00;
	v10 =	vmul.f32 $2.000000030e-01, v4;
	(erf) = vpow2.f32 v8  }
0xcb: {  	v2 =	vsel vm5, v5, v3;
	vm7 =	vge.f32 v4, $0.0e+00;
	v5 =	vld [tilespmem:s12+$0xFFFFFFB0];
	[tilespmem:s9+$0xF0] =	vst v11;
	(erf) = vpow2.f32 v1  }
0xcc: {  	v2 =	vmul.f32 $1.442695020e+00, v2;
	v4 =	vsel vm7, v4, v10;
	v3 =	vld [tilespmem:s12+$0x100]  }
0xcd: {  	v1 =	vld [tilespmem:s12+$0xFFFFFF10];
	v4 =	vmul.f32 $1.442695020e+00, v4  }
0xce: {  	(erf) = vpow2.f32 v2;
	v2 =	vld [tilespmem:s12+$0xFFFFFF60]  }
0xcf: {  	(erf) = vpow2.f32 v4;
	v4 =	vld [tilespmem:s12+$0x0]  }
0xd0: {  	s10 =	simm.s32 $0x55C0;
	v6 =	vld [tilespmem:s12+$0xFFFFFEC0];
	v9 =	vpop (erf)  }
0xd1: {  	v19 =	vld [tilespmem:s10+$0xFFFFFF00];
	v3 =	vmul.f32 v7, v3;
	v14 =	vpop (erf)  }
0xd2: {  	v20 =	vld [tilespmem:s11+$0xFFFFFFD0];
	v10 =	vmul.f32 v9, v1;
	v1 =	vpop (erf)  }
0xd3: {  	v21 =	vld [tilespmem:s10+$0xFFFFFF50];
	[tilespmem:s9+$0x100] =	vst v3;
	v3 =	vmul.f32 v14, v2;
	v2 =	vpop (erf)  }
0xd4: {  	v22 =	vld [tilespmem:s11+$0xFFFFFFE0];
	[tilespmem:s9+$0xFFFFFF10] =	vst v10;
	v10 =	vmul.f32 v1, v5;
	v4 =	vmul.f32 v2, v4;
	v5 =	vpop (erf)  }
0xd5: {  	v23 =	vld [tilespmem:s11+$0xFFFFFFF0];
	v6 =	vmul.f32 v5, v6  }
0xd6: {  	v25 =	vld [tilespmem:s10+$0xFFFFFFF0];
	[tilespmem:s9+$0x0] =	vst v4  }
0xd7: {  	[tilespmem:s9+$0xFFFFFEC0] =	vst v6;
	v6 =	vld [tilespmem:s12+$0x10]  }
0xd8: {  	v26 =	vld [tilespmem:s11+$0x0]  }
0xd9: {  	v27 =	vld [tilespmem:s10+$0x90]  }
0xda: {  	v28 =	vld [tilespmem:s10+$0xE0]  }
0xdb: {  	v12 =	vld [tilespmem:s12+$0xA0]  }
0xdc: {  	v8 =	vld [tilespmem:s12+$0x50];
	v6 =	vmul.f32 v2, v6  }
0xdd: {  	v11 =	vld [tilespmem:s12+$0x110]  }
0xde: {  	[tilespmem:s9+$0x10] =	vst v6;
	v6 =	vld [tilespmem:s10+$0x130]  }
0xdf: {  	v13 =	vld [tilespmem:s12+$0xFFFFFF20];
	[tilespmem:s9+$0xFFFFFF60] =	vst v3  }
0xe0: {  	[tilespmem:s9+$0xFFFFFFB0] =	vst v10;
	v15 =	vld [tilespmem:s12+$0xFFFFFF70];
	v3 =	vpop (erf)  }
0xe1: {  	v10 =	vld [tilespmem:s12+$0xFFFFFFC0];
	v8 =	vmul.f32 v3, v8  }
0xe2: {  	v4 =	vpop (erf);
	v16 =	vld [tilespmem:s12+$0xFFFFFED0];
	v11 =	vmul.f32 v7, v11  }
0xe3: {  	v20 =	vadd.f32 v21, v20;
	v21 =	vld [tilespmem:s11+$0x10];
	v12 =	vmul.f32 v4, v12;
	[tilespmem:s9+$0x50] =	vst v8;
	v6 =	vadd.f32 v6, v17  }
0xe4: {  	v8 =	vmul.f32 v9, v13;
	v13 =	vld [tilespmem:s12+$0x60];
	[tilespmem:s9+$0x110] =	vst v11  }
0xe5: {  	[tilespmem:s9+$0xA0] =	vst v12;
	v12 =	vld [tilespmem:s12+$0x120];
	v24 =	vmul.f32 $2.000000030e-01, v6  }
0xe6: {  	v11 =	vmul.f32 v14, v15;
	[tilespmem:s9+$0xFFFFFF20] =	vst v8;
	v8 =	vmul.f32 v1, v10;
	v10 =	vld [tilespmem:s12+$0xB0];
	vm8 =	vge.f32 v6, $0.0e+00  }
0xe7: {  	v23 =	vadd.f32 v25, v23;
	v16 =	vmul.f32 v5, v16;
	v17 =	vld [tilespmem:s10+$0xFFFFFFA0];
	v6 =	vsel vm8, v6, v24  }
0xe8: {  	v15 =	vld [tilespmem:s12+$0xFFFFFF30];
	[tilespmem:s9+$0xFFFFFF70] =	vst v11;
	v6 =	vmul.f32 $1.442695020e+00, v6  }
0xe9: {  	v11 =	vld [tilespmem:s12+$0xFFFFFF80];
	[tilespmem:s9+$0xFFFFFED0] =	vst v16;
	v16 =	vmul.f32 $2.000000030e-01, v23  }
0xea: {  	vm9 =	vge.f32 v20, $0.0e+00;
	v24 =	vld [tilespmem:s10+$0x40];
	(erf) = vpow2.f32 v6;
	v6 =	vmul.f32 $2.000000030e-01, v20  }
0xeb: {  	v21 =	vadd.f32 v27, v21;
	v18 =	vld [tilespmem:s12+$0x20];
	v13 =	vmul.f32 v3, v13;
	v12 =	vmul.f32 v12, v7  }
0xec: {  	v29 =	vld [tilespmem:s10+$0xFFFFFF60];
	v10 =	vmul.f32 v4, v10;
	v17 =	vadd.f32 v17, v22;
	v6 =	vsel vm9, v20, v6  }
0xed: {  	vm11 =	vge.f32 v23, $0.0e+00;
	[tilespmem:s9+$0xFFFFFFC0] =	vst v8;
	v15 =	vmul.f32 v9, v15;
	v20 =	vld [tilespmem:s11+$0xFFFFFFC0];
	v6 =	vmul.f32 $1.442695020e+00, v6  }
0xee: {  	vm13 =	vge.f32 v21, $0.0e+00;
	v8 =	vld [tilespmem:s12+$0xFFFFFFD0];
	[tilespmem:s9+$0xB0] =	vst v10;
	v10 =	vmul.f32 $2.000000030e-01, v21;
	v25 =	vmul.f32 $2.000000030e-01, v17  }
0xef: {  	v22 =	vld [tilespmem:s11+$0x20];
	vm10 =	vge.f32 v17, $0.0e+00;
	v24 =	vadd.f32 v24, v26;
	(erf) = vpow2.f32 v6  }
0xf0: {  	v27 =	vld [tilespmem:s10+$0xFFFFFF10];
	[tilespmem:s9+$0x60] =	vst v13;
	v11 =	vmul.f32 v14, v11;
	v18 =	vmul.f32 v2, v18;
	v17 =	vsel vm10, v17, v25  }
0xf1: {  	[tilespmem:s9+$0x120] =	vst v12;
	v10 =	vsel vm13, v21, v10;
	v25 =	vld [tilespmem:s10+$0xF0];
	v17 =	vmul.f32 $1.442695020e+00, v17;
	v13 =	vmul.f32 $2.000000030e-01, v24  }
0xf2: {  	[tilespmem:s9+$0xFFFFFF80] =	vst v11;
	v21 =	vld [tilespmem:s12+$0xFFFFFEE0];
	vm12 =	vge.f32 v24, $0.0e+00;
	v6 =	vsel vm11, v23, v16;
	v12 =	vadd.f32 v19, v20  }
0xf3: {  	v8 =	vmul.f32 v1, v8;
	[tilespmem:s9+$0x20] =	vst v18;
	v18 =	vld [tilespmem:s12+$0xFFFFFF90];
	v13 =	vsel vm12, v24, v13  }
0xf4: {  	[tilespmem:s9+$0xFFFFFF30] =	vst v15;
	v26 =	vld [tilespmem:s10+$0xFFFFFEC0];
	(erf) = vpow2.f32 v17;
	v19 =	vadd.f32 v28, v22;
	v15 =	vmul.f32 $2.000000030e-01, v12  }
0xf5: {  	v16 =	vld [tilespmem:s10+$0xFFFFFFB0];
	v20 =	vmul.f32 $1.442695020e+00, v6;
	v13 =	vmul.f32 $1.442695020e+00, v13;
	v6 =	vpop (erf);
	vm14 =	vge.f32 v12, $0.0e+00  }
0xf6: {  	[tilespmem:s9+$0x130] =	vst v7;
	v11 =	vmul.f32 $2.000000030e-01, v19;
	v24 =	vmul.f32 v6, v25;
	v12 =	vsel vm14, v12, v15;
	v15 =	vld [tilespmem:s12+$0x70]  }
0xf7: {  	[tilespmem:s9+$0xFFFFFFD0] =	vst v8;
	s11 =	simm.s32 $0xB5C0;
	v23 =	vld [tilespmem:s10+$0x50];
	(erf) = vpow2.f32 v20;
	v8 =	vmul.f32 $1.442695020e+00, v12  }
0xf8: {  	v10 =	vmul.f32 $1.442695020e+00, v10;
	vm15 =	vge.f32 v19, $0.0e+00;
	(erf) = vpow2.f32 v13;
	v13 =	vld [tilespmem:s12+$0xC0];
	[tilespmem:s11+$0xF0] =	vst v24;
	v7 =	vpop (erf)  }
0xf9: {  	v11 =	vsel vm15, v19, v11;
	v12 =	vld [tilespmem:s10+$0x100];
	(erf) = vpow2.f32 v8;
	v8 =	vmul.f32 v7, v27  }
0xfa: {  	v17 =	vld [tilespmem:s12+$0xFFFFFF40];
	v11 =	vmul.f32 $1.442695020e+00, v11;
	(erf) = vpow2.f32 v10  }
0xfb: {  	v22 =	vld [tilespmem:s10+$0x0];
	v10 =	vmul.f32 v5, v21;
	[tilespmem:s11+$0xFFFFFF10] =	vst v8;
	v8 =	vmul.f32 v3, v15  }
0xfc: {  	[tilespmem:s9+$0xFFFFFFA0] =	vst v14;
	v20 =	vld [tilespmem:s12+$0xFFFFFFE0]  }
0xfd: {  	v19 =	vld [tilespmem:s10+$0xA0];
	(erf) = vpow2.f32 v11;
	[tilespmem:s9+$0xFFFFFEE0] =	vst v10;
	v10 =	vmul.f32 v4, v13  }
0xfe: {  	[tilespmem:s9+$0xFFFFFF50] =	vst v9;
	v15 =	vld [tilespmem:s10+$0xFFFFFF20];
	v11 =	vmul.f32 v6, v12  }
0xff: {  	v24 =	vld [tilespmem:s12+$0xFFFFFEF0];
	[tilespmem:s9+$0x70] =	vst v8;
	v8 =	vpop (erf)  }
0x100: {  	[tilespmem:s11+$0x100] =	vst v11;
	v11 =	vmul.f32 v17, v9;
	v17 =	vld [tilespmem:s12+$0x30];
	v12 =	vmul.f32 v8, v29;
	v9 =	vpop (erf)  }
0x101: {  	[tilespmem:s9+$0xC0] =	vst v10;
	v21 =	vld [tilespmem:s10+$0x110];
	v10 =	vpop (erf)  }
0x102: {  	v25 =	vld [tilespmem:s12+$0x80];
	v16 =	vmul.f32 v9, v16;
	[tilespmem:s11+$0xFFFFFF60] =	vst v12;
	v12 =	vmul.f32 v10, v22  }
0x103: {  	[tilespmem:s9+$0xFFFFFF40] =	vst v11;
	v13 =	vpop (erf);
	v22 =	vld [tilespmem:s12+$0xD0]  }
0x104: {  	v26 =	vmul.f32 v13, v26;
	v27 =	vld [tilespmem:s10+$0xFFFFFF70];
	[tilespmem:s11+$0xFFFFFFB0] =	vst v16;
	v11 =	vpop (erf)  }
0x105: {  	v16 =	vld [tilespmem:s10+$0xFFFFFFC0];
	[tilespmem:s11+$0x0] =	vst v12;
	v23 =	vmul.f32 v11, v23  }
0x106: {  	v21 =	vmul.f32 v6, v21;
	[tilespmem:s11+$0xFFFFFEC0] =	vst v26;
	v26 =	vld [tilespmem:s10+$0x10];
	v12 =	vpop (erf)  }
0x107: {  	[tilespmem:s11+$0x50] =	vst v23;
	v23 =	vld [tilespmem:s10+$0xFFFFFED0];
	v19 =	vmul.f32 v12, v19  }
0x108: {  	v61 =	vmul.f32 v7, v15;
	[tilespmem:s11+$0x110] =	vst v21;
	v62 =	vld [tilespmem:s10+$0x60]  }
0x109: {  	v14 =	vmul.f32 v18, v14;
	v18 =	vmul.f32 v8, v27;
	v27 =	vld [tilespmem:s10+$0x120];
	[tilespmem:s11+$0xA0] =	vst v19  }
0x10a: {  	v15 =	vmul.f32 v20, v1;
	[tilespmem:s11+$0xFFFFFF20] =	vst v61;
	v63 =	vmul.f32 v9, v16;
	v21 =	vld [tilespmem:s10+$0xB0]  }
0x10b: {  	v20 =	vld [tilespmem:s10+$0xFFFFFF30];
	v19 =	vmul.f32 v24, v5;
	[tilespmem:s11+$0xFFFFFF70] =	vst v18;
	v24 =	vmul.f32 v10, v26  }
0x10c: {  	v16 =	vmul.f32 v17, v2;
	v30 =	vmul.f32 v13, v23;
	v23 =	vld [tilespmem:s10+$0xFFFFFF80];
	[tilespmem:s11+$0xFFFFFFC0] =	vst v63  }
0x10d: {  	v18 =	vmul.f32 v22, v4;
	v22 =	vld [tilespmem:s10+$0xFFFFFFD0];
	[tilespmem:s11+$0x10] =	vst v24;
	v26 =	vmul.f32 v11, v62  }
0x10e: {  	s13 =	simm.s32 $0x8;
	s14 =	simm.s32 $0xA340;
	s12 =	simm.s32 $0x55C0;
	v17 =	vmul.f32 v25, v3;
	[tilespmem:s11+$0xFFFFFED0] =	vst v30;
	v24 =	vld [tilespmem:s10+$0x20];
	v25 =	vmul.f32 v27, v6  }
.LBB2_5:
0x10f: {  	v27 =	vld [tilespmem:s14+$0x30];
	[tilespmem:s11+$0x60] =	vst v26;
	v21 =	vmul.f32 v12, v21;
	s10 =	sadd.s32 $0x280, s10  }
0x110: {  	s13 =	sadd.s32 $0x8, s13;
	v26 =	vld [tilespmem:s10+$0x130];
	v20 =	vmul.f32 v7, v20;
	[tilespmem:s11+$0x120] =	vst v25  }
0x111: {  	p4 =	slt.u32 s13, $0x78;
	v25 =	vld [tilespmem:s10+$0xFFFFFF00];
	v23 =	vmul.f32 v8, v23;
	[tilespmem:s11+$0xB0] =	vst v21  }
0x112: {  	v21 =	vld [tilespmem:s14+$0xFFFFFFD0];
	[tilespmem:s11+$0xFFFFFF30] =	vst v20;
	v20 =	vmul.f32 v9, v22  }
0x113: {  	v22 =	vld [tilespmem:s10+$0xFFFFFF50];
	[tilespmem:s11+$0xFFFFFF80] =	vst v23;
	v23 =	vmul.f32 v10, v24  }
0x114: {  	v24 =	vld [tilespmem:s14+$0xFFFFFFE0];
	[tilespmem:s11+$0xFFFFFFD0] =	vst v20  }
0x115: {  	v20 =	vld [tilespmem:s10+$0xFFFFFFA0];
	v26 =	vadd.f32 v26, v27;
	[tilespmem:s11+$0x20] =	vst v23  }
0x116: {  	v23 =	vld [tilespmem:s14+$0xFFFFFFF0];
	[tilespmem:s9+$0xFFFFFEF0] =	vst v19  }
0x117: {  	v19 =	vld [tilespmem:s10+$0xFFFFFFF0];
	v27 =	vmul.f32 $2.000000030e-01, v26;
	[tilespmem:s9+$0xFFFFFF90] =	vst v14  }
0x118: {  	vm0 =	vge.f32 v26, $0.0e+00;
	v14 =	vadd.f32 v22, v21;
	v21 =	vld [tilespmem:s14+$0x0];
	[tilespmem:s9+$0xFFFFFFE0] =	vst v15  }
0x119: {  	v15 =	vld [tilespmem:s10+$0x40];
	v22 =	vsel vm0, v26, v27;
	[tilespmem:s9+$0x30] =	vst v16  }
0x11a: {  	v16 =	vmul.f32 $2.000000030e-01, v14;
	v20 =	vadd.f32 v20, v24;
	v24 =	vld [tilespmem:s14+$0x10];
	v22 =	vmul.f32 $1.442695020e+00, v22;
	[tilespmem:s9+$0x80] =	vst v17  }
0x11b: {  	vm0 =	vge.f32 v14, $0.0e+00;
	v17 =	vld [tilespmem:s10+$0x90];
	[tilespmem:s9+$0xD0] =	vst v18  }
0x11c: {  	v18 =	vmul.f32 $2.000000030e-01, v20;
	v19 =	vadd.f32 v19, v23;
	v23 =	vld [tilespmem:s14+$0x20];
	(erf) = vpow2.f32 v22;
	[tilespmem:s9+$0xFFFFFF00] =	vst v5;
	v5 =	vmovc v13  }
0x11d: {  	v13 =	vsel vm0, v14, v16;
	vm0 =	vge.f32 v20, $0.0e+00;
	v14 =	vld [tilespmem:s10+$0xE0];
	[tilespmem:s9+$0xFFFFFFF0] =	vst v1;
	v1 =	vmov v9  }
0x11e: {  	v9 =	vld [tilespmem:s14+$0xFFFFFFC0];
	vm1 =	vge.f32 v19, $0.0e+00;
	v16 =	vmul.f32 $2.000000030e-01, v19;
	v15 =	vadd.f32 v15, v21;
	[tilespmem:s9+$0x40] =	vst v2;
	v2 =	vmovc v10  }
0x11f: {  	v10 =	vmul.f32 $1.442695020e+00, v13;
	v13 =	vsel vm0, v20, v18;
	v21 =	vld [tilespmem:s10+$0xFFFFFEC0];
	[tilespmem:s9+$0x90] =	vst v3;
	v3 =	vmov v11  }
0x120: {  	v11 =	vld [tilespmem:s10+$0xFFFFFF10];
	vm0 =	vge.f32 v15, $0.0e+00;
	v18 =	vmul.f32 $2.000000030e-01, v15;
	v17 =	vadd.f32 v17, v24;
	[tilespmem:s9+$0xE0] =	vst v4;
	v4 =	vmovc v12;
	s9 =	smov.u32 s11  }
0x121: {  	v12 =	vmul.f32 $1.442695020e+00, v13;
	v13 =	vsel vm1, v19, v16;
	v16 =	vld [tilespmem:s10+$0xF0];
	(erf) = vpow2.f32 v10;
	[tilespmem:s11+$0x130] =	vst v6  }
0x122: {  	v10 =	vld [tilespmem:s10+$0xFFFFFF60];
	vm1 =	vge.f32 v17, $0.0e+00;
	v24 =	vmul.f32 $2.000000030e-01, v17;
	v14 =	vadd.f32 v14, v23  }
0x123: {  	v13 =	vmul.f32 $1.442695020e+00, v13;
	v15 =	vsel vm0, v15, v18;
	v9 =	vadd.f32 v25, v9;
	v19 =	vld [tilespmem:s10+$0xFFFFFFB0]  }
0x124: {  	v18 =	vld [tilespmem:s10+$0x0];
	v17 =	vsel vm1, v17, v24;
	vm0 =	vge.f32 v14, $0.0e+00;
	v20 =	vmul.f32 $2.000000030e-01, v14  }
0x125: {  	v15 =	vmul.f32 $1.442695020e+00, v15;
	vm1 =	vge.f32 v9, $0.0e+00;
	v22 =	vmul.f32 $2.000000030e-01, v9;
	v23 =	vld [tilespmem:s10+$0x50];
	v6 =	vpop (erf)  }
0x126: {  	v17 =	vmul.f32 $1.442695020e+00, v17;
	v14 =	vsel vm0, v14, v20;
	v20 =	vld [tilespmem:s10+$0xA0];
	v16 =	vmul.f32 v6, v16  }
0x127: {  	s11 =	sadd.s32 $0x280, s11;
	v9 =	vsel vm1, v9, v22;
	v14 =	vmul.f32 $1.442695020e+00, v14;
	(erf) = vpow2.f32 v12;
	v12 =	vld [tilespmem:s12+$0xFFFFFEE0]  }
0x128: {  	v22 =	vmul.f32 $1.442695020e+00, v9;
	[tilespmem:s11+$0xF0] =	vst v16;
	(erf) = vpow2.f32 v13;
	v13 =	vld [tilespmem:s12+$0x70]  }
0x129: {  	v16 =	vld [tilespmem:s10+$0x100];
	(erf) = vpow2.f32 v15  }
0x12a: {  	(erf) = vpow2.f32 v22;
	v9 =	vpop (erf);
	v15 =	vld [tilespmem:s12+$0xC0]  }
0x12b: {  	v11 =	vmul.f32 v9, v11;
	(erf) = vpow2.f32 v17;
	v17 =	vld [tilespmem:s12+$0xFFFFFF40];
	[tilespmem:s9+$0xFFFFFF50] =	vst v7  }
0x12c: {  	(erf) = vpow2.f32 v14;
	v12 =	vmul.f32 v5, v12;
	v14 =	vld [tilespmem:s12+$0xFFFFFF90];
	[tilespmem:s9+$0xFFFFFFA0] =	vst v8  }
0x12d: {  	[tilespmem:s11+$0xFFFFFF10] =	vst v11;
	v11 =	vld [tilespmem:s12+$0xFFFFFFE0];
	v13 =	vmul.f32 v3, v13  }
0x12e: {  	v22 =	vld [tilespmem:s10+$0xFFFFFF20];
	v16 =	vmul.f32 v6, v16;
	[tilespmem:s9+$0xFFFFFEE0] =	vst v12  }
0x12f: {  	v12 =	vld [tilespmem:s12+$0xFFFFFEF0];
	[tilespmem:s9+$0x70] =	vst v13;
	v13 =	vmul.f32 v4, v15  }
0x130: {  	[tilespmem:s11+$0x100] =	vst v16;
	v15 =	vpop (erf);
	v16 =	vmul.f32 v17, v7;
	v17 =	vld [tilespmem:s12+$0x30];
	v7 =	vmov v9  }
0x131: {  	v24 =	vmul.f32 v15, v10;
	v25 =	vld [tilespmem:s10+$0x110];
	v9 =	vpop (erf);
	v14 =	vmul.f32 v14, v8;
	[tilespmem:s9+$0xC0] =	vst v13;
	v8 =	vmov v15  }
0x132: {  	v19 =	vmul.f32 v9, v19;
	v10 =	vpop (erf);
	[tilespmem:s9+$0xFFFFFF40] =	vst v16;
	v15 =	vmul.f32 v11, v1;
	v26 =	vld [tilespmem:s12+$0x80]  }
0x133: {  	v22 =	vmul.f32 v7, v22;
	[tilespmem:s11+$0xFFFFFF60] =	vst v24;
	v16 =	vmul.f32 v10, v18;
	v13 =	vpop (erf);
	v18 =	vld [tilespmem:s12+$0xD0];
	s12 =	smov.u32 s10  }
0x134: {  	v21 =	vmul.f32 v13, v21;
	v24 =	vld [tilespmem:s10+$0xFFFFFF70];
	[tilespmem:s11+$0xFFFFFFB0] =	vst v19;
	v11 =	vpop (erf);
	v19 =	vmul.f32 v12, v5  }
0x135: {  	v27 =	vld [tilespmem:s10+$0xFFFFFFC0];
	[tilespmem:s11+$0x0] =	vst v16;
	v23 =	vmul.f32 v11, v23;
	v12 =	vpop (erf);
	v16 =	vmul.f32 v17, v2  }
0x136: {  	[tilespmem:s11+$0xFFFFFEC0] =	vst v21;
	v28 =	vld [tilespmem:s10+$0x10];
	v20 =	vmul.f32 v12, v20;
	v21 =	vmul.f32 v6, v25  }
0x137: {  	v25 =	vld [tilespmem:s10+$0xFFFFFED0];
	[tilespmem:s11+$0x50] =	vst v23;
	v17 =	vmul.f32 v26, v3  }
0x138: {  	v26 =	vld [tilespmem:s10+$0x60];
	[tilespmem:s11+$0x110] =	vst v21;
	v18 =	vmul.f32 v18, v4  }
0x139: {  	v23 =	vmul.f32 v8, v24;
	[tilespmem:s11+$0xA0] =	vst v20;
	v29 =	vld [tilespmem:s10+$0x120]  }
.Ltmp1:
0x13a: {  	[tilespmem:s11+$0xFFFFFF20] =	vst v22;
	v22 =	vmul.f32 v9, v27;
	v21 =	vld [tilespmem:s10+$0xB0];
	(pc) =	sbr.rel @p4 .LBB2_5-.Ltmp1, $4  }
0x13b: {  	v20 =	vld [tilespmem:s10+$0xFFFFFF30];
	[tilespmem:s11+$0xFFFFFF70] =	vst v23;
	v24 =	vmul.f32 v10, v28  }
0x13c: {  	v25 =	vmul.f32 v13, v25;
	v23 =	vld [tilespmem:s10+$0xFFFFFF80];
	[tilespmem:s11+$0xFFFFFFC0] =	vst v22  }
0x13d: {  	v22 =	vld [tilespmem:s10+$0xFFFFFFD0];
	[tilespmem:s11+$0x10] =	vst v24;
	v26 =	vmul.f32 v11, v26  }
0x13e: {  	s14 =	sadd.s32 $0x80, s14;
	[tilespmem:s11+$0xFFFFFED0] =	vst v25;
	v24 =	vld [tilespmem:s10+$0x20];
	v25 =	vmul.f32 v29, v6  }
0x13f: {  	[tilespmem:s11+$0x60] =	vst v26  }
0x140: {  	[tilespmem:s9+$0xFFFFFEF0] =	vst v19  }
0x141: {  	[tilespmem:s9+$0xFFFFFF90] =	vst v14  }
0x142: {  	[tilespmem:s9+$0xFFFFFFE0] =	vst v15  }
0x143: {  	[tilespmem:s9+$0x30] =	vst v16  }
0x144: {  	[tilespmem:s9+$0x80] =	vst v17  }
0x145: {  	[tilespmem:s9+$0xD0] =	vst v18  }
0x146: {  	[tilespmem:s9+$0xFFFFFF00] =	vst v5  }
0x147: {  	[tilespmem:s9+$0xFFFFFFF0] =	vst v1  }
0x148: {  	[tilespmem:s9+$0x40] =	vst v2  }
0x149: {  	[tilespmem:s9+$0x90] =	vst v3  }
0x14a: {  	[tilespmem:s9+$0xE0] =	vst v4  }
0x14b: {  	v21 =	vmul.f32 v12, v21;
	[tilespmem:s11+$0x130] =	vst v6  }
0x14c: {  	v20 =	vmul.f32 v7, v20;
	[tilespmem:s11+$0x120] =	vst v25  }
0x14d: {  	v14 =	vld [tilespmem:s12+$0xFFFFFEE0];
	v23 =	vmul.f32 v8, v23;
	[tilespmem:s11+$0xB0] =	vst v21  }
0x14e: {  	[tilespmem:s11+$0xFFFFFF30] =	vst v20  }
0x14f: {  	v1 =	vld [tilespmem:s12+$0x70];
	v20 =	vmul.f32 v9, v22;
	[tilespmem:s11+$0xFFFFFF80] =	vst v23  }
0x150: {  	v21 =	vmul.f32 v10, v24;
	v3 =	vld [tilespmem:s12+$0xFFFFFF40];
	[tilespmem:s11+$0xFFFFFF50] =	vst v7  }
0x151: {  	[tilespmem:s11+$0xFFFFFFD0] =	vst v20  }
0x152: {  	v2 =	vld [tilespmem:s12+$0xC0];
	v5 =	vmul.f32 v13, v14;
	[tilespmem:s11+$0x20] =	vst v21  }
0x153: {  	v6 =	vld [tilespmem:s12+$0xFFFFFFE0];
	[tilespmem:s11+$0xFFFFFFF0] =	vst v9  }
0x154: {  	v1 =	vmul.f32 v11, v1;
	[tilespmem:s11+$0xFFFFFEE0] =	vst v5  }
0x155: {  	v5 =	vld [tilespmem:s12+$0xFFFFFF90];
	[tilespmem:s11+$0xFFFFFFA0] =	vst v8  }
0x156: {  	[tilespmem:s11+$0x70] =	vst v1  }
0x157: {  	v4 =	vld [tilespmem:s12+$0xFFFFFEF0];
	v2 =	vmul.f32 v12, v2;
	[tilespmem:s11+$0xFFFFFF00] =	vst v13  }
0x158: {  	v1 =	vld [tilespmem:s12+$0x30];
	[tilespmem:s11+$0x40] =	vst v10  }
0x159: {  	v3 =	vmul.f32 v3, v7;
	[tilespmem:s11+$0xC0] =	vst v2  }
0x15a: {  	v2 =	vld [tilespmem:s12+$0x80];
	[tilespmem:s11+$0x90] =	vst v11  }
0x15b: {  	v7 =	vld [tilespmem:s12+$0xD0];
	[tilespmem:s11+$0xFFFFFF40] =	vst v3;
	v3 =	vmul.f32 v6, v9  }
0x15c: {  	[tilespmem:s11+$0xE0] =	vst v12;
	v5 =	vmul.f32 v5, v8  }
0x15d: {  	v4 =	vmul.f32 v4, v13;
	[tilespmem:s11+$0xFFFFFFE0] =	vst v3  }
0x15e: {  	v1 =	vmul.f32 v1, v10;
	[tilespmem:s11+$0xFFFFFF90] =	vst v5  }
0x15f: {  	[tilespmem:s11+$0xFFFFFEF0] =	vst v4;
	v2 =	vmul.f32 v2, v11  }
0x160: {  	s10 =	sshll.u32 s6, $0x8;
	[tilespmem:s11+$0x30] =	vst v1;
	v3 =	vmul.f32 v7, v12  }
0x161: {  	s9 =	sand.u32 $0x3FFFFF00, s10;
	[tilespmem:s11+$0x80] =	vst v2  }
0x162: {  	p4 =	seq.s32 s6, $0x28;
	s9 =	sadd.s32 $0x2900, s9;
	[tilespmem:s11+$0xD0] =	vst v3  }
0x163: {  	[spmem:s3] =	stream.indirect.scatter.add.f32 [tilespmem:s21], [sflag:$0x5], $0x50, s9, s23, $0xb8;
	[tilespmem:$0x1C780] =	vst v63  }
0x164: {  	s9 =	sshll.u32 @!p4 s6, $0x8  }
0x165: {  	s12 =	simm.s32 @!p4 $0x5200;
	s11 =	simm.s32 @!p4 $0x80;
	s10 =	sadd.s32 @!p4 $0x100, s9  }
0x166: {  	[tilespmem:s12], [sflag:$0x1] =	stream.indirect.gather @!p4 [hbm4b:s5+s11], $0x50, s10, s11, $0xb8;
	[tilespmem:$0x1C780] =	vst v63  }
0x167: {  	s9 =	sadd.s32 @!p4 $0x2A00, s9;
	s10 =	simm.s32 @!p4 $0xA200  }
0x168: {  	[tilespmem:s10], [sflag:$0x3] =	stream.indirect.gather @!p4 [hbm4b:s2+s11], $0x10, s9, s11, $0xb8;
	[tilespmem:$0x1C780] =	vst v63  }
0x169: {  	_ =	swait.ge [sflag:s0], $0x2800  }
0x16a: {  	[sflag:s0] =	ssyncset.done $0x0  }
0x16b: {  	[sflag:s0] =	ssyncadd.s32 $0xFFFFD800  }
0x16c: {  	_ =	swait.ge [sflag:s24], $0x800  }
0x16d: {  	[sflag:s24] =	ssyncset.done $0x0  }
0x16e: {  	s9 =	simm.s32 @!p3 $0x6;
	[sflag:s24] =	ssyncadd.s32 $0xFFFFF800  }
0x16f: {  	_ =	swait.ge @!p3 [sflag:s9], $0x2800  }
0x170: {  	[sflag:s9] =	ssyncset.done @!p3 $0x0  }
0x171: {  	s12 =	simm.s32 $0xAA70;
	[sflag:s9] =	ssyncadd.s32 @!p3 $0xFFFFD800  }
0x172: {  	s13 =	simm.s32 $0x7C70;
	v1 =	vld [tilespmem:s12+$0x0]  }
0x173: {  	v2 =	vld [tilespmem:s13+$0x0];
	_ =	sdelay $0x1  }
0x174: {  	v3 =	vld [tilespmem:s13+$0xFFFFFDD0]  }
0x175: {  	v4 =	vld [tilespmem:s12+$0xFFFFFFA0]  }
0x176: {  	v5 =	vld [tilespmem:s13+$0xFFFFFE20]  }
0x177: {  	v6 =	vld [tilespmem:s12+$0xFFFFFFB0];
	v1 =	vadd.f32 v2, v1  }
0x178: {  	v7 =	vld [tilespmem:s12+$0xFFFFFFC0]  }
0x179: {  	v9 =	vld [tilespmem:s13+$0xFFFFFEC0];
	v8 =	vmul.f32 $2.000000030e-01, v1  }
0x17a: {  	v2 =	vld [tilespmem:s13+$0xFFFFFE70];
	vm0 =	vge.f32 v1, $0.0e+00  }
0x17b: {  	v10 =	vld [tilespmem:s12+$0xFFFFFFD0];
	v1 =	vsel vm0, v1, v8  }
0x17c: {  	v8 =	vld [tilespmem:s13+$0xFFFFFF10];
	v1 =	vmul.f32 $1.442695020e+00, v1  }
0x17d: {  	v11 =	vld [tilespmem:s13+$0xFFFFFF60];
	v4 =	vadd.f32 v5, v4  }
0x17e: {  	v5 =	vld [tilespmem:s12+$0xFFFFFFE0];
	v7 =	vadd.f32 v9, v7;
	(erf) = vpow2.f32 v1  }
0x17f: {  	v9 =	vld [tilespmem:s12+$0xFFFFFF90];
	v2 =	vadd.f32 v2, v6;
	v1 =	vmul.f32 $2.000000030e-01, v4  }
0x180: {  	vm14 =	vge.f32 v4, $0.0e+00;
	vm1 =	vge.f32 v7, $0.0e+00;
	v6 =	vld [tilespmem:s12+$0xFFFFFFF0]  }
0x181: {  	v12 =	vmul.f32 $2.000000030e-01, v2;
	v1 =	vsel vm14, v4, v1;
	v4 =	vld [tilespmem:s13+$0xFFFFFFB0];
	v8 =	vadd.f32 v8, v10  }
0x182: {  	vm15 =	vge.f32 v2, $0.0e+00;
	v10 =	vmul.f32 $2.000000030e-01, v7;
	v1 =	vmul.f32 $1.442695020e+00, v1  }
0x183: {  	v5 =	vadd.f32 v11, v5;
	v2 =	vsel vm15, v2, v12;
	v12 =	vld [tilespmem:s13+$0xFFFFFFC0];
	v13 =	vmul.f32 $2.000000030e-01, v8  }
0x184: {  	v7 =	vsel vm1, v7, v10;
	(erf) = vpow2.f32 v1;
	v1 =	vadd.f32 v3, v9  }
0x185: {  	v2 =	vmul.f32 $1.442695020e+00, v2;
	vm4 =	vge.f32 v8, $0.0e+00;
	v3 =	vmul.f32 $2.000000030e-01, v5  }
0x186: {  	v8 =	vsel vm4, v8, v13;
	v4 =	vadd.f32 v4, v6;
	v9 =	vmul.f32 $2.000000030e-01, v1  }
0x187: {  	v6 =	vmul.f32 $1.442695020e+00, v7;
	vm6 =	vge.f32 v1, $0.0e+00;
	v8 =	vmul.f32 $1.442695020e+00, v8;
	v7 =	vpop (erf)  }
0x188: {  	v1 =	vsel vm6, v1, v9;
	(erf) = vpow2.f32 v2;
	v11 =	vmul.f32 v7, v12  }
0x189: {  	s14 =	simm.s32 $0xAAF0;
	v1 =	vmul.f32 $1.442695020e+00, v1;
	(erf) = vpow2.f32 v6  }
0x18a: {  	s9 =	simm.s32 $0xDC70;
	v17 =	vld [tilespmem:s14+$0x0];
	vm5 =	vge.f32 v5, $0.0e+00;
	v10 =	vmul.f32 $2.000000030e-01, v4;
	(erf) = vpow2.f32 v8  }
0x18b: {  	v2 =	vsel vm5, v5, v3;
	vm7 =	vge.f32 v4, $0.0e+00;
	v5 =	vld [tilespmem:s13+$0xFFFFFE80];
	[tilespmem:s9+$0xFFFFFFC0] =	vst v11;
	(erf) = vpow2.f32 v1  }
0x18c: {  	v2 =	vmul.f32 $1.442695020e+00, v2;
	v4 =	vsel vm7, v4, v10;
	v3 =	vld [tilespmem:s13+$0xFFFFFFD0]  }
0x18d: {  	v1 =	vld [tilespmem:s13+$0xFFFFFDE0];
	v4 =	vmul.f32 $1.442695020e+00, v4  }
0x18e: {  	(erf) = vpow2.f32 v2;
	v2 =	vld [tilespmem:s13+$0xFFFFFE30]  }
0x18f: {  	(erf) = vpow2.f32 v4;
	v4 =	vld [tilespmem:s13+$0xFFFFFED0]  }
0x190: {  	s10 =	simm.s32 $0x7EF0;
	v6 =	vld [tilespmem:s13+$0xFFFFFD90];
	v9 =	vpop (erf)  }
0x191: {  	v19 =	vld [tilespmem:s10+$0xFFFFFDD0];
	v3 =	vmul.f32 v7, v3;
	v14 =	vpop (erf)  }
0x192: {  	v20 =	vld [tilespmem:s14+$0xFFFFFFA0];
	v10 =	vmul.f32 v9, v1;
	v1 =	vpop (erf)  }
0x193: {  	v21 =	vld [tilespmem:s10+$0xFFFFFE20];
	[tilespmem:s9+$0xFFFFFFD0] =	vst v3;
	v3 =	vmul.f32 v14, v2;
	v2 =	vpop (erf)  }
0x194: {  	v22 =	vld [tilespmem:s14+$0xFFFFFFB0];
	[tilespmem:s9+$0xFFFFFDE0] =	vst v10;
	v10 =	vmul.f32 v1, v5;
	v4 =	vmul.f32 v2, v4;
	v5 =	vpop (erf)  }
0x195: {  	v23 =	vld [tilespmem:s14+$0xFFFFFFC0];
	v6 =	vmul.f32 v5, v6  }
0x196: {  	v25 =	vld [tilespmem:s10+$0xFFFFFEC0];
	[tilespmem:s9+$0xFFFFFED0] =	vst v4  }
0x197: {  	[tilespmem:s9+$0xFFFFFD90] =	vst v6;
	v6 =	vld [tilespmem:s13+$0xFFFFFEE0]  }
0x198: {  	v26 =	vld [tilespmem:s14+$0xFFFFFFD0]  }
0x199: {  	v27 =	vld [tilespmem:s10+$0xFFFFFF60]  }
0x19a: {  	v28 =	vld [tilespmem:s10+$0xFFFFFFB0]  }
0x19b: {  	v12 =	vld [tilespmem:s13+$0xFFFFFF70]  }
0x19c: {  	v8 =	vld [tilespmem:s13+$0xFFFFFF20];
	v6 =	vmul.f32 v2, v6  }
0x19d: {  	v11 =	vld [tilespmem:s13+$0xFFFFFFE0]  }
0x19e: {  	[tilespmem:s9+$0xFFFFFEE0] =	vst v6;
	v6 =	vld [tilespmem:s10+$0x0]  }
0x19f: {  	v13 =	vld [tilespmem:s13+$0xFFFFFDF0];
	[tilespmem:s9+$0xFFFFFE30] =	vst v3  }
0x1a0: {  	[tilespmem:s9+$0xFFFFFE80] =	vst v10;
	v15 =	vld [tilespmem:s13+$0xFFFFFE40];
	v3 =	vpop (erf)  }
0x1a1: {  	v10 =	vld [tilespmem:s13+$0xFFFFFE90];
	v8 =	vmul.f32 v3, v8  }
0x1a2: {  	v4 =	vpop (erf);
	v16 =	vld [tilespmem:s13+$0xFFFFFDA0];
	v11 =	vmul.f32 v7, v11  }
0x1a3: {  	v20 =	vadd.f32 v21, v20;
	v21 =	vld [tilespmem:s14+$0xFFFFFFE0];
	v12 =	vmul.f32 v4, v12;
	[tilespmem:s9+$0xFFFFFF20] =	vst v8;
	v6 =	vadd.f32 v6, v17  }
0x1a4: {  	v8 =	vmul.f32 v9, v13;
	v13 =	vld [tilespmem:s13+$0xFFFFFF30];
	[tilespmem:s9+$0xFFFFFFE0] =	vst v11  }
0x1a5: {  	[tilespmem:s9+$0xFFFFFF70] =	vst v12;
	v12 =	vld [tilespmem:s13+$0xFFFFFFF0];
	v24 =	vmul.f32 $2.000000030e-01, v6  }
0x1a6: {  	v11 =	vmul.f32 v14, v15;
	[tilespmem:s9+$0xFFFFFDF0] =	vst v8;
	v8 =	vmul.f32 v1, v10;
	v10 =	vld [tilespmem:s13+$0xFFFFFF80];
	vm8 =	vge.f32 v6, $0.0e+00  }
0x1a7: {  	v23 =	vadd.f32 v25, v23;
	v16 =	vmul.f32 v5, v16;
	v17 =	vld [tilespmem:s10+$0xFFFFFE70];
	v6 =	vsel vm8, v6, v24  }
0x1a8: {  	v15 =	vld [tilespmem:s13+$0xFFFFFE00];
	[tilespmem:s9+$0xFFFFFE40] =	vst v11;
	v6 =	vmul.f32 $1.442695020e+00, v6  }
0x1a9: {  	v11 =	vld [tilespmem:s13+$0xFFFFFE50];
	[tilespmem:s9+$0xFFFFFDA0] =	vst v16;
	v16 =	vmul.f32 $2.000000030e-01, v23  }
0x1aa: {  	vm9 =	vge.f32 v20, $0.0e+00;
	v24 =	vld [tilespmem:s10+$0xFFFFFF10];
	(erf) = vpow2.f32 v6;
	v6 =	vmul.f32 $2.000000030e-01, v20  }
0x1ab: {  	v21 =	vadd.f32 v27, v21;
	v18 =	vld [tilespmem:s13+$0xFFFFFEF0];
	v13 =	vmul.f32 v3, v13;
	v12 =	vmul.f32 v12, v7  }
0x1ac: {  	v29 =	vld [tilespmem:s10+$0xFFFFFE30];
	v10 =	vmul.f32 v4, v10;
	v17 =	vadd.f32 v17, v22;
	v6 =	vsel vm9, v20, v6  }
0x1ad: {  	vm11 =	vge.f32 v23, $0.0e+00;
	[tilespmem:s9+$0xFFFFFE90] =	vst v8;
	v15 =	vmul.f32 v9, v15;
	v20 =	vld [tilespmem:s14+$0xFFFFFF90];
	v6 =	vmul.f32 $1.442695020e+00, v6  }
0x1ae: {  	vm13 =	vge.f32 v21, $0.0e+00;
	v8 =	vld [tilespmem:s13+$0xFFFFFEA0];
	[tilespmem:s9+$0xFFFFFF80] =	vst v10;
	v10 =	vmul.f32 $2.000000030e-01, v21;
	v25 =	vmul.f32 $2.000000030e-01, v17  }
0x1af: {  	v22 =	vld [tilespmem:s14+$0xFFFFFFF0];
	vm10 =	vge.f32 v17, $0.0e+00;
	v24 =	vadd.f32 v24, v26;
	(erf) = vpow2.f32 v6  }
0x1b0: {  	v27 =	vld [tilespmem:s10+$0xFFFFFDE0];
	[tilespmem:s9+$0xFFFFFF30] =	vst v13;
	v11 =	vmul.f32 v14, v11;
	v18 =	vmul.f32 v2, v18;
	v17 =	vsel vm10, v17, v25  }
0x1b1: {  	[tilespmem:s9+$0xFFFFFFF0] =	vst v12;
	v10 =	vsel vm13, v21, v10;
	v25 =	vld [tilespmem:s10+$0xFFFFFFC0];
	v17 =	vmul.f32 $1.442695020e+00, v17;
	v13 =	vmul.f32 $2.000000030e-01, v24  }
0x1b2: {  	[tilespmem:s9+$0xFFFFFE50] =	vst v11;
	v21 =	vld [tilespmem:s13+$0xFFFFFDB0];
	vm12 =	vge.f32 v24, $0.0e+00;
	v6 =	vsel vm11, v23, v16;
	v12 =	vadd.f32 v19, v20  }
0x1b3: {  	v8 =	vmul.f32 v1, v8;
	[tilespmem:s9+$0xFFFFFEF0] =	vst v18;
	v18 =	vld [tilespmem:s13+$0xFFFFFE60];
	v13 =	vsel vm12, v24, v13  }
0x1b4: {  	[tilespmem:s9+$0xFFFFFE00] =	vst v15;
	v26 =	vld [tilespmem:s10+$0xFFFFFD90];
	(erf) = vpow2.f32 v17;
	v19 =	vadd.f32 v28, v22;
	v15 =	vmul.f32 $2.000000030e-01, v12  }
0x1b5: {  	v16 =	vld [tilespmem:s10+$0xFFFFFE80];
	v20 =	vmul.f32 $1.442695020e+00, v6;
	v13 =	vmul.f32 $1.442695020e+00, v13;
	v6 =	vpop (erf);
	vm14 =	vge.f32 v12, $0.0e+00  }
0x1b6: {  	[tilespmem:s9+$0x0] =	vst v7;
	v11 =	vmul.f32 $2.000000030e-01, v19;
	v24 =	vmul.f32 v6, v25;
	v12 =	vsel vm14, v12, v15;
	v15 =	vld [tilespmem:s13+$0xFFFFFF40]  }
0x1b7: {  	s11 =	simm.s32 $0xDEF0;
	[tilespmem:s9+$0xFFFFFEA0] =	vst v8;
	v23 =	vld [tilespmem:s10+$0xFFFFFF20];
	(erf) = vpow2.f32 v20;
	v8 =	vmul.f32 $1.442695020e+00, v12  }
0x1b8: {  	v10 =	vmul.f32 $1.442695020e+00, v10;
	vm15 =	vge.f32 v19, $0.0e+00;
	(erf) = vpow2.f32 v13;
	v13 =	vld [tilespmem:s13+$0xFFFFFF90];
	[tilespmem:s11+$0xFFFFFFC0] =	vst v24;
	v7 =	vpop (erf)  }
0x1b9: {  	v11 =	vsel vm15, v19, v11;
	v12 =	vld [tilespmem:s10+$0xFFFFFFD0];
	(erf) = vpow2.f32 v8;
	v8 =	vmul.f32 v7, v27  }
0x1ba: {  	v17 =	vld [tilespmem:s13+$0xFFFFFE10];
	v11 =	vmul.f32 $1.442695020e+00, v11;
	(erf) = vpow2.f32 v10  }
0x1bb: {  	v22 =	vld [tilespmem:s10+$0xFFFFFED0];
	v10 =	vmul.f32 v5, v21;
	[tilespmem:s11+$0xFFFFFDE0] =	vst v8;
	v8 =	vmul.f32 v3, v15  }
0x1bc: {  	[tilespmem:s9+$0xFFFFFE70] =	vst v14;
	v20 =	vld [tilespmem:s13+$0xFFFFFEB0]  }
0x1bd: {  	v19 =	vld [tilespmem:s10+$0xFFFFFF70];
	(erf) = vpow2.f32 v11;
	[tilespmem:s9+$0xFFFFFDB0] =	vst v10;
	v10 =	vmul.f32 v4, v13  }
0x1be: {  	[tilespmem:s9+$0xFFFFFE20] =	vst v9;
	v15 =	vld [tilespmem:s10+$0xFFFFFDF0];
	v11 =	vmul.f32 v6, v12  }
0x1bf: {  	v24 =	vld [tilespmem:s13+$0xFFFFFDC0];
	[tilespmem:s9+$0xFFFFFF40] =	vst v8;
	v8 =	vpop (erf)  }
0x1c0: {  	[tilespmem:s11+$0xFFFFFFD0] =	vst v11;
	v11 =	vmul.f32 v17, v9;
	v17 =	vld [tilespmem:s13+$0xFFFFFF00];
	v12 =	vmul.f32 v8, v29;
	v9 =	vpop (erf)  }
0x1c1: {  	[tilespmem:s9+$0xFFFFFF90] =	vst v10;
	v21 =	vld [tilespmem:s10+$0xFFFFFFE0];
	v10 =	vpop (erf)  }
0x1c2: {  	v25 =	vld [tilespmem:s13+$0xFFFFFF50];
	v16 =	vmul.f32 v9, v16;
	[tilespmem:s11+$0xFFFFFE30] =	vst v12;
	v12 =	vmul.f32 v10, v22  }
0x1c3: {  	[tilespmem:s9+$0xFFFFFE10] =	vst v11;
	v13 =	vpop (erf);
	v22 =	vld [tilespmem:s13+$0xFFFFFFA0]  }
0x1c4: {  	v26 =	vmul.f32 v13, v26;
	v27 =	vld [tilespmem:s10+$0xFFFFFE40];
	[tilespmem:s11+$0xFFFFFE80] =	vst v16;
	v11 =	vpop (erf)  }
0x1c5: {  	v16 =	vld [tilespmem:s10+$0xFFFFFE90];
	[tilespmem:s11+$0xFFFFFED0] =	vst v12;
	v23 =	vmul.f32 v11, v23  }
0x1c6: {  	v21 =	vmul.f32 v6, v21;
	[tilespmem:s11+$0xFFFFFD90] =	vst v26;
	v26 =	vld [tilespmem:s10+$0xFFFFFEE0];
	v12 =	vpop (erf)  }
0x1c7: {  	[tilespmem:s11+$0xFFFFFF20] =	vst v23;
	v23 =	vld [tilespmem:s10+$0xFFFFFDA0];
	v19 =	vmul.f32 v12, v19  }
0x1c8: {  	v61 =	vmul.f32 v7, v15;
	[tilespmem:s11+$0xFFFFFFE0] =	vst v21;
	v62 =	vld [tilespmem:s10+$0xFFFFFF30]  }
0x1c9: {  	v14 =	vmul.f32 v18, v14;
	v18 =	vmul.f32 v8, v27;
	v27 =	vld [tilespmem:s10+$0xFFFFFFF0];
	[tilespmem:s11+$0xFFFFFF70] =	vst v19  }
0x1ca: {  	v15 =	vmul.f32 v20, v1;
	[tilespmem:s11+$0xFFFFFDF0] =	vst v61;
	v63 =	vmul.f32 v9, v16;
	v21 =	vld [tilespmem:s10+$0xFFFFFF80]  }
0x1cb: {  	v20 =	vld [tilespmem:s10+$0xFFFFFE00];
	v19 =	vmul.f32 v24, v5;
	[tilespmem:s11+$0xFFFFFE40] =	vst v18;
	v24 =	vmul.f32 v10, v26  }
0x1cc: {  	v16 =	vmul.f32 v17, v2;
	v30 =	vmul.f32 v13, v23;
	v23 =	vld [tilespmem:s10+$0xFFFFFE50];
	[tilespmem:s11+$0xFFFFFE90] =	vst v63  }
0x1cd: {  	v18 =	vmul.f32 v22, v4;
	v22 =	vld [tilespmem:s10+$0xFFFFFEA0];
	[tilespmem:s11+$0xFFFFFEE0] =	vst v24;
	v26 =	vmul.f32 v11, v62  }
0x1ce: {  	s12 =	simm.s32 $0x7EF0;
	s14 =	simm.s32 $0xAB70;
	s13 =	simm.s32 $0x8;
	v17 =	vmul.f32 v25, v3;
	[tilespmem:s11+$0xFFFFFDA0] =	vst v30;
	v24 =	vld [tilespmem:s10+$0xFFFFFEF0];
	v25 =	vmul.f32 v27, v6  }
.LBB2_7:
0x1cf: {  	v27 =	vld [tilespmem:s14+$0x0];
	[tilespmem:s11+$0xFFFFFF30] =	vst v26;
	v21 =	vmul.f32 v12, v21;
	s10 =	sadd.s32 $0x280, s10  }
0x1d0: {  	s13 =	sadd.s32 $0x8, s13;
	v26 =	vld [tilespmem:s10+$0x0];
	v20 =	vmul.f32 v7, v20;
	[tilespmem:s11+$0xFFFFFFF0] =	vst v25  }
0x1d1: {  	p3 =	slt.u32 s13, $0x78;
	v25 =	vld [tilespmem:s10+$0xFFFFFDD0];
	v23 =	vmul.f32 v8, v23;
	[tilespmem:s11+$0xFFFFFF80] =	vst v21  }
0x1d2: {  	v21 =	vld [tilespmem:s14+$0xFFFFFFA0];
	[tilespmem:s11+$0xFFFFFE00] =	vst v20;
	v20 =	vmul.f32 v9, v22  }
0x1d3: {  	v22 =	vld [tilespmem:s10+$0xFFFFFE20];
	[tilespmem:s11+$0xFFFFFE50] =	vst v23;
	v23 =	vmul.f32 v10, v24  }
0x1d4: {  	v24 =	vld [tilespmem:s14+$0xFFFFFFB0];
	[tilespmem:s11+$0xFFFFFEA0] =	vst v20  }
0x1d5: {  	v20 =	vld [tilespmem:s10+$0xFFFFFE70];
	v26 =	vadd.f32 v26, v27;
	[tilespmem:s11+$0xFFFFFEF0] =	vst v23  }
0x1d6: {  	v23 =	vld [tilespmem:s14+$0xFFFFFFC0];
	[tilespmem:s9+$0xFFFFFDC0] =	vst v19  }
0x1d7: {  	v19 =	vld [tilespmem:s10+$0xFFFFFEC0];
	v27 =	vmul.f32 $2.000000030e-01, v26;
	[tilespmem:s9+$0xFFFFFE60] =	vst v14  }
0x1d8: {  	vm0 =	vge.f32 v26, $0.0e+00;
	v14 =	vadd.f32 v22, v21;
	v21 =	vld [tilespmem:s14+$0xFFFFFFD0];
	[tilespmem:s9+$0xFFFFFEB0] =	vst v15  }
0x1d9: {  	v15 =	vld [tilespmem:s10+$0xFFFFFF10];
	v22 =	vsel vm0, v26, v27;
	[tilespmem:s9+$0xFFFFFF00] =	vst v16  }
0x1da: {  	v16 =	vmul.f32 $2.000000030e-01, v14;
	v20 =	vadd.f32 v20, v24;
	v24 =	vld [tilespmem:s14+$0xFFFFFFE0];
	v22 =	vmul.f32 $1.442695020e+00, v22;
	[tilespmem:s9+$0xFFFFFF50] =	vst v17  }
0x1db: {  	vm0 =	vge.f32 v14, $0.0e+00;
	v17 =	vld [tilespmem:s10+$0xFFFFFF60];
	[tilespmem:s9+$0xFFFFFFA0] =	vst v18  }
0x1dc: {  	v18 =	vmul.f32 $2.000000030e-01, v20;
	v19 =	vadd.f32 v19, v23;
	v23 =	vld [tilespmem:s14+$0xFFFFFFF0];
	(erf) = vpow2.f32 v22;
	[tilespmem:s9+$0xFFFFFDD0] =	vst v5;
	v5 =	vmovc v13  }
0x1dd: {  	v13 =	vsel vm0, v14, v16;
	vm0 =	vge.f32 v20, $0.0e+00;
	v14 =	vld [tilespmem:s10+$0xFFFFFFB0];
	[tilespmem:s9+$0xFFFFFEC0] =	vst v1;
	v1 =	vmov v9  }
0x1de: {  	v9 =	vld [tilespmem:s14+$0xFFFFFF90];
	vm1 =	vge.f32 v19, $0.0e+00;
	v16 =	vmul.f32 $2.000000030e-01, v19;
	v15 =	vadd.f32 v15, v21;
	[tilespmem:s9+$0xFFFFFF10] =	vst v2;
	v2 =	vmovc v10  }
0x1df: {  	v10 =	vmul.f32 $1.442695020e+00, v13;
	v13 =	vsel vm0, v20, v18;
	v21 =	vld [tilespmem:s10+$0xFFFFFD90];
	[tilespmem:s9+$0xFFFFFF60] =	vst v3;
	v3 =	vmov v11  }
0x1e0: {  	v11 =	vld [tilespmem:s10+$0xFFFFFDE0];
	vm0 =	vge.f32 v15, $0.0e+00;
	v18 =	vmul.f32 $2.000000030e-01, v15;
	v17 =	vadd.f32 v17, v24;
	[tilespmem:s9+$0xFFFFFFB0] =	vst v4;
	v4 =	vmovc v12;
	s9 =	smov.u32 s11  }
0x1e1: {  	v12 =	vmul.f32 $1.442695020e+00, v13;
	v13 =	vsel vm1, v19, v16;
	v16 =	vld [tilespmem:s10+$0xFFFFFFC0];
	(erf) = vpow2.f32 v10;
	[tilespmem:s11+$0x0] =	vst v6  }
0x1e2: {  	v10 =	vld [tilespmem:s10+$0xFFFFFE30];
	vm1 =	vge.f32 v17, $0.0e+00;
	v24 =	vmul.f32 $2.000000030e-01, v17;
	v14 =	vadd.f32 v14, v23  }
0x1e3: {  	v13 =	vmul.f32 $1.442695020e+00, v13;
	v15 =	vsel vm0, v15, v18;
	v9 =	vadd.f32 v25, v9;
	v19 =	vld [tilespmem:s10+$0xFFFFFE80]  }
0x1e4: {  	v18 =	vld [tilespmem:s10+$0xFFFFFED0];
	v17 =	vsel vm1, v17, v24;
	vm0 =	vge.f32 v14, $0.0e+00;
	v20 =	vmul.f32 $2.000000030e-01, v14  }
0x1e5: {  	v15 =	vmul.f32 $1.442695020e+00, v15;
	vm1 =	vge.f32 v9, $0.0e+00;
	v22 =	vmul.f32 $2.000000030e-01, v9;
	v23 =	vld [tilespmem:s10+$0xFFFFFF20];
	v6 =	vpop (erf)  }
0x1e6: {  	v17 =	vmul.f32 $1.442695020e+00, v17;
	v14 =	vsel vm0, v14, v20;
	v20 =	vld [tilespmem:s10+$0xFFFFFF70];
	v16 =	vmul.f32 v6, v16  }
0x1e7: {  	s11 =	sadd.s32 $0x280, s11;
	v9 =	vsel vm1, v9, v22;
	v14 =	vmul.f32 $1.442695020e+00, v14;
	(erf) = vpow2.f32 v12;
	v12 =	vld [tilespmem:s12+$0xFFFFFDB0]  }
0x1e8: {  	v22 =	vmul.f32 $1.442695020e+00, v9;
	[tilespmem:s11+$0xFFFFFFC0] =	vst v16;
	(erf) = vpow2.f32 v13;
	v13 =	vld [tilespmem:s12+$0xFFFFFF40]  }
0x1e9: {  	v16 =	vld [tilespmem:s10+$0xFFFFFFD0];
	(erf) = vpow2.f32 v15  }
0x1ea: {  	(erf) = vpow2.f32 v22;
	v9 =	vpop (erf);
	v15 =	vld [tilespmem:s12+$0xFFFFFF90]  }
0x1eb: {  	v11 =	vmul.f32 v9, v11;
	(erf) = vpow2.f32 v17;
	v17 =	vld [tilespmem:s12+$0xFFFFFE10];
	[tilespmem:s9+$0xFFFFFE20] =	vst v7  }
0x1ec: {  	(erf) = vpow2.f32 v14;
	v12 =	vmul.f32 v5, v12;
	v14 =	vld [tilespmem:s12+$0xFFFFFE60];
	[tilespmem:s9+$0xFFFFFE70] =	vst v8  }
0x1ed: {  	[tilespmem:s11+$0xFFFFFDE0] =	vst v11;
	v11 =	vld [tilespmem:s12+$0xFFFFFEB0];
	v13 =	vmul.f32 v3, v13  }
0x1ee: {  	v22 =	vld [tilespmem:s10+$0xFFFFFDF0];
	v16 =	vmul.f32 v6, v16;
	[tilespmem:s9+$0xFFFFFDB0] =	vst v12  }
0x1ef: {  	v12 =	vld [tilespmem:s12+$0xFFFFFDC0];
	[tilespmem:s9+$0xFFFFFF40] =	vst v13;
	v13 =	vmul.f32 v4, v15  }
0x1f0: {  	[tilespmem:s11+$0xFFFFFFD0] =	vst v16;
	v15 =	vpop (erf);
	v16 =	vmul.f32 v17, v7;
	v17 =	vld [tilespmem:s12+$0xFFFFFF00];
	v7 =	vmov v9  }
0x1f1: {  	v24 =	vmul.f32 v15, v10;
	v25 =	vld [tilespmem:s10+$0xFFFFFFE0];
	v9 =	vpop (erf);
	v14 =	vmul.f32 v14, v8;
	[tilespmem:s9+$0xFFFFFF90] =	vst v13;
	v8 =	vmov v15  }
0x1f2: {  	v19 =	vmul.f32 v9, v19;
	v10 =	vpop (erf);
	[tilespmem:s9+$0xFFFFFE10] =	vst v16;
	v15 =	vmul.f32 v11, v1;
	v26 =	vld [tilespmem:s12+$0xFFFFFF50]  }
0x1f3: {  	v22 =	vmul.f32 v7, v22;
	[tilespmem:s11+$0xFFFFFE30] =	vst v24;
	v16 =	vmul.f32 v10, v18;
	v13 =	vpop (erf);
	v18 =	vld [tilespmem:s12+$0xFFFFFFA0];
	s12 =	smov.u32 s10  }
0x1f4: {  	v21 =	vmul.f32 v13, v21;
	v24 =	vld [tilespmem:s10+$0xFFFFFE40];
	[tilespmem:s11+$0xFFFFFE80] =	vst v19;
	v11 =	vpop (erf);
	v19 =	vmul.f32 v12, v5  }
0x1f5: {  	v27 =	vld [tilespmem:s10+$0xFFFFFE90];
	[tilespmem:s11+$0xFFFFFED0] =	vst v16;
	v23 =	vmul.f32 v11, v23;
	v12 =	vpop (erf);
	v16 =	vmul.f32 v17, v2  }
0x1f6: {  	[tilespmem:s11+$0xFFFFFD90] =	vst v21;
	v28 =	vld [tilespmem:s10+$0xFFFFFEE0];
	v20 =	vmul.f32 v12, v20;
	v21 =	vmul.f32 v6, v25  }
0x1f7: {  	v25 =	vld [tilespmem:s10+$0xFFFFFDA0];
	[tilespmem:s11+$0xFFFFFF20] =	vst v23;
	v17 =	vmul.f32 v26, v3  }
0x1f8: {  	v26 =	vld [tilespmem:s10+$0xFFFFFF30];
	[tilespmem:s11+$0xFFFFFFE0] =	vst v21;
	v18 =	vmul.f32 v18, v4  }
0x1f9: {  	v23 =	vmul.f32 v8, v24;
	[tilespmem:s11+$0xFFFFFF70] =	vst v20;
	v29 =	vld [tilespmem:s10+$0xFFFFFFF0]  }
.Ltmp2:
0x1fa: {  	[tilespmem:s11+$0xFFFFFDF0] =	vst v22;
	v22 =	vmul.f32 v9, v27;
	v21 =	vld [tilespmem:s10+$0xFFFFFF80];
	(pc) =	sbr.rel @p3 .LBB2_7-.Ltmp2, $4  }
0x1fb: {  	v20 =	vld [tilespmem:s10+$0xFFFFFE00];
	[tilespmem:s11+$0xFFFFFE40] =	vst v23;
	v24 =	vmul.f32 v10, v28  }
0x1fc: {  	v25 =	vmul.f32 v13, v25;
	v23 =	vld [tilespmem:s10+$0xFFFFFE50];
	[tilespmem:s11+$0xFFFFFE90] =	vst v22  }
0x1fd: {  	v22 =	vld [tilespmem:s10+$0xFFFFFEA0];
	[tilespmem:s11+$0xFFFFFEE0] =	vst v24;
	v26 =	vmul.f32 v11, v26  }
0x1fe: {  	s14 =	sadd.s32 $0x80, s14;
	[tilespmem:s11+$0xFFFFFDA0] =	vst v25;
	v24 =	vld [tilespmem:s10+$0xFFFFFEF0];
	v25 =	vmul.f32 v29, v6  }
0x1ff: {  	[tilespmem:s11+$0xFFFFFF30] =	vst v26  }
0x200: {  	[tilespmem:s9+$0xFFFFFDC0] =	vst v19  }
0x201: {  	[tilespmem:s9+$0xFFFFFE60] =	vst v14  }
0x202: {  	[tilespmem:s9+$0xFFFFFEB0] =	vst v15  }
0x203: {  	[tilespmem:s9+$0xFFFFFF00] =	vst v16  }
0x204: {  	[tilespmem:s9+$0xFFFFFF50] =	vst v17  }
0x205: {  	[tilespmem:s9+$0xFFFFFFA0] =	vst v18  }
0x206: {  	[tilespmem:s9+$0xFFFFFDD0] =	vst v5  }
0x207: {  	[tilespmem:s9+$0xFFFFFEC0] =	vst v1  }
0x208: {  	[tilespmem:s9+$0xFFFFFF10] =	vst v2  }
0x209: {  	[tilespmem:s9+$0xFFFFFF60] =	vst v3  }
0x20a: {  	[tilespmem:s9+$0xFFFFFFB0] =	vst v4  }
0x20b: {  	v21 =	vmul.f32 v12, v21;
	[tilespmem:s11+$0x0] =	vst v6  }
0x20c: {  	v20 =	vmul.f32 v7, v20;
	[tilespmem:s11+$0xFFFFFFF0] =	vst v25  }
0x20d: {  	v23 =	vmul.f32 v8, v23;
	[tilespmem:s11+$0xFFFFFF80] =	vst v21  }
0x20e: {  	v58 =	vld [tilespmem:s12+$0xFFFFFDB0];
	[tilespmem:s11+$0xFFFFFE00] =	vst v20  }
0x20f: {  	v1 =	vld [tilespmem:s12+$0xFFFFFF40];
	v56 =	vmul.f32 v9, v22;
	[tilespmem:s11+$0xFFFFFE50] =	vst v23  }
0x210: {  	v3 =	vld [tilespmem:s12+$0xFFFFFE10];
	[tilespmem:s11+$0xFFFFFE20] =	vst v7  }
0x211: {  	v2 =	vld [tilespmem:s12+$0xFFFFFF90];
	v57 =	vmul.f32 v10, v24;
	[tilespmem:s11+$0xFFFFFEA0] =	vst v56  }
0x212: {  	v61 =	vld [tilespmem:s12+$0xFFFFFE60];
	[tilespmem:s11+$0xFFFFFE70] =	vst v8  }
0x213: {  	v59 =	vmul.f32 v13, v58;
	[tilespmem:s11+$0xFFFFFEF0] =	vst v57  }
0x214: {  	v1 =	vmul.f32 v11, v1;
	v62 =	vld [tilespmem:s12+$0xFFFFFEB0];
	[tilespmem:s11+$0xFFFFFEC0] =	vst v9  }
0x215: {  	[tilespmem:s11+$0xFFFFFDB0] =	vst v59  }
0x216: {  	[tilespmem:s11+$0xFFFFFF40] =	vst v1  }
0x217: {  	v60 =	vld [tilespmem:s12+$0xFFFFFDC0];
	v2 =	vmul.f32 v12, v2;
	[tilespmem:s11+$0xFFFFFDD0] =	vst v13  }
0x218: {  	v1 =	vld [tilespmem:s12+$0xFFFFFF00];
	[tilespmem:s11+$0xFFFFFF10] =	vst v10  }
0x219: {  	v3 =	vmul.f32 v3, v7;
	[tilespmem:s11+$0xFFFFFF90] =	vst v2  }
0x21a: {  	v2 =	vld [tilespmem:s12+$0xFFFFFF50];
	[tilespmem:s11+$0xFFFFFF60] =	vst v11  }
0x21b: {  	v5 =	vmul.f32 v61, v8;
	v63 =	vld [tilespmem:s12+$0xFFFFFFA0];
	[tilespmem:s11+$0xFFFFFE10] =	vst v3  }
0x21c: {  	v3 =	vmul.f32 v62, v9;
	[tilespmem:s11+$0xFFFFFFB0] =	vst v12  }
0x21d: {  	s6 =	sadd.s32 $0x1, s6;
	[tilespmem:s11+$0xFFFFFE60] =	vst v5;
	v4 =	vmul.f32 v60, v13  }
0x21e: {  	p3 =	sne.s32 s6, $0x29;
	v1 =	vmul.f32 v1, v10;
	[tilespmem:s11+$0xFFFFFEB0] =	vst v3  }
.Ltmp3:
0x21f: {  	[tilespmem:s11+$0xFFFFFDC0] =	vst v4;
	v2 =	vmul.f32 v2, v11;
	(pc) =	sbr.rel @p3 .LBB2_4-.Ltmp3, $4  }
0x220: {  	[tilespmem:s11+$0xFFFFFF00] =	vst v1;
	v3 =	vmul.f32 v63, v12  }
0x221: {  	s8 =	sand.u32 $0x3FFFFF80, s8;
	[tilespmem:s11+$0xFFFFFF50] =	vst v2  }
0x222: {  	s8 =	sadd.s32 $0x2900, s8;
	[tilespmem:s11+$0xFFFFFFA0] =	vst v3  }
0x223: {  	[spmem:s3] =	stream.indirect.scatter.add.f32 [tilespmem:s25], [sflag:$0x6], $0x50, s8, s23, $0xb8;
	[tilespmem:$0x1C780] =	vst v63  }
0x224: {  	_ =	swait.ge [sflag:s26], $0x2800  }
0x225: {  	[sflag:s26] =	ssyncset.done $0x0  }
0x226: {  	[sflag:s26] =	ssyncadd.s32 $0xFFFFD800  }
0x227: {  	s6 =	stileid.u32;
	_ =	swait.ge [sflag:s1], $0x2800  }
0x228: {  	s8 =	sshrl.u32 s7, $0x3;
	s4 =	sadd.s32 $0x1, s4;
	[sflag:s1] =	ssyncset.done $0x0  }
0x229: {  	s6 =	sshll.u32 s6, $0x6;
	p3 =	sne.s32 s4, s20;
	[sflag:s1] =	ssyncadd.s32 $0xFFFFD800  }
.Ltmp4:
0x22a: {  	s6 =	sor.u32 $0x1C07, s6;
	[bflag:$0x0] =	sbarrier.arrive $0xFFFF;
	(pc) =	sbr.rel @p3 .LBB2_1-.Ltmp4, $4  }
0x22b: {  	[hbm:s19], [sflag:s6] =	dma.local [spmem:s8], $0x18B0  }
0x22c: {  	_ =	swait.ge [sflag:s22], $0x18B0  }
0x22d: {  	[sflag:s22] =	ssyncset.done $0x0  }
0x22e: {  	[sflag:s22] =	ssyncadd.s32 $0xFFFFE750  }
0x22f: {  	_ =	sfence.sel $0x180000  }
0x230: {  	[bflag:$0x0] =	sbarrier.arrive $0xFFFF  }
0x231: {  	_ =	strace $0x90000047  }
0x232: {  	s0 =	stileid.u32;
	[bflag:$0x2] =	sbarrier.arrive $0xFFFF  }
0x233: {  	p0 =	sne.s32 s0, $0x0;
	s0 =	rddreg [dreg:$0x3]  }
0x234: {  	s0 =	sadd.s32 @!p0 $0x100000, s0  }
0x235: {  	[sflag:s0] =	ssyncadd.tile.s32 @!p0 $0x1;
	_ =	shalt  }
.Lfunc_end2:
_tile_overlayer_lowered:
.L_overlay_start_2:
0x236: {  	(tag) =	ssettag $0x2  }
0x237: {  	s0 =	rddreg [dreg:$0x0];
	s2 =	stileid.u32  }
0x238: {  	s1 =	rddreg [dreg:$0x1];
	p0 =	sne.s32 s2, $0x0  }
0x239: {  	s3 =	rddreg [dreg:$0x2];
	[bflag:$0x3] =	sbarrier.arrive $0xFFFF;
	s2 =	simm.s32 @!p0 $0x1C07  }
0x23a: {  	[timem:s3], [sflag:s2] =	dma.local @!p0 [hbm:s0], s1  }
0x23b: {  	s0 =	simm.s32 @!p0 $0x7  }
0x23c: {  	_ =	swait.ge @!p0 [sflag:s0], s1  }
0x23d: {  	s1 =	ssub.s32 @!p0 $0x0, s1;
	[sflag:s0] =	ssyncset.done @!p0 $0x0  }
0x23e: {  	[sflag:s0] =	ssyncadd.s32 @!p0 s1  }
0x23f: {  	[bflag:$0x3] =	sbarrier.arrive $0xFFFF  }
0x240: {  	_ =	shalt  }

</sc_bundles>
